<compile_context>
chip_gen: v7x
topology: tpu7x:2x2x1
jax: 0.10.2.dev20260603
libtpu: 0.0.44.dev20260713+nightly
codegen_flags: <defaults>
</compile_context>

<pallas_src>
import functools

import jax
import jax.numpy as jnp
from jax import lax
from jax.experimental import pallas as pl
from jax.experimental.pallas import tpu as pltpu
from jax.experimental.pallas import tpu_sc as plsc

B, T, N = 128, 100, 2048
B_SC = 32
B_TC = B - B_SC
NC, NS, L = 2, 16, 16
NW = NC * NS
NQ = N // 128
NO_SC = B_SC // 8
STRIPS = NO_SC * NQ
SPW = -(-STRIPS // NW)
TCH = 50
NCHUNK = T // TCH
BB = 16


def _weighted_tree_max(vals):
    vals = list(vals)
    while len(vals) > 1:
        nxt = [jnp.maximum(vals[k], vals[k + 1])
               for k in range(0, len(vals) - 1, 2)]
        if len(vals) % 2:
            nxt.append(vals[-1])
        vals = nxt
    return vals[0]


def _sc_first_spike(xt_hbm, out_hbm, buf, acc, sem0, sem1):
    sems = (sem0, sem1)
    wid = lax.axis_index("s") * NC + lax.axis_index("c")

    def src(strip, c):
        octet = strip // NQ
        ct = strip % NQ
        return xt_hbm.at[pl.ds(c * TCH, TCH), pl.ds(octet * 8, 8),
                         pl.ds(ct * 128, 128)]

    def start_copy(strip, c, slot):
        pltpu.make_async_copy(src(strip, c), buf.at[slot], sems[slot]).start()

    def wait_copy(strip, c, slot):
        pltpu.make_async_copy(src(strip, c), buf.at[slot], sems[slot]).wait()

    n_full = STRIPS // NW

    def do_strip(r):
        strip = wid + r * NW
        for c in range(NCHUNK):
            slot = (r * NCHUNK + c) % 2
            nslot = (slot + 1) % 2
            if c + 1 < NCHUNK:
                start_copy(strip, c + 1, nslot)
            elif r + 1 < SPW:
                if r + 1 < n_full:
                    start_copy(strip + NW, 0, nslot)
                else:
                    @pl.when(strip + NW < STRIPS)
                    def _(strip=strip, nslot=nslot):
                        start_copy(strip + NW, 0, nslot)
            wait_copy(strip, c, slot)

            def g_body(g, carry, c=c, slot=slot):
                j = g // 8
                sl = pl.ds((g % 8) * L, L)
                a = None
                for t in range(c * TCH, (c + 1) * TCH):
                    v = buf[slot, t - c * TCH, j, sl] * float(T - 1 - t)
                    a = v if a is None else jnp.maximum(a, v)
                if c > 0:
                    a = jnp.maximum(a, acc[j, sl])
                acc[j, sl] = a
                return carry

            lax.fori_loop(0, 64, g_body, 0)

        octet = strip // NQ
        ct = strip % NQ
        pltpu.sync_copy(
            acc, out_hbm.at[pl.ds(octet * 8, 8), pl.ds(ct * 128, 128)])

    start_copy(wid, 0, 0)
    for r in range(n_full):
        do_strip(r)
    if STRIPS % NW:
        @pl.when(wid + (SPW - 1) * NW < STRIPS)
        def _():
            do_strip(SPW - 1)


def _sc_part(xt):
    mesh = plsc.VectorSubcoreMesh(
        core_axis_name="c", subcore_axis_name="s",
        num_cores=NC, num_subcores=NS)
    run = functools.partial(
        pl.kernel,
        out_type=jax.ShapeDtypeStruct((B_SC, N), jnp.float32),
        mesh=mesh,
        scratch_types=[
            pltpu.VMEM((2, TCH, 8, 128), jnp.float32),
            pltpu.VMEM((8, 128), jnp.float32),
            pltpu.SemaphoreType.DMA,
            pltpu.SemaphoreType.DMA,
        ],
    )(_sc_first_spike)
    return run(xt)


def _tc_body(x_ref, o_ref):
    w = (T - 1 - lax.broadcasted_iota(jnp.int32, (T, 1, 1), 0)
         ).astype(jnp.float32)
    o_ref[...] = jnp.max(x_ref[...] * w, axis=0)


def _tc_part(xt):
    return pl.pallas_call(
        _tc_body,
        grid=(B_TC // BB,),
        in_specs=[pl.BlockSpec((T, BB, N), lambda i: (0, i + B_SC // BB, 0))],
        out_specs=pl.BlockSpec((BB, N), lambda i: (i, 0)),
        out_shape=jax.ShapeDtypeStruct((B_TC, N), jnp.float32),
    )(xt)


def kernel(x):
    xt = jnp.transpose(x, (1, 0, 2))
    out_sc = _sc_part(xt)
    out_tc = _tc_part(xt)
    return jnp.concatenate([out_sc, out_tc], axis=0)

# --- scband reference (transcript-rebuilt; emitter-appended) ---
"""Pipeline reference for scband-readout-first-spike-layer-8246337208362 (READ-ONLY COPY).

The authoritative reference and input builder live on the scoring server;
editing this copy changes nothing except your own understanding.
"""

import jax, jax.numpy as jnp
import numpy as np


def setup_inputs(seed: int = 0) -> dict:
    key = jax.random.key(seed)
    # binary spike tensor: values in {0.0, 1.0}, float32 to match torch dtype semantics
    x = jax.random.randint(key, (128, 100, 2048), 0, 2).astype(jnp.float32)
    return {"x": x}


def reference(x):
    # Faithful vectorization of the triple loop:
    #   for each (b, t): only if max(x[b,t,:]) == 1 do we consider that timestep;
    #   for each i with x[b,t,i] == 1, output[b,i] = max(output[b,i], nb_steps-1-t).
    # Scanning t in increasing order with the '<' update rule is exactly a max over t
    # of (nb_steps-1-t) restricted to spike positions, starting from 0.
    B, T, N = x.shape
    tvals = (T - 1 - jnp.arange(T)).astype(x.dtype)  # value written at timestep t
    row_has_spike = (jnp.max(x, axis=2) == 1)        # [B, T] gate from torch.max(...).item() == 1
    spike = (x == 1) & row_has_spike[:, :, None]      # [B, T, N]
    vals = jnp.where(spike, tvals[None, :, None], jnp.zeros((), dtype=x.dtype))
    output = jnp.max(vals, axis=1)                    # includes implicit init value 0
    return output

if __name__ == "__main__":
    import jax
    _d = setup_inputs()
    print(jax.jit(kernel)(*tuple(_d.values())))

</pallas_src>

<mosaic_0001>
#map = affine_map<(d0, d1) -> (0, 0, 0)>
#map1 = affine_map<(d0, d1) -> (0, 0)>
module attributes {stable_mosaic.version = 14 : i64} {
  func.func @_sc_first_spike(%arg0: i32, %arg1: i32, %arg2: memref<100x128x2048xf32, #tpu.memory_space<hbm>>, %arg3: memref<32x2048xf32, #tpu.memory_space<hbm>>, %arg4: memref<2x50x8x128xf32, #tpu.memory_space<vmem>>, %arg5: memref<8x128xf32, #tpu.memory_space<vmem>>, %arg6: memref<!tpu.dma_semaphore, #tpu.memory_space<semaphore_mem>>, %arg7: memref<!tpu.dma_semaphore, #tpu.memory_space<semaphore_mem>>) attributes {dimension_semantics = [#tpu.dimension_semantics<core_parallel>, #tpu.dimension_semantics<subcore_parallel>], iteration_bounds = array<i64: 2, 16>, scalar_prefetch = 0 : i64, scratch_operands = 4 : i64, tpu.core_type = #tpu.core_type<sc_vector_subcore>, window_params = [{transform_indices = #map}, {transform_indices = #map1}]} {
    %mul3A = arith.constant 2 : i32
    %mul3A_0 = arith.muli %arg1, %mul3A : i32
    %add3A = arith.addi %mul3A_0, %arg0 : i32
    %jit3A = arith.constant 16 : i32
    %div3A = arith.divsi %add3A, %jit3A : i32
    %sign3A = arith.constant 0 : i32
    %sign3A_1 = arith.cmpi sgt, %add3A, %sign3A : i32
    %sign3A_2 = arith.extui %sign3A_1 : i1 to i32
    %sign3A_3 = arith.constant 0 : i32
    %sign3A_4 = arith.cmpi slt, %add3A, %sign3A_3 : i32
    %sign3A_5 = arith.extui %sign3A_4 : i1 to i32
    %sign3A_6 = arith.subi %sign3A_2, %sign3A_5 : i32
    %sign3A_7 = arith.constant 0 : i32
    %sign3A_8 = arith.cmpi sgt, %jit3A, %sign3A_7 : i32
    %sign3A_9 = arith.extui %sign3A_8 : i1 to i32
    %sign3A_10 = arith.constant 0 : i32
    %sign3A_11 = arith.cmpi slt, %jit3A, %sign3A_10 : i32
    %sign3A_12 = arith.extui %sign3A_11 : i1 to i32
    %sign3A_13 = arith.subi %sign3A_9, %sign3A_12 : i32
    %ne3A = arith.cmpi ne, %sign3A_6, %sign3A_13 : i32
    %rem3A = arith.remsi %add3A, %jit3A : i32
    %ne3A_14 = arith.constant 0 : i32
    %ne3A_15 = arith.cmpi ne, %rem3A, %ne3A_14 : i32
    %and3A = arith.andi %ne3A, %ne3A_15 : i1
    %sub3A = arith.constant 1 : i32
    %sub3A_16 = arith.subi %div3A, %sub3A : i32
    %select_n3A = arith.select %and3A, %sub3A_16, %div3A : i32
    %jit3A_17 = arith.constant 16 : i32
    %eq3A = arith.constant 0 : i32
    %eq3A_18 = arith.cmpi eq, %jit3A_17, %eq3A : i32
    %jit3A_19 = arith.constant 1 : i32
    %select_n3A_20 = arith.select %eq3A_18, %jit3A_19, %jit3A_17 : i32
    %rem3A_21 = arith.remsi %add3A, %select_n3A_20 : i32
    %ne3A_22 = arith.constant 0 : i32
    %ne3A_23 = arith.cmpi ne, %rem3A_21, %ne3A_22 : i32
    %lt3A = arith.constant 0 : i32
    %lt3A_24 = arith.cmpi slt, %rem3A_21, %lt3A : i32
    %lt3A_25 = arith.constant 0 : i32
    %lt3A_26 = arith.cmpi slt, %select_n3A_20, %lt3A_25 : i32
    %ne3A_27 = arith.xori %lt3A_24, %lt3A_26 : i1
    %and3A_28 = arith.andi %ne3A_27, %ne3A_23 : i1
    %add3A_29 = arith.addi %rem3A_21, %select_n3A_20 : i32
    %select_n3A_30 = arith.select %and3A_28, %add3A_29, %rem3A_21 : i32
    %mul3A_31 = arith.constant 8 : i32
    %mul3A_32 = arith.muli %select_n3A, %mul3A_31 : i32
    %mul3A_33 = arith.constant 128 : i32
    %mul3A_34 = arith.muli %select_n3A_30, %mul3A_33 : i32
    %dma_start3A = arith.constant 0 : i32
    %dma_start3A_35 = arith.constant 0 : i32
    %dma_start3A_36 = arith.constant 0 : i32
    %dma_start3A_37 = arith.constant 0 : i32
    %dma_start3A_38 = tpu.memref_slice %arg4[%dma_start3A, %dma_start3A_35, %dma_start3A_36, %dma_start3A_37] : memref<2x50x8x128xf32, #tpu.memory_space<vmem>> -> memref<1x50x8x128xf32, #tpu.memory_space<vmem>>
    %dma_start3A_39 = tpu.memref_squeeze %dma_start3A_38 : memref<1x50x8x128xf32, #tpu.memory_space<vmem>> -> memref<50x8x128xf32, #tpu.memory_space<vmem>>
    %dma_start3A_40 = arith.constant 0 : i32
    %dma_start3A_41 = tpu.memref_slice %arg2[%dma_start3A_40, %mul3A_32, %mul3A_34] : memref<100x128x2048xf32, #tpu.memory_space<hbm>> -> memref<50x8x128xf32, #tpu.memory_space<hbm>>
    %dma_start3A_42 = arith.constant 0 : i32
    %dma_start3A_43 = arith.constant 0 : i32
    %dma_start3A_44 = arith.constant 0 : i32
    %dma_start3A_45 = tpu.memref_slice %arg4[%dma_start3A, %dma_start3A_42, %dma_start3A_43, %dma_start3A_44] : memref<2x50x8x128xf32, #tpu.memory_space<vmem>> -> memref<1x50x8x128xf32, #tpu.memory_space<vmem>>
    %dma_start3A_46 = tpu.memref_squeeze %dma_start3A_45 : memref<1x50x8x128xf32, #tpu.memory_space<vmem>> -> memref<50x8x128xf32, #tpu.memory_space<vmem>>
    %dma_start3A_47 = arith.constant 0 : i32
    %dma_start3A_48 = tpu.memref_slice %arg2[%dma_start3A_47, %mul3A_32, %mul3A_34] : memref<100x128x2048xf32, #tpu.memory_space<hbm>> -> memref<50x8x128xf32, #tpu.memory_space<hbm>>
    tpu.enqueue_dma source(%dma_start3A_48 : memref<50x8x128xf32, #tpu.memory_space<hbm>>) target(%dma_start3A_46 : memref<50x8x128xf32, #tpu.memory_space<vmem>>) target_semaphore(%arg6 : memref<!tpu.dma_semaphore, #tpu.memory_space<semaphore_mem>>)
    %add3A_49 = arith.constant 0 : i32
    %add3A_50 = arith.addi %add3A, %add3A_49 : i32
    %jit3A_51 = arith.constant 16 : i32
    %div3A_52 = arith.divsi %add3A_50, %jit3A_51 : i32
    %sign3A_53 = arith.constant 0 : i32
    %sign3A_54 = arith.cmpi sgt, %add3A_50, %sign3A_53 : i32
    %sign3A_55 = arith.extui %sign3A_54 : i1 to i32
    %sign3A_56 = arith.constant 0 : i32
    %sign3A_57 = arith.cmpi slt, %add3A_50, %sign3A_56 : i32
    %sign3A_58 = arith.extui %sign3A_57 : i1 to i32
    %sign3A_59 = arith.subi %sign3A_55, %sign3A_58 : i32
    %sign3A_60 = arith.constant 0 : i32
    %sign3A_61 = arith.cmpi sgt, %jit3A_51, %sign3A_60 : i32
    %sign3A_62 = arith.extui %sign3A_61 : i1 to i32
    %sign3A_63 = arith.constant 0 : i32
    %sign3A_64 = arith.cmpi slt, %jit3A_51, %sign3A_63 : i32
    %sign3A_65 = arith.extui %sign3A_64 : i1 to i32
    %sign3A_66 = arith.subi %sign3A_62, %sign3A_65 : i32
    %ne3A_67 = arith.cmpi ne, %sign3A_59, %sign3A_66 : i32
    %rem3A_68 = arith.remsi %add3A_50, %jit3A_51 : i32
    %ne3A_69 = arith.constant 0 : i32
    %ne3A_70 = arith.cmpi ne, %rem3A_68, %ne3A_69 : i32
    %and3A_71 = arith.andi %ne3A_67, %ne3A_70 : i1
    %sub3A_72 = arith.constant 1 : i32
    %sub3A_73 = arith.subi %div3A_52, %sub3A_72 : i32
    %select_n3A_74 = arith.select %and3A_71, %sub3A_73, %div3A_52 : i32
    %jit3A_75 = arith.constant 16 : i32
    %eq3A_76 = arith.constant 0 : i32
    %eq3A_77 = arith.cmpi eq, %jit3A_75, %eq3A_76 : i32
    %jit3A_78 = arith.constant 1 : i32
    %select_n3A_79 = arith.select %eq3A_77, %jit3A_78, %jit3A_75 : i32
    %rem3A_80 = arith.remsi %add3A_50, %select_n3A_79 : i32
    %ne3A_81 = arith.constant 0 : i32
    %ne3A_82 = arith.cmpi ne, %rem3A_80, %ne3A_81 : i32
    %lt3A_83 = arith.constant 0 : i32
    %lt3A_84 = arith.cmpi slt, %rem3A_80, %lt3A_83 : i32
    %lt3A_85 = arith.constant 0 : i32
    %lt3A_86 = arith.cmpi slt, %select_n3A_79, %lt3A_85 : i32
    %ne3A_87 = arith.xori %lt3A_84, %lt3A_86 : i1
    %and3A_88 = arith.andi %ne3A_87, %ne3A_82 : i1
    %add3A_89 = arith.addi %rem3A_80, %select_n3A_79 : i32
    %select_n3A_90 = arith.select %and3A_88, %add3A_89, %rem3A_80 : i32
    %mul3A_91 = arith.constant 8 : i32
    %mul3A_92 = arith.muli %select_n3A_74, %mul3A_91 : i32
    %mul3A_93 = arith.constant 128 : i32
    %mul3A_94 = arith.muli %select_n3A_90, %mul3A_93 : i32
    %dma_start3A_95 = arith.constant 1 : i32
    %dma_start3A_96 = arith.constant 0 : i32
    %dma_start3A_97 = arith.constant 0 : i32
    %dma_start3A_98 = arith.constant 0 : i32
    %dma_start3A_99 = tpu.memref_slice %arg4[%dma_start3A_95, %dma_start3A_96, %dma_start3A_97, %dma_start3A_98] : memref<2x50x8x128xf32, #tpu.memory_space<vmem>> -> memref<1x50x8x128xf32, #tpu.memory_space<vmem>>
    %dma_start3A_100 = tpu.memref_squeeze %dma_start3A_99 : memref<1x50x8x128xf32, #tpu.memory_space<vmem>> -> memref<50x8x128xf32, #tpu.memory_space<vmem>>
    %dma_start3A_101 = arith.constant 50 : i32
    %dma_start3A_102 = tpu.memref_slice %arg2[%dma_start3A_101, %mul3A_92, %mul3A_94] : memref<100x128x2048xf32, #tpu.memory_space<hbm>> -> memref<50x8x128xf32, #tpu.memory_space<hbm>>
    %dma_start3A_103 = arith.constant 0 : i32
    %dma_start3A_104 = arith.constant 0 : i32
    %dma_start3A_105 = arith.constant 0 : i32
    %dma_start3A_106 = tpu.memref_slice %arg4[%dma_start3A_95, %dma_start3A_103, %dma_start3A_104, %dma_start3A_105] : memref<2x50x8x128xf32, #tpu.memory_space<vmem>> -> memref<1x50x8x128xf32, #tpu.memory_space<vmem>>
    %dma_start3A_107 = tpu.memref_squeeze %dma_start3A_106 : memref<1x50x8x128xf32, #tpu.memory_space<vmem>> -> memref<50x8x128xf32, #tpu.memory_space<vmem>>
    %dma_start3A_108 = arith.constant 50 : i32
    %dma_start3A_109 = tpu.memref_slice %arg2[%dma_start3A_108, %mul3A_92, %mul3A_94] : memref<100x128x2048xf32, #tpu.memory_space<hbm>> -> memref<50x8x128xf32, #tpu.memory_space<hbm>>
    tpu.enqueue_dma source(%dma_start3A_109 : memref<50x8x128xf32, #tpu.memory_space<hbm>>) target(%dma_start3A_107 : memref<50x8x128xf32, #tpu.memory_space<vmem>>) target_semaphore(%arg7 : memref<!tpu.dma_semaphore, #tpu.memory_space<semaphore_mem>>)
    %jit3A_110 = arith.constant 16 : i32
    %div3A_111 = arith.divsi %add3A_50, %jit3A_110 : i32
    %sign3A_112 = arith.constant 0 : i32
    %sign3A_113 = arith.cmpi sgt, %add3A_50, %sign3A_112 : i32
    %sign3A_114 = arith.extui %sign3A_113 : i1 to i32
    %sign3A_115 = arith.constant 0 : i32
    %sign3A_116 = arith.cmpi slt, %add3A_50, %sign3A_115 : i32
    %sign3A_117 = arith.extui %sign3A_116 : i1 to i32
    %sign3A_118 = arith.subi %sign3A_114, %sign3A_117 : i32
    %sign3A_119 = arith.constant 0 : i32
    %sign3A_120 = arith.cmpi sgt, %jit3A_110, %sign3A_119 : i32
    %sign3A_121 = arith.extui %sign3A_120 : i1 to i32
    %sign3A_122 = arith.constant 0 : i32
    %sign3A_123 = arith.cmpi slt, %jit3A_110, %sign3A_122 : i32
    %sign3A_124 = arith.extui %sign3A_123 : i1 to i32
    %sign3A_125 = arith.subi %sign3A_121, %sign3A_124 : i32
    %ne3A_126 = arith.cmpi ne, %sign3A_118, %sign3A_125 : i32
    %rem3A_127 = arith.remsi %add3A_50, %jit3A_110 : i32
    %ne3A_128 = arith.constant 0 : i32
    %ne3A_129 = arith.cmpi ne, %rem3A_127, %ne3A_128 : i32
    %and3A_130 = arith.andi %ne3A_126, %ne3A_129 : i1
    %sub3A_131 = arith.constant 1 : i32
    %sub3A_132 = arith.subi %div3A_111, %sub3A_131 : i32
    %select_n3A_133 = arith.select %and3A_130, %sub3A_132, %div3A_111 : i32
    %jit3A_134 = arith.constant 16 : i32
    %eq3A_135 = arith.constant 0 : i32
    %eq3A_136 = arith.cmpi eq, %jit3A_134, %eq3A_135 : i32
    %jit3A_137 = arith.constant 1 : i32
    %select_n3A_138 = arith.select %eq3A_136, %jit3A_137, %jit3A_134 : i32
    %rem3A_139 = arith.remsi %add3A_50, %select_n3A_138 : i32
    %ne3A_140 = arith.constant 0 : i32
    %ne3A_141 = arith.cmpi ne, %rem3A_139, %ne3A_140 : i32
    %lt3A_142 = arith.constant 0 : i32
    %lt3A_143 = arith.cmpi slt, %rem3A_139, %lt3A_142 : i32
    %lt3A_144 = arith.constant 0 : i32
    %lt3A_145 = arith.cmpi slt, %select_n3A_138, %lt3A_144 : i32
    %ne3A_146 = arith.xori %lt3A_143, %lt3A_145 : i1
    %and3A_147 = arith.andi %ne3A_146, %ne3A_141 : i1
    %add3A_148 = arith.addi %rem3A_139, %select_n3A_138 : i32
    %select_n3A_149 = arith.select %and3A_147, %add3A_148, %rem3A_139 : i32
    %mul3A_150 = arith.constant 8 : i32
    %mul3A_151 = arith.muli %select_n3A_133, %mul3A_150 : i32
    %mul3A_152 = arith.constant 128 : i32
    %mul3A_153 = arith.muli %select_n3A_149, %mul3A_152 : i32
    %dma_wait3A = arith.constant 0 : i32
    %dma_wait3A_154 = arith.constant 0 : i32
    %dma_wait3A_155 = arith.constant 0 : i32
    %dma_wait3A_156 = arith.constant 0 : i32
    %dma_wait3A_157 = tpu.memref_slice %arg4[%dma_wait3A, %dma_wait3A_154, %dma_wait3A_155, %dma_wait3A_156] : memref<2x50x8x128xf32, #tpu.memory_space<vmem>> -> memref<1x50x8x128xf32, #tpu.memory_space<vmem>>
    %dma_wait3A_158 = tpu.memref_squeeze %dma_wait3A_157 : memref<1x50x8x128xf32, #tpu.memory_space<vmem>> -> memref<50x8x128xf32, #tpu.memory_space<vmem>>
    %dma_wait3A_159 = arith.constant 0 : i32
    %dma_wait3A_160 = tpu.memref_slice %arg2[%dma_wait3A_159, %mul3A_151, %mul3A_153] : memref<100x128x2048xf32, #tpu.memory_space<hbm>> -> memref<50x8x128xf32, #tpu.memory_space<hbm>>
    %dma_wait3A_161 = arith.constant 0 : i32
    %dma_wait3A_162 = arith.constant 0 : i32
    %dma_wait3A_163 = arith.constant 0 : i32
    %dma_wait3A_164 = tpu.memref_slice %arg4[%dma_wait3A, %dma_wait3A_161, %dma_wait3A_162, %dma_wait3A_163] : memref<2x50x8x128xf32, #tpu.memory_space<vmem>> -> memref<1x50x8x128xf32, #tpu.memory_space<vmem>>
    %dma_wait3A_165 = tpu.memref_squeeze %dma_wait3A_164 : memref<1x50x8x128xf32, #tpu.memory_space<vmem>> -> memref<50x8x128xf32, #tpu.memory_space<vmem>>
    %dma_wait3A_166 = arith.constant 0 : i32
    %dma_wait3A_167 = tpu.memref_slice %arg2[%dma_wait3A_166, %mul3A_151, %mul3A_153] : memref<100x128x2048xf32, #tpu.memory_space<hbm>> -> memref<50x8x128xf32, #tpu.memory_space<hbm>>
    tpu.wait_dma2 semaphore(%arg6 : memref<!tpu.dma_semaphore, #tpu.memory_space<semaphore_mem>>) src(%dma_wait3A_167 : memref<50x8x128xf32, #tpu.memory_space<hbm>>) dst(%dma_wait3A_165 : memref<50x8x128xf32, #tpu.memory_space<vmem>>)
    %scan3A = arith.constant 0 : i32
    %scan3A_168 = arith.constant 0 : i32
    %scan3A_169 = arith.constant 64 : i32
    %scan3A_170 = arith.addi %scan3A_168, %scan3A_169 : i32
    %scan3A_171 = arith.constant 1 : i32
    scf.for %scan3A_578 = %scan3A_168 to %scan3A_170 step %scan3A_171  : i32 {
      %jit3A_579 = arith.constant 8 : i32
      %div3A_580 = arith.divsi %scan3A_578, %jit3A_579 : i32
      %sign3A_581 = arith.constant 0 : i32
      %sign3A_582 = arith.cmpi sgt, %scan3A_578, %sign3A_581 : i32
      %sign3A_583 = arith.extui %sign3A_582 : i1 to i32
      %sign3A_584 = arith.constant 0 : i32
      %sign3A_585 = arith.cmpi slt, %scan3A_578, %sign3A_584 : i32
      %sign3A_586 = arith.extui %sign3A_585 : i1 to i32
      %sign3A_587 = arith.subi %sign3A_583, %sign3A_586 : i32
      %sign3A_588 = arith.constant 0 : i32
      %sign3A_589 = arith.cmpi sgt, %jit3A_579, %sign3A_588 : i32
      %sign3A_590 = arith.extui %sign3A_589 : i1 to i32
      %sign3A_591 = arith.constant 0 : i32
      %sign3A_592 = arith.cmpi slt, %jit3A_579, %sign3A_591 : i32
      %sign3A_593 = arith.extui %sign3A_592 : i1 to i32
      %sign3A_594 = arith.subi %sign3A_590, %sign3A_593 : i32
      %ne3A_595 = arith.cmpi ne, %sign3A_587, %sign3A_594 : i32
      %rem3A_596 = arith.remsi %scan3A_578, %jit3A_579 : i32
      %ne3A_597 = arith.constant 0 : i32
      %ne3A_598 = arith.cmpi ne, %rem3A_596, %ne3A_597 : i32
      %and3A_599 = arith.andi %ne3A_595, %ne3A_598 : i1
      %sub3A_600 = arith.constant 1 : i32
      %sub3A_601 = arith.subi %div3A_580, %sub3A_600 : i32
      %select_n3A_602 = arith.select %and3A_599, %sub3A_601, %div3A_580 : i32
      %jit3A_603 = arith.constant 8 : i32
      %eq3A_604 = arith.constant 0 : i32
      %eq3A_605 = arith.cmpi eq, %jit3A_603, %eq3A_604 : i32
      %jit3A_606 = arith.constant 1 : i32
      %select_n3A_607 = arith.select %eq3A_605, %jit3A_606, %jit3A_603 : i32
      %rem3A_608 = arith.remsi %scan3A_578, %select_n3A_607 : i32
      %ne3A_609 = arith.constant 0 : i32
      %ne3A_610 = arith.cmpi ne, %rem3A_608, %ne3A_609 : i32
      %lt3A_611 = arith.constant 0 : i32
      %lt3A_612 = arith.cmpi slt, %rem3A_608, %lt3A_611 : i32
      %lt3A_613 = arith.constant 0 : i32
      %lt3A_614 = arith.cmpi slt, %select_n3A_607, %lt3A_613 : i32
      %ne3A_615 = arith.xori %lt3A_612, %lt3A_614 : i1
      %and3A_616 = arith.andi %ne3A_615, %ne3A_610 : i1
      %add3A_617 = arith.addi %rem3A_608, %select_n3A_607 : i32
      %select_n3A_618 = arith.select %and3A_616, %add3A_617, %rem3A_608 : i32
      %mul3A_619 = arith.constant 16 : i32
      %mul3A_620 = arith.muli %select_n3A_618, %mul3A_619 : i32
      %get3A = arith.constant 0 : i32
      %get3A_621 = arith.constant 0 : i32
      %get3A_622 = arith.index_cast %get3A : i32 to index
      %get3A_623 = arith.index_cast %get3A_621 : i32 to index
      %get3A_624 = arith.index_cast %select_n3A_602 : i32 to index
      %get3A_625 = arith.index_cast %mul3A_620 : i32 to index
      %get3A_626 = tpu.vector_load %arg4[%get3A_622, %get3A_623, %get3A_624, %get3A_625] {strides = array<i32>} : memref<2x50x8x128xf32, #tpu.memory_space<vmem>>, vector<1x1x1x16xf32>,
      %get3A_627 = vector.shape_cast %get3A_626 : vector<1x1x1x16xf32> to vector<16xf32>
      %mul3A_628 = arith.constant 9.900000e+01 : f32
      %mul3A_629 = vector.broadcast %mul3A_628 : f32 to vector<16xf32>
      %mul3A_630 = arith.mulf %get3A_627, %mul3A_629 : vector<16xf32>
      %get3A_631 = arith.constant 0 : i32
      %get3A_632 = arith.constant 1 : i32
      %get3A_633 = arith.index_cast %get3A_631 : i32 to index
      %get3A_634 = arith.index_cast %get3A_632 : i32 to index
      %get3A_635 = arith.index_cast %select_n3A_602 : i32 to index
      %get3A_636 = arith.index_cast %mul3A_620 : i32 to index
      %get3A_637 = tpu.vector_load %arg4[%get3A_633, %get3A_634, %get3A_635, %get3A_636] {strides = array<i32>} : memref<2x50x8x128xf32, #tpu.memory_space<vmem>>, vector<1x1x1x16xf32>,
      %get3A_638 = vector.shape_cast %get3A_637 : vector<1x1x1x16xf32> to vector<16xf32>
      %mul3A_639 = arith.constant 9.800000e+01 : f32
      %mul3A_640 = vector.broadcast %mul3A_639 : f32 to vector<16xf32>
      %mul3A_641 = arith.mulf %get3A_638, %mul3A_640 : vector<16xf32>
      %max3A = arith.maximumf %mul3A_630, %mul3A_641 : vector<16xf32>
      %get3A_642 = arith.constant 0 : i32
      %get3A_643 = arith.constant 2 : i32
      %get3A_644 = arith.index_cast %get3A_642 : i32 to index
      %get3A_645 = arith.index_cast %get3A_643 : i32 to index
      %get3A_646 = arith.index_cast %select_n3A_602 : i32 to index
      %get3A_647 = arith.index_cast %mul3A_620 : i32 to index
      %get3A_648 = tpu.vector_load %arg4[%get3A_644, %get3A_645, %get3A_646, %get3A_647] {strides = array<i32>} : memref<2x50x8x128xf32, #tpu.memory_space<vmem>>, vector<1x1x1x16xf32>,
      %get3A_649 = vector.shape_cast %get3A_648 : vector<1x1x1x16xf32> to vector<16xf32>
      %mul3A_650 = arith.constant 9.700000e+01 : f32
      %mul3A_651 = vector.broadcast %mul3A_650 : f32 to vector<16xf32>
      %mul3A_652 = arith.mulf %get3A_649, %mul3A_651 : vector<16xf32>
      %max3A_653 = arith.maximumf %max3A, %mul3A_652 : vector<16xf32>
      %get3A_654 = arith.constant 0 : i32
      %get3A_655 = arith.constant 3 : i32
      %get3A_656 = arith.index_cast %get3A_654 : i32 to index
      %get3A_657 = arith.index_cast %get3A_655 : i32 to index
      %get3A_658 = arith.index_cast %select_n3A_602 : i32 to index
      %get3A_659 = arith.index_cast %mul3A_620 : i32 to index
      %get3A_660 = tpu.vector_load %arg4[%get3A_656, %get3A_657, %get3A_658, %get3A_659] {strides = array<i32>} : memref<2x50x8x128xf32, #tpu.memory_space<vmem>>, vector<1x1x1x16xf32>,
      %get3A_661 = vector.shape_cast %get3A_660 : vector<1x1x1x16xf32> to vector<16xf32>
      %mul3A_662 = arith.constant 9.600000e+01 : f32
      %mul3A_663 = vector.broadcast %mul3A_662 : f32 to vector<16xf32>
      %mul3A_664 = arith.mulf %get3A_661, %mul3A_663 : vector<16xf32>
      %max3A_665 = arith.maximumf %max3A_653, %mul3A_664 : vector<16xf32>
      %get3A_666 = arith.constant 0 : i32
      %get3A_667 = arith.constant 4 : i32
      %get3A_668 = arith.index_cast %get3A_666 : i32 to index
      %get3A_669 = arith.index_cast %get3A_667 : i32 to index
      %get3A_670 = arith.index_cast %select_n3A_602 : i32 to index
      %get3A_671 = arith.index_cast %mul3A_620 : i32 to index
      %get3A_672 = tpu.vector_load %arg4[%get3A_668, %get3A_669, %get3A_670, %get3A_671] {strides = array<i32>} : memref<2x50x8x128xf32, #tpu.memory_space<vmem>>, vector<1x1x1x16xf32>,
      %get3A_673 = vector.shape_cast %get3A_672 : vector<1x1x1x16xf32> to vector<16xf32>
      %mul3A_674 = arith.constant 9.500000e+01 : f32
      %mul3A_675 = vector.broadcast %mul3A_674 : f32 to vector<16xf32>
      %mul3A_676 = arith.mulf %get3A_673, %mul3A_675 : vector<16xf32>
      %max3A_677 = arith.maximumf %max3A_665, %mul3A_676 : vector<16xf32>
      %get3A_678 = arith.constant 0 : i32
      %get3A_679 = arith.constant 5 : i32
      %get3A_680 = arith.index_cast %get3A_678 : i32 to index
      %get3A_681 = arith.index_cast %get3A_679 : i32 to index
      %get3A_682 = arith.index_cast %select_n3A_602 : i32 to index
      %get3A_683 = arith.index_cast %mul3A_620 : i32 to index
      %get3A_684 = tpu.vector_load %arg4[%get3A_680, %get3A_681, %get3A_682, %get3A_683] {strides = array<i32>} : memref<2x50x8x128xf32, #tpu.memory_space<vmem>>, vector<1x1x1x16xf32>,
      %get3A_685 = vector.shape_cast %get3A_684 : vector<1x1x1x16xf32> to vector<16xf32>
      %mul3A_686 = arith.constant 9.400000e+01 : f32
      %mul3A_687 = vector.broadcast %mul3A_686 : f32 to vector<16xf32>
      %mul3A_688 = arith.mulf %get3A_685, %mul3A_687 : vector<16xf32>
      %max3A_689 = arith.maximumf %max3A_677, %mul3A_688 : vector<16xf32>
      %get3A_690 = arith.constant 0 : i32
      %get3A_691 = arith.constant 6 : i32
      %get3A_692 = arith.index_cast %get3A_690 : i32 to index
      %get3A_693 = arith.index_cast %get3A_691 : i32 to index
      %get3A_694 = arith.index_cast %select_n3A_602 : i32 to index
      %get3A_695 = arith.index_cast %mul3A_620 : i32 to index
      %get3A_696 = tpu.vector_load %arg4[%get3A_692, %get3A_693, %get3A_694, %get3A_695] {strides = array<i32>} : memref<2x50x8x128xf32, #tpu.memory_space<vmem>>, vector<1x1x1x16xf32>,
      %get3A_697 = vector.shape_cast %get3A_696 : vector<1x1x1x16xf32> to vector<16xf32>
      %mul3A_698 = arith.constant 9.300000e+01 : f32
      %mul3A_699 = vector.broadcast %mul3A_698 : f32 to vector<16xf32>
      %mul3A_700 = arith.mulf %get3A_697, %mul3A_699 : vector<16xf32>
      %max3A_701 = arith.maximumf %max3A_689, %mul3A_700 : vector<16xf32>
      %get3A_702 = arith.constant 0 : i32
      %get3A_703 = arith.constant 7 : i32
      %get3A_704 = arith.index_cast %get3A_702 : i32 to index
      %get3A_705 = arith.index_cast %get3A_703 : i32 to index
      %get3A_706 = arith.index_cast %select_n3A_602 : i32 to index
      %get3A_707 = arith.index_cast %mul3A_620 : i32 to index
      %get3A_708 = tpu.vector_load %arg4[%get3A_704, %get3A_705, %get3A_706, %get3A_707] {strides = array<i32>} : memref<2x50x8x128xf32, #tpu.memory_space<vmem>>, vector<1x1x1x16xf32>,
      %get3A_709 = vector.shape_cast %get3A_708 : vector<1x1x1x16xf32> to vector<16xf32>
      %mul3A_710 = arith.constant 9.200000e+01 : f32
      %mul3A_711 = vector.broadcast %mul3A_710 : f32 to vector<16xf32>
      %mul3A_712 = arith.mulf %get3A_709, %mul3A_711 : vector<16xf32>
      %max3A_713 = arith.maximumf %max3A_701, %mul3A_712 : vector<16xf32>
      %get3A_714 = arith.constant 0 : i32
      %get3A_715 = arith.constant 8 : i32
      %get3A_716 = arith.index_cast %get3A_714 : i32 to index
      %get3A_717 = arith.index_cast %get3A_715 : i32 to index
      %get3A_718 = arith.index_cast %select_n3A_602 : i32 to index
      %get3A_719 = arith.index_cast %mul3A_620 : i32 to index
      %get3A_720 = tpu.vector_load %arg4[%get3A_716, %get3A_717, %get3A_718, %get3A_719] {strides = array<i32>} : memref<2x50x8x128xf32, #tpu.memory_space<vmem>>, vector<1x1x1x16xf32>,
      %get3A_721 = vector.shape_cast %get3A_720 : vector<1x1x1x16xf32> to vector<16xf32>
      %mul3A_722 = arith.constant 9.100000e+01 : f32
      %mul3A_723 = vector.broadcast %mul3A_722 : f32 to vector<16xf32>
      %mul3A_724 = arith.mulf %get3A_721, %mul3A_723 : vector<16xf32>
      %max3A_725 = arith.maximumf %max3A_713, %mul3A_724 : vector<16xf32>
      %get3A_726 = arith.constant 0 : i32
      %get3A_727 = arith.constant 9 : i32
      %get3A_728 = arith.index_cast %get3A_726 : i32 to index
      %get3A_729 = arith.index_cast %get3A_727 : i32 to index
      %get3A_730 = arith.index_cast %select_n3A_602 : i32 to index
      %get3A_731 = arith.index_cast %mul3A_620 : i32 to index
      %get3A_732 = tpu.vector_load %arg4[%get3A_728, %get3A_729, %get3A_730, %get3A_731] {strides = array<i32>} : memref<2x50x8x128xf32, #tpu.memory_space<vmem>>, vector<1x1x1x16xf32>,
      %get3A_733 = vector.shape_cast %get3A_732 : vector<1x1x1x16xf32> to vector<16xf32>
      %mul3A_734 = arith.constant 9.000000e+01 : f32
      %mul3A_735 = vector.broadcast %mul3A_734 : f32 to vector<16xf32>
      %mul3A_736 = arith.mulf %get3A_733, %mul3A_735 : vector<16xf32>
      %max3A_737 = arith.maximumf %max3A_725, %mul3A_736 : vector<16xf32>
      %get3A_738 = arith.constant 0 : i32
      %get3A_739 = arith.constant 10 : i32
      %get3A_740 = arith.index_cast %get3A_738 : i32 to index
      %get3A_741 = arith.index_cast %get3A_739 : i32 to index
      %get3A_742 = arith.index_cast %select_n3A_602 : i32 to index
      %get3A_743 = arith.index_cast %mul3A_620 : i32 to index
      %get3A_744 = tpu.vector_load %arg4[%get3A_740, %get3A_741, %get3A_742, %get3A_743] {strides = array<i32>} : memref<2x50x8x128xf32, #tpu.memory_space<vmem>>, vector<1x1x1x16xf32>,
      %get3A_745 = vector.shape_cast %get3A_744 : vector<1x1x1x16xf32> to vector<16xf32>
      %mul3A_746 = arith.constant 8.900000e+01 : f32
      %mul3A_747 = vector.broadcast %mul3A_746 : f32 to vector<16xf32>
      %mul3A_748 = arith.mulf %get3A_745, %mul3A_747 : vector<16xf32>
      %max3A_749 = arith.maximumf %max3A_737, %mul3A_748 : vector<16xf32>
      %get3A_750 = arith.constant 0 : i32
      %get3A_751 = arith.constant 11 : i32
      %get3A_752 = arith.index_cast %get3A_750 : i32 to index
      %get3A_753 = arith.index_cast %get3A_751 : i32 to index
      %get3A_754 = arith.index_cast %select_n3A_602 : i32 to index
      %get3A_755 = arith.index_cast %mul3A_620 : i32 to index
      %get3A_756 = tpu.vector_load %arg4[%get3A_752, %get3A_753, %get3A_754, %get3A_755] {strides = array<i32>} : memref<2x50x8x128xf32, #tpu.memory_space<vmem>>, vector<1x1x1x16xf32>,
      %get3A_757 = vector.shape_cast %get3A_756 : vector<1x1x1x16xf32> to vector<16xf32>
      %mul3A_758 = arith.constant 8.800000e+01 : f32
      %mul3A_759 = vector.broadcast %mul3A_758 : f32 to vector<16xf32>
      %mul3A_760 = arith.mulf %get3A_757, %mul3A_759 : vector<16xf32>
      %max3A_761 = arith.maximumf %max3A_749, %mul3A_760 : vector<16xf32>
      %get3A_762 = arith.constant 0 : i32
      %get3A_763 = arith.constant 12 : i32
      %get3A_764 = arith.index_cast %get3A_762 : i32 to index
      %get3A_765 = arith.index_cast %get3A_763 : i32 to index
      %get3A_766 = arith.index_cast %select_n3A_602 : i32 to index
      %get3A_767 = arith.index_cast %mul3A_620 : i32 to index
      %get3A_768 = tpu.vector_load %arg4[%get3A_764, %get3A_765, %get3A_766, %get3A_767] {strides = array<i32>} : memref<2x50x8x128xf32, #tpu.memory_space<vmem>>, vector<1x1x1x16xf32>,
      %get3A_769 = vector.shape_cast %get3A_768 : vector<1x1x1x16xf32> to vector<16xf32>
      %mul3A_770 = arith.constant 8.700000e+01 : f32
      %mul3A_771 = vector.broadcast %mul3A_770 : f32 to vector<16xf32>
      %mul3A_772 = arith.mulf %get3A_769, %mul3A_771 : vector<16xf32>
      %max3A_773 = arith.maximumf %max3A_761, %mul3A_772 : vector<16xf32>
      %get3A_774 = arith.constant 0 : i32
      %get3A_775 = arith.constant 13 : i32
      %get3A_776 = arith.index_cast %get3A_774 : i32 to index
      %get3A_777 = arith.index_cast %get3A_775 : i32 to index
      %get3A_778 = arith.index_cast %select_n3A_602 : i32 to index
      %get3A_779 = arith.index_cast %mul3A_620 : i32 to index
      %get3A_780 = tpu.vector_load %arg4[%get3A_776, %get3A_777, %get3A_778, %get3A_779] {strides = array<i32>} : memref<2x50x8x128xf32, #tpu.memory_space<vmem>>, vector<1x1x1x16xf32>,
      %get3A_781 = vector.shape_cast %get3A_780 : vector<1x1x1x16xf32> to vector<16xf32>
      %mul3A_782 = arith.constant 8.600000e+01 : f32
      %mul3A_783 = vector.broadcast %mul3A_782 : f32 to vector<16xf32>
      %mul3A_784 = arith.mulf %get3A_781, %mul3A_783 : vector<16xf32>
      %max3A_785 = arith.maximumf %max3A_773, %mul3A_784 : vector<16xf32>
      %get3A_786 = arith.constant 0 : i32
      %get3A_787 = arith.constant 14 : i32
      %get3A_788 = arith.index_cast %get3A_786 : i32 to index
      %get3A_789 = arith.index_cast %get3A_787 : i32 to index
      %get3A_790 = arith.index_cast %select_n3A_602 : i32 to index
      %get3A_791 = arith.index_cast %mul3A_620 : i32 to index
      %get3A_792 = tpu.vector_load %arg4[%get3A_788, %get3A_789, %get3A_790, %get3A_791] {strides = array<i32>} : memref<2x50x8x128xf32, #tpu.memory_space<vmem>>, vector<1x1x1x16xf32>,
      %get3A_793 = vector.shape_cast %get3A_792 : vector<1x1x1x16xf32> to vector<16xf32>
      %mul3A_794 = arith.constant 8.500000e+01 : f32
      %mul3A_795 = vector.broadcast %mul3A_794 : f32 to vector<16xf32>
      %mul3A_796 = arith.mulf %get3A_793, %mul3A_795 : vector<16xf32>
      %max3A_797 = arith.maximumf %max3A_785, %mul3A_796 : vector<16xf32>
      %get3A_798 = arith.constant 0 : i32
      %get3A_799 = arith.constant 15 : i32
      %get3A_800 = arith.index_cast %get3A_798 : i32 to index
      %get3A_801 = arith.index_cast %get3A_799 : i32 to index
      %get3A_802 = arith.index_cast %select_n3A_602 : i32 to index
      %get3A_803 = arith.index_cast %mul3A_620 : i32 to index
      %get3A_804 = tpu.vector_load %arg4[%get3A_800, %get3A_801, %get3A_802, %get3A_803] {strides = array<i32>} : memref<2x50x8x128xf32, #tpu.memory_space<vmem>>, vector<1x1x1x16xf32>,
      %get3A_805 = vector.shape_cast %get3A_804 : vector<1x1x1x16xf32> to vector<16xf32>
      %mul3A_806 = arith.constant 8.400000e+01 : f32
      %mul3A_807 = vector.broadcast %mul3A_806 : f32 to vector<16xf32>
      %mul3A_808 = arith.mulf %get3A_805, %mul3A_807 : vector<16xf32>
      %max3A_809 = arith.maximumf %max3A_797, %mul3A_808 : vector<16xf32>
      %get3A_810 = arith.constant 0 : i32
      %get3A_811 = arith.constant 16 : i32
      %get3A_812 = arith.index_cast %get3A_810 : i32 to index
      %get3A_813 = arith.index_cast %get3A_811 : i32 to index
      %get3A_814 = arith.index_cast %select_n3A_602 : i32 to index
      %get3A_815 = arith.index_cast %mul3A_620 : i32 to index
      %get3A_816 = tpu.vector_load %arg4[%get3A_812, %get3A_813, %get3A_814, %get3A_815] {strides = array<i32>} : memref<2x50x8x128xf32, #tpu.memory_space<vmem>>, vector<1x1x1x16xf32>,
      %get3A_817 = vector.shape_cast %get3A_816 : vector<1x1x1x16xf32> to vector<16xf32>
      %mul3A_818 = arith.constant 8.300000e+01 : f32
      %mul3A_819 = vector.broadcast %mul3A_818 : f32 to vector<16xf32>
      %mul3A_820 = arith.mulf %get3A_817, %mul3A_819 : vector<16xf32>
      %max3A_821 = arith.maximumf %max3A_809, %mul3A_820 : vector<16xf32>
      %get3A_822 = arith.constant 0 : i32
      %get3A_823 = arith.constant 17 : i32
      %get3A_824 = arith.index_cast %get3A_822 : i32 to index
      %get3A_825 = arith.index_cast %get3A_823 : i32 to index
      %get3A_826 = arith.index_cast %select_n3A_602 : i32 to index
      %get3A_827 = arith.index_cast %mul3A_620 : i32 to index
      %get3A_828 = tpu.vector_load %arg4[%get3A_824, %get3A_825, %get3A_826, %get3A_827] {strides = array<i32>} : memref<2x50x8x128xf32, #tpu.memory_space<vmem>>, vector<1x1x1x16xf32>,
      %get3A_829 = vector.shape_cast %get3A_828 : vector<1x1x1x16xf32> to vector<16xf32>
      %mul3A_830 = arith.constant 8.200000e+01 : f32
      %mul3A_831 = vector.broadcast %mul3A_830 : f32 to vector<16xf32>
      %mul3A_832 = arith.mulf %get3A_829, %mul3A_831 : vector<16xf32>
      %max3A_833 = arith.maximumf %max3A_821, %mul3A_832 : vector<16xf32>
      %get3A_834 = arith.constant 0 : i32
      %get3A_835 = arith.constant 18 : i32
      %get3A_836 = arith.index_cast %get3A_834 : i32 to index
      %get3A_837 = arith.index_cast %get3A_835 : i32 to index
      %get3A_838 = arith.index_cast %select_n3A_602 : i32 to index
      %get3A_839 = arith.index_cast %mul3A_620 : i32 to index
      %get3A_840 = tpu.vector_load %arg4[%get3A_836, %get3A_837, %get3A_838, %get3A_839] {strides = array<i32>} : memref<2x50x8x128xf32, #tpu.memory_space<vmem>>, vector<1x1x1x16xf32>,
      %get3A_841 = vector.shape_cast %get3A_840 : vector<1x1x1x16xf32> to vector<16xf32>
      %mul3A_842 = arith.constant 8.100000e+01 : f32
      %mul3A_843 = vector.broadcast %mul3A_842 : f32 to vector<16xf32>
      %mul3A_844 = arith.mulf %get3A_841, %mul3A_843 : vector<16xf32>
      %max3A_845 = arith.maximumf %max3A_833, %mul3A_844 : vector<16xf32>
      %get3A_846 = arith.constant 0 : i32
      %get3A_847 = arith.constant 19 : i32
      %get3A_848 = arith.index_cast %get3A_846 : i32 to index
      %get3A_849 = arith.index_cast %get3A_847 : i32 to index
      %get3A_850 = arith.index_cast %select_n3A_602 : i32 to index
      %get3A_851 = arith.index_cast %mul3A_620 : i32 to index
      %get3A_852 = tpu.vector_load %arg4[%get3A_848, %get3A_849, %get3A_850, %get3A_851] {strides = array<i32>} : memref<2x50x8x128xf32, #tpu.memory_space<vmem>>, vector<1x1x1x16xf32>,
      %get3A_853 = vector.shape_cast %get3A_852 : vector<1x1x1x16xf32> to vector<16xf32>
      %mul3A_854 = arith.constant 8.000000e+01 : f32
      %mul3A_855 = vector.broadcast %mul3A_854 : f32 to vector<16xf32>
      %mul3A_856 = arith.mulf %get3A_853, %mul3A_855 : vector<16xf32>
      %max3A_857 = arith.maximumf %max3A_845, %mul3A_856 : vector<16xf32>
      %get3A_858 = arith.constant 0 : i32
      %get3A_859 = arith.constant 20 : i32
      %get3A_860 = arith.index_cast %get3A_858 : i32 to index
      %get3A_861 = arith.index_cast %get3A_859 : i32 to index
      %get3A_862 = arith.index_cast %select_n3A_602 : i32 to index
      %get3A_863 = arith.index_cast %mul3A_620 : i32 to index
      %get3A_864 = tpu.vector_load %arg4[%get3A_860, %get3A_861, %get3A_862, %get3A_863] {strides = array<i32>} : memref<2x50x8x128xf32, #tpu.memory_space<vmem>>, vector<1x1x1x16xf32>,
      %get3A_865 = vector.shape_cast %get3A_864 : vector<1x1x1x16xf32> to vector<16xf32>
      %mul3A_866 = arith.constant 7.900000e+01 : f32
      %mul3A_867 = vector.broadcast %mul3A_866 : f32 to vector<16xf32>
      %mul3A_868 = arith.mulf %get3A_865, %mul3A_867 : vector<16xf32>
      %max3A_869 = arith.maximumf %max3A_857, %mul3A_868 : vector<16xf32>
      %get3A_870 = arith.constant 0 : i32
      %get3A_871 = arith.constant 21 : i32
      %get3A_872 = arith.index_cast %get3A_870 : i32 to index
      %get3A_873 = arith.index_cast %get3A_871 : i32 to index
      %get3A_874 = arith.index_cast %select_n3A_602 : i32 to index
      %get3A_875 = arith.index_cast %mul3A_620 : i32 to index
      %get3A_876 = tpu.vector_load %arg4[%get3A_872, %get3A_873, %get3A_874, %get3A_875] {strides = array<i32>} : memref<2x50x8x128xf32, #tpu.memory_space<vmem>>, vector<1x1x1x16xf32>,
      %get3A_877 = vector.shape_cast %get3A_876 : vector<1x1x1x16xf32> to vector<16xf32>
      %mul3A_878 = arith.constant 7.800000e+01 : f32
      %mul3A_879 = vector.broadcast %mul3A_878 : f32 to vector<16xf32>
      %mul3A_880 = arith.mulf %get3A_877, %mul3A_879 : vector<16xf32>
      %max3A_881 = arith.maximumf %max3A_869, %mul3A_880 : vector<16xf32>
      %get3A_882 = arith.constant 0 : i32
      %get3A_883 = arith.constant 22 : i32
      %get3A_884 = arith.index_cast %get3A_882 : i32 to index
      %get3A_885 = arith.index_cast %get3A_883 : i32 to index
      %get3A_886 = arith.index_cast %select_n3A_602 : i32 to index
      %get3A_887 = arith.index_cast %mul3A_620 : i32 to index
      %get3A_888 = tpu.vector_load %arg4[%get3A_884, %get3A_885, %get3A_886, %get3A_887] {strides = array<i32>} : memref<2x50x8x128xf32, #tpu.memory_space<vmem>>, vector<1x1x1x16xf32>,
      %get3A_889 = vector.shape_cast %get3A_888 : vector<1x1x1x16xf32> to vector<16xf32>
      %mul3A_890 = arith.constant 7.700000e+01 : f32
      %mul3A_891 = vector.broadcast %mul3A_890 : f32 to vector<16xf32>
      %mul3A_892 = arith.mulf %get3A_889, %mul3A_891 : vector<16xf32>
      %max3A_893 = arith.maximumf %max3A_881, %mul3A_892 : vector<16xf32>
      %get3A_894 = arith.constant 0 : i32
      %get3A_895 = arith.constant 23 : i32
      %get3A_896 = arith.index_cast %get3A_894 : i32 to index
      %get3A_897 = arith.index_cast %get3A_895 : i32 to index
      %get3A_898 = arith.index_cast %select_n3A_602 : i32 to index
      %get3A_899 = arith.index_cast %mul3A_620 : i32 to index
      %get3A_900 = tpu.vector_load %arg4[%get3A_896, %get3A_897, %get3A_898, %get3A_899] {strides = array<i32>} : memref<2x50x8x128xf32, #tpu.memory_space<vmem>>, vector<1x1x1x16xf32>,
      %get3A_901 = vector.shape_cast %get3A_900 : vector<1x1x1x16xf32> to vector<16xf32>
      %mul3A_902 = arith.constant 7.600000e+01 : f32
      %mul3A_903 = vector.broadcast %mul3A_902 : f32 to vector<16xf32>
      %mul3A_904 = arith.mulf %get3A_901, %mul3A_903 : vector<16xf32>
      %max3A_905 = arith.maximumf %max3A_893, %mul3A_904 : vector<16xf32>
      %get3A_906 = arith.constant 0 : i32
      %get3A_907 = arith.constant 24 : i32
      %get3A_908 = arith.index_cast %get3A_906 : i32 to index
      %get3A_909 = arith.index_cast %get3A_907 : i32 to index
      %get3A_910 = arith.index_cast %select_n3A_602 : i32 to index
      %get3A_911 = arith.index_cast %mul3A_620 : i32 to index
      %get3A_912 = tpu.vector_load %arg4[%get3A_908, %get3A_909, %get3A_910, %get3A_911] {strides = array<i32>} : memref<2x50x8x128xf32, #tpu.memory_space<vmem>>, vector<1x1x1x16xf32>,
      %get3A_913 = vector.shape_cast %get3A_912 : vector<1x1x1x16xf32> to vector<16xf32>
      %mul3A_914 = arith.constant 7.500000e+01 : f32
      %mul3A_915 = vector.broadcast %mul3A_914 : f32 to vector<16xf32>
      %mul3A_916 = arith.mulf %get3A_913, %mul3A_915 : vector<16xf32>
      %max3A_917 = arith.maximumf %max3A_905, %mul3A_916 : vector<16xf32>
      %get3A_918 = arith.constant 0 : i32
      %get3A_919 = arith.constant 25 : i32
      %get3A_920 = arith.index_cast %get3A_918 : i32 to index
      %get3A_921 = arith.index_cast %get3A_919 : i32 to index
      %get3A_922 = arith.index_cast %select_n3A_602 : i32 to index
      %get3A_923 = arith.index_cast %mul3A_620 : i32 to index
      %get3A_924 = tpu.vector_load %arg4[%get3A_920, %get3A_921, %get3A_922, %get3A_923] {strides = array<i32>} : memref<2x50x8x128xf32, #tpu.memory_space<vmem>>, vector<1x1x1x16xf32>,
      %get3A_925 = vector.shape_cast %get3A_924 : vector<1x1x1x16xf32> to vector<16xf32>
      %mul3A_926 = arith.constant 7.400000e+01 : f32
      %mul3A_927 = vector.broadcast %mul3A_926 : f32 to vector<16xf32>
      %mul3A_928 = arith.mulf %get3A_925, %mul3A_927 : vector<16xf32>
      %max3A_929 = arith.maximumf %max3A_917, %mul3A_928 : vector<16xf32>
      %get3A_930 = arith.constant 0 : i32
      %get3A_931 = arith.constant 26 : i32
      %get3A_932 = arith.index_cast %get3A_930 : i32 to index
      %get3A_933 = arith.index_cast %get3A_931 : i32 to index
      %get3A_934 = arith.index_cast %select_n3A_602 : i32 to index
      %get3A_935 = arith.index_cast %mul3A_620 : i32 to index
      %get3A_936 = tpu.vector_load %arg4[%get3A_932, %get3A_933, %get3A_934, %get3A_935] {strides = array<i32>} : memref<2x50x8x128xf32, #tpu.memory_space<vmem>>, vector<1x1x1x16xf32>,
      %get3A_937 = vector.shape_cast %get3A_936 : vector<1x1x1x16xf32> to vector<16xf32>
      %mul3A_938 = arith.constant 7.300000e+01 : f32
      %mul3A_939 = vector.broadcast %mul3A_938 : f32 to vector<16xf32>
      %mul3A_940 = arith.mulf %get3A_937, %mul3A_939 : vector<16xf32>
      %max3A_941 = arith.maximumf %max3A_929, %mul3A_940 : vector<16xf32>
      %get3A_942 = arith.constant 0 : i32
      %get3A_943 = arith.constant 27 : i32
      %get3A_944 = arith.index_cast %get3A_942 : i32 to index
      %get3A_945 = arith.index_cast %get3A_943 : i32 to index
      %get3A_946 = arith.index_cast %select_n3A_602 : i32 to index
      %get3A_947 = arith.index_cast %mul3A_620 : i32 to index
      %get3A_948 = tpu.vector_load %arg4[%get3A_944, %get3A_945, %get3A_946, %get3A_947] {strides = array<i32>} : memref<2x50x8x128xf32, #tpu.memory_space<vmem>>, vector<1x1x1x16xf32>,
      %get3A_949 = vector.shape_cast %get3A_948 : vector<1x1x1x16xf32> to vector<16xf32>
      %mul3A_950 = arith.constant 7.200000e+01 : f32
      %mul3A_951 = vector.broadcast %mul3A_950 : f32 to vector<16xf32>
      %mul3A_952 = arith.mulf %get3A_949, %mul3A_951 : vector<16xf32>
      %max3A_953 = arith.maximumf %max3A_941, %mul3A_952 : vector<16xf32>
      %get3A_954 = arith.constant 0 : i32
      %get3A_955 = arith.constant 28 : i32
      %get3A_956 = arith.index_cast %get3A_954 : i32 to index
      %get3A_957 = arith.index_cast %get3A_955 : i32 to index
      %get3A_958 = arith.index_cast %select_n3A_602 : i32 to index
      %get3A_959 = arith.index_cast %mul3A_620 : i32 to index
      %get3A_960 = tpu.vector_load %arg4[%get3A_956, %get3A_957, %get3A_958, %get3A_959] {strides = array<i32>} : memref<2x50x8x128xf32, #tpu.memory_space<vmem>>, vector<1x1x1x16xf32>,
      %get3A_961 = vector.shape_cast %get3A_960 : vector<1x1x1x16xf32> to vector<16xf32>
      %mul3A_962 = arith.constant 7.100000e+01 : f32
      %mul3A_963 = vector.broadcast %mul3A_962 : f32 to vector<16xf32>
      %mul3A_964 = arith.mulf %get3A_961, %mul3A_963 : vector<16xf32>
      %max3A_965 = arith.maximumf %max3A_953, %mul3A_964 : vector<16xf32>
      %get3A_966 = arith.constant 0 : i32
      %get3A_967 = arith.constant 29 : i32
      %get3A_968 = arith.index_cast %get3A_966 : i32 to index
      %get3A_969 = arith.index_cast %get3A_967 : i32 to index
      %get3A_970 = arith.index_cast %select_n3A_602 : i32 to index
      %get3A_971 = arith.index_cast %mul3A_620 : i32 to index
      %get3A_972 = tpu.vector_load %arg4[%get3A_968, %get3A_969, %get3A_970, %get3A_971] {strides = array<i32>} : memref<2x50x8x128xf32, #tpu.memory_space<vmem>>, vector<1x1x1x16xf32>,
      %get3A_973 = vector.shape_cast %get3A_972 : vector<1x1x1x16xf32> to vector<16xf32>
      %mul3A_974 = arith.constant 7.000000e+01 : f32
      %mul3A_975 = vector.broadcast %mul3A_974 : f32 to vector<16xf32>
      %mul3A_976 = arith.mulf %get3A_973, %mul3A_975 : vector<16xf32>
      %max3A_977 = arith.maximumf %max3A_965, %mul3A_976 : vector<16xf32>
      %get3A_978 = arith.constant 0 : i32
      %get3A_979 = arith.constant 30 : i32
      %get3A_980 = arith.index_cast %get3A_978 : i32 to index
      %get3A_981 = arith.index_cast %get3A_979 : i32 to index
      %get3A_982 = arith.index_cast %select_n3A_602 : i32 to index
      %get3A_983 = arith.index_cast %mul3A_620 : i32 to index
      %get3A_984 = tpu.vector_load %arg4[%get3A_980, %get3A_981, %get3A_982, %get3A_983] {strides = array<i32>} : memref<2x50x8x128xf32, #tpu.memory_space<vmem>>, vector<1x1x1x16xf32>,
      %get3A_985 = vector.shape_cast %get3A_984 : vector<1x1x1x16xf32> to vector<16xf32>
      %mul3A_986 = arith.constant 6.900000e+01 : f32
      %mul3A_987 = vector.broadcast %mul3A_986 : f32 to vector<16xf32>
      %mul3A_988 = arith.mulf %get3A_985, %mul3A_987 : vector<16xf32>
      %max3A_989 = arith.maximumf %max3A_977, %mul3A_988 : vector<16xf32>
      %get3A_990 = arith.constant 0 : i32
      %get3A_991 = arith.constant 31 : i32
      %get3A_992 = arith.index_cast %get3A_990 : i32 to index
      %get3A_993 = arith.index_cast %get3A_991 : i32 to index
      %get3A_994 = arith.index_cast %select_n3A_602 : i32 to index
      %get3A_995 = arith.index_cast %mul3A_620 : i32 to index
      %get3A_996 = tpu.vector_load %arg4[%get3A_992, %get3A_993, %get3A_994, %get3A_995] {strides = array<i32>} : memref<2x50x8x128xf32, #tpu.memory_space<vmem>>, vector<1x1x1x16xf32>,
      %get3A_997 = vector.shape_cast %get3A_996 : vector<1x1x1x16xf32> to vector<16xf32>
      %mul3A_998 = arith.constant 6.800000e+01 : f32
      %mul3A_999 = vector.broadcast %mul3A_998 : f32 to vector<16xf32>
      %mul3A_1000 = arith.mulf %get3A_997, %mul3A_999 : vector<16xf32>
      %max3A_1001 = arith.maximumf %max3A_989, %mul3A_1000 : vector<16xf32>
      %get3A_1002 = arith.constant 0 : i32
      %get3A_1003 = arith.constant 32 : i32
      %get3A_1004 = arith.index_cast %get3A_1002 : i32 to index
      %get3A_1005 = arith.index_cast %get3A_1003 : i32 to index
      %get3A_1006 = arith.index_cast %select_n3A_602 : i32 to index
      %get3A_1007 = arith.index_cast %mul3A_620 : i32 to index
      %get3A_1008 = tpu.vector_load %arg4[%get3A_1004, %get3A_1005, %get3A_1006, %get3A_1007] {strides = array<i32>} : memref<2x50x8x128xf32, #tpu.memory_space<vmem>>, vector<1x1x1x16xf32>,
      %get3A_1009 = vector.shape_cast %get3A_1008 : vector<1x1x1x16xf32> to vector<16xf32>
      %mul3A_1010 = arith.constant 6.700000e+01 : f32
      %mul3A_1011 = vector.broadcast %mul3A_1010 : f32 to vector<16xf32>
      %mul3A_1012 = arith.mulf %get3A_1009, %mul3A_1011 : vector<16xf32>
      %max3A_1013 = arith.maximumf %max3A_1001, %mul3A_1012 : vector<16xf32>
      %get3A_1014 = arith.constant 0 : i32
      %get3A_1015 = arith.constant 33 : i32
      %get3A_1016 = arith.index_cast %get3A_1014 : i32 to index
      %get3A_1017 = arith.index_cast %get3A_1015 : i32 to index
      %get3A_1018 = arith.index_cast %select_n3A_602 : i32 to index
      %get3A_1019 = arith.index_cast %mul3A_620 : i32 to index
      %get3A_1020 = tpu.vector_load %arg4[%get3A_1016, %get3A_1017, %get3A_1018, %get3A_1019] {strides = array<i32>} : memref<2x50x8x128xf32, #tpu.memory_space<vmem>>, vector<1x1x1x16xf32>,
      %get3A_1021 = vector.shape_cast %get3A_1020 : vector<1x1x1x16xf32> to vector<16xf32>
      %mul3A_1022 = arith.constant 6.600000e+01 : f32
      %mul3A_1023 = vector.broadcast %mul3A_1022 : f32 to vector<16xf32>
      %mul3A_1024 = arith.mulf %get3A_1021, %mul3A_1023 : vector<16xf32>
      %max3A_1025 = arith.maximumf %max3A_1013, %mul3A_1024 : vector<16xf32>
      %get3A_1026 = arith.constant 0 : i32
      %get3A_1027 = arith.constant 34 : i32
      %get3A_1028 = arith.index_cast %get3A_1026 : i32 to index
      %get3A_1029 = arith.index_cast %get3A_1027 : i32 to index
      %get3A_1030 = arith.index_cast %select_n3A_602 : i32 to index
      %get3A_1031 = arith.index_cast %mul3A_620 : i32 to index
      %get3A_1032 = tpu.vector_load %arg4[%get3A_1028, %get3A_1029, %get3A_1030, %get3A_1031] {strides = array<i32>} : memref<2x50x8x128xf32, #tpu.memory_space<vmem>>, vector<1x1x1x16xf32>,
      %get3A_1033 = vector.shape_cast %get3A_1032 : vector<1x1x1x16xf32> to vector<16xf32>
      %mul3A_1034 = arith.constant 6.500000e+01 : f32
      %mul3A_1035 = vector.broadcast %mul3A_1034 : f32 to vector<16xf32>
      %mul3A_1036 = arith.mulf %get3A_1033, %mul3A_1035 : vector<16xf32>
      %max3A_1037 = arith.maximumf %max3A_1025, %mul3A_1036 : vector<16xf32>
      %get3A_1038 = arith.constant 0 : i32
      %get3A_1039 = arith.constant 35 : i32
      %get3A_1040 = arith.index_cast %get3A_1038 : i32 to index
      %get3A_1041 = arith.index_cast %get3A_1039 : i32 to index
      %get3A_1042 = arith.index_cast %select_n3A_602 : i32 to index
      %get3A_1043 = arith.index_cast %mul3A_620 : i32 to index
      %get3A_1044 = tpu.vector_load %arg4[%get3A_1040, %get3A_1041, %get3A_1042, %get3A_1043] {strides = array<i32>} : memref<2x50x8x128xf32, #tpu.memory_space<vmem>>, vector<1x1x1x16xf32>,
      %get3A_1045 = vector.shape_cast %get3A_1044 : vector<1x1x1x16xf32> to vector<16xf32>
      %mul3A_1046 = arith.constant 6.400000e+01 : f32
      %mul3A_1047 = vector.broadcast %mul3A_1046 : f32 to vector<16xf32>
      %mul3A_1048 = arith.mulf %get3A_1045, %mul3A_1047 : vector<16xf32>
      %max3A_1049 = arith.maximumf %max3A_1037, %mul3A_1048 : vector<16xf32>
      %get3A_1050 = arith.constant 0 : i32
      %get3A_1051 = arith.constant 36 : i32
      %get3A_1052 = arith.index_cast %get3A_1050 : i32 to index
      %get3A_1053 = arith.index_cast %get3A_1051 : i32 to index
      %get3A_1054 = arith.index_cast %select_n3A_602 : i32 to index
      %get3A_1055 = arith.index_cast %mul3A_620 : i32 to index
      %get3A_1056 = tpu.vector_load %arg4[%get3A_1052, %get3A_1053, %get3A_1054, %get3A_1055] {strides = array<i32>} : memref<2x50x8x128xf32, #tpu.memory_space<vmem>>, vector<1x1x1x16xf32>,
      %get3A_1057 = vector.shape_cast %get3A_1056 : vector<1x1x1x16xf32> to vector<16xf32>
      %mul3A_1058 = arith.constant 6.300000e+01 : f32
      %mul3A_1059 = vector.broadcast %mul3A_1058 : f32 to vector<16xf32>
      %mul3A_1060 = arith.mulf %get3A_1057, %mul3A_1059 : vector<16xf32>
      %max3A_1061 = arith.maximumf %max3A_1049, %mul3A_1060 : vector<16xf32>
      %get3A_1062 = arith.constant 0 : i32
      %get3A_1063 = arith.constant 37 : i32
      %get3A_1064 = arith.index_cast %get3A_1062 : i32 to index
      %get3A_1065 = arith.index_cast %get3A_1063 : i32 to index
      %get3A_1066 = arith.index_cast %select_n3A_602 : i32 to index
      %get3A_1067 = arith.index_cast %mul3A_620 : i32 to index
      %get3A_1068 = tpu.vector_load %arg4[%get3A_1064, %get3A_1065, %get3A_1066, %get3A_1067] {strides = array<i32>} : memref<2x50x8x128xf32, #tpu.memory_space<vmem>>, vector<1x1x1x16xf32>,
      %get3A_1069 = vector.shape_cast %get3A_1068 : vector<1x1x1x16xf32> to vector<16xf32>
      %mul3A_1070 = arith.constant 6.200000e+01 : f32
      %mul3A_1071 = vector.broadcast %mul3A_1070 : f32 to vector<16xf32>
      %mul3A_1072 = arith.mulf %get3A_1069, %mul3A_1071 : vector<16xf32>
      %max3A_1073 = arith.maximumf %max3A_1061, %mul3A_1072 : vector<16xf32>
      %get3A_1074 = arith.constant 0 : i32
      %get3A_1075 = arith.constant 38 : i32
      %get3A_1076 = arith.index_cast %get3A_1074 : i32 to index
      %get3A_1077 = arith.index_cast %get3A_1075 : i32 to index
      %get3A_1078 = arith.index_cast %select_n3A_602 : i32 to index
      %get3A_1079 = arith.index_cast %mul3A_620 : i32 to index
      %get3A_1080 = tpu.vector_load %arg4[%get3A_1076, %get3A_1077, %get3A_1078, %get3A_1079] {strides = array<i32>} : memref<2x50x8x128xf32, #tpu.memory_space<vmem>>, vector<1x1x1x16xf32>,
      %get3A_1081 = vector.shape_cast %get3A_1080 : vector<1x1x1x16xf32> to vector<16xf32>
      %mul3A_1082 = arith.constant 6.100000e+01 : f32
      %mul3A_1083 = vector.broadcast %mul3A_1082 : f32 to vector<16xf32>
      %mul3A_1084 = arith.mulf %get3A_1081, %mul3A_1083 : vector<16xf32>
      %max3A_1085 = arith.maximumf %max3A_1073, %mul3A_1084 : vector<16xf32>
      %get3A_1086 = arith.constant 0 : i32
      %get3A_1087 = arith.constant 39 : i32
      %get3A_1088 = arith.index_cast %get3A_1086 : i32 to index
      %get3A_1089 = arith.index_cast %get3A_1087 : i32 to index
      %get3A_1090 = arith.index_cast %select_n3A_602 : i32 to index
      %get3A_1091 = arith.index_cast %mul3A_620 : i32 to index
      %get3A_1092 = tpu.vector_load %arg4[%get3A_1088, %get3A_1089, %get3A_1090, %get3A_1091] {strides = array<i32>} : memref<2x50x8x128xf32, #tpu.memory_space<vmem>>, vector<1x1x1x16xf32>,
      %get3A_1093 = vector.shape_cast %get3A_1092 : vector<1x1x1x16xf32> to vector<16xf32>
      %mul3A_1094 = arith.constant 6.000000e+01 : f32
      %mul3A_1095 = vector.broadcast %mul3A_1094 : f32 to vector<16xf32>
      %mul3A_1096 = arith.mulf %get3A_1093, %mul3A_1095 : vector<16xf32>
      %max3A_1097 = arith.maximumf %max3A_1085, %mul3A_1096 : vector<16xf32>
      %get3A_1098 = arith.constant 0 : i32
      %get3A_1099 = arith.constant 40 : i32
      %get3A_1100 = arith.index_cast %get3A_1098 : i32 to index
      %get3A_1101 = arith.index_cast %get3A_1099 : i32 to index
      %get3A_1102 = arith.index_cast %select_n3A_602 : i32 to index
      %get3A_1103 = arith.index_cast %mul3A_620 : i32 to index
      %get3A_1104 = tpu.vector_load %arg4[%get3A_1100, %get3A_1101, %get3A_1102, %get3A_1103] {strides = array<i32>} : memref<2x50x8x128xf32, #tpu.memory_space<vmem>>, vector<1x1x1x16xf32>,
      %get3A_1105 = vector.shape_cast %get3A_1104 : vector<1x1x1x16xf32> to vector<16xf32>
      %mul3A_1106 = arith.constant 5.900000e+01 : f32
      %mul3A_1107 = vector.broadcast %mul3A_1106 : f32 to vector<16xf32>
      %mul3A_1108 = arith.mulf %get3A_1105, %mul3A_1107 : vector<16xf32>
      %max3A_1109 = arith.maximumf %max3A_1097, %mul3A_1108 : vector<16xf32>
      %get3A_1110 = arith.constant 0 : i32
      %get3A_1111 = arith.constant 41 : i32
      %get3A_1112 = arith.index_cast %get3A_1110 : i32 to index
      %get3A_1113 = arith.index_cast %get3A_1111 : i32 to index
      %get3A_1114 = arith.index_cast %select_n3A_602 : i32 to index
      %get3A_1115 = arith.index_cast %mul3A_620 : i32 to index
      %get3A_1116 = tpu.vector_load %arg4[%get3A_1112, %get3A_1113, %get3A_1114, %get3A_1115] {strides = array<i32>} : memref<2x50x8x128xf32, #tpu.memory_space<vmem>>, vector<1x1x1x16xf32>,
      %get3A_1117 = vector.shape_cast %get3A_1116 : vector<1x1x1x16xf32> to vector<16xf32>
      %mul3A_1118 = arith.constant 5.800000e+01 : f32
      %mul3A_1119 = vector.broadcast %mul3A_1118 : f32 to vector<16xf32>
      %mul3A_1120 = arith.mulf %get3A_1117, %mul3A_1119 : vector<16xf32>
      %max3A_1121 = arith.maximumf %max3A_1109, %mul3A_1120 : vector<16xf32>
      %get3A_1122 = arith.constant 0 : i32
      %get3A_1123 = arith.constant 42 : i32
      %get3A_1124 = arith.index_cast %get3A_1122 : i32 to index
      %get3A_1125 = arith.index_cast %get3A_1123 : i32 to index
      %get3A_1126 = arith.index_cast %select_n3A_602 : i32 to index
      %get3A_1127 = arith.index_cast %mul3A_620 : i32 to index
      %get3A_1128 = tpu.vector_load %arg4[%get3A_1124, %get3A_1125, %get3A_1126, %get3A_1127] {strides = array<i32>} : memref<2x50x8x128xf32, #tpu.memory_space<vmem>>, vector<1x1x1x16xf32>,
      %get3A_1129 = vector.shape_cast %get3A_1128 : vector<1x1x1x16xf32> to vector<16xf32>
      %mul3A_1130 = arith.constant 5.700000e+01 : f32
      %mul3A_1131 = vector.broadcast %mul3A_1130 : f32 to vector<16xf32>
      %mul3A_1132 = arith.mulf %get3A_1129, %mul3A_1131 : vector<16xf32>
      %max3A_1133 = arith.maximumf %max3A_1121, %mul3A_1132 : vector<16xf32>
      %get3A_1134 = arith.constant 0 : i32
      %get3A_1135 = arith.constant 43 : i32
      %get3A_1136 = arith.index_cast %get3A_1134 : i32 to index
      %get3A_1137 = arith.index_cast %get3A_1135 : i32 to index
      %get3A_1138 = arith.index_cast %select_n3A_602 : i32 to index
      %get3A_1139 = arith.index_cast %mul3A_620 : i32 to index
      %get3A_1140 = tpu.vector_load %arg4[%get3A_1136, %get3A_1137, %get3A_1138, %get3A_1139] {strides = array<i32>} : memref<2x50x8x128xf32, #tpu.memory_space<vmem>>, vector<1x1x1x16xf32>,
      %get3A_1141 = vector.shape_cast %get3A_1140 : vector<1x1x1x16xf32> to vector<16xf32>
      %mul3A_1142 = arith.constant 5.600000e+01 : f32
      %mul3A_1143 = vector.broadcast %mul3A_1142 : f32 to vector<16xf32>
      %mul3A_1144 = arith.mulf %get3A_1141, %mul3A_1143 : vector<16xf32>
      %max3A_1145 = arith.maximumf %max3A_1133, %mul3A_1144 : vector<16xf32>
      %get3A_1146 = arith.constant 0 : i32
      %get3A_1147 = arith.constant 44 : i32
      %get3A_1148 = arith.index_cast %get3A_1146 : i32 to index
      %get3A_1149 = arith.index_cast %get3A_1147 : i32 to index
      %get3A_1150 = arith.index_cast %select_n3A_602 : i32 to index
      %get3A_1151 = arith.index_cast %mul3A_620 : i32 to index
      %get3A_1152 = tpu.vector_load %arg4[%get3A_1148, %get3A_1149, %get3A_1150, %get3A_1151] {strides = array<i32>} : memref<2x50x8x128xf32, #tpu.memory_space<vmem>>, vector<1x1x1x16xf32>,
      %get3A_1153 = vector.shape_cast %get3A_1152 : vector<1x1x1x16xf32> to vector<16xf32>
      %mul3A_1154 = arith.constant 5.500000e+01 : f32
      %mul3A_1155 = vector.broadcast %mul3A_1154 : f32 to vector<16xf32>
      %mul3A_1156 = arith.mulf %get3A_1153, %mul3A_1155 : vector<16xf32>
      %max3A_1157 = arith.maximumf %max3A_1145, %mul3A_1156 : vector<16xf32>
      %get3A_1158 = arith.constant 0 : i32
      %get3A_1159 = arith.constant 45 : i32
      %get3A_1160 = arith.index_cast %get3A_1158 : i32 to index
      %get3A_1161 = arith.index_cast %get3A_1159 : i32 to index
      %get3A_1162 = arith.index_cast %select_n3A_602 : i32 to index
      %get3A_1163 = arith.index_cast %mul3A_620 : i32 to index
      %get3A_1164 = tpu.vector_load %arg4[%get3A_1160, %get3A_1161, %get3A_1162, %get3A_1163] {strides = array<i32>} : memref<2x50x8x128xf32, #tpu.memory_space<vmem>>, vector<1x1x1x16xf32>,
      %get3A_1165 = vector.shape_cast %get3A_1164 : vector<1x1x1x16xf32> to vector<16xf32>
      %mul3A_1166 = arith.constant 5.400000e+01 : f32
      %mul3A_1167 = vector.broadcast %mul3A_1166 : f32 to vector<16xf32>
      %mul3A_1168 = arith.mulf %get3A_1165, %mul3A_1167 : vector<16xf32>
      %max3A_1169 = arith.maximumf %max3A_1157, %mul3A_1168 : vector<16xf32>
      %get3A_1170 = arith.constant 0 : i32
      %get3A_1171 = arith.constant 46 : i32
      %get3A_1172 = arith.index_cast %get3A_1170 : i32 to index
      %get3A_1173 = arith.index_cast %get3A_1171 : i32 to index
      %get3A_1174 = arith.index_cast %select_n3A_602 : i32 to index
      %get3A_1175 = arith.index_cast %mul3A_620 : i32 to index
      %get3A_1176 = tpu.vector_load %arg4[%get3A_1172, %get3A_1173, %get3A_1174, %get3A_1175] {strides = array<i32>} : memref<2x50x8x128xf32, #tpu.memory_space<vmem>>, vector<1x1x1x16xf32>,
      %get3A_1177 = vector.shape_cast %get3A_1176 : vector<1x1x1x16xf32> to vector<16xf32>
      %mul3A_1178 = arith.constant 5.300000e+01 : f32
      %mul3A_1179 = vector.broadcast %mul3A_1178 : f32 to vector<16xf32>
      %mul3A_1180 = arith.mulf %get3A_1177, %mul3A_1179 : vector<16xf32>
      %max3A_1181 = arith.maximumf %max3A_1169, %mul3A_1180 : vector<16xf32>
      %get3A_1182 = arith.constant 0 : i32
      %get3A_1183 = arith.constant 47 : i32
      %get3A_1184 = arith.index_cast %get3A_1182 : i32 to index
      %get3A_1185 = arith.index_cast %get3A_1183 : i32 to index
      %get3A_1186 = arith.index_cast %select_n3A_602 : i32 to index
      %get3A_1187 = arith.index_cast %mul3A_620 : i32 to index
      %get3A_1188 = tpu.vector_load %arg4[%get3A_1184, %get3A_1185, %get3A_1186, %get3A_1187] {strides = array<i32>} : memref<2x50x8x128xf32, #tpu.memory_space<vmem>>, vector<1x1x1x16xf32>,
      %get3A_1189 = vector.shape_cast %get3A_1188 : vector<1x1x1x16xf32> to vector<16xf32>
      %mul3A_1190 = arith.constant 5.200000e+01 : f32
      %mul3A_1191 = vector.broadcast %mul3A_1190 : f32 to vector<16xf32>
      %mul3A_1192 = arith.mulf %get3A_1189, %mul3A_1191 : vector<16xf32>
      %max3A_1193 = arith.maximumf %max3A_1181, %mul3A_1192 : vector<16xf32>
      %get3A_1194 = arith.constant 0 : i32
      %get3A_1195 = arith.constant 48 : i32
      %get3A_1196 = arith.index_cast %get3A_1194 : i32 to index
      %get3A_1197 = arith.index_cast %get3A_1195 : i32 to index
      %get3A_1198 = arith.index_cast %select_n3A_602 : i32 to index
      %get3A_1199 = arith.index_cast %mul3A_620 : i32 to index
      %get3A_1200 = tpu.vector_load %arg4[%get3A_1196, %get3A_1197, %get3A_1198, %get3A_1199] {strides = array<i32>} : memref<2x50x8x128xf32, #tpu.memory_space<vmem>>, vector<1x1x1x16xf32>,
      %get3A_1201 = vector.shape_cast %get3A_1200 : vector<1x1x1x16xf32> to vector<16xf32>
      %mul3A_1202 = arith.constant 5.100000e+01 : f32
      %mul3A_1203 = vector.broadcast %mul3A_1202 : f32 to vector<16xf32>
      %mul3A_1204 = arith.mulf %get3A_1201, %mul3A_1203 : vector<16xf32>
      %max3A_1205 = arith.maximumf %max3A_1193, %mul3A_1204 : vector<16xf32>
      %get3A_1206 = arith.constant 0 : i32
      %get3A_1207 = arith.constant 49 : i32
      %get3A_1208 = arith.index_cast %get3A_1206 : i32 to index
      %get3A_1209 = arith.index_cast %get3A_1207 : i32 to index
      %get3A_1210 = arith.index_cast %select_n3A_602 : i32 to index
      %get3A_1211 = arith.index_cast %mul3A_620 : i32 to index
      %get3A_1212 = tpu.vector_load %arg4[%get3A_1208, %get3A_1209, %get3A_1210, %get3A_1211] {strides = array<i32>} : memref<2x50x8x128xf32, #tpu.memory_space<vmem>>, vector<1x1x1x16xf32>,
      %get3A_1213 = vector.shape_cast %get3A_1212 : vector<1x1x1x16xf32> to vector<16xf32>
      %mul3A_1214 = arith.constant 5.000000e+01 : f32
      %mul3A_1215 = vector.broadcast %mul3A_1214 : f32 to vector<16xf32>
      %mul3A_1216 = arith.mulf %get3A_1213, %mul3A_1215 : vector<16xf32>
      %max3A_1217 = arith.maximumf %max3A_1205, %mul3A_1216 : vector<16xf32>
      %swap3A = arith.index_cast %select_n3A_602 : i32 to index
      %swap3A_1218 = arith.index_cast %mul3A_620 : i32 to index
      %swap3A_1219 = tpu.vector_load %arg5[%swap3A, %swap3A_1218] {strides = array<i32>} : memref<8x128xf32, #tpu.memory_space<vmem>>, vector<1x16xf32>,
      %swap3A_1220 = vector.shape_cast %swap3A_1219 : vector<1x16xf32> to vector<16xf32>
      %swap3A_1221 = vector.shape_cast %max3A_1217 : vector<16xf32> to vector<1x16xf32>
      tpu.vector_store %arg5[%swap3A, %swap3A_1218], %swap3A_1221 {strides = array<i32>} : memref<8x128xf32, #tpu.memory_space<vmem>>, vector<1x16xf32>,
    }
    %scan3A_172 = arith.constant 64 : i32
    %add3A_173 = arith.constant 32 : i32
    %add3A_174 = arith.addi %add3A_50, %add3A_173 : i32
    %jit3A_175 = arith.constant 16 : i32
    %div3A_176 = arith.divsi %add3A_174, %jit3A_175 : i32
    %sign3A_177 = arith.constant 0 : i32
    %sign3A_178 = arith.cmpi sgt, %add3A_174, %sign3A_177 : i32
    %sign3A_179 = arith.extui %sign3A_178 : i1 to i32
    %sign3A_180 = arith.constant 0 : i32
    %sign3A_181 = arith.cmpi slt, %add3A_174, %sign3A_180 : i32
    %sign3A_182 = arith.extui %sign3A_181 : i1 to i32
    %sign3A_183 = arith.subi %sign3A_179, %sign3A_182 : i32
    %sign3A_184 = arith.constant 0 : i32
    %sign3A_185 = arith.cmpi sgt, %jit3A_175, %sign3A_184 : i32
    %sign3A_186 = arith.extui %sign3A_185 : i1 to i32
    %sign3A_187 = arith.constant 0 : i32
    %sign3A_188 = arith.cmpi slt, %jit3A_175, %sign3A_187 : i32
    %sign3A_189 = arith.extui %sign3A_188 : i1 to i32
    %sign3A_190 = arith.subi %sign3A_186, %sign3A_189 : i32
    %ne3A_191 = arith.cmpi ne, %sign3A_183, %sign3A_190 : i32
    %rem3A_192 = arith.remsi %add3A_174, %jit3A_175 : i32
    %ne3A_193 = arith.constant 0 : i32
    %ne3A_194 = arith.cmpi ne, %rem3A_192, %ne3A_193 : i32
    %and3A_195 = arith.andi %ne3A_191, %ne3A_194 : i1
    %sub3A_196 = arith.constant 1 : i32
    %sub3A_197 = arith.subi %div3A_176, %sub3A_196 : i32
    %select_n3A_198 = arith.select %and3A_195, %sub3A_197, %div3A_176 : i32
    %jit3A_199 = arith.constant 16 : i32
    %eq3A_200 = arith.constant 0 : i32
    %eq3A_201 = arith.cmpi eq, %jit3A_199, %eq3A_200 : i32
    %jit3A_202 = arith.constant 1 : i32
    %select_n3A_203 = arith.select %eq3A_201, %jit3A_202, %jit3A_199 : i32
    %rem3A_204 = arith.remsi %add3A_174, %select_n3A_203 : i32
    %ne3A_205 = arith.constant 0 : i32
    %ne3A_206 = arith.cmpi ne, %rem3A_204, %ne3A_205 : i32
    %lt3A_207 = arith.constant 0 : i32
    %lt3A_208 = arith.cmpi slt, %rem3A_204, %lt3A_207 : i32
    %lt3A_209 = arith.constant 0 : i32
    %lt3A_210 = arith.cmpi slt, %select_n3A_203, %lt3A_209 : i32
    %ne3A_211 = arith.xori %lt3A_208, %lt3A_210 : i1
    %and3A_212 = arith.andi %ne3A_211, %ne3A_206 : i1
    %add3A_213 = arith.addi %rem3A_204, %select_n3A_203 : i32
    %select_n3A_214 = arith.select %and3A_212, %add3A_213, %rem3A_204 : i32
    %mul3A_215 = arith.constant 8 : i32
    %mul3A_216 = arith.muli %select_n3A_198, %mul3A_215 : i32
    %mul3A_217 = arith.constant 128 : i32
    %mul3A_218 = arith.muli %select_n3A_214, %mul3A_217 : i32
    %dma_start3A_219 = arith.constant 0 : i32
    %dma_start3A_220 = arith.constant 0 : i32
    %dma_start3A_221 = arith.constant 0 : i32
    %dma_start3A_222 = arith.constant 0 : i32
    %dma_start3A_223 = tpu.memref_slice %arg4[%dma_start3A_219, %dma_start3A_220, %dma_start3A_221, %dma_start3A_222] : memref<2x50x8x128xf32, #tpu.memory_space<vmem>> -> memref<1x50x8x128xf32, #tpu.memory_space<vmem>>
    %dma_start3A_224 = tpu.memref_squeeze %dma_start3A_223 : memref<1x50x8x128xf32, #tpu.memory_space<vmem>> -> memref<50x8x128xf32, #tpu.memory_space<vmem>>
    %dma_start3A_225 = arith.constant 0 : i32
    %dma_start3A_226 = tpu.memref_slice %arg2[%dma_start3A_225, %mul3A_216, %mul3A_218] : memref<100x128x2048xf32, #tpu.memory_space<hbm>> -> memref<50x8x128xf32, #tpu.memory_space<hbm>>
    %dma_start3A_227 = arith.constant 0 : i32
    %dma_start3A_228 = arith.constant 0 : i32
    %dma_start3A_229 = arith.constant 0 : i32
    %dma_start3A_230 = tpu.memref_slice %arg4[%dma_start3A_219, %dma_start3A_227, %dma_start3A_228, %dma_start3A_229] : memref<2x50x8x128xf32, #tpu.memory_space<vmem>> -> memref<1x50x8x128xf32, #tpu.memory_space<vmem>>
    %dma_start3A_231 = tpu.memref_squeeze %dma_start3A_230 : memref<1x50x8x128xf32, #tpu.memory_space<vmem>> -> memref<50x8x128xf32, #tpu.memory_space<vmem>>
    %dma_start3A_232 = arith.constant 0 : i32
    %dma_start3A_233 = tpu.memref_slice %arg2[%dma_start3A_232, %mul3A_216, %mul3A_218] : memref<100x128x2048xf32, #tpu.memory_space<hbm>> -> memref<50x8x128xf32, #tpu.memory_space<hbm>>
    tpu.enqueue_dma source(%dma_start3A_233 : memref<50x8x128xf32, #tpu.memory_space<hbm>>) target(%dma_start3A_231 : memref<50x8x128xf32, #tpu.memory_space<vmem>>) target_semaphore(%arg6 : memref<!tpu.dma_semaphore, #tpu.memory_space<semaphore_mem>>)
    %jit3A_234 = arith.constant 16 : i32
    %div3A_235 = arith.divsi %add3A_50, %jit3A_234 : i32
    %sign3A_236 = arith.constant 0 : i32
    %sign3A_237 = arith.cmpi sgt, %add3A_50, %sign3A_236 : i32
    %sign3A_238 = arith.extui %sign3A_237 : i1 to i32
    %sign3A_239 = arith.constant 0 : i32
    %sign3A_240 = arith.cmpi slt, %add3A_50, %sign3A_239 : i32
    %sign3A_241 = arith.extui %sign3A_240 : i1 to i32
    %sign3A_242 = arith.subi %sign3A_238, %sign3A_241 : i32
    %sign3A_243 = arith.constant 0 : i32
    %sign3A_244 = arith.cmpi sgt, %jit3A_234, %sign3A_243 : i32
    %sign3A_245 = arith.extui %sign3A_244 : i1 to i32
    %sign3A_246 = arith.constant 0 : i32
    %sign3A_247 = arith.cmpi slt, %jit3A_234, %sign3A_246 : i32
    %sign3A_248 = arith.extui %sign3A_247 : i1 to i32
    %sign3A_249 = arith.subi %sign3A_245, %sign3A_248 : i32
    %ne3A_250 = arith.cmpi ne, %sign3A_242, %sign3A_249 : i32
    %rem3A_251 = arith.remsi %add3A_50, %jit3A_234 : i32
    %ne3A_252 = arith.constant 0 : i32
    %ne3A_253 = arith.cmpi ne, %rem3A_251, %ne3A_252 : i32
    %and3A_254 = arith.andi %ne3A_250, %ne3A_253 : i1
    %sub3A_255 = arith.constant 1 : i32
    %sub3A_256 = arith.subi %div3A_235, %sub3A_255 : i32
    %select_n3A_257 = arith.select %and3A_254, %sub3A_256, %div3A_235 : i32
    %jit3A_258 = arith.constant 16 : i32
    %eq3A_259 = arith.constant 0 : i32
    %eq3A_260 = arith.cmpi eq, %jit3A_258, %eq3A_259 : i32
    %jit3A_261 = arith.constant 1 : i32
    %select_n3A_262 = arith.select %eq3A_260, %jit3A_261, %jit3A_258 : i32
    %rem3A_263 = arith.remsi %add3A_50, %select_n3A_262 : i32
    %ne3A_264 = arith.constant 0 : i32
    %ne3A_265 = arith.cmpi ne, %rem3A_263, %ne3A_264 : i32
    %lt3A_266 = arith.constant 0 : i32
    %lt3A_267 = arith.cmpi slt, %rem3A_263, %lt3A_266 : i32
    %lt3A_268 = arith.constant 0 : i32
    %lt3A_269 = arith.cmpi slt, %select_n3A_262, %lt3A_268 : i32
    %ne3A_270 = arith.xori %lt3A_267, %lt3A_269 : i1
    %and3A_271 = arith.andi %ne3A_270, %ne3A_265 : i1
    %add3A_272 = arith.addi %rem3A_263, %select_n3A_262 : i32
    %select_n3A_273 = arith.select %and3A_271, %add3A_272, %rem3A_263 : i32
    %mul3A_274 = arith.constant 8 : i32
    %mul3A_275 = arith.muli %select_n3A_257, %mul3A_274 : i32
    %mul3A_276 = arith.constant 128 : i32
    %mul3A_277 = arith.muli %select_n3A_273, %mul3A_276 : i32
    %dma_wait3A_278 = arith.constant 1 : i32
    %dma_wait3A_279 = arith.constant 0 : i32
    %dma_wait3A_280 = arith.constant 0 : i32
    %dma_wait3A_281 = arith.constant 0 : i32
    %dma_wait3A_282 = tpu.memref_slice %arg4[%dma_wait3A_278, %dma_wait3A_279, %dma_wait3A_280, %dma_wait3A_281] : memref<2x50x8x128xf32, #tpu.memory_space<vmem>> -> memref<1x50x8x128xf32, #tpu.memory_space<vmem>>
    %dma_wait3A_283 = tpu.memref_squeeze %dma_wait3A_282 : memref<1x50x8x128xf32, #tpu.memory_space<vmem>> -> memref<50x8x128xf32, #tpu.memory_space<vmem>>
    %dma_wait3A_284 = arith.constant 50 : i32
    %dma_wait3A_285 = tpu.memref_slice %arg2[%dma_wait3A_284, %mul3A_275, %mul3A_277] : memref<100x128x2048xf32, #tpu.memory_space<hbm>> -> memref<50x8x128xf32, #tpu.memory_space<hbm>>
    %dma_wait3A_286 = arith.constant 0 : i32
    %dma_wait3A_287 = arith.constant 0 : i32
    %dma_wait3A_288 = arith.constant 0 : i32
    %dma_wait3A_289 = tpu.memref_slice %arg4[%dma_wait3A_278, %dma_wait3A_286, %dma_wait3A_287, %dma_wait3A_288] : memref<2x50x8x128xf32, #tpu.memory_space<vmem>> -> memref<1x50x8x128xf32, #tpu.memory_space<vmem>>
    %dma_wait3A_290 = tpu.memref_squeeze %dma_wait3A_289 : memref<1x50x8x128xf32, #tpu.memory_space<vmem>> -> memref<50x8x128xf32, #tpu.memory_space<vmem>>
    %dma_wait3A_291 = arith.constant 50 : i32
    %dma_wait3A_292 = tpu.memref_slice %arg2[%dma_wait3A_291, %mul3A_275, %mul3A_277] : memref<100x128x2048xf32, #tpu.memory_space<hbm>> -> memref<50x8x128xf32, #tpu.memory_space<hbm>>
    tpu.wait_dma2 semaphore(%arg7 : memref<!tpu.dma_semaphore, #tpu.memory_space<semaphore_mem>>) src(%dma_wait3A_292 : memref<50x8x128xf32, #tpu.memory_space<hbm>>) dst(%dma_wait3A_290 : memref<50x8x128xf32, #tpu.memory_space<vmem>>)
    %scan3A_293 = arith.constant 0 : i32
    %scan3A_294 = arith.constant 0 : i32
    %scan3A_295 = arith.constant 64 : i32
    %scan3A_296 = arith.addi %scan3A_294, %scan3A_295 : i32
    %scan3A_297 = arith.constant 1 : i32
    scf.for %scan3A_578 = %scan3A_294 to %scan3A_296 step %scan3A_297  : i32 {
      %jit3A_579 = arith.constant 8 : i32
      %div3A_580 = arith.divsi %scan3A_578, %jit3A_579 : i32
      %sign3A_581 = arith.constant 0 : i32
      %sign3A_582 = arith.cmpi sgt, %scan3A_578, %sign3A_581 : i32
      %sign3A_583 = arith.extui %sign3A_582 : i1 to i32
      %sign3A_584 = arith.constant 0 : i32
      %sign3A_585 = arith.cmpi slt, %scan3A_578, %sign3A_584 : i32
      %sign3A_586 = arith.extui %sign3A_585 : i1 to i32
      %sign3A_587 = arith.subi %sign3A_583, %sign3A_586 : i32
      %sign3A_588 = arith.constant 0 : i32
      %sign3A_589 = arith.cmpi sgt, %jit3A_579, %sign3A_588 : i32
      %sign3A_590 = arith.extui %sign3A_589 : i1 to i32
      %sign3A_591 = arith.constant 0 : i32
      %sign3A_592 = arith.cmpi slt, %jit3A_579, %sign3A_591 : i32
      %sign3A_593 = arith.extui %sign3A_592 : i1 to i32
      %sign3A_594 = arith.subi %sign3A_590, %sign3A_593 : i32
      %ne3A_595 = arith.cmpi ne, %sign3A_587, %sign3A_594 : i32
      %rem3A_596 = arith.remsi %scan3A_578, %jit3A_579 : i32
      %ne3A_597 = arith.constant 0 : i32
      %ne3A_598 = arith.cmpi ne, %rem3A_596, %ne3A_597 : i32
      %and3A_599 = arith.andi %ne3A_595, %ne3A_598 : i1
      %sub3A_600 = arith.constant 1 : i32
      %sub3A_601 = arith.subi %div3A_580, %sub3A_600 : i32
      %select_n3A_602 = arith.select %and3A_599, %sub3A_601, %div3A_580 : i32
      %jit3A_603 = arith.constant 8 : i32
      %eq3A_604 = arith.constant 0 : i32
      %eq3A_605 = arith.cmpi eq, %jit3A_603, %eq3A_604 : i32
      %jit3A_606 = arith.constant 1 : i32
      %select_n3A_607 = arith.select %eq3A_605, %jit3A_606, %jit3A_603 : i32
      %rem3A_608 = arith.remsi %scan3A_578, %select_n3A_607 : i32
      %ne3A_609 = arith.constant 0 : i32
      %ne3A_610 = arith.cmpi ne, %rem3A_608, %ne3A_609 : i32
      %lt3A_611 = arith.constant 0 : i32
      %lt3A_612 = arith.cmpi slt, %rem3A_608, %lt3A_611 : i32
      %lt3A_613 = arith.constant 0 : i32
      %lt3A_614 = arith.cmpi slt, %select_n3A_607, %lt3A_613 : i32
      %ne3A_615 = arith.xori %lt3A_612, %lt3A_614 : i1
      %and3A_616 = arith.andi %ne3A_615, %ne3A_610 : i1
      %add3A_617 = arith.addi %rem3A_608, %select_n3A_607 : i32
      %select_n3A_618 = arith.select %and3A_616, %add3A_617, %rem3A_608 : i32
      %mul3A_619 = arith.constant 16 : i32
      %mul3A_620 = arith.muli %select_n3A_618, %mul3A_619 : i32
      %get3A = arith.constant 1 : i32
      %get3A_621 = arith.constant 0 : i32
      %get3A_622 = arith.index_cast %get3A : i32 to index
      %get3A_623 = arith.index_cast %get3A_621 : i32 to index
      %get3A_624 = arith.index_cast %select_n3A_602 : i32 to index
      %get3A_625 = arith.index_cast %mul3A_620 : i32 to index
      %get3A_626 = tpu.vector_load %arg4[%get3A_622, %get3A_623, %get3A_624, %get3A_625] {strides = array<i32>} : memref<2x50x8x128xf32, #tpu.memory_space<vmem>>, vector<1x1x1x16xf32>,
      %get3A_627 = vector.shape_cast %get3A_626 : vector<1x1x1x16xf32> to vector<16xf32>
      %mul3A_628 = arith.constant 4.900000e+01 : f32
      %mul3A_629 = vector.broadcast %mul3A_628 : f32 to vector<16xf32>
      %mul3A_630 = arith.mulf %get3A_627, %mul3A_629 : vector<16xf32>
      %get3A_631 = arith.constant 1 : i32
      %get3A_632 = arith.constant 1 : i32
      %get3A_633 = arith.index_cast %get3A_631 : i32 to index
      %get3A_634 = arith.index_cast %get3A_632 : i32 to index
      %get3A_635 = arith.index_cast %select_n3A_602 : i32 to index
      %get3A_636 = arith.index_cast %mul3A_620 : i32 to index
      %get3A_637 = tpu.vector_load %arg4[%get3A_633, %get3A_634, %get3A_635, %get3A_636] {strides = array<i32>} : memref<2x50x8x128xf32, #tpu.memory_space<vmem>>, vector<1x1x1x16xf32>,
      %get3A_638 = vector.shape_cast %get3A_637 : vector<1x1x1x16xf32> to vector<16xf32>
      %mul3A_639 = arith.constant 4.800000e+01 : f32
      %mul3A_640 = vector.broadcast %mul3A_639 : f32 to vector<16xf32>
      %mul3A_641 = arith.mulf %get3A_638, %mul3A_640 : vector<16xf32>
      %max3A = arith.maximumf %mul3A_630, %mul3A_641 : vector<16xf32>
      %get3A_642 = arith.constant 1 : i32
      %get3A_643 = arith.constant 2 : i32
      %get3A_644 = arith.index_cast %get3A_642 : i32 to index
      %get3A_645 = arith.index_cast %get3A_643 : i32 to index
      %get3A_646 = arith.index_cast %select_n3A_602 : i32 to index
      %get3A_647 = arith.index_cast %mul3A_620 : i32 to index
      %get3A_648 = tpu.vector_load %arg4[%get3A_644, %get3A_645, %get3A_646, %get3A_647] {strides = array<i32>} : memref<2x50x8x128xf32, #tpu.memory_space<vmem>>, vector<1x1x1x16xf32>,
      %get3A_649 = vector.shape_cast %get3A_648 : vector<1x1x1x16xf32> to vector<16xf32>
      %mul3A_650 = arith.constant 4.700000e+01 : f32
      %mul3A_651 = vector.broadcast %mul3A_650 : f32 to vector<16xf32>
      %mul3A_652 = arith.mulf %get3A_649, %mul3A_651 : vector<16xf32>
      %max3A_653 = arith.maximumf %max3A, %mul3A_652 : vector<16xf32>
      %get3A_654 = arith.constant 1 : i32
      %get3A_655 = arith.constant 3 : i32
      %get3A_656 = arith.index_cast %get3A_654 : i32 to index
      %get3A_657 = arith.index_cast %get3A_655 : i32 to index
      %get3A_658 = arith.index_cast %select_n3A_602 : i32 to index
      %get3A_659 = arith.index_cast %mul3A_620 : i32 to index
      %get3A_660 = tpu.vector_load %arg4[%get3A_656, %get3A_657, %get3A_658, %get3A_659] {strides = array<i32>} : memref<2x50x8x128xf32, #tpu.memory_space<vmem>>, vector<1x1x1x16xf32>,
      %get3A_661 = vector.shape_cast %get3A_660 : vector<1x1x1x16xf32> to vector<16xf32>
      %mul3A_662 = arith.constant 4.600000e+01 : f32
      %mul3A_663 = vector.broadcast %mul3A_662 : f32 to vector<16xf32>
      %mul3A_664 = arith.mulf %get3A_661, %mul3A_663 : vector<16xf32>
      %max3A_665 = arith.maximumf %max3A_653, %mul3A_664 : vector<16xf32>
      %get3A_666 = arith.constant 1 : i32
      %get3A_667 = arith.constant 4 : i32
      %get3A_668 = arith.index_cast %get3A_666 : i32 to index
      %get3A_669 = arith.index_cast %get3A_667 : i32 to index
      %get3A_670 = arith.index_cast %select_n3A_602 : i32 to index
      %get3A_671 = arith.index_cast %mul3A_620 : i32 to index
      %get3A_672 = tpu.vector_load %arg4[%get3A_668, %get3A_669, %get3A_670, %get3A_671] {strides = array<i32>} : memref<2x50x8x128xf32, #tpu.memory_space<vmem>>, vector<1x1x1x16xf32>,
      %get3A_673 = vector.shape_cast %get3A_672 : vector<1x1x1x16xf32> to vector<16xf32>
      %mul3A_674 = arith.constant 4.500000e+01 : f32
      %mul3A_675 = vector.broadcast %mul3A_674 : f32 to vector<16xf32>
      %mul3A_676 = arith.mulf %get3A_673, %mul3A_675 : vector<16xf32>
      %max3A_677 = arith.maximumf %max3A_665, %mul3A_676 : vector<16xf32>
      %get3A_678 = arith.constant 1 : i32
      %get3A_679 = arith.constant 5 : i32
      %get3A_680 = arith.index_cast %get3A_678 : i32 to index
      %get3A_681 = arith.index_cast %get3A_679 : i32 to index
      %get3A_682 = arith.index_cast %select_n3A_602 : i32 to index
      %get3A_683 = arith.index_cast %mul3A_620 : i32 to index
      %get3A_684 = tpu.vector_load %arg4[%get3A_680, %get3A_681, %get3A_682, %get3A_683] {strides = array<i32>} : memref<2x50x8x128xf32, #tpu.memory_space<vmem>>, vector<1x1x1x16xf32>,
      %get3A_685 = vector.shape_cast %get3A_684 : vector<1x1x1x16xf32> to vector<16xf32>
      %mul3A_686 = arith.constant 4.400000e+01 : f32
      %mul3A_687 = vector.broadcast %mul3A_686 : f32 to vector<16xf32>
      %mul3A_688 = arith.mulf %get3A_685, %mul3A_687 : vector<16xf32>
      %max3A_689 = arith.maximumf %max3A_677, %mul3A_688 : vector<16xf32>
      %get3A_690 = arith.constant 1 : i32
      %get3A_691 = arith.constant 6 : i32
      %get3A_692 = arith.index_cast %get3A_690 : i32 to index
      %get3A_693 = arith.index_cast %get3A_691 : i32 to index
      %get3A_694 = arith.index_cast %select_n3A_602 : i32 to index
      %get3A_695 = arith.index_cast %mul3A_620 : i32 to index
      %get3A_696 = tpu.vector_load %arg4[%get3A_692, %get3A_693, %get3A_694, %get3A_695] {strides = array<i32>} : memref<2x50x8x128xf32, #tpu.memory_space<vmem>>, vector<1x1x1x16xf32>,
      %get3A_697 = vector.shape_cast %get3A_696 : vector<1x1x1x16xf32> to vector<16xf32>
      %mul3A_698 = arith.constant 4.300000e+01 : f32
      %mul3A_699 = vector.broadcast %mul3A_698 : f32 to vector<16xf32>
      %mul3A_700 = arith.mulf %get3A_697, %mul3A_699 : vector<16xf32>
      %max3A_701 = arith.maximumf %max3A_689, %mul3A_700 : vector<16xf32>
      %get3A_702 = arith.constant 1 : i32
      %get3A_703 = arith.constant 7 : i32
      %get3A_704 = arith.index_cast %get3A_702 : i32 to index
      %get3A_705 = arith.index_cast %get3A_703 : i32 to index
      %get3A_706 = arith.index_cast %select_n3A_602 : i32 to index
      %get3A_707 = arith.index_cast %mul3A_620 : i32 to index
      %get3A_708 = tpu.vector_load %arg4[%get3A_704, %get3A_705, %get3A_706, %get3A_707] {strides = array<i32>} : memref<2x50x8x128xf32, #tpu.memory_space<vmem>>, vector<1x1x1x16xf32>,
      %get3A_709 = vector.shape_cast %get3A_708 : vector<1x1x1x16xf32> to vector<16xf32>
      %mul3A_710 = arith.constant 4.200000e+01 : f32
      %mul3A_711 = vector.broadcast %mul3A_710 : f32 to vector<16xf32>
      %mul3A_712 = arith.mulf %get3A_709, %mul3A_711 : vector<16xf32>
      %max3A_713 = arith.maximumf %max3A_701, %mul3A_712 : vector<16xf32>
      %get3A_714 = arith.constant 1 : i32
      %get3A_715 = arith.constant 8 : i32
      %get3A_716 = arith.index_cast %get3A_714 : i32 to index
      %get3A_717 = arith.index_cast %get3A_715 : i32 to index
      %get3A_718 = arith.index_cast %select_n3A_602 : i32 to index
      %get3A_719 = arith.index_cast %mul3A_620 : i32 to index
      %get3A_720 = tpu.vector_load %arg4[%get3A_716, %get3A_717, %get3A_718, %get3A_719] {strides = array<i32>} : memref<2x50x8x128xf32, #tpu.memory_space<vmem>>, vector<1x1x1x16xf32>,
      %get3A_721 = vector.shape_cast %get3A_720 : vector<1x1x1x16xf32> to vector<16xf32>
      %mul3A_722 = arith.constant 4.100000e+01 : f32
      %mul3A_723 = vector.broadcast %mul3A_722 : f32 to vector<16xf32>
      %mul3A_724 = arith.mulf %get3A_721, %mul3A_723 : vector<16xf32>
      %max3A_725 = arith.maximumf %max3A_713, %mul3A_724 : vector<16xf32>
      %get3A_726 = arith.constant 1 : i32
      %get3A_727 = arith.constant 9 : i32
      %get3A_728 = arith.index_cast %get3A_726 : i32 to index
      %get3A_729 = arith.index_cast %get3A_727 : i32 to index
      %get3A_730 = arith.index_cast %select_n3A_602 : i32 to index
      %get3A_731 = arith.index_cast %mul3A_620 : i32 to index
      %get3A_732 = tpu.vector_load %arg4[%get3A_728, %get3A_729, %get3A_730, %get3A_731] {strides = array<i32>} : memref<2x50x8x128xf32, #tpu.memory_space<vmem>>, vector<1x1x1x16xf32>,
      %get3A_733 = vector.shape_cast %get3A_732 : vector<1x1x1x16xf32> to vector<16xf32>
      %mul3A_734 = arith.constant 4.000000e+01 : f32
      %mul3A_735 = vector.broadcast %mul3A_734 : f32 to vector<16xf32>
      %mul3A_736 = arith.mulf %get3A_733, %mul3A_735 : vector<16xf32>
      %max3A_737 = arith.maximumf %max3A_725, %mul3A_736 : vector<16xf32>
      %get3A_738 = arith.constant 1 : i32
      %get3A_739 = arith.constant 10 : i32
      %get3A_740 = arith.index_cast %get3A_738 : i32 to index
      %get3A_741 = arith.index_cast %get3A_739 : i32 to index
      %get3A_742 = arith.index_cast %select_n3A_602 : i32 to index
      %get3A_743 = arith.index_cast %mul3A_620 : i32 to index
      %get3A_744 = tpu.vector_load %arg4[%get3A_740, %get3A_741, %get3A_742, %get3A_743] {strides = array<i32>} : memref<2x50x8x128xf32, #tpu.memory_space<vmem>>, vector<1x1x1x16xf32>,
      %get3A_745 = vector.shape_cast %get3A_744 : vector<1x1x1x16xf32> to vector<16xf32>
      %mul3A_746 = arith.constant 3.900000e+01 : f32
      %mul3A_747 = vector.broadcast %mul3A_746 : f32 to vector<16xf32>
      %mul3A_748 = arith.mulf %get3A_745, %mul3A_747 : vector<16xf32>
      %max3A_749 = arith.maximumf %max3A_737, %mul3A_748 : vector<16xf32>
      %get3A_750 = arith.constant 1 : i32
      %get3A_751 = arith.constant 11 : i32
      %get3A_752 = arith.index_cast %get3A_750 : i32 to index
      %get3A_753 = arith.index_cast %get3A_751 : i32 to index
      %get3A_754 = arith.index_cast %select_n3A_602 : i32 to index
      %get3A_755 = arith.index_cast %mul3A_620 : i32 to index
      %get3A_756 = tpu.vector_load %arg4[%get3A_752, %get3A_753, %get3A_754, %get3A_755] {strides = array<i32>} : memref<2x50x8x128xf32, #tpu.memory_space<vmem>>, vector<1x1x1x16xf32>,
      %get3A_757 = vector.shape_cast %get3A_756 : vector<1x1x1x16xf32> to vector<16xf32>
      %mul3A_758 = arith.constant 3.800000e+01 : f32
      %mul3A_759 = vector.broadcast %mul3A_758 : f32 to vector<16xf32>
      %mul3A_760 = arith.mulf %get3A_757, %mul3A_759 : vector<16xf32>
      %max3A_761 = arith.maximumf %max3A_749, %mul3A_760 : vector<16xf32>
      %get3A_762 = arith.constant 1 : i32
      %get3A_763 = arith.constant 12 : i32
      %get3A_764 = arith.index_cast %get3A_762 : i32 to index
      %get3A_765 = arith.index_cast %get3A_763 : i32 to index
      %get3A_766 = arith.index_cast %select_n3A_602 : i32 to index
      %get3A_767 = arith.index_cast %mul3A_620 : i32 to index
      %get3A_768 = tpu.vector_load %arg4[%get3A_764, %get3A_765, %get3A_766, %get3A_767] {strides = array<i32>} : memref<2x50x8x128xf32, #tpu.memory_space<vmem>>, vector<1x1x1x16xf32>,
      %get3A_769 = vector.shape_cast %get3A_768 : vector<1x1x1x16xf32> to vector<16xf32>
      %mul3A_770 = arith.constant 3.700000e+01 : f32
      %mul3A_771 = vector.broadcast %mul3A_770 : f32 to vector<16xf32>
      %mul3A_772 = arith.mulf %get3A_769, %mul3A_771 : vector<16xf32>
      %max3A_773 = arith.maximumf %max3A_761, %mul3A_772 : vector<16xf32>
      %get3A_774 = arith.constant 1 : i32
      %get3A_775 = arith.constant 13 : i32
      %get3A_776 = arith.index_cast %get3A_774 : i32 to index
      %get3A_777 = arith.index_cast %get3A_775 : i32 to index
      %get3A_778 = arith.index_cast %select_n3A_602 : i32 to index
      %get3A_779 = arith.index_cast %mul3A_620 : i32 to index
      %get3A_780 = tpu.vector_load %arg4[%get3A_776, %get3A_777, %get3A_778, %get3A_779] {strides = array<i32>} : memref<2x50x8x128xf32, #tpu.memory_space<vmem>>, vector<1x1x1x16xf32>,
      %get3A_781 = vector.shape_cast %get3A_780 : vector<1x1x1x16xf32> to vector<16xf32>
      %mul3A_782 = arith.constant 3.600000e+01 : f32
      %mul3A_783 = vector.broadcast %mul3A_782 : f32 to vector<16xf32>
      %mul3A_784 = arith.mulf %get3A_781, %mul3A_783 : vector<16xf32>
      %max3A_785 = arith.maximumf %max3A_773, %mul3A_784 : vector<16xf32>
      %get3A_786 = arith.constant 1 : i32
      %get3A_787 = arith.constant 14 : i32
      %get3A_788 = arith.index_cast %get3A_786 : i32 to index
      %get3A_789 = arith.index_cast %get3A_787 : i32 to index
      %get3A_790 = arith.index_cast %select_n3A_602 : i32 to index
      %get3A_791 = arith.index_cast %mul3A_620 : i32 to index
      %get3A_792 = tpu.vector_load %arg4[%get3A_788, %get3A_789, %get3A_790, %get3A_791] {strides = array<i32>} : memref<2x50x8x128xf32, #tpu.memory_space<vmem>>, vector<1x1x1x16xf32>,
      %get3A_793 = vector.shape_cast %get3A_792 : vector<1x1x1x16xf32> to vector<16xf32>
      %mul3A_794 = arith.constant 3.500000e+01 : f32
      %mul3A_795 = vector.broadcast %mul3A_794 : f32 to vector<16xf32>
      %mul3A_796 = arith.mulf %get3A_793, %mul3A_795 : vector<16xf32>
      %max3A_797 = arith.maximumf %max3A_785, %mul3A_796 : vector<16xf32>
      %get3A_798 = arith.constant 1 : i32
      %get3A_799 = arith.constant 15 : i32
      %get3A_800 = arith.index_cast %get3A_798 : i32 to index
      %get3A_801 = arith.index_cast %get3A_799 : i32 to index
      %get3A_802 = arith.index_cast %select_n3A_602 : i32 to index
      %get3A_803 = arith.index_cast %mul3A_620 : i32 to index
      %get3A_804 = tpu.vector_load %arg4[%get3A_800, %get3A_801, %get3A_802, %get3A_803] {strides = array<i32>} : memref<2x50x8x128xf32, #tpu.memory_space<vmem>>, vector<1x1x1x16xf32>,
      %get3A_805 = vector.shape_cast %get3A_804 : vector<1x1x1x16xf32> to vector<16xf32>
      %mul3A_806 = arith.constant 3.400000e+01 : f32
      %mul3A_807 = vector.broadcast %mul3A_806 : f32 to vector<16xf32>
      %mul3A_808 = arith.mulf %get3A_805, %mul3A_807 : vector<16xf32>
      %max3A_809 = arith.maximumf %max3A_797, %mul3A_808 : vector<16xf32>
      %get3A_810 = arith.constant 1 : i32
      %get3A_811 = arith.constant 16 : i32
      %get3A_812 = arith.index_cast %get3A_810 : i32 to index
      %get3A_813 = arith.index_cast %get3A_811 : i32 to index
      %get3A_814 = arith.index_cast %select_n3A_602 : i32 to index
      %get3A_815 = arith.index_cast %mul3A_620 : i32 to index
      %get3A_816 = tpu.vector_load %arg4[%get3A_812, %get3A_813, %get3A_814, %get3A_815] {strides = array<i32>} : memref<2x50x8x128xf32, #tpu.memory_space<vmem>>, vector<1x1x1x16xf32>,
      %get3A_817 = vector.shape_cast %get3A_816 : vector<1x1x1x16xf32> to vector<16xf32>
      %mul3A_818 = arith.constant 3.300000e+01 : f32
      %mul3A_819 = vector.broadcast %mul3A_818 : f32 to vector<16xf32>
      %mul3A_820 = arith.mulf %get3A_817, %mul3A_819 : vector<16xf32>
      %max3A_821 = arith.maximumf %max3A_809, %mul3A_820 : vector<16xf32>
      %get3A_822 = arith.constant 1 : i32
      %get3A_823 = arith.constant 17 : i32
      %get3A_824 = arith.index_cast %get3A_822 : i32 to index
      %get3A_825 = arith.index_cast %get3A_823 : i32 to index
      %get3A_826 = arith.index_cast %select_n3A_602 : i32 to index
      %get3A_827 = arith.index_cast %mul3A_620 : i32 to index
      %get3A_828 = tpu.vector_load %arg4[%get3A_824, %get3A_825, %get3A_826, %get3A_827] {strides = array<i32>} : memref<2x50x8x128xf32, #tpu.memory_space<vmem>>, vector<1x1x1x16xf32>,
      %get3A_829 = vector.shape_cast %get3A_828 : vector<1x1x1x16xf32> to vector<16xf32>
      %mul3A_830 = arith.constant 3.200000e+01 : f32
      %mul3A_831 = vector.broadcast %mul3A_830 : f32 to vector<16xf32>
      %mul3A_832 = arith.mulf %get3A_829, %mul3A_831 : vector<16xf32>
      %max3A_833 = arith.maximumf %max3A_821, %mul3A_832 : vector<16xf32>
      %get3A_834 = arith.constant 1 : i32
      %get3A_835 = arith.constant 18 : i32
      %get3A_836 = arith.index_cast %get3A_834 : i32 to index
      %get3A_837 = arith.index_cast %get3A_835 : i32 to index
      %get3A_838 = arith.index_cast %select_n3A_602 : i32 to index
      %get3A_839 = arith.index_cast %mul3A_620 : i32 to index
      %get3A_840 = tpu.vector_load %arg4[%get3A_836, %get3A_837, %get3A_838, %get3A_839] {strides = array<i32>} : memref<2x50x8x128xf32, #tpu.memory_space<vmem>>, vector<1x1x1x16xf32>,
      %get3A_841 = vector.shape_cast %get3A_840 : vector<1x1x1x16xf32> to vector<16xf32>
      %mul3A_842 = arith.constant 3.100000e+01 : f32
      %mul3A_843 = vector.broadcast %mul3A_842 : f32 to vector<16xf32>
      %mul3A_844 = arith.mulf %get3A_841, %mul3A_843 : vector<16xf32>
      %max3A_845 = arith.maximumf %max3A_833, %mul3A_844 : vector<16xf32>
      %get3A_846 = arith.constant 1 : i32
      %get3A_847 = arith.constant 19 : i32
      %get3A_848 = arith.index_cast %get3A_846 : i32 to index
      %get3A_849 = arith.index_cast %get3A_847 : i32 to index
      %get3A_850 = arith.index_cast %select_n3A_602 : i32 to index
      %get3A_851 = arith.index_cast %mul3A_620 : i32 to index
      %get3A_852 = tpu.vector_load %arg4[%get3A_848, %get3A_849, %get3A_850, %get3A_851] {strides = array<i32>} : memref<2x50x8x128xf32, #tpu.memory_space<vmem>>, vector<1x1x1x16xf32>,
      %get3A_853 = vector.shape_cast %get3A_852 : vector<1x1x1x16xf32> to vector<16xf32>
      %mul3A_854 = arith.constant 3.000000e+01 : f32
      %mul3A_855 = vector.broadcast %mul3A_854 : f32 to vector<16xf32>
      %mul3A_856 = arith.mulf %get3A_853, %mul3A_855 : vector<16xf32>
      %max3A_857 = arith.maximumf %max3A_845, %mul3A_856 : vector<16xf32>
      %get3A_858 = arith.constant 1 : i32
      %get3A_859 = arith.constant 20 : i32
      %get3A_860 = arith.index_cast %get3A_858 : i32 to index
      %get3A_861 = arith.index_cast %get3A_859 : i32 to index
      %get3A_862 = arith.index_cast %select_n3A_602 : i32 to index
      %get3A_863 = arith.index_cast %mul3A_620 : i32 to index
      %get3A_864 = tpu.vector_load %arg4[%get3A_860, %get3A_861, %get3A_862, %get3A_863] {strides = array<i32>} : memref<2x50x8x128xf32, #tpu.memory_space<vmem>>, vector<1x1x1x16xf32>,
      %get3A_865 = vector.shape_cast %get3A_864 : vector<1x1x1x16xf32> to vector<16xf32>
      %mul3A_866 = arith.constant 2.900000e+01 : f32
      %mul3A_867 = vector.broadcast %mul3A_866 : f32 to vector<16xf32>
      %mul3A_868 = arith.mulf %get3A_865, %mul3A_867 : vector<16xf32>
      %max3A_869 = arith.maximumf %max3A_857, %mul3A_868 : vector<16xf32>
      %get3A_870 = arith.constant 1 : i32
      %get3A_871 = arith.constant 21 : i32
      %get3A_872 = arith.index_cast %get3A_870 : i32 to index
      %get3A_873 = arith.index_cast %get3A_871 : i32 to index
      %get3A_874 = arith.index_cast %select_n3A_602 : i32 to index
      %get3A_875 = arith.index_cast %mul3A_620 : i32 to index
      %get3A_876 = tpu.vector_load %arg4[%get3A_872, %get3A_873, %get3A_874, %get3A_875] {strides = array<i32>} : memref<2x50x8x128xf32, #tpu.memory_space<vmem>>, vector<1x1x1x16xf32>,
      %get3A_877 = vector.shape_cast %get3A_876 : vector<1x1x1x16xf32> to vector<16xf32>
      %mul3A_878 = arith.constant 2.800000e+01 : f32
      %mul3A_879 = vector.broadcast %mul3A_878 : f32 to vector<16xf32>
      %mul3A_880 = arith.mulf %get3A_877, %mul3A_879 : vector<16xf32>
      %max3A_881 = arith.maximumf %max3A_869, %mul3A_880 : vector<16xf32>
      %get3A_882 = arith.constant 1 : i32
      %get3A_883 = arith.constant 22 : i32
      %get3A_884 = arith.index_cast %get3A_882 : i32 to index
      %get3A_885 = arith.index_cast %get3A_883 : i32 to index
      %get3A_886 = arith.index_cast %select_n3A_602 : i32 to index
      %get3A_887 = arith.index_cast %mul3A_620 : i32 to index
      %get3A_888 = tpu.vector_load %arg4[%get3A_884, %get3A_885, %get3A_886, %get3A_887] {strides = array<i32>} : memref<2x50x8x128xf32, #tpu.memory_space<vmem>>, vector<1x1x1x16xf32>,
      %get3A_889 = vector.shape_cast %get3A_888 : vector<1x1x1x16xf32> to vector<16xf32>
      %mul3A_890 = arith.constant 2.700000e+01 : f32
      %mul3A_891 = vector.broadcast %mul3A_890 : f32 to vector<16xf32>
      %mul3A_892 = arith.mulf %get3A_889, %mul3A_891 : vector<16xf32>
      %max3A_893 = arith.maximumf %max3A_881, %mul3A_892 : vector<16xf32>
      %get3A_894 = arith.constant 1 : i32
      %get3A_895 = arith.constant 23 : i32
      %get3A_896 = arith.index_cast %get3A_894 : i32 to index
      %get3A_897 = arith.index_cast %get3A_895 : i32 to index
      %get3A_898 = arith.index_cast %select_n3A_602 : i32 to index
      %get3A_899 = arith.index_cast %mul3A_620 : i32 to index
      %get3A_900 = tpu.vector_load %arg4[%get3A_896, %get3A_897, %get3A_898, %get3A_899] {strides = array<i32>} : memref<2x50x8x128xf32, #tpu.memory_space<vmem>>, vector<1x1x1x16xf32>,
      %get3A_901 = vector.shape_cast %get3A_900 : vector<1x1x1x16xf32> to vector<16xf32>
      %mul3A_902 = arith.constant 2.600000e+01 : f32
      %mul3A_903 = vector.broadcast %mul3A_902 : f32 to vector<16xf32>
      %mul3A_904 = arith.mulf %get3A_901, %mul3A_903 : vector<16xf32>
      %max3A_905 = arith.maximumf %max3A_893, %mul3A_904 : vector<16xf32>
      %get3A_906 = arith.constant 1 : i32
      %get3A_907 = arith.constant 24 : i32
      %get3A_908 = arith.index_cast %get3A_906 : i32 to index
      %get3A_909 = arith.index_cast %get3A_907 : i32 to index
      %get3A_910 = arith.index_cast %select_n3A_602 : i32 to index
      %get3A_911 = arith.index_cast %mul3A_620 : i32 to index
      %get3A_912 = tpu.vector_load %arg4[%get3A_908, %get3A_909, %get3A_910, %get3A_911] {strides = array<i32>} : memref<2x50x8x128xf32, #tpu.memory_space<vmem>>, vector<1x1x1x16xf32>,
      %get3A_913 = vector.shape_cast %get3A_912 : vector<1x1x1x16xf32> to vector<16xf32>
      %mul3A_914 = arith.constant 2.500000e+01 : f32
      %mul3A_915 = vector.broadcast %mul3A_914 : f32 to vector<16xf32>
      %mul3A_916 = arith.mulf %get3A_913, %mul3A_915 : vector<16xf32>
      %max3A_917 = arith.maximumf %max3A_905, %mul3A_916 : vector<16xf32>
      %get3A_918 = arith.constant 1 : i32
      %get3A_919 = arith.constant 25 : i32
      %get3A_920 = arith.index_cast %get3A_918 : i32 to index
      %get3A_921 = arith.index_cast %get3A_919 : i32 to index
      %get3A_922 = arith.index_cast %select_n3A_602 : i32 to index
      %get3A_923 = arith.index_cast %mul3A_620 : i32 to index
      %get3A_924 = tpu.vector_load %arg4[%get3A_920, %get3A_921, %get3A_922, %get3A_923] {strides = array<i32>} : memref<2x50x8x128xf32, #tpu.memory_space<vmem>>, vector<1x1x1x16xf32>,
      %get3A_925 = vector.shape_cast %get3A_924 : vector<1x1x1x16xf32> to vector<16xf32>
      %mul3A_926 = arith.constant 2.400000e+01 : f32
      %mul3A_927 = vector.broadcast %mul3A_926 : f32 to vector<16xf32>
      %mul3A_928 = arith.mulf %get3A_925, %mul3A_927 : vector<16xf32>
      %max3A_929 = arith.maximumf %max3A_917, %mul3A_928 : vector<16xf32>
      %get3A_930 = arith.constant 1 : i32
      %get3A_931 = arith.constant 26 : i32
      %get3A_932 = arith.index_cast %get3A_930 : i32 to index
      %get3A_933 = arith.index_cast %get3A_931 : i32 to index
      %get3A_934 = arith.index_cast %select_n3A_602 : i32 to index
      %get3A_935 = arith.index_cast %mul3A_620 : i32 to index
      %get3A_936 = tpu.vector_load %arg4[%get3A_932, %get3A_933, %get3A_934, %get3A_935] {strides = array<i32>} : memref<2x50x8x128xf32, #tpu.memory_space<vmem>>, vector<1x1x1x16xf32>,
      %get3A_937 = vector.shape_cast %get3A_936 : vector<1x1x1x16xf32> to vector<16xf32>
      %mul3A_938 = arith.constant 2.300000e+01 : f32
      %mul3A_939 = vector.broadcast %mul3A_938 : f32 to vector<16xf32>
      %mul3A_940 = arith.mulf %get3A_937, %mul3A_939 : vector<16xf32>
      %max3A_941 = arith.maximumf %max3A_929, %mul3A_940 : vector<16xf32>
      %get3A_942 = arith.constant 1 : i32
      %get3A_943 = arith.constant 27 : i32
      %get3A_944 = arith.index_cast %get3A_942 : i32 to index
      %get3A_945 = arith.index_cast %get3A_943 : i32 to index
      %get3A_946 = arith.index_cast %select_n3A_602 : i32 to index
      %get3A_947 = arith.index_cast %mul3A_620 : i32 to index
      %get3A_948 = tpu.vector_load %arg4[%get3A_944, %get3A_945, %get3A_946, %get3A_947] {strides = array<i32>} : memref<2x50x8x128xf32, #tpu.memory_space<vmem>>, vector<1x1x1x16xf32>,
      %get3A_949 = vector.shape_cast %get3A_948 : vector<1x1x1x16xf32> to vector<16xf32>
      %mul3A_950 = arith.constant 2.200000e+01 : f32
      %mul3A_951 = vector.broadcast %mul3A_950 : f32 to vector<16xf32>
      %mul3A_952 = arith.mulf %get3A_949, %mul3A_951 : vector<16xf32>
      %max3A_953 = arith.maximumf %max3A_941, %mul3A_952 : vector<16xf32>
      %get3A_954 = arith.constant 1 : i32
      %get3A_955 = arith.constant 28 : i32
      %get3A_956 = arith.index_cast %get3A_954 : i32 to index
      %get3A_957 = arith.index_cast %get3A_955 : i32 to index
      %get3A_958 = arith.index_cast %select_n3A_602 : i32 to index
      %get3A_959 = arith.index_cast %mul3A_620 : i32 to index
      %get3A_960 = tpu.vector_load %arg4[%get3A_956, %get3A_957, %get3A_958, %get3A_959] {strides = array<i32>} : memref<2x50x8x128xf32, #tpu.memory_space<vmem>>, vector<1x1x1x16xf32>,
      %get3A_961 = vector.shape_cast %get3A_960 : vector<1x1x1x16xf32> to vector<16xf32>
      %mul3A_962 = arith.constant 2.100000e+01 : f32
      %mul3A_963 = vector.broadcast %mul3A_962 : f32 to vector<16xf32>
      %mul3A_964 = arith.mulf %get3A_961, %mul3A_963 : vector<16xf32>
      %max3A_965 = arith.maximumf %max3A_953, %mul3A_964 : vector<16xf32>
      %get3A_966 = arith.constant 1 : i32
      %get3A_967 = arith.constant 29 : i32
      %get3A_968 = arith.index_cast %get3A_966 : i32 to index
      %get3A_969 = arith.index_cast %get3A_967 : i32 to index
      %get3A_970 = arith.index_cast %select_n3A_602 : i32 to index
      %get3A_971 = arith.index_cast %mul3A_620 : i32 to index
      %get3A_972 = tpu.vector_load %arg4[%get3A_968, %get3A_969, %get3A_970, %get3A_971] {strides = array<i32>} : memref<2x50x8x128xf32, #tpu.memory_space<vmem>>, vector<1x1x1x16xf32>,
      %get3A_973 = vector.shape_cast %get3A_972 : vector<1x1x1x16xf32> to vector<16xf32>
      %mul3A_974 = arith.constant 2.000000e+01 : f32
      %mul3A_975 = vector.broadcast %mul3A_974 : f32 to vector<16xf32>
      %mul3A_976 = arith.mulf %get3A_973, %mul3A_975 : vector<16xf32>
      %max3A_977 = arith.maximumf %max3A_965, %mul3A_976 : vector<16xf32>
      %get3A_978 = arith.constant 1 : i32
      %get3A_979 = arith.constant 30 : i32
      %get3A_980 = arith.index_cast %get3A_978 : i32 to index
      %get3A_981 = arith.index_cast %get3A_979 : i32 to index
      %get3A_982 = arith.index_cast %select_n3A_602 : i32 to index
      %get3A_983 = arith.index_cast %mul3A_620 : i32 to index
      %get3A_984 = tpu.vector_load %arg4[%get3A_980, %get3A_981, %get3A_982, %get3A_983] {strides = array<i32>} : memref<2x50x8x128xf32, #tpu.memory_space<vmem>>, vector<1x1x1x16xf32>,
      %get3A_985 = vector.shape_cast %get3A_984 : vector<1x1x1x16xf32> to vector<16xf32>
      %mul3A_986 = arith.constant 1.900000e+01 : f32
      %mul3A_987 = vector.broadcast %mul3A_986 : f32 to vector<16xf32>
      %mul3A_988 = arith.mulf %get3A_985, %mul3A_987 : vector<16xf32>
      %max3A_989 = arith.maximumf %max3A_977, %mul3A_988 : vector<16xf32>
      %get3A_990 = arith.constant 1 : i32
      %get3A_991 = arith.constant 31 : i32
      %get3A_992 = arith.index_cast %get3A_990 : i32 to index
      %get3A_993 = arith.index_cast %get3A_991 : i32 to index
      %get3A_994 = arith.index_cast %select_n3A_602 : i32 to index
      %get3A_995 = arith.index_cast %mul3A_620 : i32 to index
      %get3A_996 = tpu.vector_load %arg4[%get3A_992, %get3A_993, %get3A_994, %get3A_995] {strides = array<i32>} : memref<2x50x8x128xf32, #tpu.memory_space<vmem>>, vector<1x1x1x16xf32>,
      %get3A_997 = vector.shape_cast %get3A_996 : vector<1x1x1x16xf32> to vector<16xf32>
      %mul3A_998 = arith.constant 1.800000e+01 : f32
      %mul3A_999 = vector.broadcast %mul3A_998 : f32 to vector<16xf32>
      %mul3A_1000 = arith.mulf %get3A_997, %mul3A_999 : vector<16xf32>
      %max3A_1001 = arith.maximumf %max3A_989, %mul3A_1000 : vector<16xf32>
      %get3A_1002 = arith.constant 1 : i32
      %get3A_1003 = arith.constant 32 : i32
      %get3A_1004 = arith.index_cast %get3A_1002 : i32 to index
      %get3A_1005 = arith.index_cast %get3A_1003 : i32 to index
      %get3A_1006 = arith.index_cast %select_n3A_602 : i32 to index
      %get3A_1007 = arith.index_cast %mul3A_620 : i32 to index
      %get3A_1008 = tpu.vector_load %arg4[%get3A_1004, %get3A_1005, %get3A_1006, %get3A_1007] {strides = array<i32>} : memref<2x50x8x128xf32, #tpu.memory_space<vmem>>, vector<1x1x1x16xf32>,
      %get3A_1009 = vector.shape_cast %get3A_1008 : vector<1x1x1x16xf32> to vector<16xf32>
      %mul3A_1010 = arith.constant 1.700000e+01 : f32
      %mul3A_1011 = vector.broadcast %mul3A_1010 : f32 to vector<16xf32>
      %mul3A_1012 = arith.mulf %get3A_1009, %mul3A_1011 : vector<16xf32>
      %max3A_1013 = arith.maximumf %max3A_1001, %mul3A_1012 : vector<16xf32>
      %get3A_1014 = arith.constant 1 : i32
      %get3A_1015 = arith.constant 33 : i32
      %get3A_1016 = arith.index_cast %get3A_1014 : i32 to index
      %get3A_1017 = arith.index_cast %get3A_1015 : i32 to index
      %get3A_1018 = arith.index_cast %select_n3A_602 : i32 to index
      %get3A_1019 = arith.index_cast %mul3A_620 : i32 to index
      %get3A_1020 = tpu.vector_load %arg4[%get3A_1016, %get3A_1017, %get3A_1018, %get3A_1019] {strides = array<i32>} : memref<2x50x8x128xf32, #tpu.memory_space<vmem>>, vector<1x1x1x16xf32>,
      %get3A_1021 = vector.shape_cast %get3A_1020 : vector<1x1x1x16xf32> to vector<16xf32>
      %mul3A_1022 = arith.constant 1.600000e+01 : f32
      %mul3A_1023 = vector.broadcast %mul3A_1022 : f32 to vector<16xf32>
      %mul3A_1024 = arith.mulf %get3A_1021, %mul3A_1023 : vector<16xf32>
      %max3A_1025 = arith.maximumf %max3A_1013, %mul3A_1024 : vector<16xf32>
      %get3A_1026 = arith.constant 1 : i32
      %get3A_1027 = arith.constant 34 : i32
      %get3A_1028 = arith.index_cast %get3A_1026 : i32 to index
      %get3A_1029 = arith.index_cast %get3A_1027 : i32 to index
      %get3A_1030 = arith.index_cast %select_n3A_602 : i32 to index
      %get3A_1031 = arith.index_cast %mul3A_620 : i32 to index
      %get3A_1032 = tpu.vector_load %arg4[%get3A_1028, %get3A_1029, %get3A_1030, %get3A_1031] {strides = array<i32>} : memref<2x50x8x128xf32, #tpu.memory_space<vmem>>, vector<1x1x1x16xf32>,
      %get3A_1033 = vector.shape_cast %get3A_1032 : vector<1x1x1x16xf32> to vector<16xf32>
      %mul3A_1034 = arith.constant 1.500000e+01 : f32
      %mul3A_1035 = vector.broadcast %mul3A_1034 : f32 to vector<16xf32>
      %mul3A_1036 = arith.mulf %get3A_1033, %mul3A_1035 : vector<16xf32>
      %max3A_1037 = arith.maximumf %max3A_1025, %mul3A_1036 : vector<16xf32>
      %get3A_1038 = arith.constant 1 : i32
      %get3A_1039 = arith.constant 35 : i32
      %get3A_1040 = arith.index_cast %get3A_1038 : i32 to index
      %get3A_1041 = arith.index_cast %get3A_1039 : i32 to index
      %get3A_1042 = arith.index_cast %select_n3A_602 : i32 to index
      %get3A_1043 = arith.index_cast %mul3A_620 : i32 to index
      %get3A_1044 = tpu.vector_load %arg4[%get3A_1040, %get3A_1041, %get3A_1042, %get3A_1043] {strides = array<i32>} : memref<2x50x8x128xf32, #tpu.memory_space<vmem>>, vector<1x1x1x16xf32>,
      %get3A_1045 = vector.shape_cast %get3A_1044 : vector<1x1x1x16xf32> to vector<16xf32>
      %mul3A_1046 = arith.constant 1.400000e+01 : f32
      %mul3A_1047 = vector.broadcast %mul3A_1046 : f32 to vector<16xf32>
      %mul3A_1048 = arith.mulf %get3A_1045, %mul3A_1047 : vector<16xf32>
      %max3A_1049 = arith.maximumf %max3A_1037, %mul3A_1048 : vector<16xf32>
      %get3A_1050 = arith.constant 1 : i32
      %get3A_1051 = arith.constant 36 : i32
      %get3A_1052 = arith.index_cast %get3A_1050 : i32 to index
      %get3A_1053 = arith.index_cast %get3A_1051 : i32 to index
      %get3A_1054 = arith.index_cast %select_n3A_602 : i32 to index
      %get3A_1055 = arith.index_cast %mul3A_620 : i32 to index
      %get3A_1056 = tpu.vector_load %arg4[%get3A_1052, %get3A_1053, %get3A_1054, %get3A_1055] {strides = array<i32>} : memref<2x50x8x128xf32, #tpu.memory_space<vmem>>, vector<1x1x1x16xf32>,
      %get3A_1057 = vector.shape_cast %get3A_1056 : vector<1x1x1x16xf32> to vector<16xf32>
      %mul3A_1058 = arith.constant 1.300000e+01 : f32
      %mul3A_1059 = vector.broadcast %mul3A_1058 : f32 to vector<16xf32>
      %mul3A_1060 = arith.mulf %get3A_1057, %mul3A_1059 : vector<16xf32>
      %max3A_1061 = arith.maximumf %max3A_1049, %mul3A_1060 : vector<16xf32>
      %get3A_1062 = arith.constant 1 : i32
      %get3A_1063 = arith.constant 37 : i32
      %get3A_1064 = arith.index_cast %get3A_1062 : i32 to index
      %get3A_1065 = arith.index_cast %get3A_1063 : i32 to index
      %get3A_1066 = arith.index_cast %select_n3A_602 : i32 to index
      %get3A_1067 = arith.index_cast %mul3A_620 : i32 to index
      %get3A_1068 = tpu.vector_load %arg4[%get3A_1064, %get3A_1065, %get3A_1066, %get3A_1067] {strides = array<i32>} : memref<2x50x8x128xf32, #tpu.memory_space<vmem>>, vector<1x1x1x16xf32>,
      %get3A_1069 = vector.shape_cast %get3A_1068 : vector<1x1x1x16xf32> to vector<16xf32>
      %mul3A_1070 = arith.constant 1.200000e+01 : f32
      %mul3A_1071 = vector.broadcast %mul3A_1070 : f32 to vector<16xf32>
      %mul3A_1072 = arith.mulf %get3A_1069, %mul3A_1071 : vector<16xf32>
      %max3A_1073 = arith.maximumf %max3A_1061, %mul3A_1072 : vector<16xf32>
      %get3A_1074 = arith.constant 1 : i32
      %get3A_1075 = arith.constant 38 : i32
      %get3A_1076 = arith.index_cast %get3A_1074 : i32 to index
      %get3A_1077 = arith.index_cast %get3A_1075 : i32 to index
      %get3A_1078 = arith.index_cast %select_n3A_602 : i32 to index
      %get3A_1079 = arith.index_cast %mul3A_620 : i32 to index
      %get3A_1080 = tpu.vector_load %arg4[%get3A_1076, %get3A_1077, %get3A_1078, %get3A_1079] {strides = array<i32>} : memref<2x50x8x128xf32, #tpu.memory_space<vmem>>, vector<1x1x1x16xf32>,
      %get3A_1081 = vector.shape_cast %get3A_1080 : vector<1x1x1x16xf32> to vector<16xf32>
      %mul3A_1082 = arith.constant 1.100000e+01 : f32
      %mul3A_1083 = vector.broadcast %mul3A_1082 : f32 to vector<16xf32>
      %mul3A_1084 = arith.mulf %get3A_1081, %mul3A_1083 : vector<16xf32>
      %max3A_1085 = arith.maximumf %max3A_1073, %mul3A_1084 : vector<16xf32>
      %get3A_1086 = arith.constant 1 : i32
      %get3A_1087 = arith.constant 39 : i32
      %get3A_1088 = arith.index_cast %get3A_1086 : i32 to index
      %get3A_1089 = arith.index_cast %get3A_1087 : i32 to index
      %get3A_1090 = arith.index_cast %select_n3A_602 : i32 to index
      %get3A_1091 = arith.index_cast %mul3A_620 : i32 to index
      %get3A_1092 = tpu.vector_load %arg4[%get3A_1088, %get3A_1089, %get3A_1090, %get3A_1091] {strides = array<i32>} : memref<2x50x8x128xf32, #tpu.memory_space<vmem>>, vector<1x1x1x16xf32>,
      %get3A_1093 = vector.shape_cast %get3A_1092 : vector<1x1x1x16xf32> to vector<16xf32>
      %mul3A_1094 = arith.constant 1.000000e+01 : f32
      %mul3A_1095 = vector.broadcast %mul3A_1094 : f32 to vector<16xf32>
      %mul3A_1096 = arith.mulf %get3A_1093, %mul3A_1095 : vector<16xf32>
      %max3A_1097 = arith.maximumf %max3A_1085, %mul3A_1096 : vector<16xf32>
      %get3A_1098 = arith.constant 1 : i32
      %get3A_1099 = arith.constant 40 : i32
      %get3A_1100 = arith.index_cast %get3A_1098 : i32 to index
      %get3A_1101 = arith.index_cast %get3A_1099 : i32 to index
      %get3A_1102 = arith.index_cast %select_n3A_602 : i32 to index
      %get3A_1103 = arith.index_cast %mul3A_620 : i32 to index
      %get3A_1104 = tpu.vector_load %arg4[%get3A_1100, %get3A_1101, %get3A_1102, %get3A_1103] {strides = array<i32>} : memref<2x50x8x128xf32, #tpu.memory_space<vmem>>, vector<1x1x1x16xf32>,
      %get3A_1105 = vector.shape_cast %get3A_1104 : vector<1x1x1x16xf32> to vector<16xf32>
      %mul3A_1106 = arith.constant 9.000000e+00 : f32
      %mul3A_1107 = vector.broadcast %mul3A_1106 : f32 to vector<16xf32>
      %mul3A_1108 = arith.mulf %get3A_1105, %mul3A_1107 : vector<16xf32>
      %max3A_1109 = arith.maximumf %max3A_1097, %mul3A_1108 : vector<16xf32>
      %get3A_1110 = arith.constant 1 : i32
      %get3A_1111 = arith.constant 41 : i32
      %get3A_1112 = arith.index_cast %get3A_1110 : i32 to index
      %get3A_1113 = arith.index_cast %get3A_1111 : i32 to index
      %get3A_1114 = arith.index_cast %select_n3A_602 : i32 to index
      %get3A_1115 = arith.index_cast %mul3A_620 : i32 to index
      %get3A_1116 = tpu.vector_load %arg4[%get3A_1112, %get3A_1113, %get3A_1114, %get3A_1115] {strides = array<i32>} : memref<2x50x8x128xf32, #tpu.memory_space<vmem>>, vector<1x1x1x16xf32>,
      %get3A_1117 = vector.shape_cast %get3A_1116 : vector<1x1x1x16xf32> to vector<16xf32>
      %mul3A_1118 = arith.constant 8.000000e+00 : f32
      %mul3A_1119 = vector.broadcast %mul3A_1118 : f32 to vector<16xf32>
      %mul3A_1120 = arith.mulf %get3A_1117, %mul3A_1119 : vector<16xf32>
      %max3A_1121 = arith.maximumf %max3A_1109, %mul3A_1120 : vector<16xf32>
      %get3A_1122 = arith.constant 1 : i32
      %get3A_1123 = arith.constant 42 : i32
      %get3A_1124 = arith.index_cast %get3A_1122 : i32 to index
      %get3A_1125 = arith.index_cast %get3A_1123 : i32 to index
      %get3A_1126 = arith.index_cast %select_n3A_602 : i32 to index
      %get3A_1127 = arith.index_cast %mul3A_620 : i32 to index
      %get3A_1128 = tpu.vector_load %arg4[%get3A_1124, %get3A_1125, %get3A_1126, %get3A_1127] {strides = array<i32>} : memref<2x50x8x128xf32, #tpu.memory_space<vmem>>, vector<1x1x1x16xf32>,
      %get3A_1129 = vector.shape_cast %get3A_1128 : vector<1x1x1x16xf32> to vector<16xf32>
      %mul3A_1130 = arith.constant 7.000000e+00 : f32
      %mul3A_1131 = vector.broadcast %mul3A_1130 : f32 to vector<16xf32>
      %mul3A_1132 = arith.mulf %get3A_1129, %mul3A_1131 : vector<16xf32>
      %max3A_1133 = arith.maximumf %max3A_1121, %mul3A_1132 : vector<16xf32>
      %get3A_1134 = arith.constant 1 : i32
      %get3A_1135 = arith.constant 43 : i32
      %get3A_1136 = arith.index_cast %get3A_1134 : i32 to index
      %get3A_1137 = arith.index_cast %get3A_1135 : i32 to index
      %get3A_1138 = arith.index_cast %select_n3A_602 : i32 to index
      %get3A_1139 = arith.index_cast %mul3A_620 : i32 to index
      %get3A_1140 = tpu.vector_load %arg4[%get3A_1136, %get3A_1137, %get3A_1138, %get3A_1139] {strides = array<i32>} : memref<2x50x8x128xf32, #tpu.memory_space<vmem>>, vector<1x1x1x16xf32>,
      %get3A_1141 = vector.shape_cast %get3A_1140 : vector<1x1x1x16xf32> to vector<16xf32>
      %mul3A_1142 = arith.constant 6.000000e+00 : f32
      %mul3A_1143 = vector.broadcast %mul3A_1142 : f32 to vector<16xf32>
      %mul3A_1144 = arith.mulf %get3A_1141, %mul3A_1143 : vector<16xf32>
      %max3A_1145 = arith.maximumf %max3A_1133, %mul3A_1144 : vector<16xf32>
      %get3A_1146 = arith.constant 1 : i32
      %get3A_1147 = arith.constant 44 : i32
      %get3A_1148 = arith.index_cast %get3A_1146 : i32 to index
      %get3A_1149 = arith.index_cast %get3A_1147 : i32 to index
      %get3A_1150 = arith.index_cast %select_n3A_602 : i32 to index
      %get3A_1151 = arith.index_cast %mul3A_620 : i32 to index
      %get3A_1152 = tpu.vector_load %arg4[%get3A_1148, %get3A_1149, %get3A_1150, %get3A_1151] {strides = array<i32>} : memref<2x50x8x128xf32, #tpu.memory_space<vmem>>, vector<1x1x1x16xf32>,
      %get3A_1153 = vector.shape_cast %get3A_1152 : vector<1x1x1x16xf32> to vector<16xf32>
      %mul3A_1154 = arith.constant 5.000000e+00 : f32
      %mul3A_1155 = vector.broadcast %mul3A_1154 : f32 to vector<16xf32>
      %mul3A_1156 = arith.mulf %get3A_1153, %mul3A_1155 : vector<16xf32>
      %max3A_1157 = arith.maximumf %max3A_1145, %mul3A_1156 : vector<16xf32>
      %get3A_1158 = arith.constant 1 : i32
      %get3A_1159 = arith.constant 45 : i32
      %get3A_1160 = arith.index_cast %get3A_1158 : i32 to index
      %get3A_1161 = arith.index_cast %get3A_1159 : i32 to index
      %get3A_1162 = arith.index_cast %select_n3A_602 : i32 to index
      %get3A_1163 = arith.index_cast %mul3A_620 : i32 to index
      %get3A_1164 = tpu.vector_load %arg4[%get3A_1160, %get3A_1161, %get3A_1162, %get3A_1163] {strides = array<i32>} : memref<2x50x8x128xf32, #tpu.memory_space<vmem>>, vector<1x1x1x16xf32>,
      %get3A_1165 = vector.shape_cast %get3A_1164 : vector<1x1x1x16xf32> to vector<16xf32>
      %mul3A_1166 = arith.constant 4.000000e+00 : f32
      %mul3A_1167 = vector.broadcast %mul3A_1166 : f32 to vector<16xf32>
      %mul3A_1168 = arith.mulf %get3A_1165, %mul3A_1167 : vector<16xf32>
      %max3A_1169 = arith.maximumf %max3A_1157, %mul3A_1168 : vector<16xf32>
      %get3A_1170 = arith.constant 1 : i32
      %get3A_1171 = arith.constant 46 : i32
      %get3A_1172 = arith.index_cast %get3A_1170 : i32 to index
      %get3A_1173 = arith.index_cast %get3A_1171 : i32 to index
      %get3A_1174 = arith.index_cast %select_n3A_602 : i32 to index
      %get3A_1175 = arith.index_cast %mul3A_620 : i32 to index
      %get3A_1176 = tpu.vector_load %arg4[%get3A_1172, %get3A_1173, %get3A_1174, %get3A_1175] {strides = array<i32>} : memref<2x50x8x128xf32, #tpu.memory_space<vmem>>, vector<1x1x1x16xf32>,
      %get3A_1177 = vector.shape_cast %get3A_1176 : vector<1x1x1x16xf32> to vector<16xf32>
      %mul3A_1178 = arith.constant 3.000000e+00 : f32
      %mul3A_1179 = vector.broadcast %mul3A_1178 : f32 to vector<16xf32>
      %mul3A_1180 = arith.mulf %get3A_1177, %mul3A_1179 : vector<16xf32>
      %max3A_1181 = arith.maximumf %max3A_1169, %mul3A_1180 : vector<16xf32>
      %get3A_1182 = arith.constant 1 : i32
      %get3A_1183 = arith.constant 47 : i32
      %get3A_1184 = arith.index_cast %get3A_1182 : i32 to index
      %get3A_1185 = arith.index_cast %get3A_1183 : i32 to index
      %get3A_1186 = arith.index_cast %select_n3A_602 : i32 to index
      %get3A_1187 = arith.index_cast %mul3A_620 : i32 to index
      %get3A_1188 = tpu.vector_load %arg4[%get3A_1184, %get3A_1185, %get3A_1186, %get3A_1187] {strides = array<i32>} : memref<2x50x8x128xf32, #tpu.memory_space<vmem>>, vector<1x1x1x16xf32>,
      %get3A_1189 = vector.shape_cast %get3A_1188 : vector<1x1x1x16xf32> to vector<16xf32>
      %mul3A_1190 = arith.constant 2.000000e+00 : f32
      %mul3A_1191 = vector.broadcast %mul3A_1190 : f32 to vector<16xf32>
      %mul3A_1192 = arith.mulf %get3A_1189, %mul3A_1191 : vector<16xf32>
      %max3A_1193 = arith.maximumf %max3A_1181, %mul3A_1192 : vector<16xf32>
      %get3A_1194 = arith.constant 1 : i32
      %get3A_1195 = arith.constant 48 : i32
      %get3A_1196 = arith.index_cast %get3A_1194 : i32 to index
      %get3A_1197 = arith.index_cast %get3A_1195 : i32 to index
      %get3A_1198 = arith.index_cast %select_n3A_602 : i32 to index
      %get3A_1199 = arith.index_cast %mul3A_620 : i32 to index
      %get3A_1200 = tpu.vector_load %arg4[%get3A_1196, %get3A_1197, %get3A_1198, %get3A_1199] {strides = array<i32>} : memref<2x50x8x128xf32, #tpu.memory_space<vmem>>, vector<1x1x1x16xf32>,
      %get3A_1201 = vector.shape_cast %get3A_1200 : vector<1x1x1x16xf32> to vector<16xf32>
      %mul3A_1202 = arith.constant 1.000000e+00 : f32
      %mul3A_1203 = vector.broadcast %mul3A_1202 : f32 to vector<16xf32>
      %mul3A_1204 = arith.mulf %get3A_1201, %mul3A_1203 : vector<16xf32>
      %max3A_1205 = arith.maximumf %max3A_1193, %mul3A_1204 : vector<16xf32>
      %get3A_1206 = arith.constant 1 : i32
      %get3A_1207 = arith.constant 49 : i32
      %get3A_1208 = arith.index_cast %get3A_1206 : i32 to index
      %get3A_1209 = arith.index_cast %get3A_1207 : i32 to index
      %get3A_1210 = arith.index_cast %select_n3A_602 : i32 to index
      %get3A_1211 = arith.index_cast %mul3A_620 : i32 to index
      %get3A_1212 = tpu.vector_load %arg4[%get3A_1208, %get3A_1209, %get3A_1210, %get3A_1211] {strides = array<i32>} : memref<2x50x8x128xf32, #tpu.memory_space<vmem>>, vector<1x1x1x16xf32>,
      %get3A_1213 = vector.shape_cast %get3A_1212 : vector<1x1x1x16xf32> to vector<16xf32>
      %mul3A_1214 = arith.constant 0.000000e+00 : f32
      %mul3A_1215 = vector.broadcast %mul3A_1214 : f32 to vector<16xf32>
      %mul3A_1216 = arith.mulf %get3A_1213, %mul3A_1215 : vector<16xf32>
      %max3A_1217 = arith.maximumf %max3A_1205, %mul3A_1216 : vector<16xf32>
      %get3A_1218 = arith.index_cast %select_n3A_602 : i32 to index
      %get3A_1219 = arith.index_cast %mul3A_620 : i32 to index
      %get3A_1220 = tpu.vector_load %arg5[%get3A_1218, %get3A_1219] {strides = array<i32>} : memref<8x128xf32, #tpu.memory_space<vmem>>, vector<1x16xf32>,
      %get3A_1221 = vector.shape_cast %get3A_1220 : vector<1x16xf32> to vector<16xf32>
      %max3A_1222 = arith.maximumf %max3A_1217, %get3A_1221 : vector<16xf32>
      %swap3A = arith.index_cast %select_n3A_602 : i32 to index
      %swap3A_1223 = arith.index_cast %mul3A_620 : i32 to index
      %swap3A_1224 = tpu.vector_load %arg5[%swap3A, %swap3A_1223] {strides = array<i32>} : memref<8x128xf32, #tpu.memory_space<vmem>>, vector<1x16xf32>,
      %swap3A_1225 = vector.shape_cast %swap3A_1224 : vector<1x16xf32> to vector<16xf32>
      %swap3A_1226 = vector.shape_cast %max3A_1222 : vector<16xf32> to vector<1x16xf32>
      tpu.vector_store %arg5[%swap3A, %swap3A_1223], %swap3A_1226 {strides = array<i32>} : memref<8x128xf32, #tpu.memory_space<vmem>>, vector<1x16xf32>,
    }
    %scan3A_298 = arith.constant 64 : i32
    %jit3A_299 = arith.constant 16 : i32
    %div3A_300 = arith.divsi %add3A_50, %jit3A_299 : i32
    %sign3A_301 = arith.constant 0 : i32
    %sign3A_302 = arith.cmpi sgt, %add3A_50, %sign3A_301 : i32
    %sign3A_303 = arith.extui %sign3A_302 : i1 to i32
    %sign3A_304 = arith.constant 0 : i32
    %sign3A_305 = arith.cmpi slt, %add3A_50, %sign3A_304 : i32
    %sign3A_306 = arith.extui %sign3A_305 : i1 to i32
    %sign3A_307 = arith.subi %sign3A_303, %sign3A_306 : i32
    %sign3A_308 = arith.constant 0 : i32
    %sign3A_309 = arith.cmpi sgt, %jit3A_299, %sign3A_308 : i32
    %sign3A_310 = arith.extui %sign3A_309 : i1 to i32
    %sign3A_311 = arith.constant 0 : i32
    %sign3A_312 = arith.cmpi slt, %jit3A_299, %sign3A_311 : i32
    %sign3A_313 = arith.extui %sign3A_312 : i1 to i32
    %sign3A_314 = arith.subi %sign3A_310, %sign3A_313 : i32
    %ne3A_315 = arith.cmpi ne, %sign3A_307, %sign3A_314 : i32
    %rem3A_316 = arith.remsi %add3A_50, %jit3A_299 : i32
    %ne3A_317 = arith.constant 0 : i32
    %ne3A_318 = arith.cmpi ne, %rem3A_316, %ne3A_317 : i32
    %and3A_319 = arith.andi %ne3A_315, %ne3A_318 : i1
    %sub3A_320 = arith.constant 1 : i32
    %sub3A_321 = arith.subi %div3A_300, %sub3A_320 : i32
    %select_n3A_322 = arith.select %and3A_319, %sub3A_321, %div3A_300 : i32
    %jit3A_323 = arith.constant 16 : i32
    %eq3A_324 = arith.constant 0 : i32
    %eq3A_325 = arith.cmpi eq, %jit3A_323, %eq3A_324 : i32
    %jit3A_326 = arith.constant 1 : i32
    %select_n3A_327 = arith.select %eq3A_325, %jit3A_326, %jit3A_323 : i32
    %rem3A_328 = arith.remsi %add3A_50, %select_n3A_327 : i32
    %ne3A_329 = arith.constant 0 : i32
    %ne3A_330 = arith.cmpi ne, %rem3A_328, %ne3A_329 : i32
    %lt3A_331 = arith.constant 0 : i32
    %lt3A_332 = arith.cmpi slt, %rem3A_328, %lt3A_331 : i32
    %lt3A_333 = arith.constant 0 : i32
    %lt3A_334 = arith.cmpi slt, %select_n3A_327, %lt3A_333 : i32
    %ne3A_335 = arith.xori %lt3A_332, %lt3A_334 : i1
    %and3A_336 = arith.andi %ne3A_335, %ne3A_330 : i1
    %add3A_337 = arith.addi %rem3A_328, %select_n3A_327 : i32
    %select_n3A_338 = arith.select %and3A_336, %add3A_337, %rem3A_328 : i32
    %mul3A_339 = arith.constant 8 : i32
    %mul3A_340 = arith.muli %select_n3A_322, %mul3A_339 : i32
    %mul3A_341 = arith.constant 128 : i32
    %mul3A_342 = arith.muli %select_n3A_338, %mul3A_341 : i32
    "tpu.region"() ({
      %run_scoped3A = tpu.sem_alloc : memref<!tpu.dma_semaphore, #tpu.memory_space<semaphore_mem>>
      %dma_start3A_578 = tpu.memref_slice %arg3[%mul3A_340, %mul3A_342] : memref<32x2048xf32, #tpu.memory_space<hbm>> -> memref<8x128xf32, #tpu.memory_space<hbm>>
      %dma_start3A_579 = tpu.memref_slice %arg3[%mul3A_340, %mul3A_342] : memref<32x2048xf32, #tpu.memory_space<hbm>> -> memref<8x128xf32, #tpu.memory_space<hbm>>
      tpu.enqueue_dma source(%arg5 : memref<8x128xf32, #tpu.memory_space<vmem>>) target(%dma_start3A_579 : memref<8x128xf32, #tpu.memory_space<hbm>>) target_semaphore(%run_scoped3A : memref<!tpu.dma_semaphore, #tpu.memory_space<semaphore_mem>>)
      %dma_wait3A_580 = tpu.memref_slice %arg3[%mul3A_340, %mul3A_342] : memref<32x2048xf32, #tpu.memory_space<hbm>> -> memref<8x128xf32, #tpu.memory_space<hbm>>
      %dma_wait3A_581 = tpu.memref_slice %arg3[%mul3A_340, %mul3A_342] : memref<32x2048xf32, #tpu.memory_space<hbm>> -> memref<8x128xf32, #tpu.memory_space<hbm>>
      tpu.wait_dma2 semaphore(%run_scoped3A : memref<!tpu.dma_semaphore, #tpu.memory_space<semaphore_mem>>) src(%arg5 : memref<8x128xf32, #tpu.memory_space<vmem>>) dst(%dma_wait3A_581 : memref<8x128xf32, #tpu.memory_space<hbm>>)
      tpu.yield
    }) : () -> ()
    %add3A_343 = arith.constant 32 : i32
    %add3A_344 = arith.addi %add3A, %add3A_343 : i32
    %jit3A_345 = arith.constant 16 : i32
    %div3A_346 = arith.divsi %add3A_344, %jit3A_345 : i32
    %sign3A_347 = arith.constant 0 : i32
    %sign3A_348 = arith.cmpi sgt, %add3A_344, %sign3A_347 : i32
    %sign3A_349 = arith.extui %sign3A_348 : i1 to i32
    %sign3A_350 = arith.constant 0 : i32
    %sign3A_351 = arith.cmpi slt, %add3A_344, %sign3A_350 : i32
    %sign3A_352 = arith.extui %sign3A_351 : i1 to i32
    %sign3A_353 = arith.subi %sign3A_349, %sign3A_352 : i32
    %sign3A_354 = arith.constant 0 : i32
    %sign3A_355 = arith.cmpi sgt, %jit3A_345, %sign3A_354 : i32
    %sign3A_356 = arith.extui %sign3A_355 : i1 to i32
    %sign3A_357 = arith.constant 0 : i32
    %sign3A_358 = arith.cmpi slt, %jit3A_345, %sign3A_357 : i32
    %sign3A_359 = arith.extui %sign3A_358 : i1 to i32
    %sign3A_360 = arith.subi %sign3A_356, %sign3A_359 : i32
    %ne3A_361 = arith.cmpi ne, %sign3A_353, %sign3A_360 : i32
    %rem3A_362 = arith.remsi %add3A_344, %jit3A_345 : i32
    %ne3A_363 = arith.constant 0 : i32
    %ne3A_364 = arith.cmpi ne, %rem3A_362, %ne3A_363 : i32
    %and3A_365 = arith.andi %ne3A_361, %ne3A_364 : i1
    %sub3A_366 = arith.constant 1 : i32
    %sub3A_367 = arith.subi %div3A_346, %sub3A_366 : i32
    %select_n3A_368 = arith.select %and3A_365, %sub3A_367, %div3A_346 : i32
    %jit3A_369 = arith.constant 16 : i32
    %eq3A_370 = arith.constant 0 : i32
    %eq3A_371 = arith.cmpi eq, %jit3A_369, %eq3A_370 : i32
    %jit3A_372 = arith.constant 1 : i32
    %select_n3A_373 = arith.select %eq3A_371, %jit3A_372, %jit3A_369 : i32
    %rem3A_374 = arith.remsi %add3A_344, %select_n3A_373 : i32
    %ne3A_375 = arith.constant 0 : i32
    %ne3A_376 = arith.cmpi ne, %rem3A_374, %ne3A_375 : i32
    %lt3A_377 = arith.constant 0 : i32
    %lt3A_378 = arith.cmpi slt, %rem3A_374, %lt3A_377 : i32
    %lt3A_379 = arith.constant 0 : i32
    %lt3A_380 = arith.cmpi slt, %select_n3A_373, %lt3A_379 : i32
    %ne3A_381 = arith.xori %lt3A_378, %lt3A_380 : i1
    %and3A_382 = arith.andi %ne3A_381, %ne3A_376 : i1
    %add3A_383 = arith.addi %rem3A_374, %select_n3A_373 : i32
    %select_n3A_384 = arith.select %and3A_382, %add3A_383, %rem3A_374 : i32
    %mul3A_385 = arith.constant 8 : i32
    %mul3A_386 = arith.muli %select_n3A_368, %mul3A_385 : i32
    %mul3A_387 = arith.constant 128 : i32
    %mul3A_388 = arith.muli %select_n3A_384, %mul3A_387 : i32
    %dma_start3A_389 = arith.constant 1 : i32
    %dma_start3A_390 = arith.constant 0 : i32
    %dma_start3A_391 = arith.constant 0 : i32
    %dma_start3A_392 = arith.constant 0 : i32
    %dma_start3A_393 = tpu.memref_slice %arg4[%dma_start3A_389, %dma_start3A_390, %dma_start3A_391, %dma_start3A_392] : memref<2x50x8x128xf32, #tpu.memory_space<vmem>> -> memref<1x50x8x128xf32, #tpu.memory_space<vmem>>
    %dma_start3A_394 = tpu.memref_squeeze %dma_start3A_393 : memref<1x50x8x128xf32, #tpu.memory_space<vmem>> -> memref<50x8x128xf32, #tpu.memory_space<vmem>>
    %dma_start3A_395 = arith.constant 50 : i32
    %dma_start3A_396 = tpu.memref_slice %arg2[%dma_start3A_395, %mul3A_386, %mul3A_388] : memref<100x128x2048xf32, #tpu.memory_space<hbm>> -> memref<50x8x128xf32, #tpu.memory_space<hbm>>
    %dma_start3A_397 = arith.constant 0 : i32
    %dma_start3A_398 = arith.constant 0 : i32
    %dma_start3A_399 = arith.constant 0 : i32
    %dma_start3A_400 = tpu.memref_slice %arg4[%dma_start3A_389, %dma_start3A_397, %dma_start3A_398, %dma_start3A_399] : memref<2x50x8x128xf32, #tpu.memory_space<vmem>> -> memref<1x50x8x128xf32, #tpu.memory_space<vmem>>
    %dma_start3A_401 = tpu.memref_squeeze %dma_start3A_400 : memref<1x50x8x128xf32, #tpu.memory_space<vmem>> -> memref<50x8x128xf32, #tpu.memory_space<vmem>>
    %dma_start3A_402 = arith.constant 50 : i32
    %dma_start3A_403 = tpu.memref_slice %arg2[%dma_start3A_402, %mul3A_386, %mul3A_388] : memref<100x128x2048xf32, #tpu.memory_space<hbm>> -> memref<50x8x128xf32, #tpu.memory_space<hbm>>
    tpu.enqueue_dma source(%dma_start3A_403 : memref<50x8x128xf32, #tpu.memory_space<hbm>>) target(%dma_start3A_401 : memref<50x8x128xf32, #tpu.memory_space<vmem>>) target_semaphore(%arg7 : memref<!tpu.dma_semaphore, #tpu.memory_space<semaphore_mem>>)
    %jit3A_404 = arith.constant 16 : i32
    %div3A_405 = arith.divsi %add3A_344, %jit3A_404 : i32
    %sign3A_406 = arith.constant 0 : i32
    %sign3A_407 = arith.cmpi sgt, %add3A_344, %sign3A_406 : i32
    %sign3A_408 = arith.extui %sign3A_407 : i1 to i32
    %sign3A_409 = arith.constant 0 : i32
    %sign3A_410 = arith.cmpi slt, %add3A_344, %sign3A_409 : i32
    %sign3A_411 = arith.extui %sign3A_410 : i1 to i32
    %sign3A_412 = arith.subi %sign3A_408, %sign3A_411 : i32
    %sign3A_413 = arith.constant 0 : i32
    %sign3A_414 = arith.cmpi sgt, %jit3A_404, %sign3A_413 : i32
    %sign3A_415 = arith.extui %sign3A_414 : i1 to i32
    %sign3A_416 = arith.constant 0 : i32
    %sign3A_417 = arith.cmpi slt, %jit3A_404, %sign3A_416 : i32
    %sign3A_418 = arith.extui %sign3A_417 : i1 to i32
    %sign3A_419 = arith.subi %sign3A_415, %sign3A_418 : i32
    %ne3A_420 = arith.cmpi ne, %sign3A_412, %sign3A_419 : i32
    %rem3A_421 = arith.remsi %add3A_344, %jit3A_404 : i32
    %ne3A_422 = arith.constant 0 : i32
    %ne3A_423 = arith.cmpi ne, %rem3A_421, %ne3A_422 : i32
    %and3A_424 = arith.andi %ne3A_420, %ne3A_423 : i1
    %sub3A_425 = arith.constant 1 : i32
    %sub3A_426 = arith.subi %div3A_405, %sub3A_425 : i32
    %select_n3A_427 = arith.select %and3A_424, %sub3A_426, %div3A_405 : i32
    %jit3A_428 = arith.constant 16 : i32
    %eq3A_429 = arith.constant 0 : i32
    %eq3A_430 = arith.cmpi eq, %jit3A_428, %eq3A_429 : i32
    %jit3A_431 = arith.constant 1 : i32
    %select_n3A_432 = arith.select %eq3A_430, %jit3A_431, %jit3A_428 : i32
    %rem3A_433 = arith.remsi %add3A_344, %select_n3A_432 : i32
    %ne3A_434 = arith.constant 0 : i32
    %ne3A_435 = arith.cmpi ne, %rem3A_433, %ne3A_434 : i32
    %lt3A_436 = arith.constant 0 : i32
    %lt3A_437 = arith.cmpi slt, %rem3A_433, %lt3A_436 : i32
    %lt3A_438 = arith.constant 0 : i32
    %lt3A_439 = arith.cmpi slt, %select_n3A_432, %lt3A_438 : i32
    %ne3A_440 = arith.xori %lt3A_437, %lt3A_439 : i1
    %and3A_441 = arith.andi %ne3A_440, %ne3A_435 : i1
    %add3A_442 = arith.addi %rem3A_433, %select_n3A_432 : i32
    %select_n3A_443 = arith.select %and3A_441, %add3A_442, %rem3A_433 : i32
    %mul3A_444 = arith.constant 8 : i32
    %mul3A_445 = arith.muli %select_n3A_427, %mul3A_444 : i32
    %mul3A_446 = arith.constant 128 : i32
    %mul3A_447 = arith.muli %select_n3A_443, %mul3A_446 : i32
    %dma_wait3A_448 = arith.constant 0 : i32
    %dma_wait3A_449 = arith.constant 0 : i32
    %dma_wait3A_450 = arith.constant 0 : i32
    %dma_wait3A_451 = arith.constant 0 : i32
    %dma_wait3A_452 = tpu.memref_slice %arg4[%dma_wait3A_448, %dma_wait3A_449, %dma_wait3A_450, %dma_wait3A_451] : memref<2x50x8x128xf32, #tpu.memory_space<vmem>> -> memref<1x50x8x128xf32, #tpu.memory_space<vmem>>
    %dma_wait3A_453 = tpu.memref_squeeze %dma_wait3A_452 : memref<1x50x8x128xf32, #tpu.memory_space<vmem>> -> memref<50x8x128xf32, #tpu.memory_space<vmem>>
    %dma_wait3A_454 = arith.constant 0 : i32
    %dma_wait3A_455 = tpu.memref_slice %arg2[%dma_wait3A_454, %mul3A_445, %mul3A_447] : memref<100x128x2048xf32, #tpu.memory_space<hbm>> -> memref<50x8x128xf32, #tpu.memory_space<hbm>>
    %dma_wait3A_456 = arith.constant 0 : i32
    %dma_wait3A_457 = arith.constant 0 : i32
    %dma_wait3A_458 = arith.constant 0 : i32
    %dma_wait3A_459 = tpu.memref_slice %arg4[%dma_wait3A_448, %dma_wait3A_456, %dma_wait3A_457, %dma_wait3A_458] : memref<2x50x8x128xf32, #tpu.memory_space<vmem>> -> memref<1x50x8x128xf32, #tpu.memory_space<vmem>>
    %dma_wait3A_460 = tpu.memref_squeeze %dma_wait3A_459 : memref<1x50x8x128xf32, #tpu.memory_space<vmem>> -> memref<50x8x128xf32, #tpu.memory_space<vmem>>
    %dma_wait3A_461 = arith.constant 0 : i32
    %dma_wait3A_462 = tpu.memref_slice %arg2[%dma_wait3A_461, %mul3A_445, %mul3A_447] : memref<100x128x2048xf32, #tpu.memory_space<hbm>> -> memref<50x8x128xf32, #tpu.memory_space<hbm>>
    tpu.wait_dma2 semaphore(%arg6 : memref<!tpu.dma_semaphore, #tpu.memory_space<semaphore_mem>>) src(%dma_wait3A_462 : memref<50x8x128xf32, #tpu.memory_space<hbm>>) dst(%dma_wait3A_460 : memref<50x8x128xf32, #tpu.memory_space<vmem>>)
    %scan3A_463 = arith.constant 0 : i32
    %scan3A_464 = arith.constant 0 : i32
    %scan3A_465 = arith.constant 64 : i32
    %scan3A_466 = arith.addi %scan3A_464, %scan3A_465 : i32
    %scan3A_467 = arith.constant 1 : i32
    scf.for %scan3A_578 = %scan3A_464 to %scan3A_466 step %scan3A_467  : i32 {
      %jit3A_579 = arith.constant 8 : i32
      %div3A_580 = arith.divsi %scan3A_578, %jit3A_579 : i32
      %sign3A_581 = arith.constant 0 : i32
      %sign3A_582 = arith.cmpi sgt, %scan3A_578, %sign3A_581 : i32
      %sign3A_583 = arith.extui %sign3A_582 : i1 to i32
      %sign3A_584 = arith.constant 0 : i32
      %sign3A_585 = arith.cmpi slt, %scan3A_578, %sign3A_584 : i32
      %sign3A_586 = arith.extui %sign3A_585 : i1 to i32
      %sign3A_587 = arith.subi %sign3A_583, %sign3A_586 : i32
      %sign3A_588 = arith.constant 0 : i32
      %sign3A_589 = arith.cmpi sgt, %jit3A_579, %sign3A_588 : i32
      %sign3A_590 = arith.extui %sign3A_589 : i1 to i32
      %sign3A_591 = arith.constant 0 : i32
      %sign3A_592 = arith.cmpi slt, %jit3A_579, %sign3A_591 : i32
      %sign3A_593 = arith.extui %sign3A_592 : i1 to i32
      %sign3A_594 = arith.subi %sign3A_590, %sign3A_593 : i32
      %ne3A_595 = arith.cmpi ne, %sign3A_587, %sign3A_594 : i32
      %rem3A_596 = arith.remsi %scan3A_578, %jit3A_579 : i32
      %ne3A_597 = arith.constant 0 : i32
      %ne3A_598 = arith.cmpi ne, %rem3A_596, %ne3A_597 : i32
      %and3A_599 = arith.andi %ne3A_595, %ne3A_598 : i1
      %sub3A_600 = arith.constant 1 : i32
      %sub3A_601 = arith.subi %div3A_580, %sub3A_600 : i32
      %select_n3A_602 = arith.select %and3A_599, %sub3A_601, %div3A_580 : i32
      %jit3A_603 = arith.constant 8 : i32
      %eq3A_604 = arith.constant 0 : i32
      %eq3A_605 = arith.cmpi eq, %jit3A_603, %eq3A_604 : i32
      %jit3A_606 = arith.constant 1 : i32
      %select_n3A_607 = arith.select %eq3A_605, %jit3A_606, %jit3A_603 : i32
      %rem3A_608 = arith.remsi %scan3A_578, %select_n3A_607 : i32
      %ne3A_609 = arith.constant 0 : i32
      %ne3A_610 = arith.cmpi ne, %rem3A_608, %ne3A_609 : i32
      %lt3A_611 = arith.constant 0 : i32
      %lt3A_612 = arith.cmpi slt, %rem3A_608, %lt3A_611 : i32
      %lt3A_613 = arith.constant 0 : i32
      %lt3A_614 = arith.cmpi slt, %select_n3A_607, %lt3A_613 : i32
      %ne3A_615 = arith.xori %lt3A_612, %lt3A_614 : i1
      %and3A_616 = arith.andi %ne3A_615, %ne3A_610 : i1
      %add3A_617 = arith.addi %rem3A_608, %select_n3A_607 : i32
      %select_n3A_618 = arith.select %and3A_616, %add3A_617, %rem3A_608 : i32
      %mul3A_619 = arith.constant 16 : i32
      %mul3A_620 = arith.muli %select_n3A_618, %mul3A_619 : i32
      %get3A = arith.constant 0 : i32
      %get3A_621 = arith.constant 0 : i32
      %get3A_622 = arith.index_cast %get3A : i32 to index
      %get3A_623 = arith.index_cast %get3A_621 : i32 to index
      %get3A_624 = arith.index_cast %select_n3A_602 : i32 to index
      %get3A_625 = arith.index_cast %mul3A_620 : i32 to index
      %get3A_626 = tpu.vector_load %arg4[%get3A_622, %get3A_623, %get3A_624, %get3A_625] {strides = array<i32>} : memref<2x50x8x128xf32, #tpu.memory_space<vmem>>, vector<1x1x1x16xf32>,
      %get3A_627 = vector.shape_cast %get3A_626 : vector<1x1x1x16xf32> to vector<16xf32>
      %mul3A_628 = arith.constant 9.900000e+01 : f32
      %mul3A_629 = vector.broadcast %mul3A_628 : f32 to vector<16xf32>
      %mul3A_630 = arith.mulf %get3A_627, %mul3A_629 : vector<16xf32>
      %get3A_631 = arith.constant 0 : i32
      %get3A_632 = arith.constant 1 : i32
      %get3A_633 = arith.index_cast %get3A_631 : i32 to index
      %get3A_634 = arith.index_cast %get3A_632 : i32 to index
      %get3A_635 = arith.index_cast %select_n3A_602 : i32 to index
      %get3A_636 = arith.index_cast %mul3A_620 : i32 to index
      %get3A_637 = tpu.vector_load %arg4[%get3A_633, %get3A_634, %get3A_635, %get3A_636] {strides = array<i32>} : memref<2x50x8x128xf32, #tpu.memory_space<vmem>>, vector<1x1x1x16xf32>,
      %get3A_638 = vector.shape_cast %get3A_637 : vector<1x1x1x16xf32> to vector<16xf32>
      %mul3A_639 = arith.constant 9.800000e+01 : f32
      %mul3A_640 = vector.broadcast %mul3A_639 : f32 to vector<16xf32>
      %mul3A_641 = arith.mulf %get3A_638, %mul3A_640 : vector<16xf32>
      %max3A = arith.maximumf %mul3A_630, %mul3A_641 : vector<16xf32>
      %get3A_642 = arith.constant 0 : i32
      %get3A_643 = arith.constant 2 : i32
      %get3A_644 = arith.index_cast %get3A_642 : i32 to index
      %get3A_645 = arith.index_cast %get3A_643 : i32 to index
      %get3A_646 = arith.index_cast %select_n3A_602 : i32 to index
      %get3A_647 = arith.index_cast %mul3A_620 : i32 to index
      %get3A_648 = tpu.vector_load %arg4[%get3A_644, %get3A_645, %get3A_646, %get3A_647] {strides = array<i32>} : memref<2x50x8x128xf32, #tpu.memory_space<vmem>>, vector<1x1x1x16xf32>,
      %get3A_649 = vector.shape_cast %get3A_648 : vector<1x1x1x16xf32> to vector<16xf32>
      %mul3A_650 = arith.constant 9.700000e+01 : f32
      %mul3A_651 = vector.broadcast %mul3A_650 : f32 to vector<16xf32>
      %mul3A_652 = arith.mulf %get3A_649, %mul3A_651 : vector<16xf32>
      %max3A_653 = arith.maximumf %max3A, %mul3A_652 : vector<16xf32>
      %get3A_654 = arith.constant 0 : i32
      %get3A_655 = arith.constant 3 : i32
      %get3A_656 = arith.index_cast %get3A_654 : i32 to index
      %get3A_657 = arith.index_cast %get3A_655 : i32 to index
      %get3A_658 = arith.index_cast %select_n3A_602 : i32 to index
      %get3A_659 = arith.index_cast %mul3A_620 : i32 to index
      %get3A_660 = tpu.vector_load %arg4[%get3A_656, %get3A_657, %get3A_658, %get3A_659] {strides = array<i32>} : memref<2x50x8x128xf32, #tpu.memory_space<vmem>>, vector<1x1x1x16xf32>,
      %get3A_661 = vector.shape_cast %get3A_660 : vector<1x1x1x16xf32> to vector<16xf32>
      %mul3A_662 = arith.constant 9.600000e+01 : f32
      %mul3A_663 = vector.broadcast %mul3A_662 : f32 to vector<16xf32>
      %mul3A_664 = arith.mulf %get3A_661, %mul3A_663 : vector<16xf32>
      %max3A_665 = arith.maximumf %max3A_653, %mul3A_664 : vector<16xf32>
      %get3A_666 = arith.constant 0 : i32
      %get3A_667 = arith.constant 4 : i32
      %get3A_668 = arith.index_cast %get3A_666 : i32 to index
      %get3A_669 = arith.index_cast %get3A_667 : i32 to index
      %get3A_670 = arith.index_cast %select_n3A_602 : i32 to index
      %get3A_671 = arith.index_cast %mul3A_620 : i32 to index
      %get3A_672 = tpu.vector_load %arg4[%get3A_668, %get3A_669, %get3A_670, %get3A_671] {strides = array<i32>} : memref<2x50x8x128xf32, #tpu.memory_space<vmem>>, vector<1x1x1x16xf32>,
      %get3A_673 = vector.shape_cast %get3A_672 : vector<1x1x1x16xf32> to vector<16xf32>
      %mul3A_674 = arith.constant 9.500000e+01 : f32
      %mul3A_675 = vector.broadcast %mul3A_674 : f32 to vector<16xf32>
      %mul3A_676 = arith.mulf %get3A_673, %mul3A_675 : vector<16xf32>
      %max3A_677 = arith.maximumf %max3A_665, %mul3A_676 : vector<16xf32>
      %get3A_678 = arith.constant 0 : i32
      %get3A_679 = arith.constant 5 : i32
      %get3A_680 = arith.index_cast %get3A_678 : i32 to index
      %get3A_681 = arith.index_cast %get3A_679 : i32 to index
      %get3A_682 = arith.index_cast %select_n3A_602 : i32 to index
      %get3A_683 = arith.index_cast %mul3A_620 : i32 to index
      %get3A_684 = tpu.vector_load %arg4[%get3A_680, %get3A_681, %get3A_682, %get3A_683] {strides = array<i32>} : memref<2x50x8x128xf32, #tpu.memory_space<vmem>>, vector<1x1x1x16xf32>,
      %get3A_685 = vector.shape_cast %get3A_684 : vector<1x1x1x16xf32> to vector<16xf32>
      %mul3A_686 = arith.constant 9.400000e+01 : f32
      %mul3A_687 = vector.broadcast %mul3A_686 : f32 to vector<16xf32>
      %mul3A_688 = arith.mulf %get3A_685, %mul3A_687 : vector<16xf32>
      %max3A_689 = arith.maximumf %max3A_677, %mul3A_688 : vector<16xf32>
      %get3A_690 = arith.constant 0 : i32
      %get3A_691 = arith.constant 6 : i32
      %get3A_692 = arith.index_cast %get3A_690 : i32 to index
      %get3A_693 = arith.index_cast %get3A_691 : i32 to index
      %get3A_694 = arith.index_cast %select_n3A_602 : i32 to index
      %get3A_695 = arith.index_cast %mul3A_620 : i32 to index
      %get3A_696 = tpu.vector_load %arg4[%get3A_692, %get3A_693, %get3A_694, %get3A_695] {strides = array<i32>} : memref<2x50x8x128xf32, #tpu.memory_space<vmem>>, vector<1x1x1x16xf32>,
      %get3A_697 = vector.shape_cast %get3A_696 : vector<1x1x1x16xf32> to vector<16xf32>
      %mul3A_698 = arith.constant 9.300000e+01 : f32
      %mul3A_699 = vector.broadcast %mul3A_698 : f32 to vector<16xf32>
      %mul3A_700 = arith.mulf %get3A_697, %mul3A_699 : vector<16xf32>
      %max3A_701 = arith.maximumf %max3A_689, %mul3A_700 : vector<16xf32>
      %get3A_702 = arith.constant 0 : i32
      %get3A_703 = arith.constant 7 : i32
      %get3A_704 = arith.index_cast %get3A_702 : i32 to index
      %get3A_705 = arith.index_cast %get3A_703 : i32 to index
      %get3A_706 = arith.index_cast %select_n3A_602 : i32 to index
      %get3A_707 = arith.index_cast %mul3A_620 : i32 to index
      %get3A_708 = tpu.vector_load %arg4[%get3A_704, %get3A_705, %get3A_706, %get3A_707] {strides = array<i32>} : memref<2x50x8x128xf32, #tpu.memory_space<vmem>>, vector<1x1x1x16xf32>,
      %get3A_709 = vector.shape_cast %get3A_708 : vector<1x1x1x16xf32> to vector<16xf32>
      %mul3A_710 = arith.constant 9.200000e+01 : f32
      %mul3A_711 = vector.broadcast %mul3A_710 : f32 to vector<16xf32>
      %mul3A_712 = arith.mulf %get3A_709, %mul3A_711 : vector<16xf32>
      %max3A_713 = arith.maximumf %max3A_701, %mul3A_712 : vector<16xf32>
      %get3A_714 = arith.constant 0 : i32
      %get3A_715 = arith.constant 8 : i32
      %get3A_716 = arith.index_cast %get3A_714 : i32 to index
      %get3A_717 = arith.index_cast %get3A_715 : i32 to index
      %get3A_718 = arith.index_cast %select_n3A_602 : i32 to index
      %get3A_719 = arith.index_cast %mul3A_620 : i32 to index
      %get3A_720 = tpu.vector_load %arg4[%get3A_716, %get3A_717, %get3A_718, %get3A_719] {strides = array<i32>} : memref<2x50x8x128xf32, #tpu.memory_space<vmem>>, vector<1x1x1x16xf32>,
      %get3A_721 = vector.shape_cast %get3A_720 : vector<1x1x1x16xf32> to vector<16xf32>
      %mul3A_722 = arith.constant 9.100000e+01 : f32
      %mul3A_723 = vector.broadcast %mul3A_722 : f32 to vector<16xf32>
      %mul3A_724 = arith.mulf %get3A_721, %mul3A_723 : vector<16xf32>
      %max3A_725 = arith.maximumf %max3A_713, %mul3A_724 : vector<16xf32>
      %get3A_726 = arith.constant 0 : i32
      %get3A_727 = arith.constant 9 : i32
      %get3A_728 = arith.index_cast %get3A_726 : i32 to index
      %get3A_729 = arith.index_cast %get3A_727 : i32 to index
      %get3A_730 = arith.index_cast %select_n3A_602 : i32 to index
      %get3A_731 = arith.index_cast %mul3A_620 : i32 to index
      %get3A_732 = tpu.vector_load %arg4[%get3A_728, %get3A_729, %get3A_730, %get3A_731] {strides = array<i32>} : memref<2x50x8x128xf32, #tpu.memory_space<vmem>>, vector<1x1x1x16xf32>,
      %get3A_733 = vector.shape_cast %get3A_732 : vector<1x1x1x16xf32> to vector<16xf32>
      %mul3A_734 = arith.constant 9.000000e+01 : f32
      %mul3A_735 = vector.broadcast %mul3A_734 : f32 to vector<16xf32>
      %mul3A_736 = arith.mulf %get3A_733, %mul3A_735 : vector<16xf32>
      %max3A_737 = arith.maximumf %max3A_725, %mul3A_736 : vector<16xf32>
      %get3A_738 = arith.constant 0 : i32
      %get3A_739 = arith.constant 10 : i32
      %get3A_740 = arith.index_cast %get3A_738 : i32 to index
      %get3A_741 = arith.index_cast %get3A_739 : i32 to index
      %get3A_742 = arith.index_cast %select_n3A_602 : i32 to index
      %get3A_743 = arith.index_cast %mul3A_620 : i32 to index
      %get3A_744 = tpu.vector_load %arg4[%get3A_740, %get3A_741, %get3A_742, %get3A_743] {strides = array<i32>} : memref<2x50x8x128xf32, #tpu.memory_space<vmem>>, vector<1x1x1x16xf32>,
      %get3A_745 = vector.shape_cast %get3A_744 : vector<1x1x1x16xf32> to vector<16xf32>
      %mul3A_746 = arith.constant 8.900000e+01 : f32
      %mul3A_747 = vector.broadcast %mul3A_746 : f32 to vector<16xf32>
      %mul3A_748 = arith.mulf %get3A_745, %mul3A_747 : vector<16xf32>
      %max3A_749 = arith.maximumf %max3A_737, %mul3A_748 : vector<16xf32>
      %get3A_750 = arith.constant 0 : i32
      %get3A_751 = arith.constant 11 : i32
      %get3A_752 = arith.index_cast %get3A_750 : i32 to index
      %get3A_753 = arith.index_cast %get3A_751 : i32 to index
      %get3A_754 = arith.index_cast %select_n3A_602 : i32 to index
      %get3A_755 = arith.index_cast %mul3A_620 : i32 to index
      %get3A_756 = tpu.vector_load %arg4[%get3A_752, %get3A_753, %get3A_754, %get3A_755] {strides = array<i32>} : memref<2x50x8x128xf32, #tpu.memory_space<vmem>>, vector<1x1x1x16xf32>,
      %get3A_757 = vector.shape_cast %get3A_756 : vector<1x1x1x16xf32> to vector<16xf32>
      %mul3A_758 = arith.constant 8.800000e+01 : f32
      %mul3A_759 = vector.broadcast %mul3A_758 : f32 to vector<16xf32>
      %mul3A_760 = arith.mulf %get3A_757, %mul3A_759 : vector<16xf32>
      %max3A_761 = arith.maximumf %max3A_749, %mul3A_760 : vector<16xf32>
      %get3A_762 = arith.constant 0 : i32
      %get3A_763 = arith.constant 12 : i32
      %get3A_764 = arith.index_cast %get3A_762 : i32 to index
      %get3A_765 = arith.index_cast %get3A_763 : i32 to index
      %get3A_766 = arith.index_cast %select_n3A_602 : i32 to index
      %get3A_767 = arith.index_cast %mul3A_620 : i32 to index
      %get3A_768 = tpu.vector_load %arg4[%get3A_764, %get3A_765, %get3A_766, %get3A_767] {strides = array<i32>} : memref<2x50x8x128xf32, #tpu.memory_space<vmem>>, vector<1x1x1x16xf32>,
      %get3A_769 = vector.shape_cast %get3A_768 : vector<1x1x1x16xf32> to vector<16xf32>
      %mul3A_770 = arith.constant 8.700000e+01 : f32
      %mul3A_771 = vector.broadcast %mul3A_770 : f32 to vector<16xf32>
      %mul3A_772 = arith.mulf %get3A_769, %mul3A_771 : vector<16xf32>
      %max3A_773 = arith.maximumf %max3A_761, %mul3A_772 : vector<16xf32>
      %get3A_774 = arith.constant 0 : i32
      %get3A_775 = arith.constant 13 : i32
      %get3A_776 = arith.index_cast %get3A_774 : i32 to index
      %get3A_777 = arith.index_cast %get3A_775 : i32 to index
      %get3A_778 = arith.index_cast %select_n3A_602 : i32 to index
      %get3A_779 = arith.index_cast %mul3A_620 : i32 to index
      %get3A_780 = tpu.vector_load %arg4[%get3A_776, %get3A_777, %get3A_778, %get3A_779] {strides = array<i32>} : memref<2x50x8x128xf32, #tpu.memory_space<vmem>>, vector<1x1x1x16xf32>,
      %get3A_781 = vector.shape_cast %get3A_780 : vector<1x1x1x16xf32> to vector<16xf32>
      %mul3A_782 = arith.constant 8.600000e+01 : f32
      %mul3A_783 = vector.broadcast %mul3A_782 : f32 to vector<16xf32>
      %mul3A_784 = arith.mulf %get3A_781, %mul3A_783 : vector<16xf32>
      %max3A_785 = arith.maximumf %max3A_773, %mul3A_784 : vector<16xf32>
      %get3A_786 = arith.constant 0 : i32
      %get3A_787 = arith.constant 14 : i32
      %get3A_788 = arith.index_cast %get3A_786 : i32 to index
      %get3A_789 = arith.index_cast %get3A_787 : i32 to index
      %get3A_790 = arith.index_cast %select_n3A_602 : i32 to index
      %get3A_791 = arith.index_cast %mul3A_620 : i32 to index
      %get3A_792 = tpu.vector_load %arg4[%get3A_788, %get3A_789, %get3A_790, %get3A_791] {strides = array<i32>} : memref<2x50x8x128xf32, #tpu.memory_space<vmem>>, vector<1x1x1x16xf32>,
      %get3A_793 = vector.shape_cast %get3A_792 : vector<1x1x1x16xf32> to vector<16xf32>
      %mul3A_794 = arith.constant 8.500000e+01 : f32
      %mul3A_795 = vector.broadcast %mul3A_794 : f32 to vector<16xf32>
      %mul3A_796 = arith.mulf %get3A_793, %mul3A_795 : vector<16xf32>
      %max3A_797 = arith.maximumf %max3A_785, %mul3A_796 : vector<16xf32>
      %get3A_798 = arith.constant 0 : i32
      %get3A_799 = arith.constant 15 : i32
      %get3A_800 = arith.index_cast %get3A_798 : i32 to index
      %get3A_801 = arith.index_cast %get3A_799 : i32 to index
      %get3A_802 = arith.index_cast %select_n3A_602 : i32 to index
      %get3A_803 = arith.index_cast %mul3A_620 : i32 to index
      %get3A_804 = tpu.vector_load %arg4[%get3A_800, %get3A_801, %get3A_802, %get3A_803] {strides = array<i32>} : memref<2x50x8x128xf32, #tpu.memory_space<vmem>>, vector<1x1x1x16xf32>,
      %get3A_805 = vector.shape_cast %get3A_804 : vector<1x1x1x16xf32> to vector<16xf32>
      %mul3A_806 = arith.constant 8.400000e+01 : f32
      %mul3A_807 = vector.broadcast %mul3A_806 : f32 to vector<16xf32>
      %mul3A_808 = arith.mulf %get3A_805, %mul3A_807 : vector<16xf32>
      %max3A_809 = arith.maximumf %max3A_797, %mul3A_808 : vector<16xf32>
      %get3A_810 = arith.constant 0 : i32
      %get3A_811 = arith.constant 16 : i32
      %get3A_812 = arith.index_cast %get3A_810 : i32 to index
      %get3A_813 = arith.index_cast %get3A_811 : i32 to index
      %get3A_814 = arith.index_cast %select_n3A_602 : i32 to index
      %get3A_815 = arith.index_cast %mul3A_620 : i32 to index
      %get3A_816 = tpu.vector_load %arg4[%get3A_812, %get3A_813, %get3A_814, %get3A_815] {strides = array<i32>} : memref<2x50x8x128xf32, #tpu.memory_space<vmem>>, vector<1x1x1x16xf32>,
      %get3A_817 = vector.shape_cast %get3A_816 : vector<1x1x1x16xf32> to vector<16xf32>
      %mul3A_818 = arith.constant 8.300000e+01 : f32
      %mul3A_819 = vector.broadcast %mul3A_818 : f32 to vector<16xf32>
      %mul3A_820 = arith.mulf %get3A_817, %mul3A_819 : vector<16xf32>
      %max3A_821 = arith.maximumf %max3A_809, %mul3A_820 : vector<16xf32>
      %get3A_822 = arith.constant 0 : i32
      %get3A_823 = arith.constant 17 : i32
      %get3A_824 = arith.index_cast %get3A_822 : i32 to index
      %get3A_825 = arith.index_cast %get3A_823 : i32 to index
      %get3A_826 = arith.index_cast %select_n3A_602 : i32 to index
      %get3A_827 = arith.index_cast %mul3A_620 : i32 to index
      %get3A_828 = tpu.vector_load %arg4[%get3A_824, %get3A_825, %get3A_826, %get3A_827] {strides = array<i32>} : memref<2x50x8x128xf32, #tpu.memory_space<vmem>>, vector<1x1x1x16xf32>,
      %get3A_829 = vector.shape_cast %get3A_828 : vector<1x1x1x16xf32> to vector<16xf32>
      %mul3A_830 = arith.constant 8.200000e+01 : f32
      %mul3A_831 = vector.broadcast %mul3A_830 : f32 to vector<16xf32>
      %mul3A_832 = arith.mulf %get3A_829, %mul3A_831 : vector<16xf32>
      %max3A_833 = arith.maximumf %max3A_821, %mul3A_832 : vector<16xf32>
      %get3A_834 = arith.constant 0 : i32
      %get3A_835 = arith.constant 18 : i32
      %get3A_836 = arith.index_cast %get3A_834 : i32 to index
      %get3A_837 = arith.index_cast %get3A_835 : i32 to index
      %get3A_838 = arith.index_cast %select_n3A_602 : i32 to index
      %get3A_839 = arith.index_cast %mul3A_620 : i32 to index
      %get3A_840 = tpu.vector_load %arg4[%get3A_836, %get3A_837, %get3A_838, %get3A_839] {strides = array<i32>} : memref<2x50x8x128xf32, #tpu.memory_space<vmem>>, vector<1x1x1x16xf32>,
      %get3A_841 = vector.shape_cast %get3A_840 : vector<1x1x1x16xf32> to vector<16xf32>
      %mul3A_842 = arith.constant 8.100000e+01 : f32
      %mul3A_843 = vector.broadcast %mul3A_842 : f32 to vector<16xf32>
      %mul3A_844 = arith.mulf %get3A_841, %mul3A_843 : vector<16xf32>
      %max3A_845 = arith.maximumf %max3A_833, %mul3A_844 : vector<16xf32>
      %get3A_846 = arith.constant 0 : i32
      %get3A_847 = arith.constant 19 : i32
      %get3A_848 = arith.index_cast %get3A_846 : i32 to index
      %get3A_849 = arith.index_cast %get3A_847 : i32 to index
      %get3A_850 = arith.index_cast %select_n3A_602 : i32 to index
      %get3A_851 = arith.index_cast %mul3A_620 : i32 to index
      %get3A_852 = tpu.vector_load %arg4[%get3A_848, %get3A_849, %get3A_850, %get3A_851] {strides = array<i32>} : memref<2x50x8x128xf32, #tpu.memory_space<vmem>>, vector<1x1x1x16xf32>,
      %get3A_853 = vector.shape_cast %get3A_852 : vector<1x1x1x16xf32> to vector<16xf32>
      %mul3A_854 = arith.constant 8.000000e+01 : f32
      %mul3A_855 = vector.broadcast %mul3A_854 : f32 to vector<16xf32>
      %mul3A_856 = arith.mulf %get3A_853, %mul3A_855 : vector<16xf32>
      %max3A_857 = arith.maximumf %max3A_845, %mul3A_856 : vector<16xf32>
      %get3A_858 = arith.constant 0 : i32
      %get3A_859 = arith.constant 20 : i32
      %get3A_860 = arith.index_cast %get3A_858 : i32 to index
      %get3A_861 = arith.index_cast %get3A_859 : i32 to index
      %get3A_862 = arith.index_cast %select_n3A_602 : i32 to index
      %get3A_863 = arith.index_cast %mul3A_620 : i32 to index
      %get3A_864 = tpu.vector_load %arg4[%get3A_860, %get3A_861, %get3A_862, %get3A_863] {strides = array<i32>} : memref<2x50x8x128xf32, #tpu.memory_space<vmem>>, vector<1x1x1x16xf32>,
      %get3A_865 = vector.shape_cast %get3A_864 : vector<1x1x1x16xf32> to vector<16xf32>
      %mul3A_866 = arith.constant 7.900000e+01 : f32
      %mul3A_867 = vector.broadcast %mul3A_866 : f32 to vector<16xf32>
      %mul3A_868 = arith.mulf %get3A_865, %mul3A_867 : vector<16xf32>
      %max3A_869 = arith.maximumf %max3A_857, %mul3A_868 : vector<16xf32>
      %get3A_870 = arith.constant 0 : i32
      %get3A_871 = arith.constant 21 : i32
      %get3A_872 = arith.index_cast %get3A_870 : i32 to index
      %get3A_873 = arith.index_cast %get3A_871 : i32 to index
      %get3A_874 = arith.index_cast %select_n3A_602 : i32 to index
      %get3A_875 = arith.index_cast %mul3A_620 : i32 to index
      %get3A_876 = tpu.vector_load %arg4[%get3A_872, %get3A_873, %get3A_874, %get3A_875] {strides = array<i32>} : memref<2x50x8x128xf32, #tpu.memory_space<vmem>>, vector<1x1x1x16xf32>,
      %get3A_877 = vector.shape_cast %get3A_876 : vector<1x1x1x16xf32> to vector<16xf32>
      %mul3A_878 = arith.constant 7.800000e+01 : f32
      %mul3A_879 = vector.broadcast %mul3A_878 : f32 to vector<16xf32>
      %mul3A_880 = arith.mulf %get3A_877, %mul3A_879 : vector<16xf32>
      %max3A_881 = arith.maximumf %max3A_869, %mul3A_880 : vector<16xf32>
      %get3A_882 = arith.constant 0 : i32
      %get3A_883 = arith.constant 22 : i32
      %get3A_884 = arith.index_cast %get3A_882 : i32 to index
      %get3A_885 = arith.index_cast %get3A_883 : i32 to index
      %get3A_886 = arith.index_cast %select_n3A_602 : i32 to index
      %get3A_887 = arith.index_cast %mul3A_620 : i32 to index
      %get3A_888 = tpu.vector_load %arg4[%get3A_884, %get3A_885, %get3A_886, %get3A_887] {strides = array<i32>} : memref<2x50x8x128xf32, #tpu.memory_space<vmem>>, vector<1x1x1x16xf32>,
      %get3A_889 = vector.shape_cast %get3A_888 : vector<1x1x1x16xf32> to vector<16xf32>
      %mul3A_890 = arith.constant 7.700000e+01 : f32
      %mul3A_891 = vector.broadcast %mul3A_890 : f32 to vector<16xf32>
      %mul3A_892 = arith.mulf %get3A_889, %mul3A_891 : vector<16xf32>
      %max3A_893 = arith.maximumf %max3A_881, %mul3A_892 : vector<16xf32>
      %get3A_894 = arith.constant 0 : i32
      %get3A_895 = arith.constant 23 : i32
      %get3A_896 = arith.index_cast %get3A_894 : i32 to index
      %get3A_897 = arith.index_cast %get3A_895 : i32 to index
      %get3A_898 = arith.index_cast %select_n3A_602 : i32 to index
      %get3A_899 = arith.index_cast %mul3A_620 : i32 to index
      %get3A_900 = tpu.vector_load %arg4[%get3A_896, %get3A_897, %get3A_898, %get3A_899] {strides = array<i32>} : memref<2x50x8x128xf32, #tpu.memory_space<vmem>>, vector<1x1x1x16xf32>,
      %get3A_901 = vector.shape_cast %get3A_900 : vector<1x1x1x16xf32> to vector<16xf32>
      %mul3A_902 = arith.constant 7.600000e+01 : f32
      %mul3A_903 = vector.broadcast %mul3A_902 : f32 to vector<16xf32>
      %mul3A_904 = arith.mulf %get3A_901, %mul3A_903 : vector<16xf32>
      %max3A_905 = arith.maximumf %max3A_893, %mul3A_904 : vector<16xf32>
      %get3A_906 = arith.constant 0 : i32
      %get3A_907 = arith.constant 24 : i32
      %get3A_908 = arith.index_cast %get3A_906 : i32 to index
      %get3A_909 = arith.index_cast %get3A_907 : i32 to index
      %get3A_910 = arith.index_cast %select_n3A_602 : i32 to index
      %get3A_911 = arith.index_cast %mul3A_620 : i32 to index
      %get3A_912 = tpu.vector_load %arg4[%get3A_908, %get3A_909, %get3A_910, %get3A_911] {strides = array<i32>} : memref<2x50x8x128xf32, #tpu.memory_space<vmem>>, vector<1x1x1x16xf32>,
      %get3A_913 = vector.shape_cast %get3A_912 : vector<1x1x1x16xf32> to vector<16xf32>
      %mul3A_914 = arith.constant 7.500000e+01 : f32
      %mul3A_915 = vector.broadcast %mul3A_914 : f32 to vector<16xf32>
      %mul3A_916 = arith.mulf %get3A_913, %mul3A_915 : vector<16xf32>
      %max3A_917 = arith.maximumf %max3A_905, %mul3A_916 : vector<16xf32>
      %get3A_918 = arith.constant 0 : i32
      %get3A_919 = arith.constant 25 : i32
      %get3A_920 = arith.index_cast %get3A_918 : i32 to index
      %get3A_921 = arith.index_cast %get3A_919 : i32 to index
      %get3A_922 = arith.index_cast %select_n3A_602 : i32 to index
      %get3A_923 = arith.index_cast %mul3A_620 : i32 to index
      %get3A_924 = tpu.vector_load %arg4[%get3A_920, %get3A_921, %get3A_922, %get3A_923] {strides = array<i32>} : memref<2x50x8x128xf32, #tpu.memory_space<vmem>>, vector<1x1x1x16xf32>,
      %get3A_925 = vector.shape_cast %get3A_924 : vector<1x1x1x16xf32> to vector<16xf32>
      %mul3A_926 = arith.constant 7.400000e+01 : f32
      %mul3A_927 = vector.broadcast %mul3A_926 : f32 to vector<16xf32>
      %mul3A_928 = arith.mulf %get3A_925, %mul3A_927 : vector<16xf32>
      %max3A_929 = arith.maximumf %max3A_917, %mul3A_928 : vector<16xf32>
      %get3A_930 = arith.constant 0 : i32
      %get3A_931 = arith.constant 26 : i32
      %get3A_932 = arith.index_cast %get3A_930 : i32 to index
      %get3A_933 = arith.index_cast %get3A_931 : i32 to index
      %get3A_934 = arith.index_cast %select_n3A_602 : i32 to index
      %get3A_935 = arith.index_cast %mul3A_620 : i32 to index
      %get3A_936 = tpu.vector_load %arg4[%get3A_932, %get3A_933, %get3A_934, %get3A_935] {strides = array<i32>} : memref<2x50x8x128xf32, #tpu.memory_space<vmem>>, vector<1x1x1x16xf32>,
      %get3A_937 = vector.shape_cast %get3A_936 : vector<1x1x1x16xf32> to vector<16xf32>
      %mul3A_938 = arith.constant 7.300000e+01 : f32
      %mul3A_939 = vector.broadcast %mul3A_938 : f32 to vector<16xf32>
      %mul3A_940 = arith.mulf %get3A_937, %mul3A_939 : vector<16xf32>
      %max3A_941 = arith.maximumf %max3A_929, %mul3A_940 : vector<16xf32>
      %get3A_942 = arith.constant 0 : i32
      %get3A_943 = arith.constant 27 : i32
      %get3A_944 = arith.index_cast %get3A_942 : i32 to index
      %get3A_945 = arith.index_cast %get3A_943 : i32 to index
      %get3A_946 = arith.index_cast %select_n3A_602 : i32 to index
      %get3A_947 = arith.index_cast %mul3A_620 : i32 to index
      %get3A_948 = tpu.vector_load %arg4[%get3A_944, %get3A_945, %get3A_946, %get3A_947] {strides = array<i32>} : memref<2x50x8x128xf32, #tpu.memory_space<vmem>>, vector<1x1x1x16xf32>,
      %get3A_949 = vector.shape_cast %get3A_948 : vector<1x1x1x16xf32> to vector<16xf32>
      %mul3A_950 = arith.constant 7.200000e+01 : f32
      %mul3A_951 = vector.broadcast %mul3A_950 : f32 to vector<16xf32>
      %mul3A_952 = arith.mulf %get3A_949, %mul3A_951 : vector<16xf32>
      %max3A_953 = arith.maximumf %max3A_941, %mul3A_952 : vector<16xf32>
      %get3A_954 = arith.constant 0 : i32
      %get3A_955 = arith.constant 28 : i32
      %get3A_956 = arith.index_cast %get3A_954 : i32 to index
      %get3A_957 = arith.index_cast %get3A_955 : i32 to index
      %get3A_958 = arith.index_cast %select_n3A_602 : i32 to index
      %get3A_959 = arith.index_cast %mul3A_620 : i32 to index
      %get3A_960 = tpu.vector_load %arg4[%get3A_956, %get3A_957, %get3A_958, %get3A_959] {strides = array<i32>} : memref<2x50x8x128xf32, #tpu.memory_space<vmem>>, vector<1x1x1x16xf32>,
      %get3A_961 = vector.shape_cast %get3A_960 : vector<1x1x1x16xf32> to vector<16xf32>
      %mul3A_962 = arith.constant 7.100000e+01 : f32
      %mul3A_963 = vector.broadcast %mul3A_962 : f32 to vector<16xf32>
      %mul3A_964 = arith.mulf %get3A_961, %mul3A_963 : vector<16xf32>
      %max3A_965 = arith.maximumf %max3A_953, %mul3A_964 : vector<16xf32>
      %get3A_966 = arith.constant 0 : i32
      %get3A_967 = arith.constant 29 : i32
      %get3A_968 = arith.index_cast %get3A_966 : i32 to index
      %get3A_969 = arith.index_cast %get3A_967 : i32 to index
      %get3A_970 = arith.index_cast %select_n3A_602 : i32 to index
      %get3A_971 = arith.index_cast %mul3A_620 : i32 to index
      %get3A_972 = tpu.vector_load %arg4[%get3A_968, %get3A_969, %get3A_970, %get3A_971] {strides = array<i32>} : memref<2x50x8x128xf32, #tpu.memory_space<vmem>>, vector<1x1x1x16xf32>,
      %get3A_973 = vector.shape_cast %get3A_972 : vector<1x1x1x16xf32> to vector<16xf32>
      %mul3A_974 = arith.constant 7.000000e+01 : f32
      %mul3A_975 = vector.broadcast %mul3A_974 : f32 to vector<16xf32>
      %mul3A_976 = arith.mulf %get3A_973, %mul3A_975 : vector<16xf32>
      %max3A_977 = arith.maximumf %max3A_965, %mul3A_976 : vector<16xf32>
      %get3A_978 = arith.constant 0 : i32
      %get3A_979 = arith.constant 30 : i32
      %get3A_980 = arith.index_cast %get3A_978 : i32 to index
      %get3A_981 = arith.index_cast %get3A_979 : i32 to index
      %get3A_982 = arith.index_cast %select_n3A_602 : i32 to index
      %get3A_983 = arith.index_cast %mul3A_620 : i32 to index
      %get3A_984 = tpu.vector_load %arg4[%get3A_980, %get3A_981, %get3A_982, %get3A_983] {strides = array<i32>} : memref<2x50x8x128xf32, #tpu.memory_space<vmem>>, vector<1x1x1x16xf32>,
      %get3A_985 = vector.shape_cast %get3A_984 : vector<1x1x1x16xf32> to vector<16xf32>
      %mul3A_986 = arith.constant 6.900000e+01 : f32
      %mul3A_987 = vector.broadcast %mul3A_986 : f32 to vector<16xf32>
      %mul3A_988 = arith.mulf %get3A_985, %mul3A_987 : vector<16xf32>
      %max3A_989 = arith.maximumf %max3A_977, %mul3A_988 : vector<16xf32>
      %get3A_990 = arith.constant 0 : i32
      %get3A_991 = arith.constant 31 : i32
      %get3A_992 = arith.index_cast %get3A_990 : i32 to index
      %get3A_993 = arith.index_cast %get3A_991 : i32 to index
      %get3A_994 = arith.index_cast %select_n3A_602 : i32 to index
      %get3A_995 = arith.index_cast %mul3A_620 : i32 to index
      %get3A_996 = tpu.vector_load %arg4[%get3A_992, %get3A_993, %get3A_994, %get3A_995] {strides = array<i32>} : memref<2x50x8x128xf32, #tpu.memory_space<vmem>>, vector<1x1x1x16xf32>,
      %get3A_997 = vector.shape_cast %get3A_996 : vector<1x1x1x16xf32> to vector<16xf32>
      %mul3A_998 = arith.constant 6.800000e+01 : f32
      %mul3A_999 = vector.broadcast %mul3A_998 : f32 to vector<16xf32>
      %mul3A_1000 = arith.mulf %get3A_997, %mul3A_999 : vector<16xf32>
      %max3A_1001 = arith.maximumf %max3A_989, %mul3A_1000 : vector<16xf32>
      %get3A_1002 = arith.constant 0 : i32
      %get3A_1003 = arith.constant 32 : i32
      %get3A_1004 = arith.index_cast %get3A_1002 : i32 to index
      %get3A_1005 = arith.index_cast %get3A_1003 : i32 to index
      %get3A_1006 = arith.index_cast %select_n3A_602 : i32 to index
      %get3A_1007 = arith.index_cast %mul3A_620 : i32 to index
      %get3A_1008 = tpu.vector_load %arg4[%get3A_1004, %get3A_1005, %get3A_1006, %get3A_1007] {strides = array<i32>} : memref<2x50x8x128xf32, #tpu.memory_space<vmem>>, vector<1x1x1x16xf32>,
      %get3A_1009 = vector.shape_cast %get3A_1008 : vector<1x1x1x16xf32> to vector<16xf32>
      %mul3A_1010 = arith.constant 6.700000e+01 : f32
      %mul3A_1011 = vector.broadcast %mul3A_1010 : f32 to vector<16xf32>
      %mul3A_1012 = arith.mulf %get3A_1009, %mul3A_1011 : vector<16xf32>
      %max3A_1013 = arith.maximumf %max3A_1001, %mul3A_1012 : vector<16xf32>
      %get3A_1014 = arith.constant 0 : i32
      %get3A_1015 = arith.constant 33 : i32
      %get3A_1016 = arith.index_cast %get3A_1014 : i32 to index
      %get3A_1017 = arith.index_cast %get3A_1015 : i32 to index
      %get3A_1018 = arith.index_cast %select_n3A_602 : i32 to index
      %get3A_1019 = arith.index_cast %mul3A_620 : i32 to index
      %get3A_1020 = tpu.vector_load %arg4[%get3A_1016, %get3A_1017, %get3A_1018, %get3A_1019] {strides = array<i32>} : memref<2x50x8x128xf32, #tpu.memory_space<vmem>>, vector<1x1x1x16xf32>,
      %get3A_1021 = vector.shape_cast %get3A_1020 : vector<1x1x1x16xf32> to vector<16xf32>
      %mul3A_1022 = arith.constant 6.600000e+01 : f32
      %mul3A_1023 = vector.broadcast %mul3A_1022 : f32 to vector<16xf32>
      %mul3A_1024 = arith.mulf %get3A_1021, %mul3A_1023 : vector<16xf32>
      %max3A_1025 = arith.maximumf %max3A_1013, %mul3A_1024 : vector<16xf32>
      %get3A_1026 = arith.constant 0 : i32
      %get3A_1027 = arith.constant 34 : i32
      %get3A_1028 = arith.index_cast %get3A_1026 : i32 to index
      %get3A_1029 = arith.index_cast %get3A_1027 : i32 to index
      %get3A_1030 = arith.index_cast %select_n3A_602 : i32 to index
      %get3A_1031 = arith.index_cast %mul3A_620 : i32 to index
      %get3A_1032 = tpu.vector_load %arg4[%get3A_1028, %get3A_1029, %get3A_1030, %get3A_1031] {strides = array<i32>} : memref<2x50x8x128xf32, #tpu.memory_space<vmem>>, vector<1x1x1x16xf32>,
      %get3A_1033 = vector.shape_cast %get3A_1032 : vector<1x1x1x16xf32> to vector<16xf32>
      %mul3A_1034 = arith.constant 6.500000e+01 : f32
      %mul3A_1035 = vector.broadcast %mul3A_1034 : f32 to vector<16xf32>
      %mul3A_1036 = arith.mulf %get3A_1033, %mul3A_1035 : vector<16xf32>
      %max3A_1037 = arith.maximumf %max3A_1025, %mul3A_1036 : vector<16xf32>
      %get3A_1038 = arith.constant 0 : i32
      %get3A_1039 = arith.constant 35 : i32
      %get3A_1040 = arith.index_cast %get3A_1038 : i32 to index
      %get3A_1041 = arith.index_cast %get3A_1039 : i32 to index
      %get3A_1042 = arith.index_cast %select_n3A_602 : i32 to index
      %get3A_1043 = arith.index_cast %mul3A_620 : i32 to index
      %get3A_1044 = tpu.vector_load %arg4[%get3A_1040, %get3A_1041, %get3A_1042, %get3A_1043] {strides = array<i32>} : memref<2x50x8x128xf32, #tpu.memory_space<vmem>>, vector<1x1x1x16xf32>,
      %get3A_1045 = vector.shape_cast %get3A_1044 : vector<1x1x1x16xf32> to vector<16xf32>
      %mul3A_1046 = arith.constant 6.400000e+01 : f32
      %mul3A_1047 = vector.broadcast %mul3A_1046 : f32 to vector<16xf32>
      %mul3A_1048 = arith.mulf %get3A_1045, %mul3A_1047 : vector<16xf32>
      %max3A_1049 = arith.maximumf %max3A_1037, %mul3A_1048 : vector<16xf32>
      %get3A_1050 = arith.constant 0 : i32
      %get3A_1051 = arith.constant 36 : i32
      %get3A_1052 = arith.index_cast %get3A_1050 : i32 to index
      %get3A_1053 = arith.index_cast %get3A_1051 : i32 to index
      %get3A_1054 = arith.index_cast %select_n3A_602 : i32 to index
      %get3A_1055 = arith.index_cast %mul3A_620 : i32 to index
      %get3A_1056 = tpu.vector_load %arg4[%get3A_1052, %get3A_1053, %get3A_1054, %get3A_1055] {strides = array<i32>} : memref<2x50x8x128xf32, #tpu.memory_space<vmem>>, vector<1x1x1x16xf32>,
      %get3A_1057 = vector.shape_cast %get3A_1056 : vector<1x1x1x16xf32> to vector<16xf32>
      %mul3A_1058 = arith.constant 6.300000e+01 : f32
      %mul3A_1059 = vector.broadcast %mul3A_1058 : f32 to vector<16xf32>
      %mul3A_1060 = arith.mulf %get3A_1057, %mul3A_1059 : vector<16xf32>
      %max3A_1061 = arith.maximumf %max3A_1049, %mul3A_1060 : vector<16xf32>
      %get3A_1062 = arith.constant 0 : i32
      %get3A_1063 = arith.constant 37 : i32
      %get3A_1064 = arith.index_cast %get3A_1062 : i32 to index
      %get3A_1065 = arith.index_cast %get3A_1063 : i32 to index
      %get3A_1066 = arith.index_cast %select_n3A_602 : i32 to index
      %get3A_1067 = arith.index_cast %mul3A_620 : i32 to index
      %get3A_1068 = tpu.vector_load %arg4[%get3A_1064, %get3A_1065, %get3A_1066, %get3A_1067] {strides = array<i32>} : memref<2x50x8x128xf32, #tpu.memory_space<vmem>>, vector<1x1x1x16xf32>,
      %get3A_1069 = vector.shape_cast %get3A_1068 : vector<1x1x1x16xf32> to vector<16xf32>
      %mul3A_1070 = arith.constant 6.200000e+01 : f32
      %mul3A_1071 = vector.broadcast %mul3A_1070 : f32 to vector<16xf32>
      %mul3A_1072 = arith.mulf %get3A_1069, %mul3A_1071 : vector<16xf32>
      %max3A_1073 = arith.maximumf %max3A_1061, %mul3A_1072 : vector<16xf32>
      %get3A_1074 = arith.constant 0 : i32
      %get3A_1075 = arith.constant 38 : i32
      %get3A_1076 = arith.index_cast %get3A_1074 : i32 to index
      %get3A_1077 = arith.index_cast %get3A_1075 : i32 to index
      %get3A_1078 = arith.index_cast %select_n3A_602 : i32 to index
      %get3A_1079 = arith.index_cast %mul3A_620 : i32 to index
      %get3A_1080 = tpu.vector_load %arg4[%get3A_1076, %get3A_1077, %get3A_1078, %get3A_1079] {strides = array<i32>} : memref<2x50x8x128xf32, #tpu.memory_space<vmem>>, vector<1x1x1x16xf32>,
      %get3A_1081 = vector.shape_cast %get3A_1080 : vector<1x1x1x16xf32> to vector<16xf32>
      %mul3A_1082 = arith.constant 6.100000e+01 : f32
      %mul3A_1083 = vector.broadcast %mul3A_1082 : f32 to vector<16xf32>
      %mul3A_1084 = arith.mulf %get3A_1081, %mul3A_1083 : vector<16xf32>
      %max3A_1085 = arith.maximumf %max3A_1073, %mul3A_1084 : vector<16xf32>
      %get3A_1086 = arith.constant 0 : i32
      %get3A_1087 = arith.constant 39 : i32
      %get3A_1088 = arith.index_cast %get3A_1086 : i32 to index
      %get3A_1089 = arith.index_cast %get3A_1087 : i32 to index
      %get3A_1090 = arith.index_cast %select_n3A_602 : i32 to index
      %get3A_1091 = arith.index_cast %mul3A_620 : i32 to index
      %get3A_1092 = tpu.vector_load %arg4[%get3A_1088, %get3A_1089, %get3A_1090, %get3A_1091] {strides = array<i32>} : memref<2x50x8x128xf32, #tpu.memory_space<vmem>>, vector<1x1x1x16xf32>,
      %get3A_1093 = vector.shape_cast %get3A_1092 : vector<1x1x1x16xf32> to vector<16xf32>
      %mul3A_1094 = arith.constant 6.000000e+01 : f32
      %mul3A_1095 = vector.broadcast %mul3A_1094 : f32 to vector<16xf32>
      %mul3A_1096 = arith.mulf %get3A_1093, %mul3A_1095 : vector<16xf32>
      %max3A_1097 = arith.maximumf %max3A_1085, %mul3A_1096 : vector<16xf32>
      %get3A_1098 = arith.constant 0 : i32
      %get3A_1099 = arith.constant 40 : i32
      %get3A_1100 = arith.index_cast %get3A_1098 : i32 to index
      %get3A_1101 = arith.index_cast %get3A_1099 : i32 to index
      %get3A_1102 = arith.index_cast %select_n3A_602 : i32 to index
      %get3A_1103 = arith.index_cast %mul3A_620 : i32 to index
      %get3A_1104 = tpu.vector_load %arg4[%get3A_1100, %get3A_1101, %get3A_1102, %get3A_1103] {strides = array<i32>} : memref<2x50x8x128xf32, #tpu.memory_space<vmem>>, vector<1x1x1x16xf32>,
      %get3A_1105 = vector.shape_cast %get3A_1104 : vector<1x1x1x16xf32> to vector<16xf32>
      %mul3A_1106 = arith.constant 5.900000e+01 : f32
      %mul3A_1107 = vector.broadcast %mul3A_1106 : f32 to vector<16xf32>
      %mul3A_1108 = arith.mulf %get3A_1105, %mul3A_1107 : vector<16xf32>
      %max3A_1109 = arith.maximumf %max3A_1097, %mul3A_1108 : vector<16xf32>
      %get3A_1110 = arith.constant 0 : i32
      %get3A_1111 = arith.constant 41 : i32
      %get3A_1112 = arith.index_cast %get3A_1110 : i32 to index
      %get3A_1113 = arith.index_cast %get3A_1111 : i32 to index
      %get3A_1114 = arith.index_cast %select_n3A_602 : i32 to index
      %get3A_1115 = arith.index_cast %mul3A_620 : i32 to index
      %get3A_1116 = tpu.vector_load %arg4[%get3A_1112, %get3A_1113, %get3A_1114, %get3A_1115] {strides = array<i32>} : memref<2x50x8x128xf32, #tpu.memory_space<vmem>>, vector<1x1x1x16xf32>,
      %get3A_1117 = vector.shape_cast %get3A_1116 : vector<1x1x1x16xf32> to vector<16xf32>
      %mul3A_1118 = arith.constant 5.800000e+01 : f32
      %mul3A_1119 = vector.broadcast %mul3A_1118 : f32 to vector<16xf32>
      %mul3A_1120 = arith.mulf %get3A_1117, %mul3A_1119 : vector<16xf32>
      %max3A_1121 = arith.maximumf %max3A_1109, %mul3A_1120 : vector<16xf32>
      %get3A_1122 = arith.constant 0 : i32
      %get3A_1123 = arith.constant 42 : i32
      %get3A_1124 = arith.index_cast %get3A_1122 : i32 to index
      %get3A_1125 = arith.index_cast %get3A_1123 : i32 to index
      %get3A_1126 = arith.index_cast %select_n3A_602 : i32 to index
      %get3A_1127 = arith.index_cast %mul3A_620 : i32 to index
      %get3A_1128 = tpu.vector_load %arg4[%get3A_1124, %get3A_1125, %get3A_1126, %get3A_1127] {strides = array<i32>} : memref<2x50x8x128xf32, #tpu.memory_space<vmem>>, vector<1x1x1x16xf32>,
      %get3A_1129 = vector.shape_cast %get3A_1128 : vector<1x1x1x16xf32> to vector<16xf32>
      %mul3A_1130 = arith.constant 5.700000e+01 : f32
      %mul3A_1131 = vector.broadcast %mul3A_1130 : f32 to vector<16xf32>
      %mul3A_1132 = arith.mulf %get3A_1129, %mul3A_1131 : vector<16xf32>
      %max3A_1133 = arith.maximumf %max3A_1121, %mul3A_1132 : vector<16xf32>
      %get3A_1134 = arith.constant 0 : i32
      %get3A_1135 = arith.constant 43 : i32
      %get3A_1136 = arith.index_cast %get3A_1134 : i32 to index
      %get3A_1137 = arith.index_cast %get3A_1135 : i32 to index
      %get3A_1138 = arith.index_cast %select_n3A_602 : i32 to index
      %get3A_1139 = arith.index_cast %mul3A_620 : i32 to index
      %get3A_1140 = tpu.vector_load %arg4[%get3A_1136, %get3A_1137, %get3A_1138, %get3A_1139] {strides = array<i32>} : memref<2x50x8x128xf32, #tpu.memory_space<vmem>>, vector<1x1x1x16xf32>,
      %get3A_1141 = vector.shape_cast %get3A_1140 : vector<1x1x1x16xf32> to vector<16xf32>
      %mul3A_1142 = arith.constant 5.600000e+01 : f32
      %mul3A_1143 = vector.broadcast %mul3A_1142 : f32 to vector<16xf32>
      %mul3A_1144 = arith.mulf %get3A_1141, %mul3A_1143 : vector<16xf32>
      %max3A_1145 = arith.maximumf %max3A_1133, %mul3A_1144 : vector<16xf32>
      %get3A_1146 = arith.constant 0 : i32
      %get3A_1147 = arith.constant 44 : i32
      %get3A_1148 = arith.index_cast %get3A_1146 : i32 to index
      %get3A_1149 = arith.index_cast %get3A_1147 : i32 to index
      %get3A_1150 = arith.index_cast %select_n3A_602 : i32 to index
      %get3A_1151 = arith.index_cast %mul3A_620 : i32 to index
      %get3A_1152 = tpu.vector_load %arg4[%get3A_1148, %get3A_1149, %get3A_1150, %get3A_1151] {strides = array<i32>} : memref<2x50x8x128xf32, #tpu.memory_space<vmem>>, vector<1x1x1x16xf32>,
      %get3A_1153 = vector.shape_cast %get3A_1152 : vector<1x1x1x16xf32> to vector<16xf32>
      %mul3A_1154 = arith.constant 5.500000e+01 : f32
      %mul3A_1155 = vector.broadcast %mul3A_1154 : f32 to vector<16xf32>
      %mul3A_1156 = arith.mulf %get3A_1153, %mul3A_1155 : vector<16xf32>
      %max3A_1157 = arith.maximumf %max3A_1145, %mul3A_1156 : vector<16xf32>
      %get3A_1158 = arith.constant 0 : i32
      %get3A_1159 = arith.constant 45 : i32
      %get3A_1160 = arith.index_cast %get3A_1158 : i32 to index
      %get3A_1161 = arith.index_cast %get3A_1159 : i32 to index
      %get3A_1162 = arith.index_cast %select_n3A_602 : i32 to index
      %get3A_1163 = arith.index_cast %mul3A_620 : i32 to index
      %get3A_1164 = tpu.vector_load %arg4[%get3A_1160, %get3A_1161, %get3A_1162, %get3A_1163] {strides = array<i32>} : memref<2x50x8x128xf32, #tpu.memory_space<vmem>>, vector<1x1x1x16xf32>,
      %get3A_1165 = vector.shape_cast %get3A_1164 : vector<1x1x1x16xf32> to vector<16xf32>
      %mul3A_1166 = arith.constant 5.400000e+01 : f32
      %mul3A_1167 = vector.broadcast %mul3A_1166 : f32 to vector<16xf32>
      %mul3A_1168 = arith.mulf %get3A_1165, %mul3A_1167 : vector<16xf32>
      %max3A_1169 = arith.maximumf %max3A_1157, %mul3A_1168 : vector<16xf32>
      %get3A_1170 = arith.constant 0 : i32
      %get3A_1171 = arith.constant 46 : i32
      %get3A_1172 = arith.index_cast %get3A_1170 : i32 to index
      %get3A_1173 = arith.index_cast %get3A_1171 : i32 to index
      %get3A_1174 = arith.index_cast %select_n3A_602 : i32 to index
      %get3A_1175 = arith.index_cast %mul3A_620 : i32 to index
      %get3A_1176 = tpu.vector_load %arg4[%get3A_1172, %get3A_1173, %get3A_1174, %get3A_1175] {strides = array<i32>} : memref<2x50x8x128xf32, #tpu.memory_space<vmem>>, vector<1x1x1x16xf32>,
      %get3A_1177 = vector.shape_cast %get3A_1176 : vector<1x1x1x16xf32> to vector<16xf32>
      %mul3A_1178 = arith.constant 5.300000e+01 : f32
      %mul3A_1179 = vector.broadcast %mul3A_1178 : f32 to vector<16xf32>
      %mul3A_1180 = arith.mulf %get3A_1177, %mul3A_1179 : vector<16xf32>
      %max3A_1181 = arith.maximumf %max3A_1169, %mul3A_1180 : vector<16xf32>
      %get3A_1182 = arith.constant 0 : i32
      %get3A_1183 = arith.constant 47 : i32
      %get3A_1184 = arith.index_cast %get3A_1182 : i32 to index
      %get3A_1185 = arith.index_cast %get3A_1183 : i32 to index
      %get3A_1186 = arith.index_cast %select_n3A_602 : i32 to index
      %get3A_1187 = arith.index_cast %mul3A_620 : i32 to index
      %get3A_1188 = tpu.vector_load %arg4[%get3A_1184, %get3A_1185, %get3A_1186, %get3A_1187] {strides = array<i32>} : memref<2x50x8x128xf32, #tpu.memory_space<vmem>>, vector<1x1x1x16xf32>,
      %get3A_1189 = vector.shape_cast %get3A_1188 : vector<1x1x1x16xf32> to vector<16xf32>
      %mul3A_1190 = arith.constant 5.200000e+01 : f32
      %mul3A_1191 = vector.broadcast %mul3A_1190 : f32 to vector<16xf32>
      %mul3A_1192 = arith.mulf %get3A_1189, %mul3A_1191 : vector<16xf32>
      %max3A_1193 = arith.maximumf %max3A_1181, %mul3A_1192 : vector<16xf32>
      %get3A_1194 = arith.constant 0 : i32
      %get3A_1195 = arith.constant 48 : i32
      %get3A_1196 = arith.index_cast %get3A_1194 : i32 to index
      %get3A_1197 = arith.index_cast %get3A_1195 : i32 to index
      %get3A_1198 = arith.index_cast %select_n3A_602 : i32 to index
      %get3A_1199 = arith.index_cast %mul3A_620 : i32 to index
      %get3A_1200 = tpu.vector_load %arg4[%get3A_1196, %get3A_1197, %get3A_1198, %get3A_1199] {strides = array<i32>} : memref<2x50x8x128xf32, #tpu.memory_space<vmem>>, vector<1x1x1x16xf32>,
      %get3A_1201 = vector.shape_cast %get3A_1200 : vector<1x1x1x16xf32> to vector<16xf32>
      %mul3A_1202 = arith.constant 5.100000e+01 : f32
      %mul3A_1203 = vector.broadcast %mul3A_1202 : f32 to vector<16xf32>
      %mul3A_1204 = arith.mulf %get3A_1201, %mul3A_1203 : vector<16xf32>
      %max3A_1205 = arith.maximumf %max3A_1193, %mul3A_1204 : vector<16xf32>
      %get3A_1206 = arith.constant 0 : i32
      %get3A_1207 = arith.constant 49 : i32
      %get3A_1208 = arith.index_cast %get3A_1206 : i32 to index
      %get3A_1209 = arith.index_cast %get3A_1207 : i32 to index
      %get3A_1210 = arith.index_cast %select_n3A_602 : i32 to index
      %get3A_1211 = arith.index_cast %mul3A_620 : i32 to index
      %get3A_1212 = tpu.vector_load %arg4[%get3A_1208, %get3A_1209, %get3A_1210, %get3A_1211] {strides = array<i32>} : memref<2x50x8x128xf32, #tpu.memory_space<vmem>>, vector<1x1x1x16xf32>,
      %get3A_1213 = vector.shape_cast %get3A_1212 : vector<1x1x1x16xf32> to vector<16xf32>
      %mul3A_1214 = arith.constant 5.000000e+01 : f32
      %mul3A_1215 = vector.broadcast %mul3A_1214 : f32 to vector<16xf32>
      %mul3A_1216 = arith.mulf %get3A_1213, %mul3A_1215 : vector<16xf32>
      %max3A_1217 = arith.maximumf %max3A_1205, %mul3A_1216 : vector<16xf32>
      %swap3A = arith.index_cast %select_n3A_602 : i32 to index
      %swap3A_1218 = arith.index_cast %mul3A_620 : i32 to index
      %swap3A_1219 = tpu.vector_load %arg5[%swap3A, %swap3A_1218] {strides = array<i32>} : memref<8x128xf32, #tpu.memory_space<vmem>>, vector<1x16xf32>,
      %swap3A_1220 = vector.shape_cast %swap3A_1219 : vector<1x16xf32> to vector<16xf32>
      %swap3A_1221 = vector.shape_cast %max3A_1217 : vector<16xf32> to vector<1x16xf32>
      tpu.vector_store %arg5[%swap3A, %swap3A_1218], %swap3A_1221 {strides = array<i32>} : memref<8x128xf32, #tpu.memory_space<vmem>>, vector<1x16xf32>,
    }
    %scan3A_468 = arith.constant 64 : i32
    %jit3A_469 = arith.constant 16 : i32
    %div3A_470 = arith.divsi %add3A_344, %jit3A_469 : i32
    %sign3A_471 = arith.constant 0 : i32
    %sign3A_472 = arith.cmpi sgt, %add3A_344, %sign3A_471 : i32
    %sign3A_473 = arith.extui %sign3A_472 : i1 to i32
    %sign3A_474 = arith.constant 0 : i32
    %sign3A_475 = arith.cmpi slt, %add3A_344, %sign3A_474 : i32
    %sign3A_476 = arith.extui %sign3A_475 : i1 to i32
    %sign3A_477 = arith.subi %sign3A_473, %sign3A_476 : i32
    %sign3A_478 = arith.constant 0 : i32
    %sign3A_479 = arith.cmpi sgt, %jit3A_469, %sign3A_478 : i32
    %sign3A_480 = arith.extui %sign3A_479 : i1 to i32
    %sign3A_481 = arith.constant 0 : i32
    %sign3A_482 = arith.cmpi slt, %jit3A_469, %sign3A_481 : i32
    %sign3A_483 = arith.extui %sign3A_482 : i1 to i32
    %sign3A_484 = arith.subi %sign3A_480, %sign3A_483 : i32
    %ne3A_485 = arith.cmpi ne, %sign3A_477, %sign3A_484 : i32
    %rem3A_486 = arith.remsi %add3A_344, %jit3A_469 : i32
    %ne3A_487 = arith.constant 0 : i32
    %ne3A_488 = arith.cmpi ne, %rem3A_486, %ne3A_487 : i32
    %and3A_489 = arith.andi %ne3A_485, %ne3A_488 : i1
    %sub3A_490 = arith.constant 1 : i32
    %sub3A_491 = arith.subi %div3A_470, %sub3A_490 : i32
    %select_n3A_492 = arith.select %and3A_489, %sub3A_491, %div3A_470 : i32
    %jit3A_493 = arith.constant 16 : i32
    %eq3A_494 = arith.constant 0 : i32
    %eq3A_495 = arith.cmpi eq, %jit3A_493, %eq3A_494 : i32
    %jit3A_496 = arith.constant 1 : i32
    %select_n3A_497 = arith.select %eq3A_495, %jit3A_496, %jit3A_493 : i32
    %rem3A_498 = arith.remsi %add3A_344, %select_n3A_497 : i32
    %ne3A_499 = arith.constant 0 : i32
    %ne3A_500 = arith.cmpi ne, %rem3A_498, %ne3A_499 : i32
    %lt3A_501 = arith.constant 0 : i32
    %lt3A_502 = arith.cmpi slt, %rem3A_498, %lt3A_501 : i32
    %lt3A_503 = arith.constant 0 : i32
    %lt3A_504 = arith.cmpi slt, %select_n3A_497, %lt3A_503 : i32
    %ne3A_505 = arith.xori %lt3A_502, %lt3A_504 : i1
    %and3A_506 = arith.andi %ne3A_505, %ne3A_500 : i1
    %add3A_507 = arith.addi %rem3A_498, %select_n3A_497 : i32
    %select_n3A_508 = arith.select %and3A_506, %add3A_507, %rem3A_498 : i32
    %mul3A_509 = arith.constant 8 : i32
    %mul3A_510 = arith.muli %select_n3A_492, %mul3A_509 : i32
    %mul3A_511 = arith.constant 128 : i32
    %mul3A_512 = arith.muli %select_n3A_508, %mul3A_511 : i32
    %dma_wait3A_513 = arith.constant 1 : i32
    %dma_wait3A_514 = arith.constant 0 : i32
    %dma_wait3A_515 = arith.constant 0 : i32
    %dma_wait3A_516 = arith.constant 0 : i32
    %dma_wait3A_517 = tpu.memref_slice %arg4[%dma_wait3A_513, %dma_wait3A_514, %dma_wait3A_515, %dma_wait3A_516] : memref<2x50x8x128xf32, #tpu.memory_space<vmem>> -> memref<1x50x8x128xf32, #tpu.memory_space<vmem>>
    %dma_wait3A_518 = tpu.memref_squeeze %dma_wait3A_517 : memref<1x50x8x128xf32, #tpu.memory_space<vmem>> -> memref<50x8x128xf32, #tpu.memory_space<vmem>>
    %dma_wait3A_519 = arith.constant 50 : i32
    %dma_wait3A_520 = tpu.memref_slice %arg2[%dma_wait3A_519, %mul3A_510, %mul3A_512] : memref<100x128x2048xf32, #tpu.memory_space<hbm>> -> memref<50x8x128xf32, #tpu.memory_space<hbm>>
    %dma_wait3A_521 = arith.constant 0 : i32
    %dma_wait3A_522 = arith.constant 0 : i32
    %dma_wait3A_523 = arith.constant 0 : i32
    %dma_wait3A_524 = tpu.memref_slice %arg4[%dma_wait3A_513, %dma_wait3A_521, %dma_wait3A_522, %dma_wait3A_523] : memref<2x50x8x128xf32, #tpu.memory_space<vmem>> -> memref<1x50x8x128xf32, #tpu.memory_space<vmem>>
    %dma_wait3A_525 = tpu.memref_squeeze %dma_wait3A_524 : memref<1x50x8x128xf32, #tpu.memory_space<vmem>> -> memref<50x8x128xf32, #tpu.memory_space<vmem>>
    %dma_wait3A_526 = arith.constant 50 : i32
    %dma_wait3A_527 = tpu.memref_slice %arg2[%dma_wait3A_526, %mul3A_510, %mul3A_512] : memref<100x128x2048xf32, #tpu.memory_space<hbm>> -> memref<50x8x128xf32, #tpu.memory_space<hbm>>
    tpu.wait_dma2 semaphore(%arg7 : memref<!tpu.dma_semaphore, #tpu.memory_space<semaphore_mem>>) src(%dma_wait3A_527 : memref<50x8x128xf32, #tpu.memory_space<hbm>>) dst(%dma_wait3A_525 : memref<50x8x128xf32, #tpu.memory_space<vmem>>)
    %scan3A_528 = arith.constant 0 : i32
    %scan3A_529 = arith.constant 0 : i32
    %scan3A_530 = arith.constant 64 : i32
    %scan3A_531 = arith.addi %scan3A_529, %scan3A_530 : i32
    %scan3A_532 = arith.constant 1 : i32
    scf.for %scan3A_578 = %scan3A_529 to %scan3A_531 step %scan3A_532  : i32 {
      %jit3A_579 = arith.constant 8 : i32
      %div3A_580 = arith.divsi %scan3A_578, %jit3A_579 : i32
      %sign3A_581 = arith.constant 0 : i32
      %sign3A_582 = arith.cmpi sgt, %scan3A_578, %sign3A_581 : i32
      %sign3A_583 = arith.extui %sign3A_582 : i1 to i32
      %sign3A_584 = arith.constant 0 : i32
      %sign3A_585 = arith.cmpi slt, %scan3A_578, %sign3A_584 : i32
      %sign3A_586 = arith.extui %sign3A_585 : i1 to i32
      %sign3A_587 = arith.subi %sign3A_583, %sign3A_586 : i32
      %sign3A_588 = arith.constant 0 : i32
      %sign3A_589 = arith.cmpi sgt, %jit3A_579, %sign3A_588 : i32
      %sign3A_590 = arith.extui %sign3A_589 : i1 to i32
      %sign3A_591 = arith.constant 0 : i32
      %sign3A_592 = arith.cmpi slt, %jit3A_579, %sign3A_591 : i32
      %sign3A_593 = arith.extui %sign3A_592 : i1 to i32
      %sign3A_594 = arith.subi %sign3A_590, %sign3A_593 : i32
      %ne3A_595 = arith.cmpi ne, %sign3A_587, %sign3A_594 : i32
      %rem3A_596 = arith.remsi %scan3A_578, %jit3A_579 : i32
      %ne3A_597 = arith.constant 0 : i32
      %ne3A_598 = arith.cmpi ne, %rem3A_596, %ne3A_597 : i32
      %and3A_599 = arith.andi %ne3A_595, %ne3A_598 : i1
      %sub3A_600 = arith.constant 1 : i32
      %sub3A_601 = arith.subi %div3A_580, %sub3A_600 : i32
      %select_n3A_602 = arith.select %and3A_599, %sub3A_601, %div3A_580 : i32
      %jit3A_603 = arith.constant 8 : i32
      %eq3A_604 = arith.constant 0 : i32
      %eq3A_605 = arith.cmpi eq, %jit3A_603, %eq3A_604 : i32
      %jit3A_606 = arith.constant 1 : i32
      %select_n3A_607 = arith.select %eq3A_605, %jit3A_606, %jit3A_603 : i32
      %rem3A_608 = arith.remsi %scan3A_578, %select_n3A_607 : i32
      %ne3A_609 = arith.constant 0 : i32
      %ne3A_610 = arith.cmpi ne, %rem3A_608, %ne3A_609 : i32
      %lt3A_611 = arith.constant 0 : i32
      %lt3A_612 = arith.cmpi slt, %rem3A_608, %lt3A_611 : i32
      %lt3A_613 = arith.constant 0 : i32
      %lt3A_614 = arith.cmpi slt, %select_n3A_607, %lt3A_613 : i32
      %ne3A_615 = arith.xori %lt3A_612, %lt3A_614 : i1
      %and3A_616 = arith.andi %ne3A_615, %ne3A_610 : i1
      %add3A_617 = arith.addi %rem3A_608, %select_n3A_607 : i32
      %select_n3A_618 = arith.select %and3A_616, %add3A_617, %rem3A_608 : i32
      %mul3A_619 = arith.constant 16 : i32
      %mul3A_620 = arith.muli %select_n3A_618, %mul3A_619 : i32
      %get3A = arith.constant 1 : i32
      %get3A_621 = arith.constant 0 : i32
      %get3A_622 = arith.index_cast %get3A : i32 to index
      %get3A_623 = arith.index_cast %get3A_621 : i32 to index
      %get3A_624 = arith.index_cast %select_n3A_602 : i32 to index
      %get3A_625 = arith.index_cast %mul3A_620 : i32 to index
      %get3A_626 = tpu.vector_load %arg4[%get3A_622, %get3A_623, %get3A_624, %get3A_625] {strides = array<i32>} : memref<2x50x8x128xf32, #tpu.memory_space<vmem>>, vector<1x1x1x16xf32>,
      %get3A_627 = vector.shape_cast %get3A_626 : vector<1x1x1x16xf32> to vector<16xf32>
      %mul3A_628 = arith.constant 4.900000e+01 : f32
      %mul3A_629 = vector.broadcast %mul3A_628 : f32 to vector<16xf32>
      %mul3A_630 = arith.mulf %get3A_627, %mul3A_629 : vector<16xf32>
      %get3A_631 = arith.constant 1 : i32
      %get3A_632 = arith.constant 1 : i32
      %get3A_633 = arith.index_cast %get3A_631 : i32 to index
      %get3A_634 = arith.index_cast %get3A_632 : i32 to index
      %get3A_635 = arith.index_cast %select_n3A_602 : i32 to index
      %get3A_636 = arith.index_cast %mul3A_620 : i32 to index
      %get3A_637 = tpu.vector_load %arg4[%get3A_633, %get3A_634, %get3A_635, %get3A_636] {strides = array<i32>} : memref<2x50x8x128xf32, #tpu.memory_space<vmem>>, vector<1x1x1x16xf32>,
      %get3A_638 = vector.shape_cast %get3A_637 : vector<1x1x1x16xf32> to vector<16xf32>
      %mul3A_639 = arith.constant 4.800000e+01 : f32
      %mul3A_640 = vector.broadcast %mul3A_639 : f32 to vector<16xf32>
      %mul3A_641 = arith.mulf %get3A_638, %mul3A_640 : vector<16xf32>
      %max3A = arith.maximumf %mul3A_630, %mul3A_641 : vector<16xf32>
      %get3A_642 = arith.constant 1 : i32
      %get3A_643 = arith.constant 2 : i32
      %get3A_644 = arith.index_cast %get3A_642 : i32 to index
      %get3A_645 = arith.index_cast %get3A_643 : i32 to index
      %get3A_646 = arith.index_cast %select_n3A_602 : i32 to index
      %get3A_647 = arith.index_cast %mul3A_620 : i32 to index
      %get3A_648 = tpu.vector_load %arg4[%get3A_644, %get3A_645, %get3A_646, %get3A_647] {strides = array<i32>} : memref<2x50x8x128xf32, #tpu.memory_space<vmem>>, vector<1x1x1x16xf32>,
      %get3A_649 = vector.shape_cast %get3A_648 : vector<1x1x1x16xf32> to vector<16xf32>
      %mul3A_650 = arith.constant 4.700000e+01 : f32
      %mul3A_651 = vector.broadcast %mul3A_650 : f32 to vector<16xf32>
      %mul3A_652 = arith.mulf %get3A_649, %mul3A_651 : vector<16xf32>
      %max3A_653 = arith.maximumf %max3A, %mul3A_652 : vector<16xf32>
      %get3A_654 = arith.constant 1 : i32
      %get3A_655 = arith.constant 3 : i32
      %get3A_656 = arith.index_cast %get3A_654 : i32 to index
      %get3A_657 = arith.index_cast %get3A_655 : i32 to index
      %get3A_658 = arith.index_cast %select_n3A_602 : i32 to index
      %get3A_659 = arith.index_cast %mul3A_620 : i32 to index
      %get3A_660 = tpu.vector_load %arg4[%get3A_656, %get3A_657, %get3A_658, %get3A_659] {strides = array<i32>} : memref<2x50x8x128xf32, #tpu.memory_space<vmem>>, vector<1x1x1x16xf32>,
      %get3A_661 = vector.shape_cast %get3A_660 : vector<1x1x1x16xf32> to vector<16xf32>
      %mul3A_662 = arith.constant 4.600000e+01 : f32
      %mul3A_663 = vector.broadcast %mul3A_662 : f32 to vector<16xf32>
      %mul3A_664 = arith.mulf %get3A_661, %mul3A_663 : vector<16xf32>
      %max3A_665 = arith.maximumf %max3A_653, %mul3A_664 : vector<16xf32>
      %get3A_666 = arith.constant 1 : i32
      %get3A_667 = arith.constant 4 : i32
      %get3A_668 = arith.index_cast %get3A_666 : i32 to index
      %get3A_669 = arith.index_cast %get3A_667 : i32 to index
      %get3A_670 = arith.index_cast %select_n3A_602 : i32 to index
      %get3A_671 = arith.index_cast %mul3A_620 : i32 to index
      %get3A_672 = tpu.vector_load %arg4[%get3A_668, %get3A_669, %get3A_670, %get3A_671] {strides = array<i32>} : memref<2x50x8x128xf32, #tpu.memory_space<vmem>>, vector<1x1x1x16xf32>,
      %get3A_673 = vector.shape_cast %get3A_672 : vector<1x1x1x16xf32> to vector<16xf32>
      %mul3A_674 = arith.constant 4.500000e+01 : f32
      %mul3A_675 = vector.broadcast %mul3A_674 : f32 to vector<16xf32>
      %mul3A_676 = arith.mulf %get3A_673, %mul3A_675 : vector<16xf32>
      %max3A_677 = arith.maximumf %max3A_665, %mul3A_676 : vector<16xf32>
      %get3A_678 = arith.constant 1 : i32
      %get3A_679 = arith.constant 5 : i32
      %get3A_680 = arith.index_cast %get3A_678 : i32 to index
      %get3A_681 = arith.index_cast %get3A_679 : i32 to index
      %get3A_682 = arith.index_cast %select_n3A_602 : i32 to index
      %get3A_683 = arith.index_cast %mul3A_620 : i32 to index
      %get3A_684 = tpu.vector_load %arg4[%get3A_680, %get3A_681, %get3A_682, %get3A_683] {strides = array<i32>} : memref<2x50x8x128xf32, #tpu.memory_space<vmem>>, vector<1x1x1x16xf32>,
      %get3A_685 = vector.shape_cast %get3A_684 : vector<1x1x1x16xf32> to vector<16xf32>
      %mul3A_686 = arith.constant 4.400000e+01 : f32
      %mul3A_687 = vector.broadcast %mul3A_686 : f32 to vector<16xf32>
      %mul3A_688 = arith.mulf %get3A_685, %mul3A_687 : vector<16xf32>
      %max3A_689 = arith.maximumf %max3A_677, %mul3A_688 : vector<16xf32>
      %get3A_690 = arith.constant 1 : i32
      %get3A_691 = arith.constant 6 : i32
      %get3A_692 = arith.index_cast %get3A_690 : i32 to index
      %get3A_693 = arith.index_cast %get3A_691 : i32 to index
      %get3A_694 = arith.index_cast %select_n3A_602 : i32 to index
      %get3A_695 = arith.index_cast %mul3A_620 : i32 to index
      %get3A_696 = tpu.vector_load %arg4[%get3A_692, %get3A_693, %get3A_694, %get3A_695] {strides = array<i32>} : memref<2x50x8x128xf32, #tpu.memory_space<vmem>>, vector<1x1x1x16xf32>,
      %get3A_697 = vector.shape_cast %get3A_696 : vector<1x1x1x16xf32> to vector<16xf32>
      %mul3A_698 = arith.constant 4.300000e+01 : f32
      %mul3A_699 = vector.broadcast %mul3A_698 : f32 to vector<16xf32>
      %mul3A_700 = arith.mulf %get3A_697, %mul3A_699 : vector<16xf32>
      %max3A_701 = arith.maximumf %max3A_689, %mul3A_700 : vector<16xf32>
      %get3A_702 = arith.constant 1 : i32
      %get3A_703 = arith.constant 7 : i32
      %get3A_704 = arith.index_cast %get3A_702 : i32 to index
      %get3A_705 = arith.index_cast %get3A_703 : i32 to index
      %get3A_706 = arith.index_cast %select_n3A_602 : i32 to index
      %get3A_707 = arith.index_cast %mul3A_620 : i32 to index
      %get3A_708 = tpu.vector_load %arg4[%get3A_704, %get3A_705, %get3A_706, %get3A_707] {strides = array<i32>} : memref<2x50x8x128xf32, #tpu.memory_space<vmem>>, vector<1x1x1x16xf32>,
      %get3A_709 = vector.shape_cast %get3A_708 : vector<1x1x1x16xf32> to vector<16xf32>
      %mul3A_710 = arith.constant 4.200000e+01 : f32
      %mul3A_711 = vector.broadcast %mul3A_710 : f32 to vector<16xf32>
      %mul3A_712 = arith.mulf %get3A_709, %mul3A_711 : vector<16xf32>
      %max3A_713 = arith.maximumf %max3A_701, %mul3A_712 : vector<16xf32>
      %get3A_714 = arith.constant 1 : i32
      %get3A_715 = arith.constant 8 : i32
      %get3A_716 = arith.index_cast %get3A_714 : i32 to index
      %get3A_717 = arith.index_cast %get3A_715 : i32 to index
      %get3A_718 = arith.index_cast %select_n3A_602 : i32 to index
      %get3A_719 = arith.index_cast %mul3A_620 : i32 to index
      %get3A_720 = tpu.vector_load %arg4[%get3A_716, %get3A_717, %get3A_718, %get3A_719] {strides = array<i32>} : memref<2x50x8x128xf32, #tpu.memory_space<vmem>>, vector<1x1x1x16xf32>,
      %get3A_721 = vector.shape_cast %get3A_720 : vector<1x1x1x16xf32> to vector<16xf32>
      %mul3A_722 = arith.constant 4.100000e+01 : f32
      %mul3A_723 = vector.broadcast %mul3A_722 : f32 to vector<16xf32>
      %mul3A_724 = arith.mulf %get3A_721, %mul3A_723 : vector<16xf32>
      %max3A_725 = arith.maximumf %max3A_713, %mul3A_724 : vector<16xf32>
      %get3A_726 = arith.constant 1 : i32
      %get3A_727 = arith.constant 9 : i32
      %get3A_728 = arith.index_cast %get3A_726 : i32 to index
      %get3A_729 = arith.index_cast %get3A_727 : i32 to index
      %get3A_730 = arith.index_cast %select_n3A_602 : i32 to index
      %get3A_731 = arith.index_cast %mul3A_620 : i32 to index
      %get3A_732 = tpu.vector_load %arg4[%get3A_728, %get3A_729, %get3A_730, %get3A_731] {strides = array<i32>} : memref<2x50x8x128xf32, #tpu.memory_space<vmem>>, vector<1x1x1x16xf32>,
      %get3A_733 = vector.shape_cast %get3A_732 : vector<1x1x1x16xf32> to vector<16xf32>
      %mul3A_734 = arith.constant 4.000000e+01 : f32
      %mul3A_735 = vector.broadcast %mul3A_734 : f32 to vector<16xf32>
      %mul3A_736 = arith.mulf %get3A_733, %mul3A_735 : vector<16xf32>
      %max3A_737 = arith.maximumf %max3A_725, %mul3A_736 : vector<16xf32>
      %get3A_738 = arith.constant 1 : i32
      %get3A_739 = arith.constant 10 : i32
      %get3A_740 = arith.index_cast %get3A_738 : i32 to index
      %get3A_741 = arith.index_cast %get3A_739 : i32 to index
      %get3A_742 = arith.index_cast %select_n3A_602 : i32 to index
      %get3A_743 = arith.index_cast %mul3A_620 : i32 to index
      %get3A_744 = tpu.vector_load %arg4[%get3A_740, %get3A_741, %get3A_742, %get3A_743] {strides = array<i32>} : memref<2x50x8x128xf32, #tpu.memory_space<vmem>>, vector<1x1x1x16xf32>,
      %get3A_745 = vector.shape_cast %get3A_744 : vector<1x1x1x16xf32> to vector<16xf32>
      %mul3A_746 = arith.constant 3.900000e+01 : f32
      %mul3A_747 = vector.broadcast %mul3A_746 : f32 to vector<16xf32>
      %mul3A_748 = arith.mulf %get3A_745, %mul3A_747 : vector<16xf32>
      %max3A_749 = arith.maximumf %max3A_737, %mul3A_748 : vector<16xf32>
      %get3A_750 = arith.constant 1 : i32
      %get3A_751 = arith.constant 11 : i32
      %get3A_752 = arith.index_cast %get3A_750 : i32 to index
      %get3A_753 = arith.index_cast %get3A_751 : i32 to index
      %get3A_754 = arith.index_cast %select_n3A_602 : i32 to index
      %get3A_755 = arith.index_cast %mul3A_620 : i32 to index
      %get3A_756 = tpu.vector_load %arg4[%get3A_752, %get3A_753, %get3A_754, %get3A_755] {strides = array<i32>} : memref<2x50x8x128xf32, #tpu.memory_space<vmem>>, vector<1x1x1x16xf32>,
      %get3A_757 = vector.shape_cast %get3A_756 : vector<1x1x1x16xf32> to vector<16xf32>
      %mul3A_758 = arith.constant 3.800000e+01 : f32
      %mul3A_759 = vector.broadcast %mul3A_758 : f32 to vector<16xf32>
      %mul3A_760 = arith.mulf %get3A_757, %mul3A_759 : vector<16xf32>
      %max3A_761 = arith.maximumf %max3A_749, %mul3A_760 : vector<16xf32>
      %get3A_762 = arith.constant 1 : i32
      %get3A_763 = arith.constant 12 : i32
      %get3A_764 = arith.index_cast %get3A_762 : i32 to index
      %get3A_765 = arith.index_cast %get3A_763 : i32 to index
      %get3A_766 = arith.index_cast %select_n3A_602 : i32 to index
      %get3A_767 = arith.index_cast %mul3A_620 : i32 to index
      %get3A_768 = tpu.vector_load %arg4[%get3A_764, %get3A_765, %get3A_766, %get3A_767] {strides = array<i32>} : memref<2x50x8x128xf32, #tpu.memory_space<vmem>>, vector<1x1x1x16xf32>,
      %get3A_769 = vector.shape_cast %get3A_768 : vector<1x1x1x16xf32> to vector<16xf32>
      %mul3A_770 = arith.constant 3.700000e+01 : f32
      %mul3A_771 = vector.broadcast %mul3A_770 : f32 to vector<16xf32>
      %mul3A_772 = arith.mulf %get3A_769, %mul3A_771 : vector<16xf32>
      %max3A_773 = arith.maximumf %max3A_761, %mul3A_772 : vector<16xf32>
      %get3A_774 = arith.constant 1 : i32
      %get3A_775 = arith.constant 13 : i32
      %get3A_776 = arith.index_cast %get3A_774 : i32 to index
      %get3A_777 = arith.index_cast %get3A_775 : i32 to index
      %get3A_778 = arith.index_cast %select_n3A_602 : i32 to index
      %get3A_779 = arith.index_cast %mul3A_620 : i32 to index
      %get3A_780 = tpu.vector_load %arg4[%get3A_776, %get3A_777, %get3A_778, %get3A_779] {strides = array<i32>} : memref<2x50x8x128xf32, #tpu.memory_space<vmem>>, vector<1x1x1x16xf32>,
      %get3A_781 = vector.shape_cast %get3A_780 : vector<1x1x1x16xf32> to vector<16xf32>
      %mul3A_782 = arith.constant 3.600000e+01 : f32
      %mul3A_783 = vector.broadcast %mul3A_782 : f32 to vector<16xf32>
      %mul3A_784 = arith.mulf %get3A_781, %mul3A_783 : vector<16xf32>
      %max3A_785 = arith.maximumf %max3A_773, %mul3A_784 : vector<16xf32>
      %get3A_786 = arith.constant 1 : i32
      %get3A_787 = arith.constant 14 : i32
      %get3A_788 = arith.index_cast %get3A_786 : i32 to index
      %get3A_789 = arith.index_cast %get3A_787 : i32 to index
      %get3A_790 = arith.index_cast %select_n3A_602 : i32 to index
      %get3A_791 = arith.index_cast %mul3A_620 : i32 to index
      %get3A_792 = tpu.vector_load %arg4[%get3A_788, %get3A_789, %get3A_790, %get3A_791] {strides = array<i32>} : memref<2x50x8x128xf32, #tpu.memory_space<vmem>>, vector<1x1x1x16xf32>,
      %get3A_793 = vector.shape_cast %get3A_792 : vector<1x1x1x16xf32> to vector<16xf32>
      %mul3A_794 = arith.constant 3.500000e+01 : f32
      %mul3A_795 = vector.broadcast %mul3A_794 : f32 to vector<16xf32>
      %mul3A_796 = arith.mulf %get3A_793, %mul3A_795 : vector<16xf32>
      %max3A_797 = arith.maximumf %max3A_785, %mul3A_796 : vector<16xf32>
      %get3A_798 = arith.constant 1 : i32
      %get3A_799 = arith.constant 15 : i32
      %get3A_800 = arith.index_cast %get3A_798 : i32 to index
      %get3A_801 = arith.index_cast %get3A_799 : i32 to index
      %get3A_802 = arith.index_cast %select_n3A_602 : i32 to index
      %get3A_803 = arith.index_cast %mul3A_620 : i32 to index
      %get3A_804 = tpu.vector_load %arg4[%get3A_800, %get3A_801, %get3A_802, %get3A_803] {strides = array<i32>} : memref<2x50x8x128xf32, #tpu.memory_space<vmem>>, vector<1x1x1x16xf32>,
      %get3A_805 = vector.shape_cast %get3A_804 : vector<1x1x1x16xf32> to vector<16xf32>
      %mul3A_806 = arith.constant 3.400000e+01 : f32
      %mul3A_807 = vector.broadcast %mul3A_806 : f32 to vector<16xf32>
      %mul3A_808 = arith.mulf %get3A_805, %mul3A_807 : vector<16xf32>
      %max3A_809 = arith.maximumf %max3A_797, %mul3A_808 : vector<16xf32>
      %get3A_810 = arith.constant 1 : i32
      %get3A_811 = arith.constant 16 : i32
      %get3A_812 = arith.index_cast %get3A_810 : i32 to index
      %get3A_813 = arith.index_cast %get3A_811 : i32 to index
      %get3A_814 = arith.index_cast %select_n3A_602 : i32 to index
      %get3A_815 = arith.index_cast %mul3A_620 : i32 to index
      %get3A_816 = tpu.vector_load %arg4[%get3A_812, %get3A_813, %get3A_814, %get3A_815] {strides = array<i32>} : memref<2x50x8x128xf32, #tpu.memory_space<vmem>>, vector<1x1x1x16xf32>,
      %get3A_817 = vector.shape_cast %get3A_816 : vector<1x1x1x16xf32> to vector<16xf32>
      %mul3A_818 = arith.constant 3.300000e+01 : f32
      %mul3A_819 = vector.broadcast %mul3A_818 : f32 to vector<16xf32>
      %mul3A_820 = arith.mulf %get3A_817, %mul3A_819 : vector<16xf32>
      %max3A_821 = arith.maximumf %max3A_809, %mul3A_820 : vector<16xf32>
      %get3A_822 = arith.constant 1 : i32
      %get3A_823 = arith.constant 17 : i32
      %get3A_824 = arith.index_cast %get3A_822 : i32 to index
      %get3A_825 = arith.index_cast %get3A_823 : i32 to index
      %get3A_826 = arith.index_cast %select_n3A_602 : i32 to index
      %get3A_827 = arith.index_cast %mul3A_620 : i32 to index
      %get3A_828 = tpu.vector_load %arg4[%get3A_824, %get3A_825, %get3A_826, %get3A_827] {strides = array<i32>} : memref<2x50x8x128xf32, #tpu.memory_space<vmem>>, vector<1x1x1x16xf32>,
      %get3A_829 = vector.shape_cast %get3A_828 : vector<1x1x1x16xf32> to vector<16xf32>
      %mul3A_830 = arith.constant 3.200000e+01 : f32
      %mul3A_831 = vector.broadcast %mul3A_830 : f32 to vector<16xf32>
      %mul3A_832 = arith.mulf %get3A_829, %mul3A_831 : vector<16xf32>
      %max3A_833 = arith.maximumf %max3A_821, %mul3A_832 : vector<16xf32>
      %get3A_834 = arith.constant 1 : i32
      %get3A_835 = arith.constant 18 : i32
      %get3A_836 = arith.index_cast %get3A_834 : i32 to index
      %get3A_837 = arith.index_cast %get3A_835 : i32 to index
      %get3A_838 = arith.index_cast %select_n3A_602 : i32 to index
      %get3A_839 = arith.index_cast %mul3A_620 : i32 to index
      %get3A_840 = tpu.vector_load %arg4[%get3A_836, %get3A_837, %get3A_838, %get3A_839] {strides = array<i32>} : memref<2x50x8x128xf32, #tpu.memory_space<vmem>>, vector<1x1x1x16xf32>,
      %get3A_841 = vector.shape_cast %get3A_840 : vector<1x1x1x16xf32> to vector<16xf32>
      %mul3A_842 = arith.constant 3.100000e+01 : f32
      %mul3A_843 = vector.broadcast %mul3A_842 : f32 to vector<16xf32>
      %mul3A_844 = arith.mulf %get3A_841, %mul3A_843 : vector<16xf32>
      %max3A_845 = arith.maximumf %max3A_833, %mul3A_844 : vector<16xf32>
      %get3A_846 = arith.constant 1 : i32
      %get3A_847 = arith.constant 19 : i32
      %get3A_848 = arith.index_cast %get3A_846 : i32 to index
      %get3A_849 = arith.index_cast %get3A_847 : i32 to index
      %get3A_850 = arith.index_cast %select_n3A_602 : i32 to index
      %get3A_851 = arith.index_cast %mul3A_620 : i32 to index
      %get3A_852 = tpu.vector_load %arg4[%get3A_848, %get3A_849, %get3A_850, %get3A_851] {strides = array<i32>} : memref<2x50x8x128xf32, #tpu.memory_space<vmem>>, vector<1x1x1x16xf32>,
      %get3A_853 = vector.shape_cast %get3A_852 : vector<1x1x1x16xf32> to vector<16xf32>
      %mul3A_854 = arith.constant 3.000000e+01 : f32
      %mul3A_855 = vector.broadcast %mul3A_854 : f32 to vector<16xf32>
      %mul3A_856 = arith.mulf %get3A_853, %mul3A_855 : vector<16xf32>
      %max3A_857 = arith.maximumf %max3A_845, %mul3A_856 : vector<16xf32>
      %get3A_858 = arith.constant 1 : i32
      %get3A_859 = arith.constant 20 : i32
      %get3A_860 = arith.index_cast %get3A_858 : i32 to index
      %get3A_861 = arith.index_cast %get3A_859 : i32 to index
      %get3A_862 = arith.index_cast %select_n3A_602 : i32 to index
      %get3A_863 = arith.index_cast %mul3A_620 : i32 to index
      %get3A_864 = tpu.vector_load %arg4[%get3A_860, %get3A_861, %get3A_862, %get3A_863] {strides = array<i32>} : memref<2x50x8x128xf32, #tpu.memory_space<vmem>>, vector<1x1x1x16xf32>,
      %get3A_865 = vector.shape_cast %get3A_864 : vector<1x1x1x16xf32> to vector<16xf32>
      %mul3A_866 = arith.constant 2.900000e+01 : f32
      %mul3A_867 = vector.broadcast %mul3A_866 : f32 to vector<16xf32>
      %mul3A_868 = arith.mulf %get3A_865, %mul3A_867 : vector<16xf32>
      %max3A_869 = arith.maximumf %max3A_857, %mul3A_868 : vector<16xf32>
      %get3A_870 = arith.constant 1 : i32
      %get3A_871 = arith.constant 21 : i32
      %get3A_872 = arith.index_cast %get3A_870 : i32 to index
      %get3A_873 = arith.index_cast %get3A_871 : i32 to index
      %get3A_874 = arith.index_cast %select_n3A_602 : i32 to index
      %get3A_875 = arith.index_cast %mul3A_620 : i32 to index
      %get3A_876 = tpu.vector_load %arg4[%get3A_872, %get3A_873, %get3A_874, %get3A_875] {strides = array<i32>} : memref<2x50x8x128xf32, #tpu.memory_space<vmem>>, vector<1x1x1x16xf32>,
      %get3A_877 = vector.shape_cast %get3A_876 : vector<1x1x1x16xf32> to vector<16xf32>
      %mul3A_878 = arith.constant 2.800000e+01 : f32
      %mul3A_879 = vector.broadcast %mul3A_878 : f32 to vector<16xf32>
      %mul3A_880 = arith.mulf %get3A_877, %mul3A_879 : vector<16xf32>
      %max3A_881 = arith.maximumf %max3A_869, %mul3A_880 : vector<16xf32>
      %get3A_882 = arith.constant 1 : i32
      %get3A_883 = arith.constant 22 : i32
      %get3A_884 = arith.index_cast %get3A_882 : i32 to index
      %get3A_885 = arith.index_cast %get3A_883 : i32 to index
      %get3A_886 = arith.index_cast %select_n3A_602 : i32 to index
      %get3A_887 = arith.index_cast %mul3A_620 : i32 to index
      %get3A_888 = tpu.vector_load %arg4[%get3A_884, %get3A_885, %get3A_886, %get3A_887] {strides = array<i32>} : memref<2x50x8x128xf32, #tpu.memory_space<vmem>>, vector<1x1x1x16xf32>,
      %get3A_889 = vector.shape_cast %get3A_888 : vector<1x1x1x16xf32> to vector<16xf32>
      %mul3A_890 = arith.constant 2.700000e+01 : f32
      %mul3A_891 = vector.broadcast %mul3A_890 : f32 to vector<16xf32>
      %mul3A_892 = arith.mulf %get3A_889, %mul3A_891 : vector<16xf32>
      %max3A_893 = arith.maximumf %max3A_881, %mul3A_892 : vector<16xf32>
      %get3A_894 = arith.constant 1 : i32
      %get3A_895 = arith.constant 23 : i32
      %get3A_896 = arith.index_cast %get3A_894 : i32 to index
      %get3A_897 = arith.index_cast %get3A_895 : i32 to index
      %get3A_898 = arith.index_cast %select_n3A_602 : i32 to index
      %get3A_899 = arith.index_cast %mul3A_620 : i32 to index
      %get3A_900 = tpu.vector_load %arg4[%get3A_896, %get3A_897, %get3A_898, %get3A_899] {strides = array<i32>} : memref<2x50x8x128xf32, #tpu.memory_space<vmem>>, vector<1x1x1x16xf32>,
      %get3A_901 = vector.shape_cast %get3A_900 : vector<1x1x1x16xf32> to vector<16xf32>
      %mul3A_902 = arith.constant 2.600000e+01 : f32
      %mul3A_903 = vector.broadcast %mul3A_902 : f32 to vector<16xf32>
      %mul3A_904 = arith.mulf %get3A_901, %mul3A_903 : vector<16xf32>
      %max3A_905 = arith.maximumf %max3A_893, %mul3A_904 : vector<16xf32>
      %get3A_906 = arith.constant 1 : i32
      %get3A_907 = arith.constant 24 : i32
      %get3A_908 = arith.index_cast %get3A_906 : i32 to index
      %get3A_909 = arith.index_cast %get3A_907 : i32 to index
      %get3A_910 = arith.index_cast %select_n3A_602 : i32 to index
      %get3A_911 = arith.index_cast %mul3A_620 : i32 to index
      %get3A_912 = tpu.vector_load %arg4[%get3A_908, %get3A_909, %get3A_910, %get3A_911] {strides = array<i32>} : memref<2x50x8x128xf32, #tpu.memory_space<vmem>>, vector<1x1x1x16xf32>,
      %get3A_913 = vector.shape_cast %get3A_912 : vector<1x1x1x16xf32> to vector<16xf32>
      %mul3A_914 = arith.constant 2.500000e+01 : f32
      %mul3A_915 = vector.broadcast %mul3A_914 : f32 to vector<16xf32>
      %mul3A_916 = arith.mulf %get3A_913, %mul3A_915 : vector<16xf32>
      %max3A_917 = arith.maximumf %max3A_905, %mul3A_916 : vector<16xf32>
      %get3A_918 = arith.constant 1 : i32
      %get3A_919 = arith.constant 25 : i32
      %get3A_920 = arith.index_cast %get3A_918 : i32 to index
      %get3A_921 = arith.index_cast %get3A_919 : i32 to index
      %get3A_922 = arith.index_cast %select_n3A_602 : i32 to index
      %get3A_923 = arith.index_cast %mul3A_620 : i32 to index
      %get3A_924 = tpu.vector_load %arg4[%get3A_920, %get3A_921, %get3A_922, %get3A_923] {strides = array<i32>} : memref<2x50x8x128xf32, #tpu.memory_space<vmem>>, vector<1x1x1x16xf32>,
      %get3A_925 = vector.shape_cast %get3A_924 : vector<1x1x1x16xf32> to vector<16xf32>
      %mul3A_926 = arith.constant 2.400000e+01 : f32
      %mul3A_927 = vector.broadcast %mul3A_926 : f32 to vector<16xf32>
      %mul3A_928 = arith.mulf %get3A_925, %mul3A_927 : vector<16xf32>
      %max3A_929 = arith.maximumf %max3A_917, %mul3A_928 : vector<16xf32>
      %get3A_930 = arith.constant 1 : i32
      %get3A_931 = arith.constant 26 : i32
      %get3A_932 = arith.index_cast %get3A_930 : i32 to index
      %get3A_933 = arith.index_cast %get3A_931 : i32 to index
      %get3A_934 = arith.index_cast %select_n3A_602 : i32 to index
      %get3A_935 = arith.index_cast %mul3A_620 : i32 to index
      %get3A_936 = tpu.vector_load %arg4[%get3A_932, %get3A_933, %get3A_934, %get3A_935] {strides = array<i32>} : memref<2x50x8x128xf32, #tpu.memory_space<vmem>>, vector<1x1x1x16xf32>,
      %get3A_937 = vector.shape_cast %get3A_936 : vector<1x1x1x16xf32> to vector<16xf32>
      %mul3A_938 = arith.constant 2.300000e+01 : f32
      %mul3A_939 = vector.broadcast %mul3A_938 : f32 to vector<16xf32>
      %mul3A_940 = arith.mulf %get3A_937, %mul3A_939 : vector<16xf32>
      %max3A_941 = arith.maximumf %max3A_929, %mul3A_940 : vector<16xf32>
      %get3A_942 = arith.constant 1 : i32
      %get3A_943 = arith.constant 27 : i32
      %get3A_944 = arith.index_cast %get3A_942 : i32 to index
      %get3A_945 = arith.index_cast %get3A_943 : i32 to index
      %get3A_946 = arith.index_cast %select_n3A_602 : i32 to index
      %get3A_947 = arith.index_cast %mul3A_620 : i32 to index
      %get3A_948 = tpu.vector_load %arg4[%get3A_944, %get3A_945, %get3A_946, %get3A_947] {strides = array<i32>} : memref<2x50x8x128xf32, #tpu.memory_space<vmem>>, vector<1x1x1x16xf32>,
      %get3A_949 = vector.shape_cast %get3A_948 : vector<1x1x1x16xf32> to vector<16xf32>
      %mul3A_950 = arith.constant 2.200000e+01 : f32
      %mul3A_951 = vector.broadcast %mul3A_950 : f32 to vector<16xf32>
      %mul3A_952 = arith.mulf %get3A_949, %mul3A_951 : vector<16xf32>
      %max3A_953 = arith.maximumf %max3A_941, %mul3A_952 : vector<16xf32>
      %get3A_954 = arith.constant 1 : i32
      %get3A_955 = arith.constant 28 : i32
      %get3A_956 = arith.index_cast %get3A_954 : i32 to index
      %get3A_957 = arith.index_cast %get3A_955 : i32 to index
      %get3A_958 = arith.index_cast %select_n3A_602 : i32 to index
      %get3A_959 = arith.index_cast %mul3A_620 : i32 to index
      %get3A_960 = tpu.vector_load %arg4[%get3A_956, %get3A_957, %get3A_958, %get3A_959] {strides = array<i32>} : memref<2x50x8x128xf32, #tpu.memory_space<vmem>>, vector<1x1x1x16xf32>,
      %get3A_961 = vector.shape_cast %get3A_960 : vector<1x1x1x16xf32> to vector<16xf32>
      %mul3A_962 = arith.constant 2.100000e+01 : f32
      %mul3A_963 = vector.broadcast %mul3A_962 : f32 to vector<16xf32>
      %mul3A_964 = arith.mulf %get3A_961, %mul3A_963 : vector<16xf32>
      %max3A_965 = arith.maximumf %max3A_953, %mul3A_964 : vector<16xf32>
      %get3A_966 = arith.constant 1 : i32
      %get3A_967 = arith.constant 29 : i32
      %get3A_968 = arith.index_cast %get3A_966 : i32 to index
      %get3A_969 = arith.index_cast %get3A_967 : i32 to index
      %get3A_970 = arith.index_cast %select_n3A_602 : i32 to index
      %get3A_971 = arith.index_cast %mul3A_620 : i32 to index
      %get3A_972 = tpu.vector_load %arg4[%get3A_968, %get3A_969, %get3A_970, %get3A_971] {strides = array<i32>} : memref<2x50x8x128xf32, #tpu.memory_space<vmem>>, vector<1x1x1x16xf32>,
      %get3A_973 = vector.shape_cast %get3A_972 : vector<1x1x1x16xf32> to vector<16xf32>
      %mul3A_974 = arith.constant 2.000000e+01 : f32
      %mul3A_975 = vector.broadcast %mul3A_974 : f32 to vector<16xf32>
      %mul3A_976 = arith.mulf %get3A_973, %mul3A_975 : vector<16xf32>
      %max3A_977 = arith.maximumf %max3A_965, %mul3A_976 : vector<16xf32>
      %get3A_978 = arith.constant 1 : i32
      %get3A_979 = arith.constant 30 : i32
      %get3A_980 = arith.index_cast %get3A_978 : i32 to index
      %get3A_981 = arith.index_cast %get3A_979 : i32 to index
      %get3A_982 = arith.index_cast %select_n3A_602 : i32 to index
      %get3A_983 = arith.index_cast %mul3A_620 : i32 to index
      %get3A_984 = tpu.vector_load %arg4[%get3A_980, %get3A_981, %get3A_982, %get3A_983] {strides = array<i32>} : memref<2x50x8x128xf32, #tpu.memory_space<vmem>>, vector<1x1x1x16xf32>,
      %get3A_985 = vector.shape_cast %get3A_984 : vector<1x1x1x16xf32> to vector<16xf32>
      %mul3A_986 = arith.constant 1.900000e+01 : f32
      %mul3A_987 = vector.broadcast %mul3A_986 : f32 to vector<16xf32>
      %mul3A_988 = arith.mulf %get3A_985, %mul3A_987 : vector<16xf32>
      %max3A_989 = arith.maximumf %max3A_977, %mul3A_988 : vector<16xf32>
      %get3A_990 = arith.constant 1 : i32
      %get3A_991 = arith.constant 31 : i32
      %get3A_992 = arith.index_cast %get3A_990 : i32 to index
      %get3A_993 = arith.index_cast %get3A_991 : i32 to index
      %get3A_994 = arith.index_cast %select_n3A_602 : i32 to index
      %get3A_995 = arith.index_cast %mul3A_620 : i32 to index
      %get3A_996 = tpu.vector_load %arg4[%get3A_992, %get3A_993, %get3A_994, %get3A_995] {strides = array<i32>} : memref<2x50x8x128xf32, #tpu.memory_space<vmem>>, vector<1x1x1x16xf32>,
      %get3A_997 = vector.shape_cast %get3A_996 : vector<1x1x1x16xf32> to vector<16xf32>
      %mul3A_998 = arith.constant 1.800000e+01 : f32
      %mul3A_999 = vector.broadcast %mul3A_998 : f32 to vector<16xf32>
      %mul3A_1000 = arith.mulf %get3A_997, %mul3A_999 : vector<16xf32>
      %max3A_1001 = arith.maximumf %max3A_989, %mul3A_1000 : vector<16xf32>
      %get3A_1002 = arith.constant 1 : i32
      %get3A_1003 = arith.constant 32 : i32
      %get3A_1004 = arith.index_cast %get3A_1002 : i32 to index
      %get3A_1005 = arith.index_cast %get3A_1003 : i32 to index
      %get3A_1006 = arith.index_cast %select_n3A_602 : i32 to index
      %get3A_1007 = arith.index_cast %mul3A_620 : i32 to index
      %get3A_1008 = tpu.vector_load %arg4[%get3A_1004, %get3A_1005, %get3A_1006, %get3A_1007] {strides = array<i32>} : memref<2x50x8x128xf32, #tpu.memory_space<vmem>>, vector<1x1x1x16xf32>,
      %get3A_1009 = vector.shape_cast %get3A_1008 : vector<1x1x1x16xf32> to vector<16xf32>
      %mul3A_1010 = arith.constant 1.700000e+01 : f32
      %mul3A_1011 = vector.broadcast %mul3A_1010 : f32 to vector<16xf32>
      %mul3A_1012 = arith.mulf %get3A_1009, %mul3A_1011 : vector<16xf32>
      %max3A_1013 = arith.maximumf %max3A_1001, %mul3A_1012 : vector<16xf32>
      %get3A_1014 = arith.constant 1 : i32
      %get3A_1015 = arith.constant 33 : i32
      %get3A_1016 = arith.index_cast %get3A_1014 : i32 to index
      %get3A_1017 = arith.index_cast %get3A_1015 : i32 to index
      %get3A_1018 = arith.index_cast %select_n3A_602 : i32 to index
      %get3A_1019 = arith.index_cast %mul3A_620 : i32 to index
      %get3A_1020 = tpu.vector_load %arg4[%get3A_1016, %get3A_1017, %get3A_1018, %get3A_1019] {strides = array<i32>} : memref<2x50x8x128xf32, #tpu.memory_space<vmem>>, vector<1x1x1x16xf32>,
      %get3A_1021 = vector.shape_cast %get3A_1020 : vector<1x1x1x16xf32> to vector<16xf32>
      %mul3A_1022 = arith.constant 1.600000e+01 : f32
      %mul3A_1023 = vector.broadcast %mul3A_1022 : f32 to vector<16xf32>
      %mul3A_1024 = arith.mulf %get3A_1021, %mul3A_1023 : vector<16xf32>
      %max3A_1025 = arith.maximumf %max3A_1013, %mul3A_1024 : vector<16xf32>
      %get3A_1026 = arith.constant 1 : i32
      %get3A_1027 = arith.constant 34 : i32
      %get3A_1028 = arith.index_cast %get3A_1026 : i32 to index
      %get3A_1029 = arith.index_cast %get3A_1027 : i32 to index
      %get3A_1030 = arith.index_cast %select_n3A_602 : i32 to index
      %get3A_1031 = arith.index_cast %mul3A_620 : i32 to index
      %get3A_1032 = tpu.vector_load %arg4[%get3A_1028, %get3A_1029, %get3A_1030, %get3A_1031] {strides = array<i32>} : memref<2x50x8x128xf32, #tpu.memory_space<vmem>>, vector<1x1x1x16xf32>,
      %get3A_1033 = vector.shape_cast %get3A_1032 : vector<1x1x1x16xf32> to vector<16xf32>
      %mul3A_1034 = arith.constant 1.500000e+01 : f32
      %mul3A_1035 = vector.broadcast %mul3A_1034 : f32 to vector<16xf32>
      %mul3A_1036 = arith.mulf %get3A_1033, %mul3A_1035 : vector<16xf32>
      %max3A_1037 = arith.maximumf %max3A_1025, %mul3A_1036 : vector<16xf32>
      %get3A_1038 = arith.constant 1 : i32
      %get3A_1039 = arith.constant 35 : i32
      %get3A_1040 = arith.index_cast %get3A_1038 : i32 to index
      %get3A_1041 = arith.index_cast %get3A_1039 : i32 to index
      %get3A_1042 = arith.index_cast %select_n3A_602 : i32 to index
      %get3A_1043 = arith.index_cast %mul3A_620 : i32 to index
      %get3A_1044 = tpu.vector_load %arg4[%get3A_1040, %get3A_1041, %get3A_1042, %get3A_1043] {strides = array<i32>} : memref<2x50x8x128xf32, #tpu.memory_space<vmem>>, vector<1x1x1x16xf32>,
      %get3A_1045 = vector.shape_cast %get3A_1044 : vector<1x1x1x16xf32> to vector<16xf32>
      %mul3A_1046 = arith.constant 1.400000e+01 : f32
      %mul3A_1047 = vector.broadcast %mul3A_1046 : f32 to vector<16xf32>
      %mul3A_1048 = arith.mulf %get3A_1045, %mul3A_1047 : vector<16xf32>
      %max3A_1049 = arith.maximumf %max3A_1037, %mul3A_1048 : vector<16xf32>
      %get3A_1050 = arith.constant 1 : i32
      %get3A_1051 = arith.constant 36 : i32
      %get3A_1052 = arith.index_cast %get3A_1050 : i32 to index
      %get3A_1053 = arith.index_cast %get3A_1051 : i32 to index
      %get3A_1054 = arith.index_cast %select_n3A_602 : i32 to index
      %get3A_1055 = arith.index_cast %mul3A_620 : i32 to index
      %get3A_1056 = tpu.vector_load %arg4[%get3A_1052, %get3A_1053, %get3A_1054, %get3A_1055] {strides = array<i32>} : memref<2x50x8x128xf32, #tpu.memory_space<vmem>>, vector<1x1x1x16xf32>,
      %get3A_1057 = vector.shape_cast %get3A_1056 : vector<1x1x1x16xf32> to vector<16xf32>
      %mul3A_1058 = arith.constant 1.300000e+01 : f32
      %mul3A_1059 = vector.broadcast %mul3A_1058 : f32 to vector<16xf32>
      %mul3A_1060 = arith.mulf %get3A_1057, %mul3A_1059 : vector<16xf32>
      %max3A_1061 = arith.maximumf %max3A_1049, %mul3A_1060 : vector<16xf32>
      %get3A_1062 = arith.constant 1 : i32
      %get3A_1063 = arith.constant 37 : i32
      %get3A_1064 = arith.index_cast %get3A_1062 : i32 to index
      %get3A_1065 = arith.index_cast %get3A_1063 : i32 to index
      %get3A_1066 = arith.index_cast %select_n3A_602 : i32 to index
      %get3A_1067 = arith.index_cast %mul3A_620 : i32 to index
      %get3A_1068 = tpu.vector_load %arg4[%get3A_1064, %get3A_1065, %get3A_1066, %get3A_1067] {strides = array<i32>} : memref<2x50x8x128xf32, #tpu.memory_space<vmem>>, vector<1x1x1x16xf32>,
      %get3A_1069 = vector.shape_cast %get3A_1068 : vector<1x1x1x16xf32> to vector<16xf32>
      %mul3A_1070 = arith.constant 1.200000e+01 : f32
      %mul3A_1071 = vector.broadcast %mul3A_1070 : f32 to vector<16xf32>
      %mul3A_1072 = arith.mulf %get3A_1069, %mul3A_1071 : vector<16xf32>
      %max3A_1073 = arith.maximumf %max3A_1061, %mul3A_1072 : vector<16xf32>
      %get3A_1074 = arith.constant 1 : i32
      %get3A_1075 = arith.constant 38 : i32
      %get3A_1076 = arith.index_cast %get3A_1074 : i32 to index
      %get3A_1077 = arith.index_cast %get3A_1075 : i32 to index
      %get3A_1078 = arith.index_cast %select_n3A_602 : i32 to index
      %get3A_1079 = arith.index_cast %mul3A_620 : i32 to index
      %get3A_1080 = tpu.vector_load %arg4[%get3A_1076, %get3A_1077, %get3A_1078, %get3A_1079] {strides = array<i32>} : memref<2x50x8x128xf32, #tpu.memory_space<vmem>>, vector<1x1x1x16xf32>,
      %get3A_1081 = vector.shape_cast %get3A_1080 : vector<1x1x1x16xf32> to vector<16xf32>
      %mul3A_1082 = arith.constant 1.100000e+01 : f32
      %mul3A_1083 = vector.broadcast %mul3A_1082 : f32 to vector<16xf32>
      %mul3A_1084 = arith.mulf %get3A_1081, %mul3A_1083 : vector<16xf32>
      %max3A_1085 = arith.maximumf %max3A_1073, %mul3A_1084 : vector<16xf32>
      %get3A_1086 = arith.constant 1 : i32
      %get3A_1087 = arith.constant 39 : i32
      %get3A_1088 = arith.index_cast %get3A_1086 : i32 to index
      %get3A_1089 = arith.index_cast %get3A_1087 : i32 to index
      %get3A_1090 = arith.index_cast %select_n3A_602 : i32 to index
      %get3A_1091 = arith.index_cast %mul3A_620 : i32 to index
      %get3A_1092 = tpu.vector_load %arg4[%get3A_1088, %get3A_1089, %get3A_1090, %get3A_1091] {strides = array<i32>} : memref<2x50x8x128xf32, #tpu.memory_space<vmem>>, vector<1x1x1x16xf32>,
      %get3A_1093 = vector.shape_cast %get3A_1092 : vector<1x1x1x16xf32> to vector<16xf32>
      %mul3A_1094 = arith.constant 1.000000e+01 : f32
      %mul3A_1095 = vector.broadcast %mul3A_1094 : f32 to vector<16xf32>
      %mul3A_1096 = arith.mulf %get3A_1093, %mul3A_1095 : vector<16xf32>
      %max3A_1097 = arith.maximumf %max3A_1085, %mul3A_1096 : vector<16xf32>
      %get3A_1098 = arith.constant 1 : i32
      %get3A_1099 = arith.constant 40 : i32
      %get3A_1100 = arith.index_cast %get3A_1098 : i32 to index
      %get3A_1101 = arith.index_cast %get3A_1099 : i32 to index
      %get3A_1102 = arith.index_cast %select_n3A_602 : i32 to index
      %get3A_1103 = arith.index_cast %mul3A_620 : i32 to index
      %get3A_1104 = tpu.vector_load %arg4[%get3A_1100, %get3A_1101, %get3A_1102, %get3A_1103] {strides = array<i32>} : memref<2x50x8x128xf32, #tpu.memory_space<vmem>>, vector<1x1x1x16xf32>,
      %get3A_1105 = vector.shape_cast %get3A_1104 : vector<1x1x1x16xf32> to vector<16xf32>
      %mul3A_1106 = arith.constant 9.000000e+00 : f32
      %mul3A_1107 = vector.broadcast %mul3A_1106 : f32 to vector<16xf32>
      %mul3A_1108 = arith.mulf %get3A_1105, %mul3A_1107 : vector<16xf32>
      %max3A_1109 = arith.maximumf %max3A_1097, %mul3A_1108 : vector<16xf32>
      %get3A_1110 = arith.constant 1 : i32
      %get3A_1111 = arith.constant 41 : i32
      %get3A_1112 = arith.index_cast %get3A_1110 : i32 to index
      %get3A_1113 = arith.index_cast %get3A_1111 : i32 to index
      %get3A_1114 = arith.index_cast %select_n3A_602 : i32 to index
      %get3A_1115 = arith.index_cast %mul3A_620 : i32 to index
      %get3A_1116 = tpu.vector_load %arg4[%get3A_1112, %get3A_1113, %get3A_1114, %get3A_1115] {strides = array<i32>} : memref<2x50x8x128xf32, #tpu.memory_space<vmem>>, vector<1x1x1x16xf32>,
      %get3A_1117 = vector.shape_cast %get3A_1116 : vector<1x1x1x16xf32> to vector<16xf32>
      %mul3A_1118 = arith.constant 8.000000e+00 : f32
      %mul3A_1119 = vector.broadcast %mul3A_1118 : f32 to vector<16xf32>
      %mul3A_1120 = arith.mulf %get3A_1117, %mul3A_1119 : vector<16xf32>
      %max3A_1121 = arith.maximumf %max3A_1109, %mul3A_1120 : vector<16xf32>
      %get3A_1122 = arith.constant 1 : i32
      %get3A_1123 = arith.constant 42 : i32
      %get3A_1124 = arith.index_cast %get3A_1122 : i32 to index
      %get3A_1125 = arith.index_cast %get3A_1123 : i32 to index
      %get3A_1126 = arith.index_cast %select_n3A_602 : i32 to index
      %get3A_1127 = arith.index_cast %mul3A_620 : i32 to index
      %get3A_1128 = tpu.vector_load %arg4[%get3A_1124, %get3A_1125, %get3A_1126, %get3A_1127] {strides = array<i32>} : memref<2x50x8x128xf32, #tpu.memory_space<vmem>>, vector<1x1x1x16xf32>,
      %get3A_1129 = vector.shape_cast %get3A_1128 : vector<1x1x1x16xf32> to vector<16xf32>
      %mul3A_1130 = arith.constant 7.000000e+00 : f32
      %mul3A_1131 = vector.broadcast %mul3A_1130 : f32 to vector<16xf32>
      %mul3A_1132 = arith.mulf %get3A_1129, %mul3A_1131 : vector<16xf32>
      %max3A_1133 = arith.maximumf %max3A_1121, %mul3A_1132 : vector<16xf32>
      %get3A_1134 = arith.constant 1 : i32
      %get3A_1135 = arith.constant 43 : i32
      %get3A_1136 = arith.index_cast %get3A_1134 : i32 to index
      %get3A_1137 = arith.index_cast %get3A_1135 : i32 to index
      %get3A_1138 = arith.index_cast %select_n3A_602 : i32 to index
      %get3A_1139 = arith.index_cast %mul3A_620 : i32 to index
      %get3A_1140 = tpu.vector_load %arg4[%get3A_1136, %get3A_1137, %get3A_1138, %get3A_1139] {strides = array<i32>} : memref<2x50x8x128xf32, #tpu.memory_space<vmem>>, vector<1x1x1x16xf32>,
      %get3A_1141 = vector.shape_cast %get3A_1140 : vector<1x1x1x16xf32> to vector<16xf32>
      %mul3A_1142 = arith.constant 6.000000e+00 : f32
      %mul3A_1143 = vector.broadcast %mul3A_1142 : f32 to vector<16xf32>
      %mul3A_1144 = arith.mulf %get3A_1141, %mul3A_1143 : vector<16xf32>
      %max3A_1145 = arith.maximumf %max3A_1133, %mul3A_1144 : vector<16xf32>
      %get3A_1146 = arith.constant 1 : i32
      %get3A_1147 = arith.constant 44 : i32
      %get3A_1148 = arith.index_cast %get3A_1146 : i32 to index
      %get3A_1149 = arith.index_cast %get3A_1147 : i32 to index
      %get3A_1150 = arith.index_cast %select_n3A_602 : i32 to index
      %get3A_1151 = arith.index_cast %mul3A_620 : i32 to index
      %get3A_1152 = tpu.vector_load %arg4[%get3A_1148, %get3A_1149, %get3A_1150, %get3A_1151] {strides = array<i32>} : memref<2x50x8x128xf32, #tpu.memory_space<vmem>>, vector<1x1x1x16xf32>,
      %get3A_1153 = vector.shape_cast %get3A_1152 : vector<1x1x1x16xf32> to vector<16xf32>
      %mul3A_1154 = arith.constant 5.000000e+00 : f32
      %mul3A_1155 = vector.broadcast %mul3A_1154 : f32 to vector<16xf32>
      %mul3A_1156 = arith.mulf %get3A_1153, %mul3A_1155 : vector<16xf32>
      %max3A_1157 = arith.maximumf %max3A_1145, %mul3A_1156 : vector<16xf32>
      %get3A_1158 = arith.constant 1 : i32
      %get3A_1159 = arith.constant 45 : i32
      %get3A_1160 = arith.index_cast %get3A_1158 : i32 to index
      %get3A_1161 = arith.index_cast %get3A_1159 : i32 to index
      %get3A_1162 = arith.index_cast %select_n3A_602 : i32 to index
      %get3A_1163 = arith.index_cast %mul3A_620 : i32 to index
      %get3A_1164 = tpu.vector_load %arg4[%get3A_1160, %get3A_1161, %get3A_1162, %get3A_1163] {strides = array<i32>} : memref<2x50x8x128xf32, #tpu.memory_space<vmem>>, vector<1x1x1x16xf32>,
      %get3A_1165 = vector.shape_cast %get3A_1164 : vector<1x1x1x16xf32> to vector<16xf32>
      %mul3A_1166 = arith.constant 4.000000e+00 : f32
      %mul3A_1167 = vector.broadcast %mul3A_1166 : f32 to vector<16xf32>
      %mul3A_1168 = arith.mulf %get3A_1165, %mul3A_1167 : vector<16xf32>
      %max3A_1169 = arith.maximumf %max3A_1157, %mul3A_1168 : vector<16xf32>
      %get3A_1170 = arith.constant 1 : i32
      %get3A_1171 = arith.constant 46 : i32
      %get3A_1172 = arith.index_cast %get3A_1170 : i32 to index
      %get3A_1173 = arith.index_cast %get3A_1171 : i32 to index
      %get3A_1174 = arith.index_cast %select_n3A_602 : i32 to index
      %get3A_1175 = arith.index_cast %mul3A_620 : i32 to index
      %get3A_1176 = tpu.vector_load %arg4[%get3A_1172, %get3A_1173, %get3A_1174, %get3A_1175] {strides = array<i32>} : memref<2x50x8x128xf32, #tpu.memory_space<vmem>>, vector<1x1x1x16xf32>,
      %get3A_1177 = vector.shape_cast %get3A_1176 : vector<1x1x1x16xf32> to vector<16xf32>
      %mul3A_1178 = arith.constant 3.000000e+00 : f32
      %mul3A_1179 = vector.broadcast %mul3A_1178 : f32 to vector<16xf32>
      %mul3A_1180 = arith.mulf %get3A_1177, %mul3A_1179 : vector<16xf32>
      %max3A_1181 = arith.maximumf %max3A_1169, %mul3A_1180 : vector<16xf32>
      %get3A_1182 = arith.constant 1 : i32
      %get3A_1183 = arith.constant 47 : i32
      %get3A_1184 = arith.index_cast %get3A_1182 : i32 to index
      %get3A_1185 = arith.index_cast %get3A_1183 : i32 to index
      %get3A_1186 = arith.index_cast %select_n3A_602 : i32 to index
      %get3A_1187 = arith.index_cast %mul3A_620 : i32 to index
      %get3A_1188 = tpu.vector_load %arg4[%get3A_1184, %get3A_1185, %get3A_1186, %get3A_1187] {strides = array<i32>} : memref<2x50x8x128xf32, #tpu.memory_space<vmem>>, vector<1x1x1x16xf32>,
      %get3A_1189 = vector.shape_cast %get3A_1188 : vector<1x1x1x16xf32> to vector<16xf32>
      %mul3A_1190 = arith.constant 2.000000e+00 : f32
      %mul3A_1191 = vector.broadcast %mul3A_1190 : f32 to vector<16xf32>
      %mul3A_1192 = arith.mulf %get3A_1189, %mul3A_1191 : vector<16xf32>
      %max3A_1193 = arith.maximumf %max3A_1181, %mul3A_1192 : vector<16xf32>
      %get3A_1194 = arith.constant 1 : i32
      %get3A_1195 = arith.constant 48 : i32
      %get3A_1196 = arith.index_cast %get3A_1194 : i32 to index
      %get3A_1197 = arith.index_cast %get3A_1195 : i32 to index
      %get3A_1198 = arith.index_cast %select_n3A_602 : i32 to index
      %get3A_1199 = arith.index_cast %mul3A_620 : i32 to index
      %get3A_1200 = tpu.vector_load %arg4[%get3A_1196, %get3A_1197, %get3A_1198, %get3A_1199] {strides = array<i32>} : memref<2x50x8x128xf32, #tpu.memory_space<vmem>>, vector<1x1x1x16xf32>,
      %get3A_1201 = vector.shape_cast %get3A_1200 : vector<1x1x1x16xf32> to vector<16xf32>
      %mul3A_1202 = arith.constant 1.000000e+00 : f32
      %mul3A_1203 = vector.broadcast %mul3A_1202 : f32 to vector<16xf32>
      %mul3A_1204 = arith.mulf %get3A_1201, %mul3A_1203 : vector<16xf32>
      %max3A_1205 = arith.maximumf %max3A_1193, %mul3A_1204 : vector<16xf32>
      %get3A_1206 = arith.constant 1 : i32
      %get3A_1207 = arith.constant 49 : i32
      %get3A_1208 = arith.index_cast %get3A_1206 : i32 to index
      %get3A_1209 = arith.index_cast %get3A_1207 : i32 to index
      %get3A_1210 = arith.index_cast %select_n3A_602 : i32 to index
      %get3A_1211 = arith.index_cast %mul3A_620 : i32 to index
      %get3A_1212 = tpu.vector_load %arg4[%get3A_1208, %get3A_1209, %get3A_1210, %get3A_1211] {strides = array<i32>} : memref<2x50x8x128xf32, #tpu.memory_space<vmem>>, vector<1x1x1x16xf32>,
      %get3A_1213 = vector.shape_cast %get3A_1212 : vector<1x1x1x16xf32> to vector<16xf32>
      %mul3A_1214 = arith.constant 0.000000e+00 : f32
      %mul3A_1215 = vector.broadcast %mul3A_1214 : f32 to vector<16xf32>
      %mul3A_1216 = arith.mulf %get3A_1213, %mul3A_1215 : vector<16xf32>
      %max3A_1217 = arith.maximumf %max3A_1205, %mul3A_1216 : vector<16xf32>
      %get3A_1218 = arith.index_cast %select_n3A_602 : i32 to index
      %get3A_1219 = arith.index_cast %mul3A_620 : i32 to index
      %get3A_1220 = tpu.vector_load %arg5[%get3A_1218, %get3A_1219] {strides = array<i32>} : memref<8x128xf32, #tpu.memory_space<vmem>>, vector<1x16xf32>,
      %get3A_1221 = vector.shape_cast %get3A_1220 : vector<1x16xf32> to vector<16xf32>
      %max3A_1222 = arith.maximumf %max3A_1217, %get3A_1221 : vector<16xf32>
      %swap3A = arith.index_cast %select_n3A_602 : i32 to index
      %swap3A_1223 = arith.index_cast %mul3A_620 : i32 to index
      %swap3A_1224 = tpu.vector_load %arg5[%swap3A, %swap3A_1223] {strides = array<i32>} : memref<8x128xf32, #tpu.memory_space<vmem>>, vector<1x16xf32>,
      %swap3A_1225 = vector.shape_cast %swap3A_1224 : vector<1x16xf32> to vector<16xf32>
      %swap3A_1226 = vector.shape_cast %max3A_1222 : vector<16xf32> to vector<1x16xf32>
      tpu.vector_store %arg5[%swap3A, %swap3A_1223], %swap3A_1226 {strides = array<i32>} : memref<8x128xf32, #tpu.memory_space<vmem>>, vector<1x16xf32>,
    }
    %scan3A_533 = arith.constant 64 : i32
    %jit3A_534 = arith.constant 16 : i32
    %div3A_535 = arith.divsi %add3A_344, %jit3A_534 : i32
    %sign3A_536 = arith.constant 0 : i32
    %sign3A_537 = arith.cmpi sgt, %add3A_344, %sign3A_536 : i32
    %sign3A_538 = arith.extui %sign3A_537 : i1 to i32
    %sign3A_539 = arith.constant 0 : i32
    %sign3A_540 = arith.cmpi slt, %add3A_344, %sign3A_539 : i32
    %sign3A_541 = arith.extui %sign3A_540 : i1 to i32
    %sign3A_542 = arith.subi %sign3A_538, %sign3A_541 : i32
    %sign3A_543 = arith.constant 0 : i32
    %sign3A_544 = arith.cmpi sgt, %jit3A_534, %sign3A_543 : i32
    %sign3A_545 = arith.extui %sign3A_544 : i1 to i32
    %sign3A_546 = arith.constant 0 : i32
    %sign3A_547 = arith.cmpi slt, %jit3A_534, %sign3A_546 : i32
    %sign3A_548 = arith.extui %sign3A_547 : i1 to i32
    %sign3A_549 = arith.subi %sign3A_545, %sign3A_548 : i32
    %ne3A_550 = arith.cmpi ne, %sign3A_542, %sign3A_549 : i32
    %rem3A_551 = arith.remsi %add3A_344, %jit3A_534 : i32
    %ne3A_552 = arith.constant 0 : i32
    %ne3A_553 = arith.cmpi ne, %rem3A_551, %ne3A_552 : i32
    %and3A_554 = arith.andi %ne3A_550, %ne3A_553 : i1
    %sub3A_555 = arith.constant 1 : i32
    %sub3A_556 = arith.subi %div3A_535, %sub3A_555 : i32
    %select_n3A_557 = arith.select %and3A_554, %sub3A_556, %div3A_535 : i32
    %jit3A_558 = arith.constant 16 : i32
    %eq3A_559 = arith.constant 0 : i32
    %eq3A_560 = arith.cmpi eq, %jit3A_558, %eq3A_559 : i32
    %jit3A_561 = arith.constant 1 : i32
    %select_n3A_562 = arith.select %eq3A_560, %jit3A_561, %jit3A_558 : i32
    %rem3A_563 = arith.remsi %add3A_344, %select_n3A_562 : i32
    %ne3A_564 = arith.constant 0 : i32
    %ne3A_565 = arith.cmpi ne, %rem3A_563, %ne3A_564 : i32
    %lt3A_566 = arith.constant 0 : i32
    %lt3A_567 = arith.cmpi slt, %rem3A_563, %lt3A_566 : i32
    %lt3A_568 = arith.constant 0 : i32
    %lt3A_569 = arith.cmpi slt, %select_n3A_562, %lt3A_568 : i32
    %ne3A_570 = arith.xori %lt3A_567, %lt3A_569 : i1
    %and3A_571 = arith.andi %ne3A_570, %ne3A_565 : i1
    %add3A_572 = arith.addi %rem3A_563, %select_n3A_562 : i32
    %select_n3A_573 = arith.select %and3A_571, %add3A_572, %rem3A_563 : i32
    %mul3A_574 = arith.constant 8 : i32
    %mul3A_575 = arith.muli %select_n3A_557, %mul3A_574 : i32
    %mul3A_576 = arith.constant 128 : i32
    %mul3A_577 = arith.muli %select_n3A_573, %mul3A_576 : i32
    "tpu.region"() ({
      %run_scoped3A = tpu.sem_alloc : memref<!tpu.dma_semaphore, #tpu.memory_space<semaphore_mem>>
      %dma_start3A_578 = tpu.memref_slice %arg3[%mul3A_575, %mul3A_577] : memref<32x2048xf32, #tpu.memory_space<hbm>> -> memref<8x128xf32, #tpu.memory_space<hbm>>
      %dma_start3A_579 = tpu.memref_slice %arg3[%mul3A_575, %mul3A_577] : memref<32x2048xf32, #tpu.memory_space<hbm>> -> memref<8x128xf32, #tpu.memory_space<hbm>>
      tpu.enqueue_dma source(%arg5 : memref<8x128xf32, #tpu.memory_space<vmem>>) target(%dma_start3A_579 : memref<8x128xf32, #tpu.memory_space<hbm>>) target_semaphore(%run_scoped3A : memref<!tpu.dma_semaphore, #tpu.memory_space<semaphore_mem>>)
      %dma_wait3A_580 = tpu.memref_slice %arg3[%mul3A_575, %mul3A_577] : memref<32x2048xf32, #tpu.memory_space<hbm>> -> memref<8x128xf32, #tpu.memory_space<hbm>>
      %dma_wait3A_581 = tpu.memref_slice %arg3[%mul3A_575, %mul3A_577] : memref<32x2048xf32, #tpu.memory_space<hbm>> -> memref<8x128xf32, #tpu.memory_space<hbm>>
      tpu.wait_dma2 semaphore(%run_scoped3A : memref<!tpu.dma_semaphore, #tpu.memory_space<semaphore_mem>>) src(%arg5 : memref<8x128xf32, #tpu.memory_space<vmem>>) dst(%dma_wait3A_581 : memref<8x128xf32, #tpu.memory_space<hbm>>)
      tpu.yield
    }) : () -> ()
    return
  }
}

module attributes {stable_mosaic.version = 14 : i64} {
  func.func @_tc_body(%arg0: i32, %arg1: memref<100x16x2048xf32, #tpu.memory_space<vmem>>, %arg2: memref<16x2048xf32, #tpu.memory_space<vmem>>) attributes {dimension_semantics = [#tpu.dimension_semantics<arbitrary>], iteration_bounds = array<i64: 6>, scalar_prefetch = 0 : i64, scratch_operands = 0 : i64, tpu.core_type = #tpu.core_type<tc>, window_params = [{transform_indices = @transform_0, window_bounds = array<i64: 100, 16, 2048>}, {transform_indices = @transform_1, window_bounds = array<i64: 16, 2048>}]} {
    %iota3A = tpu.iota {dimensions = array<i32: 0>} : vector<100x1x1xi32>
    %sub3A = arith.constant 99 : i32
    %sub3A_0 = vector.broadcast %sub3A : i32 to vector<100x1x1xi32>
    %sub3A_1 = arith.subi %sub3A_0, %iota3A : vector<100x1x1xi32>
    %convert_element_type3A = arith.sitofp %sub3A_1 : vector<100x1x1xi32> to vector<100x1x1xf32>
    %get3A = arith.constant 0 : index
    %get3A_2 = arith.constant 0 : index
    %get3A_3 = arith.constant 0 : index
    %get3A_4 = vector.load %arg1[%get3A, %get3A_2, %get3A_3] : memref<100x16x2048xf32, #tpu.memory_space<vmem>>, vector<100x16x2048xf32>
    %mul3A = vector.broadcast %convert_element_type3A : vector<100x1x1xf32> to vector<100x16x2048xf32>
    %mul3A_5 = arith.mulf %get3A_4, %mul3A : vector<100x16x2048xf32>
    %reduce_max3A = arith.constant dense<0xFF800000> : vector<16x2048xf32>
    %reduce_max3A_6 = vector.multi_reduction <maximumf>, %mul3A_5, %reduce_max3A [0] : vector<100x16x2048xf32> to vector<16x2048xf32>
    %swap3A = arith.constant 0 : index
    %swap3A_7 = arith.constant 0 : index
    %swap3A_8 = vector.load %arg2[%swap3A, %swap3A_7] : memref<16x2048xf32, #tpu.memory_space<vmem>>, vector<16x2048xf32>
    tpu.vector_store %arg2[%swap3A, %swap3A_7], %reduce_max3A_6 {strides = array<i32>} : memref<16x2048xf32, #tpu.memory_space<vmem>>, vector<16x2048xf32>,
    return
  }
  func.func @transform_0(%arg0: i32) -> (i32, i32, i32) {
    %add3A = arith.constant 2 : i32
    %add3A_0 = arith.addi %arg0, %add3A : i32
    %c0_i32 = arith.constant 0 : i32
    %c0_i32_1 = arith.constant 0 : i32
    %c0_i32_2 = arith.constant 0 : i32
    return %c0_i32, %add3A_0, %c0_i32_1 : i32, i32, i32
  }
  func.func @transform_1(%arg0: i32) -> (i32, i32) {
    %c0_i32 = arith.constant 0 : i32
    %c0_i32_0 = arith.constant 0 : i32
    return %arg0, %c0_i32 : i32, i32
  }
}

</mosaic_0001>

<sc_bundles>
// kernel: kernel.4.cloned.1.call-start
scs
__scs_entry_jumppad:
0x0: {  	(pc) =	sbr.rel $0x88, $3  }
0x1: {  	(tag) =	ssettag $0x0;
	lr =	simm.s32 $0x1  }
0x2: {  	[smem:$0x3FA0] =	sst lr;
	_ =	strace $0xD0000000  }
0x3: {  	_ = 	snop  }
0x4: {  	_ = 	snop  }
0x5: {  	_ = 	snop  }
0x6: {  	_ = 	snop  }
0x7: {  	_ = 	snop  }
__scs_overlays_trampoline_lowered:
0x8: {  	[smem:$0x3FAF] =	sst s0  }
0x9: {  	[smem:$0x3FB0] =	sst s1  }
0xa: {  	[smem:$0x3FB1] =	sst s2  }
0xb: {  	[smem:$0x3FB2] =	sst s3  }
0xc: {  	[smem:$0x3FB3] =	sst s4  }
0xd: {  	[smem:$0x3FB4] =	sst s5  }
0xe: {  	[smem:$0x3FB5] =	sst s6  }
0xf: {  	[smem:$0x3FB6] =	sst s7  }
0x10: {  	[smem:$0x3FB7] =	sst s8  }
0x11: {  	[smem:$0x3FB8] =	sst s9;
	s0 =	simm.s32 @!p0 $0x0  }
0x12: {  	s1 =	sld [smem:$0x3F9E];
	s0 =	simm.s32 @p0 $0x1  }
0x13: {  	[smem:$0x3FB9] =	sst s0;
	s0 =	simm.s32 @!p1 $0x0  }
0x14: {  	s2 =	sld [smem:$0x3F9D];
	s0 =	simm.s32 @p1 $0x1  }
0x15: {  	[smem:$0x3FBA] =	sst s0;
	s0 =	simm.s32 @!p2 $0x0  }
0x16: {  	s3 =	sld [smem:$0x3FDB];
	s0 =	simm.s32 @p2 $0x1  }
0x17: {  	s4 =	simm.s32 $0x1BF5;
	[smem:$0x3FBC] =	sst s0  }
0x18: {  	s0 =	sld [smem:$0x3F9F];
	_ =	swait.ge [sflag:s4], $0x0  }
0x19: {  	s7 =	sld [smem:$0x3FA0]  }
0x1a: {  	s8 =	sadd.s32 $0xFFFFE003, lr  }
0x1b: {  	s9 =	sadd.s32 $0xFFFFFEF7, lr;
	s5 =	simm.s32 $0xFFFFFFFF;
	p2 =	slt.u32 s8, $0xFFFFF086  }
0x1c: {  	p1 =	slt.u32 s9, $0xF7A;
	s5 =	simm.s32 @!p2 $0x0  }
0x1d: {  	s5 =	simm.s32 @p1 $0x1;
	p0 =	seq.s32 s7, s2  }
0x1e: {  	s7 =	smul.u32 @!p0 $0xF7A, s2;
	p2 =	seq.s32 @!p0 s5, $0x0  }
0x1f: {  	s9 =	smul.u32 $0xF7A, s1;
	s8 =	simm.s32 @!p0 $0x1BF5;
	p2 =	por !p2, p0  }
0x20: {  	[sflag:s8] =	ssyncset.s32 @!p0 $0xFFFFF086;
	s6 =	sadd.s32 @!p0 s3, s7;
	s7 =	simm.s32 @!p0 $0x108  }
0x21: {  	s3 =	sadd.s32 s3, s9;
	s6 =	sadd.s32 @!p0 $0x88, s6;
	s7 =	simm.s32 @p2 $0x1082  }
0x22: {  	[simem:s7], [sflag:s8] =	dma.local @!p0 [hbm:s6], $0xF7A  }
0x23: {  	s9 =	sor.u32 $0xD0000000, s2;
	s6 =	simm.s32 $0x108;
	_ =	swait.ge @!p0 [sflag:s8], $0x0  }
0x24: {  	s3 =	sadd.s32 $0x88, s3;
	s6 =	simm.s32 @!p1 $0x1082;
	[sflag:s4] =	ssyncset.s32 $0xFFFFF086  }
0x25: {  	[simem:s6], [sflag:s4] =	dma.local [hbm:s3], $0xF7A  }
0x26: {  	[smem:$0x3FA0] =	sst s1;
	(tag) =	ssettag s2;
	_ =	strace s9  }
0x27: {  	s1 =	sld [smem:$0x3FB0]  }
0x28: {  	s2 =	sld [smem:$0x3FB1]  }
0x29: {  	s4 =	sld [smem:$0x3FB3]  }
0x2a: {  	p0 =	seq.s32 s5, $0x0;
	s5 =	sld [smem:$0x3FB4]  }
0x2b: {  	s6 =	sld [smem:$0x3FB5]  }
0x2c: {  	s7 =	sld [smem:$0x3FB6]  }
0x2d: {  	s3 =	simm.s32 $0x108;
	s8 =	sld [smem:$0x3FB7]  }
0x2e: {  	s3 =	simm.s32 @!p0 $0x1082;
	s9 =	sld [smem:$0x3FB8]  }
0x2f: {  	lr =	sadd.s32 s0, s3;
	s0 =	sld [smem:$0x3FAF]  }
0x30: {  	s3 =	sld [smem:$0x3FB2]  }
0x31: {  	[smem:$0x3FBB] =	sst s10  }
0x32: {  	s10 =	sld [smem:$0x3FB9];
	_ =	sdelay $0x3  }
0x33: {  	p0 =	seq.s32 s10, $0x1;
	s10 =	sld [smem:$0x3FBB];
	_ =	sdelay $0x3  }
0x34: {  	[smem:$0x3FBB] =	sst s10  }
0x35: {  	s10 =	sld [smem:$0x3FBA];
	_ =	sdelay $0x3  }
0x36: {  	p1 =	seq.s32 s10, $0x1;
	s10 =	sld [smem:$0x3FBB];
	_ =	sdelay $0x3  }
0x37: {  	[smem:$0x3FBB] =	sst s10  }
0x38: {  	s10 =	sld [smem:$0x3FBC]  }
0x39: {  	_ = 	snop;
	(pc) =	sbr.ind lr, $3  }
0x3a: {  	_ = 	snop  }
0x3b: {  	_ = 	snop  }
0x3c: {  	p2 =	seq.s32 s10, $0x1;
	s10 =	sld [smem:$0x3FBB]  }
0x3d: {  	_ =	shalt  }
0x3e: {  	_ =	shalt  }
0x3f: {  	_ =	shalt  }
0x40: {  	_ =	shalt  }
0x41: {  	_ =	shalt  }
0x42: {  	_ =	shalt  }
0x43: {  	_ =	shalt  }
0x44: {  	_ =	shalt  }
0x45: {  	_ =	shalt  }
0x46: {  	_ =	shalt  }
0x47: {  	_ =	shalt  }
0x48: {  	_ =	shalt  }
0x49: {  	_ =	shalt  }
0x4a: {  	_ =	shalt  }
0x4b: {  	_ =	shalt  }
0x4c: {  	_ =	shalt  }
0x4d: {  	_ =	shalt  }
0x4e: {  	_ =	shalt  }
0x4f: {  	_ =	shalt  }
0x50: {  	_ =	shalt  }
0x51: {  	_ =	shalt  }
0x52: {  	_ =	shalt  }
0x53: {  	_ =	shalt  }
0x54: {  	_ =	shalt  }
0x55: {  	_ =	shalt  }
0x56: {  	_ =	shalt  }
0x57: {  	_ =	shalt  }
0x58: {  	_ =	shalt  }
0x59: {  	_ =	shalt  }
0x5a: {  	_ =	shalt  }
0x5b: {  	_ =	shalt  }
0x5c: {  	_ =	shalt  }
0x5d: {  	_ =	shalt  }
0x5e: {  	_ =	shalt  }
0x5f: {  	_ =	shalt  }
0x60: {  	_ =	shalt  }
0x61: {  	_ =	shalt  }
0x62: {  	_ =	shalt  }
0x63: {  	_ =	shalt  }
0x64: {  	_ =	shalt  }
0x65: {  	_ =	shalt  }
0x66: {  	_ =	shalt  }
0x67: {  	_ =	shalt  }
0x68: {  	_ =	shalt  }
0x69: {  	_ =	shalt  }
0x6a: {  	_ =	shalt  }
0x6b: {  	_ =	shalt  }
0x6c: {  	_ =	shalt  }
0x6d: {  	_ =	shalt  }
0x6e: {  	_ =	shalt  }
0x6f: {  	_ =	shalt  }
0x70: {  	_ =	shalt  }
0x71: {  	_ =	shalt  }
0x72: {  	_ =	shalt  }
0x73: {  	_ =	shalt  }
0x74: {  	_ =	shalt  }
0x75: {  	_ =	shalt  }
0x76: {  	_ =	shalt  }
0x77: {  	_ =	shalt  }
0x78: {  	_ =	shalt  }
0x79: {  	_ =	shalt  }
0x7a: {  	_ =	shalt  }
0x7b: {  	_ =	shalt  }
0x7c: {  	_ =	shalt  }
0x7d: {  	_ =	shalt  }
0x7e: {  	_ =	shalt  }
0x7f: {  	_ =	shalt  }
0x80: {  	_ =	shalt  }
0x81: {  	_ =	shalt  }
0x82: {  	_ =	shalt  }
0x83: {  	_ =	shalt  }
0x84: {  	_ =	shalt  }
0x85: {  	_ =	shalt  }
0x86: {  	_ =	shalt  }
0x87: {  	_ =	shalt  }
.Lfunc_end0:
.L_simem_size_0:
called_computation_lowered:
.L_overlay_start_0:
0x88: {  	s2 =	sld [smem:$0x3FD9]  }
0x89: {  	s3 =	sld [smem:$0x3FFE];
	_ =	sdelay $0x1  }
0x8a: {  	s1 =	srdreg.scid  }
0x8b: {  	s0 =	sand.u32 $0x1, s1  }
0x8c: {  	s17 =	sshll.u32 s0, $0xA;
	s2 =	sadd.s32 s3, s2  }
0x8d: {  	s2 =	sadd.s32 s2, s17  }
0x8e: {  	[smem:$0x3FC7] =	sst s2  }
0x8f: {  	_ = 	snop  }
0x90: {  	s2 =	sld [smem:$0x3FC9];
	(tm) =	ssettm $0x1  }
0x91: {  	s18 =	sld [smem:$0x3FFB];
	_ =	sdelay $0x3  }
0x92: {  	_ =	strace s18  }
0x93: {  	s3 =	sld [smem:$0x3FFC];
	_ =	sdelay $0x3  }
0x94: {  	_ =	strace s3  }
0x95: {  	s3 =	sld [smem:$0x3FFD];
	_ =	sdelay $0x3  }
0x96: {  	_ =	strace s3  }
0x97: {  	_ =	strace $0x8FFFFFFF  }
0x98: {  	s19 =	sld [smem:$0x3FDB];
	_ =	sdelay $0x1  }
0x99: {  	s4 =	simm.s32 $_scs_section_size  }
0x9a: {  	s5 =	simm.s32 $_size__tile_overlayer_lowered;
	s6 =	simm.s32 $_tile_overlayer_lowered  }
0x9b: {  	s22 =	simm.s32 $0x1BFF;
	s21 =	sshll.u32 s6, $0x1;
	s3 =	sadd.s32 s4, s19  }
0x9c: {  	s7 =	simm.s32 $0x0;
	s20 =	sshll.u32 s5, $0x1;
	s5 =	sadd.s32 s21, s3  }
0x9d: {  	[timem:s7], [sflag:s22] =	dma.local [hbm:s5], s20  }
0x9e: {  	_ =	swait.ge [sflag:s22], s20  }
0x9f: {  	s4 =	ssub.s32 $0x0, s20;
	[sflag:s22] =	ssyncset.done $0x0  }
0xa0: {  	[sflag:s22] =	ssyncadd.s32 s4;
	_ =	sdelay $0x1  }
0xa1: {  	s23 =	simm.s32 $0x1B8B  }
0xa2: {  	_ =	swait.ge [sflag:s23], $0x1  }
0xa3: {  	[sflag:s23] =	ssyncset.done $0x0  }
0xa4: {  	s25 =	simm.s32 $0x1B8E;
	s24 =	sld [smem:$0x3FFE];
	[sflag:s23] =	ssyncadd.s32 $0xFFFFFFFF  }
0xa5: {  	s26 =	simm.s32 $execute0_lowered;
	[smem:$0x3FD2] =	sst s25  }
0xa6: {  	s5 =	sshll.u32 s26, $0x1;
	_ =	strace $0x80000046;
	[dreg:$0x1] =	wrdreg $0xFFFFFFFF  }
0xa7: {  	s28 =	simm.s32 $_size_execute0_lowered;
	s3 =	sadd.s32 s3, s5;
	[dreg:$0x0] =	wrdreg $0x0  }
0xa8: {  	s5 =	sshll.u32 s28, $0x1;
	[dreg:$0x2] =	wrdreg s3  }
0xa9: {  	[dreg:$0x3] =	wrdreg s5  }
0xaa: {  	[dreg:$0x4] =	wrdreg $0xC0  }
0xab: {  	_ =	task [dreg:s7], $0x5FFFF  }
0xac: {  	[dreg:$0x1] =	wrdreg $0xFFFFFFFF  }
0xad: {  	[dreg:$0x0] =	wrdreg $0x60  }
0xae: {  	[dreg:$0x2] =	wrdreg s2  }
0xaf: {  	[dreg:$0x3] =	wrdreg s24  }
0xb0: {  	[dreg:$0x4] =	wrdreg $0x9  }
0xb1: {  	_ =	task.clear_ibuf [dreg:s7], $0x5FFFF;
	_ =	strace $0x90000046  }
0xb2: {  	s29 =	simm.s32 $0x9;
	_ =	strace $0x80000048  }
0xb3: {  	_ =	swait.ge [sflag:s29], $0x1  }
0xb4: {  	[sflag:s29] =	ssyncadd.s32 $0xFFFFFFFF  }
0xb5: {  	_ =	strace $0x90000048  }
0xb6: {  	_ =	sfence  }
0xb7: {  	s30 =	sld [smem:$0x0];
	_ =	sdelay $0x2  }
0xb8: {  	s31 =	sshll.u32 s1, $0xD;
	s1 =	sshrl.u32 s1, $0x2  }
0xb9: {  	s3 =	sand.u32 $0x4000, s31;
	s1 =	sadd.s32 s1, s30  }
0xba: {  	s0 =	sor.u32 s3, s0;
	s1 =	sshll.u32 s1, $0x11  }
0xbb: {  	s0 =	sor.u32 s1, s0  }
0xbc: {  	s0 =	sadd.s32 $0x8F2B, s0  }
0xbd: {  	[sflag:s0] =	ssyncadd.remote.s32 $0x1  }
0xbe: {  	_ =	sfence.sel $0xFFFF  }
0xbf: {  	[dreg:$0x0] =	wrdreg $0xFFFFFFFF;
	(pc) =	sbr.abs _section_cstart, $3  }
0xc0: {  	[dreg:$0x1] =	wrdreg $0xFFFFFFFF  }
0xc1: {  	_ =	task.clear_ibuf [dreg:s7], $0x2FFFF;
	_ =	strace $0x9FFFFFFF  }
0xc2: {  	(tm) =	ssettm $0x7FFFFFFF  }
0xc3: {  	_ =	shalt  }
tec
execute0_lowered:
.L_overlay_start_1:
0x0: {  	(tag) =	ssettag $0x1  }
0x1: {  	s5 =	rddreg [dreg:$0x0]  }
0x2: {  	s3 =	rddreg [dreg:$0x1]  }
0x3: {  	s0 =	rddreg [dreg:$0x2];
	s2 =	simm.s32 $0x0;
	s4 =	srdreg.scid  }
0x4: {  	s1 =	stileid.u32;
	s11 =	simm.s32 $0x40000;
	s12 =	simm.s32 $0xC800  }
0x5: {  	s13 =	simm.s32 $0x1;
	s14 =	simm.s32 $0x2;
	s15 =	simm.s32 $0x3  }
0x6: {  	s16 =	simm.s32 $0x19000;
	s17 =	simm.s32 $0x0;
	s4 =	sand.u32 $0x1, s4  }
0x7: {  	[smem:$0x7FF] =	sst s2;
	s6 =	sshll.u32 s1, $0x8;
	s7 =	sshll.u32 s4, $0x7  }
0x8: {  	s8 =	sadd.s32 $0x400, s3;
	s4 =	ssub.s32 $0x2, s4;
	s6 =	sor.u32 s7, s6  }
0x9: {  	_ =	strace $0x80000047;
	s31 =	sshrl.u32 s4, $0x1;
	s3 =	sadd.s32 s5, s6  }
0xa: {  	s9 =	sor.u32 $0x1000, s6;
	s10 =	ssub.s32 s4, s31;
	s6 =	sadd.s32 s8, s6  }
0xb: {  	s4 =	sadd.s32 $0x190000, s3;
	s5 =	sadd.s32 s5, s9;
	s7 =	sadd.s32 $0x191000, s3  }
0xc: {  	s8 =	sadd.s32 s8, s9;
	s9 =	smax.u32 s10, $0x1;
	s10 =	simm.s32 $0x400  }
.LBB2_1:
0xd: {  	[tilespmem:s2], [sflag:$0x1] =	stream.strided.gather [hbm4b:s3+s10], $0xC800, s11, s10, $0x38;
	[tilespmem:$0x19400] =	vst v63  }
0xe: {  	_ = 	snop  }
0xf: {  	[tilespmem:s12], [sflag:$0x2] =	stream.strided.gather [hbm4b:s4+s10], $0xC800, s11, s10, $0x38;
	[tilespmem:$0x19400] =	vst v63  }
0x10: {  	_ =	swait.ge [sflag:s13], $0xC800  }
0x11: {  	[sflag:s13] =	ssyncset.done $0x0  }
0x12: {  	[sflag:s13] =	ssyncadd.s32 $0xFFFF3800  }
0x13: {  	s18 =	sand.u32 $0x3F0, s2;
	v0 =	vld [tilespmem:s2+$0x0]  }
0x14: {  	v1 =	vld [tilespmem:s18+$0x400]  }
0x15: {  	v2 =	vld [tilespmem:s18+$0x800]  }
0x16: {  	v3 =	vld [tilespmem:s18+$0xC00]  }
0x17: {  	v4 =	vld [tilespmem:s18+$0x1000]  }
0x18: {  	v5 =	vld [tilespmem:s18+$0x1400]  }
0x19: {  	v6 =	vld [tilespmem:s18+$0x1800];
	v0 =	vmul.f32 $9.900000000e+01, v0;
	v1 =	vmul.f32 $9.800000000e+01, v1  }
0x1a: {  	v7 =	vld [tilespmem:s18+$0x1C00];
	v2 =	vmul.f32 $9.700000000e+01, v2  }
0x1b: {  	v0 =	vmax.f32 v0, v1;
	v1 =	vmul.f32 $9.600000000e+01, v3;
	v3 =	vld [tilespmem:s18+$0x2000]  }
0x1c: {  	v31 =	vld [tilespmem:s18+$0x2400];
	v0 =	vmax.f32 v0, v2;
	v2 =	vmul.f32 $9.500000000e+01, v4  }
0x1d: {  	v32 =	vld [tilespmem:s18+$0x2800];
	v0 =	vmax.f32 v0, v1;
	v1 =	vmul.f32 $9.400000000e+01, v5  }
0x1e: {  	v33 =	vld [tilespmem:s18+$0x2C00];
	v0 =	vmax.f32 v0, v2;
	v2 =	vmul.f32 $9.300000000e+01, v6  }
0x1f: {  	v34 =	vld [tilespmem:s18+$0x3000];
	v0 =	vmax.f32 v0, v1;
	v1 =	vmul.f32 $9.200000000e+01, v7  }
0x20: {  	v0 =	vmax.f32 v0, v2;
	v2 =	vmul.f32 $9.100000000e+01, v3;
	v3 =	vld [tilespmem:s18+$0x3400]  }
0x21: {  	v35 =	vld [tilespmem:s18+$0x3800];
	v0 =	vmax.f32 v0, v1;
	v1 =	vmul.f32 $9.000000000e+01, v31  }
0x22: {  	v36 =	vld [tilespmem:s18+$0x3C00];
	v0 =	vmax.f32 v0, v2;
	v2 =	vmul.f32 $8.900000000e+01, v32  }
0x23: {  	v37 =	vld [tilespmem:s18+$0x4000];
	v0 =	vmax.f32 v0, v1;
	v1 =	vmul.f32 $8.800000000e+01, v33  }
0x24: {  	v38 =	vld [tilespmem:s18+$0x4400];
	v0 =	vmax.f32 v0, v2;
	v2 =	vmul.f32 $8.700000000e+01, v34  }
0x25: {  	v0 =	vmax.f32 v0, v1;
	v1 =	vmul.f32 $8.600000000e+01, v3;
	v3 =	vld [tilespmem:s18+$0x4800]  }
0x26: {  	v39 =	vld [tilespmem:s18+$0x4C00];
	v0 =	vmax.f32 v0, v2;
	v2 =	vmul.f32 $8.500000000e+01, v35  }
0x27: {  	v40 =	vld [tilespmem:s18+$0x5000];
	v0 =	vmax.f32 v0, v1;
	v1 =	vmul.f32 $8.400000000e+01, v36  }
0x28: {  	v41 =	vld [tilespmem:s18+$0x5400];
	v0 =	vmax.f32 v0, v2;
	v2 =	vmul.f32 $8.300000000e+01, v37  }
0x29: {  	v42 =	vld [tilespmem:s18+$0x5800];
	v0 =	vmax.f32 v0, v1;
	v1 =	vmul.f32 $8.200000000e+01, v38  }
0x2a: {  	v0 =	vmax.f32 v0, v2;
	v2 =	vmul.f32 $8.100000000e+01, v3;
	v3 =	vld [tilespmem:s18+$0x5C00]  }
0x2b: {  	v43 =	vld [tilespmem:s18+$0x6000];
	v0 =	vmax.f32 v0, v1;
	v1 =	vmul.f32 $8.000000000e+01, v39  }
0x2c: {  	v44 =	vld [tilespmem:s18+$0x6400];
	v0 =	vmax.f32 v0, v2;
	v2 =	vmul.f32 $7.900000000e+01, v40  }
0x2d: {  	v45 =	vld [tilespmem:s18+$0x6800];
	v0 =	vmax.f32 v0, v1;
	v1 =	vmul.f32 $7.800000000e+01, v41  }
0x2e: {  	v46 =	vld [tilespmem:s18+$0x6C00];
	v0 =	vmax.f32 v0, v2;
	v2 =	vmul.f32 $7.700000000e+01, v42  }
0x2f: {  	v0 =	vmax.f32 v0, v1;
	v1 =	vmul.f32 $7.600000000e+01, v3;
	v3 =	vld [tilespmem:s18+$0x7000]  }
0x30: {  	v47 =	vld [tilespmem:s18+$0x7400];
	v0 =	vmax.f32 v0, v2;
	v2 =	vmul.f32 $7.500000000e+01, v43  }
0x31: {  	v48 =	vld [tilespmem:s18+$0x7800];
	v0 =	vmax.f32 v0, v1;
	v1 =	vmul.f32 $7.400000000e+01, v44  }
0x32: {  	v49 =	vld [tilespmem:s18+$0x7C00];
	v0 =	vmax.f32 v0, v2;
	v2 =	vmul.f32 $7.300000000e+01, v45  }
0x33: {  	v50 =	vld [tilespmem:s18+$0x8000];
	v0 =	vmax.f32 v0, v1;
	v1 =	vmul.f32 $7.200000000e+01, v46  }
0x34: {  	v0 =	vmax.f32 v0, v2;
	v2 =	vmul.f32 $7.100000000e+01, v3;
	v3 =	vld [tilespmem:s18+$0x8400]  }
0x35: {  	v51 =	vld [tilespmem:s18+$0x8800];
	v0 =	vmax.f32 v0, v1;
	v1 =	vmul.f32 $7.000000000e+01, v47  }
0x36: {  	v52 =	vld [tilespmem:s18+$0x8C00];
	v0 =	vmax.f32 v0, v2;
	v2 =	vmul.f32 $6.900000000e+01, v48  }
0x37: {  	v53 =	vld [tilespmem:s18+$0x9000];
	v0 =	vmax.f32 v0, v1;
	v1 =	vmul.f32 $6.800000000e+01, v49  }
0x38: {  	v54 =	vld [tilespmem:s18+$0x9400];
	v0 =	vmax.f32 v0, v2;
	v2 =	vmul.f32 $6.700000000e+01, v50  }
0x39: {  	v0 =	vmax.f32 v0, v1;
	v1 =	vmul.f32 $6.600000000e+01, v3;
	v3 =	vld [tilespmem:s18+$0x9800]  }
0x3a: {  	v55 =	vld [tilespmem:s18+$0x9C00];
	v0 =	vmax.f32 v0, v2;
	v2 =	vmul.f32 $6.500000000e+01, v51  }
0x3b: {  	v56 =	vld [tilespmem:s18+$0xA000];
	v0 =	vmax.f32 v0, v1;
	v1 =	vmul.f32 $6.400000000e+01, v52  }
0x3c: {  	v57 =	vld [tilespmem:s18+$0xA400];
	v0 =	vmax.f32 v0, v2;
	v2 =	vmul.f32 $6.300000000e+01, v53  }
0x3d: {  	v58 =	vld [tilespmem:s18+$0xA800];
	v0 =	vmax.f32 v0, v1;
	v1 =	vmul.f32 $6.200000000e+01, v54  }
0x3e: {  	v0 =	vmax.f32 v0, v2;
	v2 =	vmul.f32 $6.100000000e+01, v3;
	v3 =	vld [tilespmem:s18+$0xAC00]  }
0x3f: {  	v59 =	vld [tilespmem:s18+$0xB000];
	v0 =	vmax.f32 v0, v1;
	v1 =	vmul.f32 $6.000000000e+01, v55  }
0x40: {  	v60 =	vld [tilespmem:s18+$0xB400];
	v0 =	vmax.f32 v0, v2;
	v2 =	vmul.f32 $5.900000000e+01, v56  }
0x41: {  	v61 =	vld [tilespmem:s18+$0xB800];
	v0 =	vmax.f32 v0, v1;
	v1 =	vmul.f32 $5.800000000e+01, v57  }
0x42: {  	v62 =	vld [tilespmem:s18+$0xBC00];
	v0 =	vmax.f32 v0, v2;
	v2 =	vmul.f32 $5.700000000e+01, v58  }
0x43: {  	v0 =	vmax.f32 v0, v1;
	v1 =	vmul.f32 $5.600000000e+01, v3;
	v3 =	vld [tilespmem:s18+$0xC000]  }
0x44: {  	v63 =	vld [tilespmem:s18+$0xC400];
	v0 =	vmax.f32 v0, v2;
	v2 =	vmul.f32 $5.500000000e+01, v59  }
0x45: {  	v0 =	vmax.f32 v0, v1;
	v1 =	vmul.f32 $5.400000000e+01, v60  }
0x46: {  	v0 =	vmax.f32 v0, v2;
	v2 =	vmul.f32 $5.300000000e+01, v61  }
0x47: {  	v0 =	vmax.f32 v0, v1;
	v1 =	vmul.f32 $5.200000000e+01, v62  }
0x48: {  	v0 =	vmax.f32 v0, v2;
	v2 =	vmul.f32 $5.100000000e+01, v3  }
0x49: {  	v0 =	vmax.f32 v0, v1;
	v1 =	vmul.f32 $5.000000000e+01, v63  }
0x4a: {  	v0 =	vmax.f32 v0, v2  }
0x4b: {  	v0 =	vmax.f32 v0, v1  }
0x4c: {  	s20 =	simm.s32 $0x10;
	[tilespmem:s16+$0x0] =	vst v0  }
0x4d: {  	s21 =	simm.s32 $0x20;
	s19 =	sand.u32 $0x3F0, s20;
	s18 =	simm.s32 $0x19000;
	v0 =	vld [tilespmem:s20+$0x0]  }
.LBB2_2:
0x4e: {  	p0 =	sne.s32 s21, $0x3F0;
	v1 =	vld [tilespmem:s19+$0x400]  }
0x4f: {  	v2 =	vld [tilespmem:s19+$0x800]  }
0x50: {  	v3 =	vld [tilespmem:s19+$0xC00]  }
0x51: {  	v4 =	vld [tilespmem:s19+$0x1000]  }
0x52: {  	v5 =	vld [tilespmem:s19+$0x1400]  }
0x53: {  	v0 =	vmul.f32 $9.900000000e+01, v0;
	v1 =	vmul.f32 $9.800000000e+01, v1;
	v6 =	vld [tilespmem:s19+$0x1800]  }
0x54: {  	v2 =	vmul.f32 $9.700000000e+01, v2;
	v7 =	vld [tilespmem:s19+$0x1C00]  }
0x55: {  	v0 =	vmax.f32 v0, v1;
	v1 =	vmul.f32 $9.600000000e+01, v3;
	v3 =	vld [tilespmem:s19+$0x2000]  }
0x56: {  	v0 =	vmax.f32 v0, v2;
	v2 =	vmul.f32 $9.500000000e+01, v4;
	v4 =	vld [tilespmem:s19+$0x2400]  }
0x57: {  	v0 =	vmax.f32 v0, v1;
	v1 =	vmul.f32 $9.400000000e+01, v5;
	v5 =	vld [tilespmem:s19+$0x2800]  }
0x58: {  	v0 =	vmax.f32 v0, v2;
	v2 =	vmul.f32 $9.300000000e+01, v6;
	v6 =	vld [tilespmem:s19+$0x2C00]  }
0x59: {  	v0 =	vmax.f32 v0, v1;
	v1 =	vmul.f32 $9.200000000e+01, v7;
	v7 =	vld [tilespmem:s19+$0x3000]  }
0x5a: {  	v0 =	vmax.f32 v0, v2;
	v2 =	vmul.f32 $9.100000000e+01, v3;
	v3 =	vld [tilespmem:s19+$0x3400]  }
0x5b: {  	v0 =	vmax.f32 v0, v1;
	v1 =	vmul.f32 $9.000000000e+01, v4;
	v4 =	vld [tilespmem:s19+$0x3800]  }
0x5c: {  	v0 =	vmax.f32 v0, v2;
	v2 =	vmul.f32 $8.900000000e+01, v5;
	v5 =	vld [tilespmem:s19+$0x3C00]  }
0x5d: {  	v0 =	vmax.f32 v0, v1;
	v1 =	vmul.f32 $8.800000000e+01, v6;
	v6 =	vld [tilespmem:s19+$0x4000]  }
0x5e: {  	v0 =	vmax.f32 v0, v2;
	v2 =	vmul.f32 $8.700000000e+01, v7;
	v7 =	vld [tilespmem:s19+$0x4400]  }
0x5f: {  	v0 =	vmax.f32 v0, v1;
	v1 =	vmul.f32 $8.600000000e+01, v3;
	v3 =	vld [tilespmem:s19+$0x4800]  }
0x60: {  	v0 =	vmax.f32 v0, v2;
	v2 =	vmul.f32 $8.500000000e+01, v4;
	v4 =	vld [tilespmem:s19+$0x4C00]  }
0x61: {  	v0 =	vmax.f32 v0, v1;
	v1 =	vmul.f32 $8.400000000e+01, v5;
	v5 =	vld [tilespmem:s19+$0x5000]  }
0x62: {  	v0 =	vmax.f32 v0, v2;
	v2 =	vmul.f32 $8.300000000e+01, v6;
	v6 =	vld [tilespmem:s19+$0x5400]  }
0x63: {  	v0 =	vmax.f32 v0, v1;
	v1 =	vmul.f32 $8.200000000e+01, v7;
	v7 =	vld [tilespmem:s19+$0x5800]  }
0x64: {  	v0 =	vmax.f32 v0, v2;
	v2 =	vmul.f32 $8.100000000e+01, v3;
	v3 =	vld [tilespmem:s19+$0x5C00]  }
0x65: {  	v0 =	vmax.f32 v0, v1;
	v1 =	vmul.f32 $8.000000000e+01, v4;
	v4 =	vld [tilespmem:s19+$0x6000]  }
0x66: {  	v0 =	vmax.f32 v0, v2;
	v2 =	vmul.f32 $7.900000000e+01, v5;
	v5 =	vld [tilespmem:s19+$0x6400]  }
0x67: {  	v0 =	vmax.f32 v0, v1;
	v1 =	vmul.f32 $7.800000000e+01, v6;
	v6 =	vld [tilespmem:s19+$0x6800]  }
0x68: {  	v0 =	vmax.f32 v0, v2;
	v2 =	vmul.f32 $7.700000000e+01, v7;
	v7 =	vld [tilespmem:s19+$0x6C00]  }
0x69: {  	v0 =	vmax.f32 v0, v1;
	v1 =	vmul.f32 $7.600000000e+01, v3;
	v3 =	vld [tilespmem:s19+$0x7000]  }
0x6a: {  	v0 =	vmax.f32 v0, v2;
	v2 =	vmul.f32 $7.500000000e+01, v4;
	v4 =	vld [tilespmem:s19+$0x7400]  }
0x6b: {  	v0 =	vmax.f32 v0, v1;
	v1 =	vmul.f32 $7.400000000e+01, v5;
	v5 =	vld [tilespmem:s19+$0x7800]  }
0x6c: {  	v0 =	vmax.f32 v0, v2;
	v2 =	vmul.f32 $7.300000000e+01, v6;
	v6 =	vld [tilespmem:s19+$0x7C00]  }
0x6d: {  	v0 =	vmax.f32 v0, v1;
	v1 =	vmul.f32 $7.200000000e+01, v7;
	v7 =	vld [tilespmem:s19+$0x8000]  }
0x6e: {  	v0 =	vmax.f32 v0, v2;
	v2 =	vmul.f32 $7.100000000e+01, v3;
	v3 =	vld [tilespmem:s19+$0x8400]  }
0x6f: {  	v0 =	vmax.f32 v0, v1;
	v1 =	vmul.f32 $7.000000000e+01, v4;
	v4 =	vld [tilespmem:s19+$0x8800]  }
0x70: {  	v0 =	vmax.f32 v0, v2;
	v2 =	vmul.f32 $6.900000000e+01, v5;
	v5 =	vld [tilespmem:s19+$0x8C00]  }
0x71: {  	v0 =	vmax.f32 v0, v1;
	v1 =	vmul.f32 $6.800000000e+01, v6;
	v6 =	vld [tilespmem:s19+$0x9000]  }
0x72: {  	v0 =	vmax.f32 v0, v2;
	v2 =	vmul.f32 $6.700000000e+01, v7;
	v7 =	vld [tilespmem:s19+$0x9400]  }
0x73: {  	v0 =	vmax.f32 v0, v1;
	v1 =	vmul.f32 $6.600000000e+01, v3;
	v3 =	vld [tilespmem:s19+$0x9800]  }
0x74: {  	v0 =	vmax.f32 v0, v2;
	v2 =	vmul.f32 $6.500000000e+01, v4;
	v4 =	vld [tilespmem:s19+$0x9C00]  }
0x75: {  	v0 =	vmax.f32 v0, v1;
	v1 =	vmul.f32 $6.400000000e+01, v5;
	v5 =	vld [tilespmem:s19+$0xA000]  }
0x76: {  	v0 =	vmax.f32 v0, v2;
	v2 =	vmul.f32 $6.300000000e+01, v6;
	v6 =	vld [tilespmem:s19+$0xA400]  }
0x77: {  	v0 =	vmax.f32 v0, v1;
	v1 =	vmul.f32 $6.200000000e+01, v7;
	v7 =	vld [tilespmem:s19+$0xA800]  }
0x78: {  	v0 =	vmax.f32 v0, v2;
	v2 =	vmul.f32 $6.100000000e+01, v3;
	v3 =	vld [tilespmem:s19+$0xAC00]  }
0x79: {  	v0 =	vmax.f32 v0, v1;
	v1 =	vmul.f32 $6.000000000e+01, v4;
	v4 =	vld [tilespmem:s19+$0xB000]  }
0x7a: {  	v0 =	vmax.f32 v0, v2;
	v2 =	vmul.f32 $5.900000000e+01, v5;
	v5 =	vld [tilespmem:s19+$0xB400]  }
0x7b: {  	v0 =	vmax.f32 v0, v1;
	v1 =	vmul.f32 $5.800000000e+01, v6;
	v6 =	vld [tilespmem:s19+$0xB800]  }
0x7c: {  	v0 =	vmax.f32 v0, v2;
	v2 =	vmul.f32 $5.700000000e+01, v7;
	v7 =	vld [tilespmem:s19+$0xBC00]  }
0x7d: {  	v0 =	vmax.f32 v0, v1;
	v1 =	vmul.f32 $5.600000000e+01, v3;
	v3 =	vld [tilespmem:s19+$0xC000]  }
0x7e: {  	v0 =	vmax.f32 v0, v2;
	v2 =	vmul.f32 $5.500000000e+01, v4;
	v4 =	vld [tilespmem:s19+$0xC400]  }
0x7f: {  	v0 =	vmax.f32 v0, v1;
	v1 =	vmul.f32 $5.400000000e+01, v5  }
0x80: {  	v0 =	vmax.f32 v0, v2;
	v2 =	vmul.f32 $5.300000000e+01, v6  }
0x81: {  	v0 =	vmax.f32 v0, v1;
	v1 =	vmul.f32 $5.200000000e+01, v7  }
0x82: {  	v0 =	vmax.f32 v0, v2;
	v2 =	vmul.f32 $5.100000000e+01, v3  }
.Ltmp0:
0x83: {  	v0 =	vmax.f32 v0, v1;
	v1 =	vmul.f32 $5.000000000e+01, v4;
	(pc) =	sbr.rel @p0 .LBB2_2-.Ltmp0, $4  }
0x84: {  	v0 =	vmax.f32 v0, v2  }
0x85: {  	s18 =	sadd.s32 $0x10, s18;
	v0 =	vmax.f32 v0, v1  }
0x86: {  	s20 =	sadd.s32 $0x10, s20;
	[tilespmem:s18+$0x0] =	vst v0  }
0x87: {  	s19 =	sand.u32 $0x3F0, s21;
	s21 =	sadd.s32 $0x10, s21;
	v0 =	vld [tilespmem:s20+$0x0]  }
0x88: {  	v1 =	vld [tilespmem:s19+$0x400]  }
0x89: {  	v2 =	vld [tilespmem:s19+$0x800]  }
0x8a: {  	v3 =	vld [tilespmem:s19+$0xC00]  }
0x8b: {  	v4 =	vld [tilespmem:s19+$0x1000]  }
0x8c: {  	v5 =	vld [tilespmem:s19+$0x1400]  }
0x8d: {  	v6 =	vld [tilespmem:s19+$0x1800];
	v0 =	vmul.f32 $9.900000000e+01, v0;
	v1 =	vmul.f32 $9.800000000e+01, v1  }
0x8e: {  	v7 =	vld [tilespmem:s19+$0x1C00];
	v2 =	vmul.f32 $9.700000000e+01, v2  }
0x8f: {  	v0 =	vmax.f32 v0, v1;
	v1 =	vmul.f32 $9.600000000e+01, v3;
	v3 =	vld [tilespmem:s19+$0x2000]  }
0x90: {  	v0 =	vmax.f32 v0, v2;
	v2 =	vmul.f32 $9.500000000e+01, v4;
	v4 =	vld [tilespmem:s19+$0x2400]  }
0x91: {  	v0 =	vmax.f32 v0, v1;
	v1 =	vmul.f32 $9.400000000e+01, v5;
	v5 =	vld [tilespmem:s19+$0x2800]  }
0x92: {  	v0 =	vmax.f32 v0, v2;
	v2 =	vmul.f32 $9.300000000e+01, v6;
	v6 =	vld [tilespmem:s19+$0x2C00]  }
0x93: {  	v0 =	vmax.f32 v0, v1;
	v1 =	vmul.f32 $9.200000000e+01, v7;
	v7 =	vld [tilespmem:s19+$0x3000]  }
0x94: {  	v0 =	vmax.f32 v0, v2;
	v2 =	vmul.f32 $9.100000000e+01, v3;
	v3 =	vld [tilespmem:s19+$0x3400]  }
0x95: {  	v0 =	vmax.f32 v0, v1;
	v1 =	vmul.f32 $9.000000000e+01, v4;
	v4 =	vld [tilespmem:s19+$0x3800]  }
0x96: {  	v0 =	vmax.f32 v0, v2;
	v2 =	vmul.f32 $8.900000000e+01, v5;
	v5 =	vld [tilespmem:s19+$0x3C00]  }
0x97: {  	v0 =	vmax.f32 v0, v1;
	v1 =	vmul.f32 $8.800000000e+01, v6;
	v6 =	vld [tilespmem:s19+$0x4000]  }
0x98: {  	v0 =	vmax.f32 v0, v2;
	v2 =	vmul.f32 $8.700000000e+01, v7;
	v7 =	vld [tilespmem:s19+$0x4400]  }
0x99: {  	v0 =	vmax.f32 v0, v1;
	v1 =	vmul.f32 $8.600000000e+01, v3;
	v3 =	vld [tilespmem:s19+$0x4800]  }
0x9a: {  	v0 =	vmax.f32 v0, v2;
	v2 =	vmul.f32 $8.500000000e+01, v4;
	v4 =	vld [tilespmem:s19+$0x4C00]  }
0x9b: {  	v0 =	vmax.f32 v0, v1;
	v1 =	vmul.f32 $8.400000000e+01, v5;
	v5 =	vld [tilespmem:s19+$0x5000]  }
0x9c: {  	v0 =	vmax.f32 v0, v2;
	v2 =	vmul.f32 $8.300000000e+01, v6;
	v6 =	vld [tilespmem:s19+$0x5400]  }
0x9d: {  	v0 =	vmax.f32 v0, v1;
	v1 =	vmul.f32 $8.200000000e+01, v7;
	v7 =	vld [tilespmem:s19+$0x5800]  }
0x9e: {  	v0 =	vmax.f32 v0, v2;
	v2 =	vmul.f32 $8.100000000e+01, v3;
	v3 =	vld [tilespmem:s19+$0x5C00]  }
0x9f: {  	v0 =	vmax.f32 v0, v1;
	v1 =	vmul.f32 $8.000000000e+01, v4;
	v4 =	vld [tilespmem:s19+$0x6000]  }
0xa0: {  	v0 =	vmax.f32 v0, v2;
	v2 =	vmul.f32 $7.900000000e+01, v5;
	v5 =	vld [tilespmem:s19+$0x6400]  }
0xa1: {  	v0 =	vmax.f32 v0, v1;
	v1 =	vmul.f32 $7.800000000e+01, v6;
	v6 =	vld [tilespmem:s19+$0x6800]  }
0xa2: {  	v0 =	vmax.f32 v0, v2;
	v2 =	vmul.f32 $7.700000000e+01, v7;
	v7 =	vld [tilespmem:s19+$0x6C00]  }
0xa3: {  	v0 =	vmax.f32 v0, v1;
	v1 =	vmul.f32 $7.600000000e+01, v3;
	v3 =	vld [tilespmem:s19+$0x7000]  }
0xa4: {  	v0 =	vmax.f32 v0, v2;
	v2 =	vmul.f32 $7.500000000e+01, v4;
	v4 =	vld [tilespmem:s19+$0x7400]  }
0xa5: {  	v0 =	vmax.f32 v0, v1;
	v1 =	vmul.f32 $7.400000000e+01, v5;
	v5 =	vld [tilespmem:s19+$0x7800]  }
0xa6: {  	v0 =	vmax.f32 v0, v2;
	v2 =	vmul.f32 $7.300000000e+01, v6;
	v6 =	vld [tilespmem:s19+$0x7C00]  }
0xa7: {  	v0 =	vmax.f32 v0, v1;
	v1 =	vmul.f32 $7.200000000e+01, v7;
	v7 =	vld [tilespmem:s19+$0x8000]  }
0xa8: {  	v0 =	vmax.f32 v0, v2;
	v2 =	vmul.f32 $7.100000000e+01, v3;
	v3 =	vld [tilespmem:s19+$0x8400]  }
0xa9: {  	v0 =	vmax.f32 v0, v1;
	v1 =	vmul.f32 $7.000000000e+01, v4;
	v4 =	vld [tilespmem:s19+$0x8800]  }
0xaa: {  	v0 =	vmax.f32 v0, v2;
	v2 =	vmul.f32 $6.900000000e+01, v5;
	v5 =	vld [tilespmem:s19+$0x8C00]  }
0xab: {  	v0 =	vmax.f32 v0, v1;
	v1 =	vmul.f32 $6.800000000e+01, v6;
	v6 =	vld [tilespmem:s19+$0x9000]  }
0xac: {  	v0 =	vmax.f32 v0, v2;
	v2 =	vmul.f32 $6.700000000e+01, v7;
	v7 =	vld [tilespmem:s19+$0x9400]  }
0xad: {  	v0 =	vmax.f32 v0, v1;
	v1 =	vmul.f32 $6.600000000e+01, v3;
	v3 =	vld [tilespmem:s19+$0x9800]  }
0xae: {  	v0 =	vmax.f32 v0, v2;
	v2 =	vmul.f32 $6.500000000e+01, v4;
	v4 =	vld [tilespmem:s19+$0x9C00]  }
0xaf: {  	v0 =	vmax.f32 v0, v1;
	v1 =	vmul.f32 $6.400000000e+01, v5;
	v5 =	vld [tilespmem:s19+$0xA000]  }
0xb0: {  	v0 =	vmax.f32 v0, v2;
	v2 =	vmul.f32 $6.300000000e+01, v6;
	v6 =	vld [tilespmem:s19+$0xA400]  }
0xb1: {  	v0 =	vmax.f32 v0, v1;
	v1 =	vmul.f32 $6.200000000e+01, v7;
	v7 =	vld [tilespmem:s19+$0xA800]  }
0xb2: {  	v0 =	vmax.f32 v0, v2;
	v2 =	vmul.f32 $6.100000000e+01, v3;
	v3 =	vld [tilespmem:s19+$0xAC00]  }
0xb3: {  	v0 =	vmax.f32 v0, v1;
	v1 =	vmul.f32 $6.000000000e+01, v4;
	v4 =	vld [tilespmem:s19+$0xB000]  }
0xb4: {  	v0 =	vmax.f32 v0, v2;
	v2 =	vmul.f32 $5.900000000e+01, v5;
	v5 =	vld [tilespmem:s19+$0xB400]  }
0xb5: {  	v0 =	vmax.f32 v0, v1;
	v1 =	vmul.f32 $5.800000000e+01, v6;
	v6 =	vld [tilespmem:s19+$0xB800]  }
0xb6: {  	v0 =	vmax.f32 v0, v2;
	v2 =	vmul.f32 $5.700000000e+01, v7;
	v7 =	vld [tilespmem:s19+$0xBC00]  }
0xb7: {  	v0 =	vmax.f32 v0, v1;
	v1 =	vmul.f32 $5.600000000e+01, v3;
	v3 =	vld [tilespmem:s19+$0xC000]  }
0xb8: {  	v0 =	vmax.f32 v0, v2;
	v2 =	vmul.f32 $5.500000000e+01, v4;
	v4 =	vld [tilespmem:s19+$0xC400]  }
0xb9: {  	v0 =	vmax.f32 v0, v1;
	v1 =	vmul.f32 $5.400000000e+01, v5  }
0xba: {  	v0 =	vmax.f32 v0, v2;
	v2 =	vmul.f32 $5.300000000e+01, v6  }
0xbb: {  	v0 =	vmax.f32 v0, v1;
	v1 =	vmul.f32 $5.200000000e+01, v7  }
0xbc: {  	v0 =	vmax.f32 v0, v2;
	v2 =	vmul.f32 $5.100000000e+01, v3  }
0xbd: {  	v0 =	vmax.f32 v0, v1;
	v1 =	vmul.f32 $5.000000000e+01, v4  }
0xbe: {  	v0 =	vmax.f32 v0, v2  }
0xbf: {  	s18 =	sadd.s32 $0x10, s18;
	v0 =	vmax.f32 v0, v1  }
0xc0: {  	s30 =	simm.s32 $0x0;
	[tilespmem:s18+$0x0] =	vst v0  }
0xc1: {  	[tilespmem:s30], [sflag:$0x1] =	stream.strided.gather [hbm4b:s5+s10], $0xC800, s11, s10, $0x38;
	[tilespmem:$0x19400] =	vst v63  }
0xc2: {  	_ =	swait.ge [sflag:s14], $0xC800  }
0xc3: {  	[sflag:s14] =	ssyncset.done $0x0  }
0xc4: {  	s18 =	sand.u32 $0x3F0, s30;
	[sflag:s14] =	ssyncadd.s32 $0xFFFF3800  }
0xc5: {  	v0 =	vld [tilespmem:s18+$0xC800]  }
0xc6: {  	v1 =	vld [tilespmem:s18+$0xCC00]  }
0xc7: {  	v2 =	vld [tilespmem:s18+$0xD000]  }
0xc8: {  	v3 =	vld [tilespmem:s18+$0xD400]  }
0xc9: {  	v4 =	vld [tilespmem:s18+$0xD800]  }
0xca: {  	v5 =	vld [tilespmem:s18+$0xDC00]  }
0xcb: {  	v6 =	vld [tilespmem:s18+$0xE000];
	v0 =	vmul.f32 $4.900000000e+01, v0;
	v1 =	vmul.f32 $4.800000000e+01, v1  }
0xcc: {  	v7 =	vld [tilespmem:s18+$0xE400];
	v2 =	vmul.f32 $4.700000000e+01, v2  }
0xcd: {  	v0 =	vmax.f32 v0, v1;
	v1 =	vmul.f32 $4.600000000e+01, v3;
	v3 =	vld [tilespmem:s18+$0xE800]  }
0xce: {  	v0 =	vmax.f32 v0, v2;
	v2 =	vmul.f32 $4.500000000e+01, v4;
	v4 =	vld [tilespmem:s18+$0xEC00]  }
0xcf: {  	v0 =	vmax.f32 v0, v1;
	v1 =	vmul.f32 $4.400000000e+01, v5;
	v5 =	vld [tilespmem:s18+$0xF000]  }
0xd0: {  	v0 =	vmax.f32 v0, v2;
	v2 =	vmul.f32 $4.300000000e+01, v6;
	v6 =	vld [tilespmem:s18+$0xF400]  }
0xd1: {  	v0 =	vmax.f32 v0, v1;
	v1 =	vmul.f32 $4.200000000e+01, v7;
	v7 =	vld [tilespmem:s18+$0xF800]  }
0xd2: {  	v0 =	vmax.f32 v0, v2;
	v2 =	vmul.f32 $4.100000000e+01, v3;
	v3 =	vld [tilespmem:s18+$0xFC00]  }
0xd3: {  	v0 =	vmax.f32 v0, v1;
	v1 =	vmul.f32 $4.000000000e+01, v4;
	v4 =	vld [tilespmem:s18+$0x10000]  }
0xd4: {  	v0 =	vmax.f32 v0, v2;
	v2 =	vmul.f32 $3.900000000e+01, v5;
	v5 =	vld [tilespmem:s18+$0x10400]  }
0xd5: {  	v0 =	vmax.f32 v0, v1;
	v1 =	vmul.f32 $3.800000000e+01, v6;
	v6 =	vld [tilespmem:s18+$0x10800]  }
0xd6: {  	v0 =	vmax.f32 v0, v2;
	v2 =	vmul.f32 $3.700000000e+01, v7;
	v7 =	vld [tilespmem:s18+$0x10C00]  }
0xd7: {  	v0 =	vmax.f32 v0, v1;
	v1 =	vmul.f32 $3.600000000e+01, v3;
	v3 =	vld [tilespmem:s18+$0x11000]  }
0xd8: {  	v0 =	vmax.f32 v0, v2;
	v2 =	vmul.f32 $3.500000000e+01, v4;
	v4 =	vld [tilespmem:s18+$0x11400]  }
0xd9: {  	v0 =	vmax.f32 v0, v1;
	v1 =	vmul.f32 $3.400000000e+01, v5;
	v5 =	vld [tilespmem:s18+$0x11800]  }
0xda: {  	v0 =	vmax.f32 v0, v2;
	v2 =	vmul.f32 $3.300000000e+01, v6;
	v6 =	vld [tilespmem:s18+$0x11C00]  }
0xdb: {  	v0 =	vmax.f32 v0, v1;
	v1 =	vmul.f32 $3.200000000e+01, v7;
	v7 =	vld [tilespmem:s18+$0x12000]  }
0xdc: {  	v0 =	vmax.f32 v0, v2;
	v2 =	vmul.f32 $3.100000000e+01, v3;
	v3 =	vld [tilespmem:s18+$0x12400]  }
0xdd: {  	v0 =	vmax.f32 v0, v1;
	v1 =	vmul.f32 $3.000000000e+01, v4;
	v4 =	vld [tilespmem:s18+$0x12800]  }
0xde: {  	v0 =	vmax.f32 v0, v2;
	v2 =	vmul.f32 $2.900000000e+01, v5;
	v5 =	vld [tilespmem:s18+$0x12C00]  }
0xdf: {  	v0 =	vmax.f32 v0, v1;
	v1 =	vmul.f32 $2.800000000e+01, v6;
	v6 =	vld [tilespmem:s18+$0x13000]  }
0xe0: {  	v0 =	vmax.f32 v0, v2;
	v2 =	vmul.f32 $2.700000000e+01, v7;
	v7 =	vld [tilespmem:s18+$0x13400]  }
0xe1: {  	v0 =	vmax.f32 v0, v1;
	v1 =	vmul.f32 $2.600000000e+01, v3;
	v3 =	vld [tilespmem:s18+$0x13800]  }
0xe2: {  	v0 =	vmax.f32 v0, v2;
	v2 =	vmul.f32 $2.500000000e+01, v4;
	v4 =	vld [tilespmem:s18+$0x13C00]  }
0xe3: {  	v0 =	vmax.f32 v0, v1;
	v1 =	vmul.f32 $2.400000000e+01, v5;
	v5 =	vld [tilespmem:s18+$0x14000]  }
0xe4: {  	v0 =	vmax.f32 v0, v2;
	v2 =	vmul.f32 $2.300000000e+01, v6;
	v6 =	vld [tilespmem:s18+$0x14400]  }
0xe5: {  	v0 =	vmax.f32 v0, v1;
	v1 =	vmul.f32 $2.200000000e+01, v7;
	v7 =	vld [tilespmem:s18+$0x14800]  }
0xe6: {  	v0 =	vmax.f32 v0, v2;
	v2 =	vmul.f32 $2.100000000e+01, v3;
	v3 =	vld [tilespmem:s18+$0x14C00]  }
0xe7: {  	v0 =	vmax.f32 v0, v1;
	v1 =	vmul.f32 $2.000000000e+01, v4;
	v4 =	vld [tilespmem:s18+$0x15000]  }
0xe8: {  	v0 =	vmax.f32 v0, v2;
	v2 =	vmul.f32 $1.900000000e+01, v5;
	v5 =	vld [tilespmem:s18+$0x15400]  }
0xe9: {  	v0 =	vmax.f32 v0, v1;
	v1 =	vmul.f32 $1.800000000e+01, v6;
	v6 =	vld [tilespmem:s18+$0x15800]  }
0xea: {  	v0 =	vmax.f32 v0, v2;
	v2 =	vmul.f32 $1.700000000e+01, v7;
	v7 =	vld [tilespmem:s18+$0x15C00]  }
0xeb: {  	v0 =	vmax.f32 v0, v1;
	v1 =	vmul.f32 $1.600000000e+01, v3;
	v3 =	vld [tilespmem:s18+$0x16000]  }
0xec: {  	v0 =	vmax.f32 v0, v2;
	v2 =	vmul.f32 $1.500000000e+01, v4;
	v4 =	vld [tilespmem:s18+$0x16400]  }
0xed: {  	v0 =	vmax.f32 v0, v1;
	v1 =	vmul.f32 $1.400000000e+01, v5;
	v5 =	vld [tilespmem:s18+$0x16800]  }
0xee: {  	v0 =	vmax.f32 v0, v2;
	v2 =	vmul.f32 $1.300000000e+01, v6;
	v6 =	vld [tilespmem:s18+$0x16C00]  }
0xef: {  	v0 =	vmax.f32 v0, v1;
	v1 =	vmul.f32 $1.200000000e+01, v7;
	v7 =	vld [tilespmem:s18+$0x17000]  }
0xf0: {  	v8 =	vld [tilespmem:s18+$0x17400];
	v0 =	vmax.f32 v0, v2;
	v2 =	vmul.f32 $1.100000000e+01, v3  }
0xf1: {  	v0 =	vmax.f32 v0, v1;
	v1 =	vmul.f32 $1.000000000e+01, v4;
	v4 =	vld [tilespmem:s18+$0x17800]  }
0xf2: {  	v0 =	vmax.f32 v0, v2;
	v2 =	vmul.f32 $9.000000000e+00, v5;
	v5 =	vld [tilespmem:s18+$0x17C00]  }
0xf3: {  	v0 =	vmax.f32 v0, v1;
	v1 =	vmul.f32 $8.000000000e+00, v6;
	v6 =	vld [tilespmem:s18+$0x18000]  }
0xf4: {  	v3 =	vld [tilespmem:s18+$0x18400];
	v0 =	vmax.f32 v0, v2;
	v2 =	vmul.f32 $7.000000000e+00, v7  }
0xf5: {  	s31 =	simm.s32 $0x10;
	v7 =	vmul.f32 $6.000000000e+00, v8;
	v1 =	vmax.f32 v0, v1;
	v0 =	vld [tilespmem:s18+$0x18800]  }
0xf6: {  	s19 =	sand.u32 $0x3F0, s31;
	v2 =	vmax.f32 v1, v2;
	v8 =	vmul.f32 $5.000000000e+00, v4;
	v4 =	vld [tilespmem:s18+$0x18C00]  }
0xf7: {  	v1 =	vld [tilespmem:s19+$0xC800];
	v7 =	vmax.f32 v2, v7;
	v5 =	vmul.f32 $4.000000000e+00, v5  }
0xf8: {  	s20 =	simm.s32 $0x20;
	v2 =	vld [tilespmem:s19+$0xCC00];
	v7 =	vmax.f32 v7, v8;
	v6 =	vmul.f32 $3.000000000e+00, v6  }
.LBB2_4:
0xf9: {  	p0 =	sne.s32 s20, $0x3F0;
	v5 =	vmax.f32 v7, v5;
	v3 =	vadd.f32 v3, v3;
	v7 =	vld [tilespmem:s18+$0x19000]  }
0xfa: {  	v8 =	vld [tilespmem:s19+$0xD000];
	v5 =	vmax.f32 v5, v6  }
0xfb: {  	v6 =	vld [tilespmem:s19+$0xD400];
	v3 =	vmax.f32 v5, v3;
	v4 =	vmul.f32 $0.0e+00, v4  }
0xfc: {  	v5 =	vld [tilespmem:s19+$0xD800];
	v0 =	vmax.f32 v3, v0  }
0xfd: {  	v3 =	vld [tilespmem:s19+$0xDC00];
	v0 =	vmax.f32 v0, v4  }
0xfe: {  	v1 =	vmul.f32 $4.900000000e+01, v1;
	v2 =	vmul.f32 $4.800000000e+01, v2;
	v4 =	vld [tilespmem:s19+$0xE000];
	v0 =	vmax.f32 v0, v7  }
0xff: {  	v7 =	vmul.f32 $4.700000000e+01, v8;
	v8 =	vld [tilespmem:s19+$0xE400];
	[tilespmem:s18+$0x19000] =	vst v0;
	s18 =	smov.u32 s19  }
0x100: {  	v0 =	vmax.f32 v1, v2;
	v1 =	vmul.f32 $4.600000000e+01, v6;
	v2 =	vld [tilespmem:s18+$0xE800]  }
0x101: {  	v0 =	vmax.f32 v0, v7;
	v5 =	vmul.f32 $4.500000000e+01, v5;
	v6 =	vld [tilespmem:s18+$0xEC00]  }
0x102: {  	v0 =	vmax.f32 v0, v1;
	v1 =	vmul.f32 $4.400000000e+01, v3;
	v3 =	vld [tilespmem:s18+$0xF000]  }
0x103: {  	v0 =	vmax.f32 v0, v5;
	v4 =	vmul.f32 $4.300000000e+01, v4;
	v5 =	vld [tilespmem:s18+$0xF400]  }
0x104: {  	v0 =	vmax.f32 v0, v1;
	v1 =	vmul.f32 $4.200000000e+01, v8;
	v7 =	vld [tilespmem:s18+$0xF800]  }
0x105: {  	v0 =	vmax.f32 v0, v4;
	v2 =	vmul.f32 $4.100000000e+01, v2;
	v4 =	vld [tilespmem:s18+$0xFC00]  }
0x106: {  	v0 =	vmax.f32 v0, v1;
	v1 =	vmul.f32 $4.000000000e+01, v6;
	v6 =	vld [tilespmem:s18+$0x10000]  }
0x107: {  	v0 =	vmax.f32 v0, v2;
	v2 =	vmul.f32 $3.900000000e+01, v3;
	v3 =	vld [tilespmem:s18+$0x10400]  }
0x108: {  	v0 =	vmax.f32 v0, v1;
	v1 =	vmul.f32 $3.800000000e+01, v5;
	v5 =	vld [tilespmem:s18+$0x10800]  }
0x109: {  	v0 =	vmax.f32 v0, v2;
	v2 =	vmul.f32 $3.700000000e+01, v7;
	v7 =	vld [tilespmem:s18+$0x10C00]  }
0x10a: {  	v0 =	vmax.f32 v0, v1;
	v1 =	vmul.f32 $3.600000000e+01, v4;
	v4 =	vld [tilespmem:s18+$0x11000]  }
0x10b: {  	v0 =	vmax.f32 v0, v2;
	v2 =	vmul.f32 $3.500000000e+01, v6;
	v6 =	vld [tilespmem:s18+$0x11400]  }
0x10c: {  	v0 =	vmax.f32 v0, v1;
	v1 =	vmul.f32 $3.400000000e+01, v3;
	v3 =	vld [tilespmem:s18+$0x11800]  }
0x10d: {  	v0 =	vmax.f32 v0, v2;
	v2 =	vmul.f32 $3.300000000e+01, v5;
	v5 =	vld [tilespmem:s18+$0x11C00]  }
0x10e: {  	v0 =	vmax.f32 v0, v1;
	v1 =	vmul.f32 $3.200000000e+01, v7;
	v7 =	vld [tilespmem:s18+$0x12000]  }
0x10f: {  	v0 =	vmax.f32 v0, v2;
	v2 =	vmul.f32 $3.100000000e+01, v4;
	v4 =	vld [tilespmem:s18+$0x12400]  }
0x110: {  	v0 =	vmax.f32 v0, v1;
	v1 =	vmul.f32 $3.000000000e+01, v6;
	v6 =	vld [tilespmem:s18+$0x12800]  }
0x111: {  	v0 =	vmax.f32 v0, v2;
	v2 =	vmul.f32 $2.900000000e+01, v3;
	v3 =	vld [tilespmem:s18+$0x12C00]  }
0x112: {  	v0 =	vmax.f32 v0, v1;
	v1 =	vmul.f32 $2.800000000e+01, v5;
	v5 =	vld [tilespmem:s18+$0x13000]  }
0x113: {  	v0 =	vmax.f32 v0, v2;
	v2 =	vmul.f32 $2.700000000e+01, v7;
	v7 =	vld [tilespmem:s18+$0x13400]  }
0x114: {  	v0 =	vmax.f32 v0, v1;
	v1 =	vmul.f32 $2.600000000e+01, v4;
	v4 =	vld [tilespmem:s18+$0x13800]  }
0x115: {  	v0 =	vmax.f32 v0, v2;
	v2 =	vmul.f32 $2.500000000e+01, v6;
	v6 =	vld [tilespmem:s18+$0x13C00]  }
0x116: {  	v0 =	vmax.f32 v0, v1;
	v1 =	vmul.f32 $2.400000000e+01, v3;
	v3 =	vld [tilespmem:s18+$0x14000]  }
0x117: {  	v0 =	vmax.f32 v0, v2;
	v2 =	vmul.f32 $2.300000000e+01, v5;
	v5 =	vld [tilespmem:s18+$0x14400]  }
0x118: {  	v0 =	vmax.f32 v0, v1;
	v1 =	vmul.f32 $2.200000000e+01, v7;
	v7 =	vld [tilespmem:s18+$0x14800]  }
0x119: {  	v0 =	vmax.f32 v0, v2;
	v2 =	vmul.f32 $2.100000000e+01, v4;
	v4 =	vld [tilespmem:s18+$0x14C00]  }
0x11a: {  	v0 =	vmax.f32 v0, v1;
	v1 =	vmul.f32 $2.000000000e+01, v6;
	v6 =	vld [tilespmem:s18+$0x15000]  }
0x11b: {  	v0 =	vmax.f32 v0, v2;
	v2 =	vmul.f32 $1.900000000e+01, v3;
	v3 =	vld [tilespmem:s18+$0x15400]  }
0x11c: {  	v0 =	vmax.f32 v0, v1;
	v1 =	vmul.f32 $1.800000000e+01, v5;
	v5 =	vld [tilespmem:s18+$0x15800]  }
0x11d: {  	v0 =	vmax.f32 v0, v2;
	v2 =	vmul.f32 $1.700000000e+01, v7;
	v7 =	vld [tilespmem:s18+$0x15C00]  }
0x11e: {  	v0 =	vmax.f32 v0, v1;
	v1 =	vmul.f32 $1.600000000e+01, v4;
	v4 =	vld [tilespmem:s18+$0x16000]  }
0x11f: {  	v0 =	vmax.f32 v0, v2;
	v2 =	vmul.f32 $1.500000000e+01, v6;
	v6 =	vld [tilespmem:s18+$0x16400]  }
0x120: {  	v0 =	vmax.f32 v0, v1;
	v1 =	vmul.f32 $1.400000000e+01, v3;
	v3 =	vld [tilespmem:s18+$0x16800]  }
0x121: {  	v0 =	vmax.f32 v0, v2;
	v2 =	vmul.f32 $1.300000000e+01, v5;
	v5 =	vld [tilespmem:s18+$0x16C00]  }
0x122: {  	v0 =	vmax.f32 v0, v1;
	v1 =	vmul.f32 $1.200000000e+01, v7;
	v7 =	vld [tilespmem:s18+$0x17000]  }
0x123: {  	v0 =	vmax.f32 v0, v2;
	v2 =	vmul.f32 $1.100000000e+01, v4;
	v4 =	vld [tilespmem:s18+$0x17400]  }
0x124: {  	v0 =	vmax.f32 v0, v1;
	v1 =	vmul.f32 $1.000000000e+01, v6;
	v6 =	vld [tilespmem:s18+$0x17800]  }
0x125: {  	v0 =	vmax.f32 v0, v2;
	v2 =	vmul.f32 $9.000000000e+00, v3;
	v8 =	vld [tilespmem:s18+$0x17C00]  }
0x126: {  	v0 =	vmax.f32 v0, v1;
	v1 =	vmul.f32 $8.000000000e+00, v5;
	v9 =	vld [tilespmem:s18+$0x18000]  }
.Ltmp1:
0x127: {  	v0 =	vmax.f32 v0, v2;
	v2 =	vmul.f32 $7.000000000e+00, v7;
	v3 =	vld [tilespmem:s18+$0x18400];
	(pc) =	sbr.rel @p0 .LBB2_4-.Ltmp1, $4  }
0x128: {  	v1 =	vmax.f32 v0, v1;
	v5 =	vmul.f32 $6.000000000e+00, v4;
	v0 =	vld [tilespmem:s18+$0x18800]  }
0x129: {  	s19 =	sand.u32 $0x3F0, s20;
	v2 =	vmax.f32 v1, v2;
	v6 =	vmul.f32 $5.000000000e+00, v6;
	v4 =	vld [tilespmem:s18+$0x18C00]  }
0x12a: {  	v1 =	vld [tilespmem:s19+$0xC800];
	v7 =	vmax.f32 v2, v5;
	v5 =	vmul.f32 $4.000000000e+00, v8  }
0x12b: {  	s20 =	sadd.s32 $0x10, s20;
	v2 =	vld [tilespmem:s19+$0xCC00];
	v7 =	vmax.f32 v7, v6;
	v6 =	vmul.f32 $3.000000000e+00, v9  }
0x12c: {  	v8 =	vld [tilespmem:s18+$0x19000];
	v5 =	vmax.f32 v7, v5;
	v3 =	vadd.f32 v3, v3  }
0x12d: {  	v44 =	vld [tilespmem:s19+$0xD000];
	v5 =	vmax.f32 v5, v6  }
0x12e: {  	v45 =	vld [tilespmem:s19+$0xD400];
	v3 =	vmax.f32 v5, v3;
	v4 =	vmul.f32 $0.0e+00, v4  }
0x12f: {  	v46 =	vld [tilespmem:s19+$0xD800];
	v0 =	vmax.f32 v3, v0  }
0x130: {  	v3 =	vld [tilespmem:s19+$0xDC00];
	v0 =	vmax.f32 v0, v4  }
0x131: {  	v47 =	vld [tilespmem:s19+$0xE000];
	v1 =	vmul.f32 $4.900000000e+01, v1;
	v2 =	vmul.f32 $4.800000000e+01, v2;
	v0 =	vmax.f32 v0, v8  }
0x132: {  	v48 =	vld [tilespmem:s19+$0xE400];
	v7 =	vmul.f32 $4.700000000e+01, v44;
	[tilespmem:s18+$0x19000] =	vst v0  }
0x133: {  	v0 =	vmax.f32 v1, v2;
	v1 =	vmul.f32 $4.600000000e+01, v45;
	v2 =	vld [tilespmem:s19+$0xE800]  }
0x134: {  	v5 =	vmul.f32 $4.500000000e+01, v46;
	v0 =	vmax.f32 v0, v7;
	v49 =	vld [tilespmem:s19+$0xEC00]  }
0x135: {  	v0 =	vmax.f32 v0, v1;
	v1 =	vmul.f32 $4.400000000e+01, v3;
	v3 =	vld [tilespmem:s19+$0xF000]  }
0x136: {  	v4 =	vmul.f32 $4.300000000e+01, v47;
	v50 =	vld [tilespmem:s19+$0xF400];
	v0 =	vmax.f32 v0, v5  }
0x137: {  	v51 =	vld [tilespmem:s19+$0xF800];
	v0 =	vmax.f32 v0, v1;
	v1 =	vmul.f32 $4.200000000e+01, v48  }
0x138: {  	v52 =	vld [tilespmem:s19+$0xFC00];
	v0 =	vmax.f32 v0, v4;
	v2 =	vmul.f32 $4.100000000e+01, v2  }
0x139: {  	v53 =	vld [tilespmem:s19+$0x10000];
	v0 =	vmax.f32 v0, v1;
	v1 =	vmul.f32 $4.000000000e+01, v49  }
0x13a: {  	v0 =	vmax.f32 v0, v2;
	v2 =	vmul.f32 $3.900000000e+01, v3;
	v3 =	vld [tilespmem:s19+$0x10400]  }
0x13b: {  	v54 =	vld [tilespmem:s19+$0x10800];
	v0 =	vmax.f32 v0, v1;
	v1 =	vmul.f32 $3.800000000e+01, v50  }
0x13c: {  	v55 =	vld [tilespmem:s19+$0x10C00];
	v0 =	vmax.f32 v0, v2;
	v2 =	vmul.f32 $3.700000000e+01, v51  }
0x13d: {  	v56 =	vld [tilespmem:s19+$0x11000];
	v0 =	vmax.f32 v0, v1;
	v1 =	vmul.f32 $3.600000000e+01, v52  }
0x13e: {  	v57 =	vld [tilespmem:s19+$0x11400];
	v0 =	vmax.f32 v0, v2;
	v2 =	vmul.f32 $3.500000000e+01, v53  }
0x13f: {  	v0 =	vmax.f32 v0, v1;
	v1 =	vmul.f32 $3.400000000e+01, v3;
	v3 =	vld [tilespmem:s19+$0x11800]  }
0x140: {  	v58 =	vld [tilespmem:s19+$0x11C00];
	v0 =	vmax.f32 v0, v2;
	v2 =	vmul.f32 $3.300000000e+01, v54  }
0x141: {  	v59 =	vld [tilespmem:s19+$0x12000];
	v0 =	vmax.f32 v0, v1;
	v1 =	vmul.f32 $3.200000000e+01, v55  }
0x142: {  	v60 =	vld [tilespmem:s19+$0x12400];
	v0 =	vmax.f32 v0, v2;
	v2 =	vmul.f32 $3.100000000e+01, v56  }
0x143: {  	v61 =	vld [tilespmem:s19+$0x12800];
	v0 =	vmax.f32 v0, v1;
	v1 =	vmul.f32 $3.000000000e+01, v57  }
0x144: {  	v0 =	vmax.f32 v0, v2;
	v2 =	vmul.f32 $2.900000000e+01, v3;
	v3 =	vld [tilespmem:s19+$0x12C00]  }
0x145: {  	v62 =	vld [tilespmem:s19+$0x13000];
	v0 =	vmax.f32 v0, v1;
	v1 =	vmul.f32 $2.800000000e+01, v58  }
0x146: {  	v63 =	vld [tilespmem:s19+$0x13400];
	v0 =	vmax.f32 v0, v2;
	v2 =	vmul.f32 $2.700000000e+01, v59  }
0x147: {  	v9 =	vld [tilespmem:s19+$0x13800];
	v0 =	vmax.f32 v0, v1;
	v1 =	vmul.f32 $2.600000000e+01, v60  }
0x148: {  	v10 =	vld [tilespmem:s19+$0x13C00];
	v0 =	vmax.f32 v0, v2;
	v2 =	vmul.f32 $2.500000000e+01, v61  }
0x149: {  	v0 =	vmax.f32 v0, v1;
	v1 =	vmul.f32 $2.400000000e+01, v3;
	v3 =	vld [tilespmem:s19+$0x14000]  }
0x14a: {  	v11 =	vld [tilespmem:s19+$0x14400];
	v0 =	vmax.f32 v0, v2;
	v2 =	vmul.f32 $2.300000000e+01, v62  }
0x14b: {  	v12 =	vld [tilespmem:s19+$0x14800];
	v0 =	vmax.f32 v0, v1;
	v1 =	vmul.f32 $2.200000000e+01, v63  }
0x14c: {  	v13 =	vld [tilespmem:s19+$0x14C00];
	v0 =	vmax.f32 v0, v2;
	v2 =	vmul.f32 $2.100000000e+01, v9  }
0x14d: {  	v14 =	vld [tilespmem:s19+$0x15000];
	v0 =	vmax.f32 v0, v1;
	v1 =	vmul.f32 $2.000000000e+01, v10  }
0x14e: {  	v0 =	vmax.f32 v0, v2;
	v2 =	vmul.f32 $1.900000000e+01, v3;
	v3 =	vld [tilespmem:s19+$0x15400]  }
0x14f: {  	v15 =	vld [tilespmem:s19+$0x15800];
	v0 =	vmax.f32 v0, v1;
	v1 =	vmul.f32 $1.800000000e+01, v11  }
0x150: {  	v16 =	vld [tilespmem:s19+$0x15C00];
	v0 =	vmax.f32 v0, v2;
	v2 =	vmul.f32 $1.700000000e+01, v12  }
0x151: {  	v17 =	vld [tilespmem:s19+$0x16000];
	v0 =	vmax.f32 v0, v1;
	v1 =	vmul.f32 $1.600000000e+01, v13  }
0x152: {  	v18 =	vld [tilespmem:s19+$0x16400];
	v0 =	vmax.f32 v0, v2;
	v2 =	vmul.f32 $1.500000000e+01, v14  }
0x153: {  	v0 =	vmax.f32 v0, v1;
	v1 =	vmul.f32 $1.400000000e+01, v3;
	v3 =	vld [tilespmem:s19+$0x16800]  }
0x154: {  	v19 =	vld [tilespmem:s19+$0x16C00];
	v0 =	vmax.f32 v0, v2;
	v2 =	vmul.f32 $1.300000000e+01, v15  }
0x155: {  	v20 =	vld [tilespmem:s19+$0x17000];
	v0 =	vmax.f32 v0, v1;
	v1 =	vmul.f32 $1.200000000e+01, v16  }
0x156: {  	v21 =	vld [tilespmem:s19+$0x17400];
	v0 =	vmax.f32 v0, v2;
	v2 =	vmul.f32 $1.100000000e+01, v17  }
0x157: {  	v22 =	vld [tilespmem:s19+$0x17800];
	v0 =	vmax.f32 v0, v1;
	v1 =	vmul.f32 $1.000000000e+01, v18  }
0x158: {  	v0 =	vmax.f32 v0, v2;
	v2 =	vmul.f32 $9.000000000e+00, v3;
	v3 =	vld [tilespmem:s19+$0x17C00]  }
0x159: {  	v23 =	vld [tilespmem:s19+$0x18000];
	v0 =	vmax.f32 v0, v1;
	v1 =	vmul.f32 $8.000000000e+00, v19  }
0x15a: {  	v24 =	vld [tilespmem:s19+$0x18400];
	v0 =	vmax.f32 v0, v2;
	v2 =	vmul.f32 $7.000000000e+00, v20  }
0x15b: {  	v0 =	vmax.f32 v0, v1;
	v1 =	vmul.f32 $6.000000000e+00, v21  }
0x15c: {  	v25 =	vld [tilespmem:s19+$0x18C00];
	v0 =	vmax.f32 v0, v2;
	v2 =	vmul.f32 $5.000000000e+00, v22  }
0x15d: {  	v26 =	vld [tilespmem:s19+$0x18800];
	v0 =	vmax.f32 v0, v1;
	v1 =	vmul.f32 $4.000000000e+00, v3  }
0x15e: {  	v0 =	vmax.f32 v0, v2;
	v2 =	vmul.f32 $3.000000000e+00, v23  }
0x15f: {  	v3 =	vld [tilespmem:s19+$0x19000];
	v0 =	vmax.f32 v0, v1;
	v1 =	vadd.f32 v24, v24  }
0x160: {  	v0 =	vmax.f32 v0, v2  }
0x161: {  	v0 =	vmax.f32 v0, v1;
	v1 =	vmul.f32 $0.0e+00, v25  }
0x162: {  	v0 =	vmax.f32 v0, v26  }
0x163: {  	v0 =	vmax.f32 v0, v1  }
0x164: {  	v0 =	vmax.f32 v0, v3  }
0x165: {  	s31 =	simm.s32 $0x0;
	s18 =	simm.s32 $0x19000;
	[tilespmem:s19+$0x19000] =	vst v0  }
0x166: {  	[hbm4b:s6+s31] =	stream.linear.scatter [tilespmem:s18], [sflag:$0x3], $0x400, $0x38;
	[tilespmem:$0x19400] =	vst v63  }
0x167: {  	_ =	swait.ge [sflag:s15], $0x400  }
0x168: {  	[sflag:s15] =	ssyncset.done $0x0  }
0x169: {  	[sflag:s15] =	ssyncadd.s32 $0xFFFFFC00  }
0x16a: {  	[tilespmem:s12], [sflag:$0x2] =	stream.strided.gather [hbm4b:s7+s10], $0xC800, s11, s10, $0x38;
	[tilespmem:$0x19400] =	vst v63  }
0x16b: {  	_ =	swait.ge [sflag:s13], $0xC800  }
0x16c: {  	[sflag:s13] =	ssyncset.done $0x0  }
0x16d: {  	[sflag:s13] =	ssyncadd.s32 $0xFFFF3800  }
0x16e: {  	s19 =	sand.u32 $0x3F0, s31;
	v0 =	vld [tilespmem:s31+$0x0]  }
0x16f: {  	v1 =	vld [tilespmem:s19+$0x400]  }
0x170: {  	v2 =	vld [tilespmem:s19+$0x800]  }
0x171: {  	v3 =	vld [tilespmem:s19+$0xC00]  }
0x172: {  	v27 =	vld [tilespmem:s19+$0x1000]  }
0x173: {  	v28 =	vld [tilespmem:s19+$0x1400]  }
0x174: {  	v29 =	vld [tilespmem:s19+$0x1800];
	v0 =	vmul.f32 $9.900000000e+01, v0;
	v1 =	vmul.f32 $9.800000000e+01, v1  }
0x175: {  	v30 =	vld [tilespmem:s19+$0x1C00];
	v2 =	vmul.f32 $9.700000000e+01, v2  }
0x176: {  	v0 =	vmax.f32 v0, v1;
	v1 =	vmul.f32 $9.600000000e+01, v3;
	v3 =	vld [tilespmem:s19+$0x2000]  }
0x177: {  	v31 =	vld [tilespmem:s19+$0x2400];
	v0 =	vmax.f32 v0, v2;
	v2 =	vmul.f32 $9.500000000e+01, v27  }
0x178: {  	v32 =	vld [tilespmem:s19+$0x2800];
	v0 =	vmax.f32 v0, v1;
	v1 =	vmul.f32 $9.400000000e+01, v28  }
0x179: {  	v33 =	vld [tilespmem:s19+$0x2C00];
	v0 =	vmax.f32 v0, v2;
	v2 =	vmul.f32 $9.300000000e+01, v29  }
0x17a: {  	v34 =	vld [tilespmem:s19+$0x3000];
	v0 =	vmax.f32 v0, v1;
	v1 =	vmul.f32 $9.200000000e+01, v30  }
0x17b: {  	v0 =	vmax.f32 v0, v2;
	v2 =	vmul.f32 $9.100000000e+01, v3;
	v3 =	vld [tilespmem:s19+$0x3400]  }
0x17c: {  	v35 =	vld [tilespmem:s19+$0x3800];
	v0 =	vmax.f32 v0, v1;
	v1 =	vmul.f32 $9.000000000e+01, v31  }
0x17d: {  	v36 =	vld [tilespmem:s19+$0x3C00];
	v0 =	vmax.f32 v0, v2;
	v2 =	vmul.f32 $8.900000000e+01, v32  }
0x17e: {  	v37 =	vld [tilespmem:s19+$0x4000];
	v0 =	vmax.f32 v0, v1;
	v1 =	vmul.f32 $8.800000000e+01, v33  }
0x17f: {  	v38 =	vld [tilespmem:s19+$0x4400];
	v0 =	vmax.f32 v0, v2;
	v2 =	vmul.f32 $8.700000000e+01, v34  }
0x180: {  	v0 =	vmax.f32 v0, v1;
	v1 =	vmul.f32 $8.600000000e+01, v3;
	v3 =	vld [tilespmem:s19+$0x4800]  }
0x181: {  	v39 =	vld [tilespmem:s19+$0x4C00];
	v0 =	vmax.f32 v0, v2;
	v2 =	vmul.f32 $8.500000000e+01, v35  }
0x182: {  	v40 =	vld [tilespmem:s19+$0x5000];
	v0 =	vmax.f32 v0, v1;
	v1 =	vmul.f32 $8.400000000e+01, v36  }
0x183: {  	v41 =	vld [tilespmem:s19+$0x5400];
	v0 =	vmax.f32 v0, v2;
	v2 =	vmul.f32 $8.300000000e+01, v37  }
0x184: {  	v42 =	vld [tilespmem:s19+$0x5800];
	v0 =	vmax.f32 v0, v1;
	v1 =	vmul.f32 $8.200000000e+01, v38  }
0x185: {  	v0 =	vmax.f32 v0, v2;
	v2 =	vmul.f32 $8.100000000e+01, v3;
	v3 =	vld [tilespmem:s19+$0x5C00]  }
0x186: {  	v43 =	vld [tilespmem:s19+$0x6000];
	v0 =	vmax.f32 v0, v1;
	v1 =	vmul.f32 $8.000000000e+01, v39  }
0x187: {  	v44 =	vld [tilespmem:s19+$0x6400];
	v0 =	vmax.f32 v0, v2;
	v2 =	vmul.f32 $7.900000000e+01, v40  }
0x188: {  	v45 =	vld [tilespmem:s19+$0x6800];
	v0 =	vmax.f32 v0, v1;
	v1 =	vmul.f32 $7.800000000e+01, v41  }
0x189: {  	v46 =	vld [tilespmem:s19+$0x6C00];
	v0 =	vmax.f32 v0, v2;
	v2 =	vmul.f32 $7.700000000e+01, v42  }
0x18a: {  	v0 =	vmax.f32 v0, v1;
	v1 =	vmul.f32 $7.600000000e+01, v3;
	v3 =	vld [tilespmem:s19+$0x7000]  }
0x18b: {  	v47 =	vld [tilespmem:s19+$0x7400];
	v0 =	vmax.f32 v0, v2;
	v2 =	vmul.f32 $7.500000000e+01, v43  }
0x18c: {  	v48 =	vld [tilespmem:s19+$0x7800];
	v0 =	vmax.f32 v0, v1;
	v1 =	vmul.f32 $7.400000000e+01, v44  }
0x18d: {  	v49 =	vld [tilespmem:s19+$0x7C00];
	v0 =	vmax.f32 v0, v2;
	v2 =	vmul.f32 $7.300000000e+01, v45  }
0x18e: {  	v50 =	vld [tilespmem:s19+$0x8000];
	v0 =	vmax.f32 v0, v1;
	v1 =	vmul.f32 $7.200000000e+01, v46  }
0x18f: {  	v0 =	vmax.f32 v0, v2;
	v2 =	vmul.f32 $7.100000000e+01, v3;
	v3 =	vld [tilespmem:s19+$0x8400]  }
0x190: {  	v51 =	vld [tilespmem:s19+$0x8800];
	v0 =	vmax.f32 v0, v1;
	v1 =	vmul.f32 $7.000000000e+01, v47  }
0x191: {  	v52 =	vld [tilespmem:s19+$0x8C00];
	v0 =	vmax.f32 v0, v2;
	v2 =	vmul.f32 $6.900000000e+01, v48  }
0x192: {  	v53 =	vld [tilespmem:s19+$0x9000];
	v0 =	vmax.f32 v0, v1;
	v1 =	vmul.f32 $6.800000000e+01, v49  }
0x193: {  	v54 =	vld [tilespmem:s19+$0x9400];
	v0 =	vmax.f32 v0, v2;
	v2 =	vmul.f32 $6.700000000e+01, v50  }
0x194: {  	v0 =	vmax.f32 v0, v1;
	v1 =	vmul.f32 $6.600000000e+01, v3;
	v3 =	vld [tilespmem:s19+$0x9800]  }
0x195: {  	v55 =	vld [tilespmem:s19+$0x9C00];
	v0 =	vmax.f32 v0, v2;
	v2 =	vmul.f32 $6.500000000e+01, v51  }
0x196: {  	v56 =	vld [tilespmem:s19+$0xA000];
	v0 =	vmax.f32 v0, v1;
	v1 =	vmul.f32 $6.400000000e+01, v52  }
0x197: {  	v57 =	vld [tilespmem:s19+$0xA400];
	v0 =	vmax.f32 v0, v2;
	v2 =	vmul.f32 $6.300000000e+01, v53  }
0x198: {  	v58 =	vld [tilespmem:s19+$0xA800];
	v0 =	vmax.f32 v0, v1;
	v1 =	vmul.f32 $6.200000000e+01, v54  }
0x199: {  	v0 =	vmax.f32 v0, v2;
	v2 =	vmul.f32 $6.100000000e+01, v3;
	v3 =	vld [tilespmem:s19+$0xAC00]  }
0x19a: {  	v59 =	vld [tilespmem:s19+$0xB000];
	v0 =	vmax.f32 v0, v1;
	v1 =	vmul.f32 $6.000000000e+01, v55  }
0x19b: {  	v60 =	vld [tilespmem:s19+$0xB400];
	v0 =	vmax.f32 v0, v2;
	v2 =	vmul.f32 $5.900000000e+01, v56  }
0x19c: {  	v61 =	vld [tilespmem:s19+$0xB800];
	v0 =	vmax.f32 v0, v1;
	v1 =	vmul.f32 $5.800000000e+01, v57  }
0x19d: {  	v62 =	vld [tilespmem:s19+$0xBC00];
	v0 =	vmax.f32 v0, v2;
	v2 =	vmul.f32 $5.700000000e+01, v58  }
0x19e: {  	v0 =	vmax.f32 v0, v1;
	v1 =	vmul.f32 $5.600000000e+01, v3;
	v3 =	vld [tilespmem:s19+$0xC000]  }
0x19f: {  	v63 =	vld [tilespmem:s19+$0xC400];
	v0 =	vmax.f32 v0, v2;
	v2 =	vmul.f32 $5.500000000e+01, v59  }
0x1a0: {  	v0 =	vmax.f32 v0, v1;
	v1 =	vmul.f32 $5.400000000e+01, v60  }
0x1a1: {  	v0 =	vmax.f32 v0, v2;
	v2 =	vmul.f32 $5.300000000e+01, v61  }
0x1a2: {  	v0 =	vmax.f32 v0, v1;
	v1 =	vmul.f32 $5.200000000e+01, v62  }
0x1a3: {  	v0 =	vmax.f32 v0, v2;
	v2 =	vmul.f32 $5.100000000e+01, v3  }
0x1a4: {  	v0 =	vmax.f32 v0, v1;
	v1 =	vmul.f32 $5.000000000e+01, v63  }
0x1a5: {  	v0 =	vmax.f32 v0, v2  }
0x1a6: {  	v0 =	vmax.f32 v0, v1  }
0x1a7: {  	s20 =	simm.s32 $0x10;
	[tilespmem:s18+$0x0] =	vst v0  }
0x1a8: {  	s21 =	simm.s32 $0x20;
	s19 =	sand.u32 $0x3F0, s20;
	v0 =	vld [tilespmem:s20+$0x0]  }
.LBB2_6:
0x1a9: {  	p0 =	sne.s32 s21, $0x3F0;
	v1 =	vld [tilespmem:s19+$0x400]  }
0x1aa: {  	v2 =	vld [tilespmem:s19+$0x800]  }
0x1ab: {  	v3 =	vld [tilespmem:s19+$0xC00]  }
0x1ac: {  	v4 =	vld [tilespmem:s19+$0x1000]  }
0x1ad: {  	v5 =	vld [tilespmem:s19+$0x1400]  }
0x1ae: {  	v0 =	vmul.f32 $9.900000000e+01, v0;
	v1 =	vmul.f32 $9.800000000e+01, v1;
	v6 =	vld [tilespmem:s19+$0x1800]  }
0x1af: {  	v2 =	vmul.f32 $9.700000000e+01, v2;
	v7 =	vld [tilespmem:s19+$0x1C00]  }
0x1b0: {  	v0 =	vmax.f32 v0, v1;
	v1 =	vmul.f32 $9.600000000e+01, v3;
	v3 =	vld [tilespmem:s19+$0x2000]  }
0x1b1: {  	v0 =	vmax.f32 v0, v2;
	v2 =	vmul.f32 $9.500000000e+01, v4;
	v4 =	vld [tilespmem:s19+$0x2400]  }
0x1b2: {  	v0 =	vmax.f32 v0, v1;
	v1 =	vmul.f32 $9.400000000e+01, v5;
	v5 =	vld [tilespmem:s19+$0x2800]  }
0x1b3: {  	v0 =	vmax.f32 v0, v2;
	v2 =	vmul.f32 $9.300000000e+01, v6;
	v6 =	vld [tilespmem:s19+$0x2C00]  }
0x1b4: {  	v0 =	vmax.f32 v0, v1;
	v1 =	vmul.f32 $9.200000000e+01, v7;
	v7 =	vld [tilespmem:s19+$0x3000]  }
0x1b5: {  	v0 =	vmax.f32 v0, v2;
	v2 =	vmul.f32 $9.100000000e+01, v3;
	v3 =	vld [tilespmem:s19+$0x3400]  }
0x1b6: {  	v0 =	vmax.f32 v0, v1;
	v1 =	vmul.f32 $9.000000000e+01, v4;
	v4 =	vld [tilespmem:s19+$0x3800]  }
0x1b7: {  	v0 =	vmax.f32 v0, v2;
	v2 =	vmul.f32 $8.900000000e+01, v5;
	v5 =	vld [tilespmem:s19+$0x3C00]  }
0x1b8: {  	v0 =	vmax.f32 v0, v1;
	v1 =	vmul.f32 $8.800000000e+01, v6;
	v6 =	vld [tilespmem:s19+$0x4000]  }
0x1b9: {  	v0 =	vmax.f32 v0, v2;
	v2 =	vmul.f32 $8.700000000e+01, v7;
	v7 =	vld [tilespmem:s19+$0x4400]  }
0x1ba: {  	v0 =	vmax.f32 v0, v1;
	v1 =	vmul.f32 $8.600000000e+01, v3;
	v3 =	vld [tilespmem:s19+$0x4800]  }
0x1bb: {  	v0 =	vmax.f32 v0, v2;
	v2 =	vmul.f32 $8.500000000e+01, v4;
	v4 =	vld [tilespmem:s19+$0x4C00]  }
0x1bc: {  	v0 =	vmax.f32 v0, v1;
	v1 =	vmul.f32 $8.400000000e+01, v5;
	v5 =	vld [tilespmem:s19+$0x5000]  }
0x1bd: {  	v0 =	vmax.f32 v0, v2;
	v2 =	vmul.f32 $8.300000000e+01, v6;
	v6 =	vld [tilespmem:s19+$0x5400]  }
0x1be: {  	v0 =	vmax.f32 v0, v1;
	v1 =	vmul.f32 $8.200000000e+01, v7;
	v7 =	vld [tilespmem:s19+$0x5800]  }
0x1bf: {  	v0 =	vmax.f32 v0, v2;
	v2 =	vmul.f32 $8.100000000e+01, v3;
	v3 =	vld [tilespmem:s19+$0x5C00]  }
0x1c0: {  	v0 =	vmax.f32 v0, v1;
	v1 =	vmul.f32 $8.000000000e+01, v4;
	v4 =	vld [tilespmem:s19+$0x6000]  }
0x1c1: {  	v0 =	vmax.f32 v0, v2;
	v2 =	vmul.f32 $7.900000000e+01, v5;
	v5 =	vld [tilespmem:s19+$0x6400]  }
0x1c2: {  	v0 =	vmax.f32 v0, v1;
	v1 =	vmul.f32 $7.800000000e+01, v6;
	v6 =	vld [tilespmem:s19+$0x6800]  }
0x1c3: {  	v0 =	vmax.f32 v0, v2;
	v2 =	vmul.f32 $7.700000000e+01, v7;
	v7 =	vld [tilespmem:s19+$0x6C00]  }
0x1c4: {  	v0 =	vmax.f32 v0, v1;
	v1 =	vmul.f32 $7.600000000e+01, v3;
	v3 =	vld [tilespmem:s19+$0x7000]  }
0x1c5: {  	v0 =	vmax.f32 v0, v2;
	v2 =	vmul.f32 $7.500000000e+01, v4;
	v4 =	vld [tilespmem:s19+$0x7400]  }
0x1c6: {  	v0 =	vmax.f32 v0, v1;
	v1 =	vmul.f32 $7.400000000e+01, v5;
	v5 =	vld [tilespmem:s19+$0x7800]  }
0x1c7: {  	v0 =	vmax.f32 v0, v2;
	v2 =	vmul.f32 $7.300000000e+01, v6;
	v6 =	vld [tilespmem:s19+$0x7C00]  }
0x1c8: {  	v0 =	vmax.f32 v0, v1;
	v1 =	vmul.f32 $7.200000000e+01, v7;
	v7 =	vld [tilespmem:s19+$0x8000]  }
0x1c9: {  	v0 =	vmax.f32 v0, v2;
	v2 =	vmul.f32 $7.100000000e+01, v3;
	v3 =	vld [tilespmem:s19+$0x8400]  }
0x1ca: {  	v0 =	vmax.f32 v0, v1;
	v1 =	vmul.f32 $7.000000000e+01, v4;
	v4 =	vld [tilespmem:s19+$0x8800]  }
0x1cb: {  	v0 =	vmax.f32 v0, v2;
	v2 =	vmul.f32 $6.900000000e+01, v5;
	v5 =	vld [tilespmem:s19+$0x8C00]  }
0x1cc: {  	v0 =	vmax.f32 v0, v1;
	v1 =	vmul.f32 $6.800000000e+01, v6;
	v6 =	vld [tilespmem:s19+$0x9000]  }
0x1cd: {  	v0 =	vmax.f32 v0, v2;
	v2 =	vmul.f32 $6.700000000e+01, v7;
	v7 =	vld [tilespmem:s19+$0x9400]  }
0x1ce: {  	v0 =	vmax.f32 v0, v1;
	v1 =	vmul.f32 $6.600000000e+01, v3;
	v3 =	vld [tilespmem:s19+$0x9800]  }
0x1cf: {  	v0 =	vmax.f32 v0, v2;
	v2 =	vmul.f32 $6.500000000e+01, v4;
	v4 =	vld [tilespmem:s19+$0x9C00]  }
0x1d0: {  	v0 =	vmax.f32 v0, v1;
	v1 =	vmul.f32 $6.400000000e+01, v5;
	v5 =	vld [tilespmem:s19+$0xA000]  }
0x1d1: {  	v0 =	vmax.f32 v0, v2;
	v2 =	vmul.f32 $6.300000000e+01, v6;
	v6 =	vld [tilespmem:s19+$0xA400]  }
0x1d2: {  	v0 =	vmax.f32 v0, v1;
	v1 =	vmul.f32 $6.200000000e+01, v7;
	v7 =	vld [tilespmem:s19+$0xA800]  }
0x1d3: {  	v0 =	vmax.f32 v0, v2;
	v2 =	vmul.f32 $6.100000000e+01, v3;
	v3 =	vld [tilespmem:s19+$0xAC00]  }
0x1d4: {  	v0 =	vmax.f32 v0, v1;
	v1 =	vmul.f32 $6.000000000e+01, v4;
	v4 =	vld [tilespmem:s19+$0xB000]  }
0x1d5: {  	v0 =	vmax.f32 v0, v2;
	v2 =	vmul.f32 $5.900000000e+01, v5;
	v5 =	vld [tilespmem:s19+$0xB400]  }
0x1d6: {  	v0 =	vmax.f32 v0, v1;
	v1 =	vmul.f32 $5.800000000e+01, v6;
	v6 =	vld [tilespmem:s19+$0xB800]  }
0x1d7: {  	v0 =	vmax.f32 v0, v2;
	v2 =	vmul.f32 $5.700000000e+01, v7;
	v7 =	vld [tilespmem:s19+$0xBC00]  }
0x1d8: {  	v0 =	vmax.f32 v0, v1;
	v1 =	vmul.f32 $5.600000000e+01, v3;
	v3 =	vld [tilespmem:s19+$0xC000]  }
0x1d9: {  	v0 =	vmax.f32 v0, v2;
	v2 =	vmul.f32 $5.500000000e+01, v4;
	v4 =	vld [tilespmem:s19+$0xC400]  }
0x1da: {  	v0 =	vmax.f32 v0, v1;
	v1 =	vmul.f32 $5.400000000e+01, v5  }
0x1db: {  	v0 =	vmax.f32 v0, v2;
	v2 =	vmul.f32 $5.300000000e+01, v6  }
0x1dc: {  	v0 =	vmax.f32 v0, v1;
	v1 =	vmul.f32 $5.200000000e+01, v7  }
0x1dd: {  	v0 =	vmax.f32 v0, v2;
	v2 =	vmul.f32 $5.100000000e+01, v3  }
.Ltmp2:
0x1de: {  	v0 =	vmax.f32 v0, v1;
	v1 =	vmul.f32 $5.000000000e+01, v4;
	(pc) =	sbr.rel @p0 .LBB2_6-.Ltmp2, $4  }
0x1df: {  	v0 =	vmax.f32 v0, v2  }
0x1e0: {  	s18 =	sadd.s32 $0x10, s18;
	v0 =	vmax.f32 v0, v1  }
0x1e1: {  	s20 =	sadd.s32 $0x10, s20;
	[tilespmem:s18+$0x0] =	vst v0  }
0x1e2: {  	s19 =	sand.u32 $0x3F0, s21;
	s21 =	sadd.s32 $0x10, s21;
	v0 =	vld [tilespmem:s20+$0x0]  }
0x1e3: {  	v1 =	vld [tilespmem:s19+$0x400]  }
0x1e4: {  	v2 =	vld [tilespmem:s19+$0x800]  }
0x1e5: {  	v3 =	vld [tilespmem:s19+$0xC00]  }
0x1e6: {  	v4 =	vld [tilespmem:s19+$0x1000]  }
0x1e7: {  	v5 =	vld [tilespmem:s19+$0x1400]  }
0x1e8: {  	v6 =	vld [tilespmem:s19+$0x1800];
	v0 =	vmul.f32 $9.900000000e+01, v0;
	v1 =	vmul.f32 $9.800000000e+01, v1  }
0x1e9: {  	v7 =	vld [tilespmem:s19+$0x1C00];
	v2 =	vmul.f32 $9.700000000e+01, v2  }
0x1ea: {  	v0 =	vmax.f32 v0, v1;
	v1 =	vmul.f32 $9.600000000e+01, v3;
	v3 =	vld [tilespmem:s19+$0x2000]  }
0x1eb: {  	v0 =	vmax.f32 v0, v2;
	v2 =	vmul.f32 $9.500000000e+01, v4;
	v4 =	vld [tilespmem:s19+$0x2400]  }
0x1ec: {  	v0 =	vmax.f32 v0, v1;
	v1 =	vmul.f32 $9.400000000e+01, v5;
	v5 =	vld [tilespmem:s19+$0x2800]  }
0x1ed: {  	v0 =	vmax.f32 v0, v2;
	v2 =	vmul.f32 $9.300000000e+01, v6;
	v6 =	vld [tilespmem:s19+$0x2C00]  }
0x1ee: {  	v0 =	vmax.f32 v0, v1;
	v1 =	vmul.f32 $9.200000000e+01, v7;
	v7 =	vld [tilespmem:s19+$0x3000]  }
0x1ef: {  	v0 =	vmax.f32 v0, v2;
	v2 =	vmul.f32 $9.100000000e+01, v3;
	v3 =	vld [tilespmem:s19+$0x3400]  }
0x1f0: {  	v0 =	vmax.f32 v0, v1;
	v1 =	vmul.f32 $9.000000000e+01, v4;
	v4 =	vld [tilespmem:s19+$0x3800]  }
0x1f1: {  	v0 =	vmax.f32 v0, v2;
	v2 =	vmul.f32 $8.900000000e+01, v5;
	v5 =	vld [tilespmem:s19+$0x3C00]  }
0x1f2: {  	v0 =	vmax.f32 v0, v1;
	v1 =	vmul.f32 $8.800000000e+01, v6;
	v6 =	vld [tilespmem:s19+$0x4000]  }
0x1f3: {  	v0 =	vmax.f32 v0, v2;
	v2 =	vmul.f32 $8.700000000e+01, v7;
	v7 =	vld [tilespmem:s19+$0x4400]  }
0x1f4: {  	v0 =	vmax.f32 v0, v1;
	v1 =	vmul.f32 $8.600000000e+01, v3;
	v3 =	vld [tilespmem:s19+$0x4800]  }
0x1f5: {  	v0 =	vmax.f32 v0, v2;
	v2 =	vmul.f32 $8.500000000e+01, v4;
	v4 =	vld [tilespmem:s19+$0x4C00]  }
0x1f6: {  	v0 =	vmax.f32 v0, v1;
	v1 =	vmul.f32 $8.400000000e+01, v5;
	v5 =	vld [tilespmem:s19+$0x5000]  }
0x1f7: {  	v0 =	vmax.f32 v0, v2;
	v2 =	vmul.f32 $8.300000000e+01, v6;
	v6 =	vld [tilespmem:s19+$0x5400]  }
0x1f8: {  	v0 =	vmax.f32 v0, v1;
	v1 =	vmul.f32 $8.200000000e+01, v7;
	v7 =	vld [tilespmem:s19+$0x5800]  }
0x1f9: {  	v0 =	vmax.f32 v0, v2;
	v2 =	vmul.f32 $8.100000000e+01, v3;
	v3 =	vld [tilespmem:s19+$0x5C00]  }
0x1fa: {  	v0 =	vmax.f32 v0, v1;
	v1 =	vmul.f32 $8.000000000e+01, v4;
	v4 =	vld [tilespmem:s19+$0x6000]  }
0x1fb: {  	v0 =	vmax.f32 v0, v2;
	v2 =	vmul.f32 $7.900000000e+01, v5;
	v5 =	vld [tilespmem:s19+$0x6400]  }
0x1fc: {  	v0 =	vmax.f32 v0, v1;
	v1 =	vmul.f32 $7.800000000e+01, v6;
	v6 =	vld [tilespmem:s19+$0x6800]  }
0x1fd: {  	v0 =	vmax.f32 v0, v2;
	v2 =	vmul.f32 $7.700000000e+01, v7;
	v7 =	vld [tilespmem:s19+$0x6C00]  }
0x1fe: {  	v0 =	vmax.f32 v0, v1;
	v1 =	vmul.f32 $7.600000000e+01, v3;
	v3 =	vld [tilespmem:s19+$0x7000]  }
0x1ff: {  	v0 =	vmax.f32 v0, v2;
	v2 =	vmul.f32 $7.500000000e+01, v4;
	v4 =	vld [tilespmem:s19+$0x7400]  }
0x200: {  	v0 =	vmax.f32 v0, v1;
	v1 =	vmul.f32 $7.400000000e+01, v5;
	v5 =	vld [tilespmem:s19+$0x7800]  }
0x201: {  	v0 =	vmax.f32 v0, v2;
	v2 =	vmul.f32 $7.300000000e+01, v6;
	v6 =	vld [tilespmem:s19+$0x7C00]  }
0x202: {  	v0 =	vmax.f32 v0, v1;
	v1 =	vmul.f32 $7.200000000e+01, v7;
	v7 =	vld [tilespmem:s19+$0x8000]  }
0x203: {  	v0 =	vmax.f32 v0, v2;
	v2 =	vmul.f32 $7.100000000e+01, v3;
	v3 =	vld [tilespmem:s19+$0x8400]  }
0x204: {  	v0 =	vmax.f32 v0, v1;
	v1 =	vmul.f32 $7.000000000e+01, v4;
	v4 =	vld [tilespmem:s19+$0x8800]  }
0x205: {  	v0 =	vmax.f32 v0, v2;
	v2 =	vmul.f32 $6.900000000e+01, v5;
	v5 =	vld [tilespmem:s19+$0x8C00]  }
0x206: {  	v0 =	vmax.f32 v0, v1;
	v1 =	vmul.f32 $6.800000000e+01, v6;
	v6 =	vld [tilespmem:s19+$0x9000]  }
0x207: {  	v0 =	vmax.f32 v0, v2;
	v2 =	vmul.f32 $6.700000000e+01, v7;
	v7 =	vld [tilespmem:s19+$0x9400]  }
0x208: {  	v0 =	vmax.f32 v0, v1;
	v1 =	vmul.f32 $6.600000000e+01, v3;
	v3 =	vld [tilespmem:s19+$0x9800]  }
0x209: {  	v0 =	vmax.f32 v0, v2;
	v2 =	vmul.f32 $6.500000000e+01, v4;
	v4 =	vld [tilespmem:s19+$0x9C00]  }
0x20a: {  	v0 =	vmax.f32 v0, v1;
	v1 =	vmul.f32 $6.400000000e+01, v5;
	v5 =	vld [tilespmem:s19+$0xA000]  }
0x20b: {  	v0 =	vmax.f32 v0, v2;
	v2 =	vmul.f32 $6.300000000e+01, v6;
	v6 =	vld [tilespmem:s19+$0xA400]  }
0x20c: {  	v0 =	vmax.f32 v0, v1;
	v1 =	vmul.f32 $6.200000000e+01, v7;
	v7 =	vld [tilespmem:s19+$0xA800]  }
0x20d: {  	v0 =	vmax.f32 v0, v2;
	v2 =	vmul.f32 $6.100000000e+01, v3;
	v3 =	vld [tilespmem:s19+$0xAC00]  }
0x20e: {  	v0 =	vmax.f32 v0, v1;
	v1 =	vmul.f32 $6.000000000e+01, v4;
	v4 =	vld [tilespmem:s19+$0xB000]  }
0x20f: {  	v0 =	vmax.f32 v0, v2;
	v2 =	vmul.f32 $5.900000000e+01, v5;
	v5 =	vld [tilespmem:s19+$0xB400]  }
0x210: {  	v0 =	vmax.f32 v0, v1;
	v1 =	vmul.f32 $5.800000000e+01, v6;
	v6 =	vld [tilespmem:s19+$0xB800]  }
0x211: {  	v0 =	vmax.f32 v0, v2;
	v2 =	vmul.f32 $5.700000000e+01, v7;
	v7 =	vld [tilespmem:s19+$0xBC00]  }
0x212: {  	v0 =	vmax.f32 v0, v1;
	v1 =	vmul.f32 $5.600000000e+01, v3;
	v3 =	vld [tilespmem:s19+$0xC000]  }
0x213: {  	v0 =	vmax.f32 v0, v2;
	v2 =	vmul.f32 $5.500000000e+01, v4;
	v4 =	vld [tilespmem:s19+$0xC400]  }
0x214: {  	v0 =	vmax.f32 v0, v1;
	v1 =	vmul.f32 $5.400000000e+01, v5  }
0x215: {  	v0 =	vmax.f32 v0, v2;
	v2 =	vmul.f32 $5.300000000e+01, v6  }
0x216: {  	v0 =	vmax.f32 v0, v1;
	v1 =	vmul.f32 $5.200000000e+01, v7  }
0x217: {  	v0 =	vmax.f32 v0, v2;
	v2 =	vmul.f32 $5.100000000e+01, v3  }
0x218: {  	v0 =	vmax.f32 v0, v1;
	v1 =	vmul.f32 $5.000000000e+01, v4  }
0x219: {  	v0 =	vmax.f32 v0, v2  }
0x21a: {  	s18 =	sadd.s32 $0x10, s18;
	v0 =	vmax.f32 v0, v1  }
0x21b: {  	[tilespmem:s18+$0x0] =	vst v0  }
0x21c: {  	_ =	swait.ge [sflag:s14], $0xC800  }
0x21d: {  	s30 =	simm.s32 $0x0;
	[sflag:s14] =	ssyncset.done $0x0  }
0x21e: {  	s18 =	sand.u32 $0x3F0, s30;
	[sflag:s14] =	ssyncadd.s32 $0xFFFF3800  }
0x21f: {  	v0 =	vld [tilespmem:s18+$0xC800]  }
0x220: {  	v1 =	vld [tilespmem:s18+$0xCC00]  }
0x221: {  	v2 =	vld [tilespmem:s18+$0xD000]  }
0x222: {  	v3 =	vld [tilespmem:s18+$0xD400]  }
0x223: {  	v4 =	vld [tilespmem:s18+$0xD800]  }
0x224: {  	v5 =	vld [tilespmem:s18+$0xDC00]  }
0x225: {  	v6 =	vld [tilespmem:s18+$0xE000];
	v0 =	vmul.f32 $4.900000000e+01, v0;
	v1 =	vmul.f32 $4.800000000e+01, v1  }
0x226: {  	v7 =	vld [tilespmem:s18+$0xE400];
	v2 =	vmul.f32 $4.700000000e+01, v2  }
0x227: {  	v0 =	vmax.f32 v0, v1;
	v1 =	vmul.f32 $4.600000000e+01, v3;
	v3 =	vld [tilespmem:s18+$0xE800]  }
0x228: {  	v0 =	vmax.f32 v0, v2;
	v2 =	vmul.f32 $4.500000000e+01, v4;
	v4 =	vld [tilespmem:s18+$0xEC00]  }
0x229: {  	v0 =	vmax.f32 v0, v1;
	v1 =	vmul.f32 $4.400000000e+01, v5;
	v5 =	vld [tilespmem:s18+$0xF000]  }
0x22a: {  	v0 =	vmax.f32 v0, v2;
	v2 =	vmul.f32 $4.300000000e+01, v6;
	v6 =	vld [tilespmem:s18+$0xF400]  }
0x22b: {  	v0 =	vmax.f32 v0, v1;
	v1 =	vmul.f32 $4.200000000e+01, v7;
	v7 =	vld [tilespmem:s18+$0xF800]  }
0x22c: {  	v0 =	vmax.f32 v0, v2;
	v2 =	vmul.f32 $4.100000000e+01, v3;
	v3 =	vld [tilespmem:s18+$0xFC00]  }
0x22d: {  	v0 =	vmax.f32 v0, v1;
	v1 =	vmul.f32 $4.000000000e+01, v4;
	v4 =	vld [tilespmem:s18+$0x10000]  }
0x22e: {  	v0 =	vmax.f32 v0, v2;
	v2 =	vmul.f32 $3.900000000e+01, v5;
	v5 =	vld [tilespmem:s18+$0x10400]  }
0x22f: {  	v0 =	vmax.f32 v0, v1;
	v1 =	vmul.f32 $3.800000000e+01, v6;
	v6 =	vld [tilespmem:s18+$0x10800]  }
0x230: {  	v0 =	vmax.f32 v0, v2;
	v2 =	vmul.f32 $3.700000000e+01, v7;
	v7 =	vld [tilespmem:s18+$0x10C00]  }
0x231: {  	v0 =	vmax.f32 v0, v1;
	v1 =	vmul.f32 $3.600000000e+01, v3;
	v3 =	vld [tilespmem:s18+$0x11000]  }
0x232: {  	v0 =	vmax.f32 v0, v2;
	v2 =	vmul.f32 $3.500000000e+01, v4;
	v4 =	vld [tilespmem:s18+$0x11400]  }
0x233: {  	v0 =	vmax.f32 v0, v1;
	v1 =	vmul.f32 $3.400000000e+01, v5;
	v5 =	vld [tilespmem:s18+$0x11800]  }
0x234: {  	v0 =	vmax.f32 v0, v2;
	v2 =	vmul.f32 $3.300000000e+01, v6;
	v6 =	vld [tilespmem:s18+$0x11C00]  }
0x235: {  	v0 =	vmax.f32 v0, v1;
	v1 =	vmul.f32 $3.200000000e+01, v7;
	v7 =	vld [tilespmem:s18+$0x12000]  }
0x236: {  	v0 =	vmax.f32 v0, v2;
	v2 =	vmul.f32 $3.100000000e+01, v3;
	v3 =	vld [tilespmem:s18+$0x12400]  }
0x237: {  	v0 =	vmax.f32 v0, v1;
	v1 =	vmul.f32 $3.000000000e+01, v4;
	v4 =	vld [tilespmem:s18+$0x12800]  }
0x238: {  	v0 =	vmax.f32 v0, v2;
	v2 =	vmul.f32 $2.900000000e+01, v5;
	v5 =	vld [tilespmem:s18+$0x12C00]  }
0x239: {  	v0 =	vmax.f32 v0, v1;
	v1 =	vmul.f32 $2.800000000e+01, v6;
	v6 =	vld [tilespmem:s18+$0x13000]  }
0x23a: {  	v0 =	vmax.f32 v0, v2;
	v2 =	vmul.f32 $2.700000000e+01, v7;
	v7 =	vld [tilespmem:s18+$0x13400]  }
0x23b: {  	v0 =	vmax.f32 v0, v1;
	v1 =	vmul.f32 $2.600000000e+01, v3;
	v3 =	vld [tilespmem:s18+$0x13800]  }
0x23c: {  	v0 =	vmax.f32 v0, v2;
	v2 =	vmul.f32 $2.500000000e+01, v4;
	v4 =	vld [tilespmem:s18+$0x13C00]  }
0x23d: {  	v0 =	vmax.f32 v0, v1;
	v1 =	vmul.f32 $2.400000000e+01, v5;
	v5 =	vld [tilespmem:s18+$0x14000]  }
0x23e: {  	v0 =	vmax.f32 v0, v2;
	v2 =	vmul.f32 $2.300000000e+01, v6;
	v6 =	vld [tilespmem:s18+$0x14400]  }
0x23f: {  	v0 =	vmax.f32 v0, v1;
	v1 =	vmul.f32 $2.200000000e+01, v7;
	v7 =	vld [tilespmem:s18+$0x14800]  }
0x240: {  	v0 =	vmax.f32 v0, v2;
	v2 =	vmul.f32 $2.100000000e+01, v3;
	v3 =	vld [tilespmem:s18+$0x14C00]  }
0x241: {  	v0 =	vmax.f32 v0, v1;
	v1 =	vmul.f32 $2.000000000e+01, v4;
	v4 =	vld [tilespmem:s18+$0x15000]  }
0x242: {  	v0 =	vmax.f32 v0, v2;
	v2 =	vmul.f32 $1.900000000e+01, v5;
	v5 =	vld [tilespmem:s18+$0x15400]  }
0x243: {  	v0 =	vmax.f32 v0, v1;
	v1 =	vmul.f32 $1.800000000e+01, v6;
	v6 =	vld [tilespmem:s18+$0x15800]  }
0x244: {  	v0 =	vmax.f32 v0, v2;
	v2 =	vmul.f32 $1.700000000e+01, v7;
	v7 =	vld [tilespmem:s18+$0x15C00]  }
0x245: {  	v0 =	vmax.f32 v0, v1;
	v1 =	vmul.f32 $1.600000000e+01, v3;
	v3 =	vld [tilespmem:s18+$0x16000]  }
0x246: {  	v0 =	vmax.f32 v0, v2;
	v2 =	vmul.f32 $1.500000000e+01, v4;
	v4 =	vld [tilespmem:s18+$0x16400]  }
0x247: {  	v0 =	vmax.f32 v0, v1;
	v1 =	vmul.f32 $1.400000000e+01, v5;
	v5 =	vld [tilespmem:s18+$0x16800]  }
0x248: {  	v0 =	vmax.f32 v0, v2;
	v2 =	vmul.f32 $1.300000000e+01, v6;
	v6 =	vld [tilespmem:s18+$0x16C00]  }
0x249: {  	v0 =	vmax.f32 v0, v1;
	v1 =	vmul.f32 $1.200000000e+01, v7;
	v7 =	vld [tilespmem:s18+$0x17000]  }
0x24a: {  	v8 =	vld [tilespmem:s18+$0x17400];
	v0 =	vmax.f32 v0, v2;
	v2 =	vmul.f32 $1.100000000e+01, v3  }
0x24b: {  	v0 =	vmax.f32 v0, v1;
	v1 =	vmul.f32 $1.000000000e+01, v4;
	v4 =	vld [tilespmem:s18+$0x17800]  }
0x24c: {  	v0 =	vmax.f32 v0, v2;
	v2 =	vmul.f32 $9.000000000e+00, v5;
	v5 =	vld [tilespmem:s18+$0x17C00]  }
0x24d: {  	v0 =	vmax.f32 v0, v1;
	v1 =	vmul.f32 $8.000000000e+00, v6;
	v6 =	vld [tilespmem:s18+$0x18000]  }
0x24e: {  	v3 =	vld [tilespmem:s18+$0x18400];
	v0 =	vmax.f32 v0, v2;
	v2 =	vmul.f32 $7.000000000e+00, v7  }
0x24f: {  	s31 =	simm.s32 $0x10;
	v7 =	vmul.f32 $6.000000000e+00, v8;
	v1 =	vmax.f32 v0, v1;
	v0 =	vld [tilespmem:s18+$0x18800]  }
0x250: {  	s19 =	sand.u32 $0x3F0, s31;
	v2 =	vmax.f32 v1, v2;
	v8 =	vmul.f32 $5.000000000e+00, v4;
	v4 =	vld [tilespmem:s18+$0x18C00]  }
0x251: {  	v1 =	vld [tilespmem:s19+$0xC800];
	v7 =	vmax.f32 v2, v7;
	v5 =	vmul.f32 $4.000000000e+00, v5  }
0x252: {  	s20 =	simm.s32 $0x20;
	v2 =	vld [tilespmem:s19+$0xCC00];
	v7 =	vmax.f32 v7, v8;
	v6 =	vmul.f32 $3.000000000e+00, v6  }
.LBB2_8:
0x253: {  	p0 =	sne.s32 s20, $0x3F0;
	v5 =	vmax.f32 v7, v5;
	v3 =	vadd.f32 v3, v3;
	v7 =	vld [tilespmem:s18+$0x19000]  }
0x254: {  	v8 =	vld [tilespmem:s19+$0xD000];
	v5 =	vmax.f32 v5, v6  }
0x255: {  	v6 =	vld [tilespmem:s19+$0xD400];
	v3 =	vmax.f32 v5, v3;
	v4 =	vmul.f32 $0.0e+00, v4  }
0x256: {  	v5 =	vld [tilespmem:s19+$0xD800];
	v0 =	vmax.f32 v3, v0  }
0x257: {  	v3 =	vld [tilespmem:s19+$0xDC00];
	v0 =	vmax.f32 v0, v4  }
0x258: {  	v1 =	vmul.f32 $4.900000000e+01, v1;
	v2 =	vmul.f32 $4.800000000e+01, v2;
	v4 =	vld [tilespmem:s19+$0xE000];
	v0 =	vmax.f32 v0, v7  }
0x259: {  	v7 =	vmul.f32 $4.700000000e+01, v8;
	v8 =	vld [tilespmem:s19+$0xE400];
	[tilespmem:s18+$0x19000] =	vst v0;
	s18 =	smov.u32 s19  }
0x25a: {  	v0 =	vmax.f32 v1, v2;
	v1 =	vmul.f32 $4.600000000e+01, v6;
	v2 =	vld [tilespmem:s18+$0xE800]  }
0x25b: {  	v0 =	vmax.f32 v0, v7;
	v5 =	vmul.f32 $4.500000000e+01, v5;
	v6 =	vld [tilespmem:s18+$0xEC00]  }
0x25c: {  	v0 =	vmax.f32 v0, v1;
	v1 =	vmul.f32 $4.400000000e+01, v3;
	v3 =	vld [tilespmem:s18+$0xF000]  }
0x25d: {  	v0 =	vmax.f32 v0, v5;
	v4 =	vmul.f32 $4.300000000e+01, v4;
	v5 =	vld [tilespmem:s18+$0xF400]  }
0x25e: {  	v0 =	vmax.f32 v0, v1;
	v1 =	vmul.f32 $4.200000000e+01, v8;
	v7 =	vld [tilespmem:s18+$0xF800]  }
0x25f: {  	v0 =	vmax.f32 v0, v4;
	v2 =	vmul.f32 $4.100000000e+01, v2;
	v4 =	vld [tilespmem:s18+$0xFC00]  }
0x260: {  	v0 =	vmax.f32 v0, v1;
	v1 =	vmul.f32 $4.000000000e+01, v6;
	v6 =	vld [tilespmem:s18+$0x10000]  }
0x261: {  	v0 =	vmax.f32 v0, v2;
	v2 =	vmul.f32 $3.900000000e+01, v3;
	v3 =	vld [tilespmem:s18+$0x10400]  }
0x262: {  	v0 =	vmax.f32 v0, v1;
	v1 =	vmul.f32 $3.800000000e+01, v5;
	v5 =	vld [tilespmem:s18+$0x10800]  }
0x263: {  	v0 =	vmax.f32 v0, v2;
	v2 =	vmul.f32 $3.700000000e+01, v7;
	v7 =	vld [tilespmem:s18+$0x10C00]  }
0x264: {  	v0 =	vmax.f32 v0, v1;
	v1 =	vmul.f32 $3.600000000e+01, v4;
	v4 =	vld [tilespmem:s18+$0x11000]  }
0x265: {  	v0 =	vmax.f32 v0, v2;
	v2 =	vmul.f32 $3.500000000e+01, v6;
	v6 =	vld [tilespmem:s18+$0x11400]  }
0x266: {  	v0 =	vmax.f32 v0, v1;
	v1 =	vmul.f32 $3.400000000e+01, v3;
	v3 =	vld [tilespmem:s18+$0x11800]  }
0x267: {  	v0 =	vmax.f32 v0, v2;
	v2 =	vmul.f32 $3.300000000e+01, v5;
	v5 =	vld [tilespmem:s18+$0x11C00]  }
0x268: {  	v0 =	vmax.f32 v0, v1;
	v1 =	vmul.f32 $3.200000000e+01, v7;
	v7 =	vld [tilespmem:s18+$0x12000]  }
0x269: {  	v0 =	vmax.f32 v0, v2;
	v2 =	vmul.f32 $3.100000000e+01, v4;
	v4 =	vld [tilespmem:s18+$0x12400]  }
0x26a: {  	v0 =	vmax.f32 v0, v1;
	v1 =	vmul.f32 $3.000000000e+01, v6;
	v6 =	vld [tilespmem:s18+$0x12800]  }
0x26b: {  	v0 =	vmax.f32 v0, v2;
	v2 =	vmul.f32 $2.900000000e+01, v3;
	v3 =	vld [tilespmem:s18+$0x12C00]  }
0x26c: {  	v0 =	vmax.f32 v0, v1;
	v1 =	vmul.f32 $2.800000000e+01, v5;
	v5 =	vld [tilespmem:s18+$0x13000]  }
0x26d: {  	v0 =	vmax.f32 v0, v2;
	v2 =	vmul.f32 $2.700000000e+01, v7;
	v7 =	vld [tilespmem:s18+$0x13400]  }
0x26e: {  	v0 =	vmax.f32 v0, v1;
	v1 =	vmul.f32 $2.600000000e+01, v4;
	v4 =	vld [tilespmem:s18+$0x13800]  }
0x26f: {  	v0 =	vmax.f32 v0, v2;
	v2 =	vmul.f32 $2.500000000e+01, v6;
	v6 =	vld [tilespmem:s18+$0x13C00]  }
0x270: {  	v0 =	vmax.f32 v0, v1;
	v1 =	vmul.f32 $2.400000000e+01, v3;
	v3 =	vld [tilespmem:s18+$0x14000]  }
0x271: {  	v0 =	vmax.f32 v0, v2;
	v2 =	vmul.f32 $2.300000000e+01, v5;
	v5 =	vld [tilespmem:s18+$0x14400]  }
0x272: {  	v0 =	vmax.f32 v0, v1;
	v1 =	vmul.f32 $2.200000000e+01, v7;
	v7 =	vld [tilespmem:s18+$0x14800]  }
0x273: {  	v0 =	vmax.f32 v0, v2;
	v2 =	vmul.f32 $2.100000000e+01, v4;
	v4 =	vld [tilespmem:s18+$0x14C00]  }
0x274: {  	v0 =	vmax.f32 v0, v1;
	v1 =	vmul.f32 $2.000000000e+01, v6;
	v6 =	vld [tilespmem:s18+$0x15000]  }
0x275: {  	v0 =	vmax.f32 v0, v2;
	v2 =	vmul.f32 $1.900000000e+01, v3;
	v3 =	vld [tilespmem:s18+$0x15400]  }
0x276: {  	v0 =	vmax.f32 v0, v1;
	v1 =	vmul.f32 $1.800000000e+01, v5;
	v5 =	vld [tilespmem:s18+$0x15800]  }
0x277: {  	v0 =	vmax.f32 v0, v2;
	v2 =	vmul.f32 $1.700000000e+01, v7;
	v7 =	vld [tilespmem:s18+$0x15C00]  }
0x278: {  	v0 =	vmax.f32 v0, v1;
	v1 =	vmul.f32 $1.600000000e+01, v4;
	v4 =	vld [tilespmem:s18+$0x16000]  }
0x279: {  	v0 =	vmax.f32 v0, v2;
	v2 =	vmul.f32 $1.500000000e+01, v6;
	v6 =	vld [tilespmem:s18+$0x16400]  }
0x27a: {  	v0 =	vmax.f32 v0, v1;
	v1 =	vmul.f32 $1.400000000e+01, v3;
	v3 =	vld [tilespmem:s18+$0x16800]  }
0x27b: {  	v0 =	vmax.f32 v0, v2;
	v2 =	vmul.f32 $1.300000000e+01, v5;
	v5 =	vld [tilespmem:s18+$0x16C00]  }
0x27c: {  	v0 =	vmax.f32 v0, v1;
	v1 =	vmul.f32 $1.200000000e+01, v7;
	v7 =	vld [tilespmem:s18+$0x17000]  }
0x27d: {  	v0 =	vmax.f32 v0, v2;
	v2 =	vmul.f32 $1.100000000e+01, v4;
	v4 =	vld [tilespmem:s18+$0x17400]  }
0x27e: {  	v0 =	vmax.f32 v0, v1;
	v1 =	vmul.f32 $1.000000000e+01, v6;
	v6 =	vld [tilespmem:s18+$0x17800]  }
0x27f: {  	v0 =	vmax.f32 v0, v2;
	v2 =	vmul.f32 $9.000000000e+00, v3;
	v8 =	vld [tilespmem:s18+$0x17C00]  }
0x280: {  	v0 =	vmax.f32 v0, v1;
	v1 =	vmul.f32 $8.000000000e+00, v5;
	v9 =	vld [tilespmem:s18+$0x18000]  }
.Ltmp3:
0x281: {  	v0 =	vmax.f32 v0, v2;
	v2 =	vmul.f32 $7.000000000e+00, v7;
	v3 =	vld [tilespmem:s18+$0x18400];
	(pc) =	sbr.rel @p0 .LBB2_8-.Ltmp3, $4  }
0x282: {  	v1 =	vmax.f32 v0, v1;
	v5 =	vmul.f32 $6.000000000e+00, v4;
	v0 =	vld [tilespmem:s18+$0x18800]  }
0x283: {  	s19 =	sand.u32 $0x3F0, s20;
	v2 =	vmax.f32 v1, v2;
	v6 =	vmul.f32 $5.000000000e+00, v6;
	v4 =	vld [tilespmem:s18+$0x18C00]  }
0x284: {  	v1 =	vld [tilespmem:s19+$0xC800];
	v7 =	vmax.f32 v2, v5;
	v5 =	vmul.f32 $4.000000000e+00, v8  }
0x285: {  	s20 =	sadd.s32 $0x10, s20;
	v2 =	vld [tilespmem:s19+$0xCC00];
	v7 =	vmax.f32 v7, v6;
	v6 =	vmul.f32 $3.000000000e+00, v9  }
0x286: {  	v8 =	vld [tilespmem:s18+$0x19000];
	v5 =	vmax.f32 v7, v5;
	v3 =	vadd.f32 v3, v3  }
0x287: {  	v26 =	vld [tilespmem:s19+$0xD000];
	v5 =	vmax.f32 v5, v6  }
0x288: {  	v27 =	vld [tilespmem:s19+$0xD400];
	v3 =	vmax.f32 v5, v3;
	v4 =	vmul.f32 $0.0e+00, v4  }
0x289: {  	v28 =	vld [tilespmem:s19+$0xD800];
	v0 =	vmax.f32 v3, v0  }
0x28a: {  	v29 =	vld [tilespmem:s19+$0xDC00];
	v0 =	vmax.f32 v0, v4  }
0x28b: {  	v30 =	vld [tilespmem:s19+$0xE000];
	v1 =	vmul.f32 $4.900000000e+01, v1;
	v2 =	vmul.f32 $4.800000000e+01, v2;
	v0 =	vmax.f32 v0, v8  }
0x28c: {  	v31 =	vld [tilespmem:s19+$0xE400];
	v7 =	vmul.f32 $4.700000000e+01, v26;
	[tilespmem:s18+$0x19000] =	vst v0  }
0x28d: {  	v33 =	vmul.f32 $4.600000000e+01, v27;
	v32 =	vmax.f32 v1, v2;
	v34 =	vld [tilespmem:s19+$0xE800]  }
0x28e: {  	v5 =	vmul.f32 $4.500000000e+01, v28;
	v0 =	vmax.f32 v32, v7;
	v35 =	vld [tilespmem:s19+$0xEC00]  }
0x28f: {  	v36 =	vmul.f32 $4.400000000e+01, v29;
	v37 =	vld [tilespmem:s19+$0xF000];
	v0 =	vmax.f32 v0, v33  }
0x290: {  	v4 =	vmul.f32 $4.300000000e+01, v30;
	v38 =	vld [tilespmem:s19+$0xF400];
	v0 =	vmax.f32 v0, v5  }
0x291: {  	v39 =	vmul.f32 $4.200000000e+01, v31;
	v40 =	vld [tilespmem:s19+$0xF800];
	v0 =	vmax.f32 v0, v36  }
0x292: {  	v41 =	vld [tilespmem:s19+$0xFC00];
	v0 =	vmax.f32 v0, v4;
	v2 =	vmul.f32 $4.100000000e+01, v34  }
0x293: {  	v43 =	vld [tilespmem:s19+$0x10000];
	v0 =	vmax.f32 v0, v39;
	v42 =	vmul.f32 $4.000000000e+01, v35  }
0x294: {  	v45 =	vld [tilespmem:s19+$0x10400];
	v44 =	vmul.f32 $3.900000000e+01, v37;
	v0 =	vmax.f32 v0, v2  }
0x295: {  	v47 =	vld [tilespmem:s19+$0x10800];
	v46 =	vmul.f32 $3.800000000e+01, v38;
	v0 =	vmax.f32 v0, v42  }
0x296: {  	v49 =	vld [tilespmem:s19+$0x10C00];
	v48 =	vmul.f32 $3.700000000e+01, v40;
	v0 =	vmax.f32 v0, v44  }
0x297: {  	v51 =	vld [tilespmem:s19+$0x11000];
	v50 =	vmul.f32 $3.600000000e+01, v41;
	v0 =	vmax.f32 v0, v46  }
0x298: {  	v53 =	vld [tilespmem:s19+$0x11400];
	v52 =	vmul.f32 $3.500000000e+01, v43;
	v0 =	vmax.f32 v0, v48  }
0x299: {  	v55 =	vld [tilespmem:s19+$0x11800];
	v54 =	vmul.f32 $3.400000000e+01, v45;
	v0 =	vmax.f32 v0, v50  }
0x29a: {  	v57 =	vld [tilespmem:s19+$0x11C00];
	v56 =	vmul.f32 $3.300000000e+01, v47;
	v0 =	vmax.f32 v0, v52  }
0x29b: {  	v59 =	vld [tilespmem:s19+$0x12000];
	v58 =	vmul.f32 $3.200000000e+01, v49;
	v0 =	vmax.f32 v0, v54  }
0x29c: {  	v61 =	vld [tilespmem:s19+$0x12400];
	v60 =	vmul.f32 $3.100000000e+01, v51;
	v0 =	vmax.f32 v0, v56  }
0x29d: {  	v63 =	vld [tilespmem:s19+$0x12800];
	v62 =	vmul.f32 $3.000000000e+01, v53;
	v0 =	vmax.f32 v0, v58  }
0x29e: {  	v10 =	vld [tilespmem:s19+$0x12C00];
	v9 =	vmul.f32 $2.900000000e+01, v55;
	v0 =	vmax.f32 v0, v60  }
0x29f: {  	v12 =	vld [tilespmem:s19+$0x13000];
	v11 =	vmul.f32 $2.800000000e+01, v57;
	v0 =	vmax.f32 v0, v62  }
0x2a0: {  	v14 =	vld [tilespmem:s19+$0x13400];
	v13 =	vmul.f32 $2.700000000e+01, v59;
	v0 =	vmax.f32 v0, v9  }
0x2a1: {  	v16 =	vld [tilespmem:s19+$0x13800];
	v15 =	vmul.f32 $2.600000000e+01, v61;
	v0 =	vmax.f32 v0, v11  }
0x2a2: {  	v18 =	vld [tilespmem:s19+$0x13C00];
	v17 =	vmul.f32 $2.500000000e+01, v63;
	v0 =	vmax.f32 v0, v13  }
0x2a3: {  	v20 =	vld [tilespmem:s19+$0x14000];
	v19 =	vmul.f32 $2.400000000e+01, v10;
	v0 =	vmax.f32 v0, v15  }
0x2a4: {  	v22 =	vld [tilespmem:s19+$0x14400];
	v21 =	vmul.f32 $2.300000000e+01, v12;
	v0 =	vmax.f32 v0, v17  }
0x2a5: {  	v24 =	vld [tilespmem:s19+$0x14800];
	v23 =	vmul.f32 $2.200000000e+01, v14;
	v0 =	vmax.f32 v0, v19  }
0x2a6: {  	v26 =	vld [tilespmem:s19+$0x14C00];
	v25 =	vmul.f32 $2.100000000e+01, v16;
	v0 =	vmax.f32 v0, v21  }
0x2a7: {  	v28 =	vld [tilespmem:s19+$0x15000];
	v27 =	vmul.f32 $2.000000000e+01, v18;
	v0 =	vmax.f32 v0, v23  }
0x2a8: {  	v30 =	vld [tilespmem:s19+$0x15400];
	v29 =	vmul.f32 $1.900000000e+01, v20;
	v0 =	vmax.f32 v0, v25  }
0x2a9: {  	v32 =	vld [tilespmem:s19+$0x15800];
	v31 =	vmul.f32 $1.800000000e+01, v22;
	v0 =	vmax.f32 v0, v27  }
0x2aa: {  	v33 =	vmul.f32 $1.700000000e+01, v24;
	v34 =	vld [tilespmem:s19+$0x15C00];
	v0 =	vmax.f32 v0, v29  }
0x2ab: {  	v36 =	vld [tilespmem:s19+$0x16000];
	v35 =	vmul.f32 $1.600000000e+01, v26;
	v0 =	vmax.f32 v0, v31  }
0x2ac: {  	v37 =	vmul.f32 $1.500000000e+01, v28;
	v38 =	vld [tilespmem:s19+$0x16400];
	v0 =	vmax.f32 v0, v33  }
0x2ad: {  	v39 =	vmul.f32 $1.400000000e+01, v30;
	v40 =	vld [tilespmem:s19+$0x16800];
	v0 =	vmax.f32 v0, v35  }
0x2ae: {  	v41 =	vmul.f32 $1.300000000e+01, v32;
	v42 =	vld [tilespmem:s19+$0x16C00];
	v0 =	vmax.f32 v0, v37  }
0x2af: {  	v44 =	vld [tilespmem:s19+$0x17000];
	v43 =	vmul.f32 $1.200000000e+01, v34;
	v0 =	vmax.f32 v0, v39  }
0x2b0: {  	v45 =	vmul.f32 $1.100000000e+01, v36;
	v46 =	vld [tilespmem:s19+$0x17400];
	v0 =	vmax.f32 v0, v41  }
0x2b1: {  	v47 =	vmul.f32 $1.000000000e+01, v38;
	v48 =	vld [tilespmem:s19+$0x17800];
	v0 =	vmax.f32 v0, v43  }
0x2b2: {  	v49 =	vmul.f32 $9.000000000e+00, v40;
	v50 =	vld [tilespmem:s19+$0x17C00];
	v0 =	vmax.f32 v0, v45  }
0x2b3: {  	v51 =	vmul.f32 $8.000000000e+00, v42;
	v52 =	vld [tilespmem:s19+$0x18000];
	v0 =	vmax.f32 v0, v47  }
0x2b4: {  	v53 =	vmul.f32 $7.000000000e+00, v44;
	v54 =	vld [tilespmem:s19+$0x18400];
	v0 =	vmax.f32 v0, v49  }
0x2b5: {  	v55 =	vmul.f32 $6.000000000e+00, v46;
	v0 =	vmax.f32 v0, v51  }
0x2b6: {  	v57 =	vld [tilespmem:s19+$0x18C00];
	v56 =	vmul.f32 $5.000000000e+00, v48;
	v0 =	vmax.f32 v0, v53  }
0x2b7: {  	v58 =	vld [tilespmem:s19+$0x18800];
	v59 =	vmul.f32 $4.000000000e+00, v50;
	v0 =	vmax.f32 v0, v55  }
0x2b8: {  	v60 =	vmul.f32 $3.000000000e+00, v52;
	v0 =	vmax.f32 v0, v56  }
0x2b9: {  	v62 =	vld [tilespmem:s19+$0x19000];
	v61 =	vadd.f32 v54, v54;
	v0 =	vmax.f32 v0, v59  }
0x2ba: {  	v0 =	vmax.f32 v0, v60  }
0x2bb: {  	v63 =	vmul.f32 $0.0e+00, v57;
	v0 =	vmax.f32 v0, v61  }
0x2bc: {  	v0 =	vmax.f32 v0, v58  }
0x2bd: {  	s17 =	sadd.s32 $0x1, s17;
	v0 =	vmax.f32 v0, v63  }
0x2be: {  	p0 =	sne.s32 s17, s9;
	v0 =	vmax.f32 v0, v62  }
.Ltmp4:
0x2bf: {  	[tilespmem:s19+$0x19000] =	vst v0;
	(pc) =	sbr.rel @p0 .LBB2_1-.Ltmp4, $4  }
0x2c0: {  	[hbm4b:s8+s2] =	stream.linear.scatter [tilespmem:s16], [sflag:$0x3], $0x400, $0x38;
	[tilespmem:$0x19400] =	vst v63  }
0x2c1: {  	_ =	swait.ge [sflag:s15], $0x400  }
0x2c2: {  	[sflag:s15] =	ssyncset.done $0x0  }
0x2c3: {  	[sflag:s15] =	ssyncadd.s32 $0xFFFFFC00  }
0x2c4: {  	_ =	sfence.sel $0x180000  }
0x2c5: {  	[bflag:$0x0] =	sbarrier.arrive $0xFFFF  }
0x2c6: {  	p0 =	sne.s32 s1, $0x0;
	_ =	strace $0x90000047  }
0x2c7: {  	s0 =	sadd.s32 @!p0 $0x100000, s0;
	[bflag:$0x2] =	sbarrier.arrive $0xFFFF  }
0x2c8: {  	[sflag:s0] =	ssyncadd.tile.s32 @!p0 $0x1;
	_ =	shalt  }
.Lfunc_end2:
_tile_overlayer_lowered:
.L_overlay_start_2:
0x2c9: {  	(tag) =	ssettag $0x2  }
0x2ca: {  	s0 =	rddreg [dreg:$0x0];
	s2 =	stileid.u32  }
0x2cb: {  	s1 =	rddreg [dreg:$0x1];
	p0 =	sne.s32 s2, $0x0  }
0x2cc: {  	s3 =	rddreg [dreg:$0x2];
	[bflag:$0x3] =	sbarrier.arrive $0xFFFF;
	s2 =	simm.s32 @!p0 $0x1C03  }
0x2cd: {  	[timem:s3], [sflag:s2] =	dma.local @!p0 [hbm:s0], s1  }
0x2ce: {  	s0 =	simm.s32 @!p0 $0x3  }
0x2cf: {  	_ =	swait.ge @!p0 [sflag:s0], s1  }
0x2d0: {  	s1 =	ssub.s32 @!p0 $0x0, s1;
	[sflag:s0] =	ssyncset.done @!p0 $0x0  }
0x2d1: {  	[sflag:s0] =	ssyncadd.s32 @!p0 s1  }
0x2d2: {  	[bflag:$0x3] =	sbarrier.arrive $0xFFFF  }
0x2d3: {  	_ =	shalt  }

</sc_bundles>
